<compile_context>
chip_gen: v7x
topology: tpu7x:2x2x1
jax: 0.10.2.dev20260603
libtpu: 0.0.44.dev20260713+nightly
codegen_flags: <defaults>
</compile_context>

<pallas_src>
import jax
import jax.numpy as jnp
from jax import lax
from jax.experimental import pallas as pl
from jax.experimental.pallas import tpu as pltpu
from jax.experimental.pallas import tpu_sc as plsc

N = 10000
E = 320000
NF, EF, NE, EE, GE, OF = 128, 16, 16, 16, 32, 128
HG = GE // 2

NC, NS, L = 2, 16, 16
NW = NC * NS
EPW = E // NW
GCH = 2000
SCH = 1000
NPS = N // NS

P = 8
EP = E // P
EH = E // 2
EPW2 = EH // NW
GCH2 = 1000
SCH2 = 1000


def _leaky(v):
    return jnp.maximum(v, 0.01 * v)



def _node_body(x_ref, w1, b1, w2, b2, wx, o_ref):
    h = _leaky(jnp.dot(x_ref[...], w1[...], preferred_element_type=jnp.float32) + b1[...])
    h = _leaky(jnp.dot(h, w2[...], preferred_element_type=jnp.float32) + b2[...])
    o_ref[...] = jnp.dot(h, wx[...], preferred_element_type=jnp.float32)


def _msg_body(ea_ref, xp_ref, w1, b1, w2, b2, we, gb1, gw2l, gb2l, gw2h, gb2h,
              olo_ref, ohi_ref):
    ea = jnp.concatenate([ea_ref[:, j, :] for j in range(P)], axis=1)
    h = _leaky(jnp.dot(ea, w1[...], preferred_element_type=jnp.float32) + b1[...])
    h = _leaky(jnp.dot(h, w2[...], preferred_element_type=jnp.float32) + b2[...])
    h1 = _leaky(jnp.dot(h, we[...], preferred_element_type=jnp.float32)
                + xp_ref[...] + gb1[...])
    olo_ref[...] = _leaky(jnp.dot(h1, gw2l[...], preferred_element_type=jnp.float32) + gb2l[...])
    ohi_ref[...] = _leaky(jnp.dot(h1, gw2h[...], preferred_element_type=jnp.float32) + gb2h[...])


def _post_body(alo_ref, ahi_ref, x_ref, lng_l, lnb_l, lng_h, lnb_h,
               lng_x, lnb_x, w1l, w1h, w1x, b1, w2, b2, w3, b3, o_ref):
    al = alo_ref[0] + alo_ref[1]
    ah = ahi_ref[0] + ahi_ref[1]
    xb = x_ref[...]
    denom = float(GE + NF)
    mu = (jnp.sum(al, axis=1, keepdims=True) + jnp.sum(ah, axis=1, keepdims=True)
          + jnp.sum(xb, axis=1, keepdims=True)) / denom
    dl = al - mu
    dh = ah - mu
    dx = xb - mu
    var = (jnp.sum(dl * dl, axis=1, keepdims=True)
           + jnp.sum(dh * dh, axis=1, keepdims=True)
           + jnp.sum(dx * dx, axis=1, keepdims=True)) / denom
    inv = lax.rsqrt(var + 1e-5)
    hl = dl * inv * lng_l[...] + lnb_l[...]
    hh = dh * inv * lng_h[...] + lnb_h[...]
    hx = dx * inv * lng_x[...] + lnb_x[...]
    h = _leaky(jnp.dot(hl, w1l[...], preferred_element_type=jnp.float32)
               + jnp.dot(hh, w1h[...], preferred_element_type=jnp.float32)
               + jnp.dot(hx, w1x[...], preferred_element_type=jnp.float32) + b1[...])
    h = _leaky(jnp.dot(h, w2[...], preferred_element_type=jnp.float32) + b2[...])
    o_ref[...] = jnp.dot(h, w3[...], preferred_element_type=jnp.float32) + b3[...]


def _full(shape):
    return pl.BlockSpec(shape, lambda i: (0,) * len(shape))



def _make_gather_body(ebase):
  def _gather_body(tab_hbm, eidx_hbm, out_hbm,
                 idx_v0, idx_v1, rows_v0, rows_v1,
                 semi0, semi1, semg0, semg1, semo0, semo1):
    wid = lax.axis_index("s") * NC + lax.axis_index("c")
    base = wid * EPW2
    nch = EPW2 // GCH2
    idx_v = (idx_v0, idx_v1)
    rows_v = (rows_v0, rows_v1)
    semi = (semi0, semi1)
    semg = (semg0, semg1)
    semo = (semo0, semo1)

    def off(k):
        return pl.multiple_of(base + k * GCH2, 8)

    idx_h = [None] * nch
    out_h = [None] * nch
    idx_h[0] = pltpu.async_copy(eidx_hbm.at[pl.ds(ebase + off(0), GCH2)], idx_v[0], semi[0])
    for k in range(nch):
        b = k % 2
        idx_h[k].wait()
        if k >= 2:
            out_h[k - 2].wait()
        gh = pltpu.async_copy(tab_hbm.at[idx_v[b]], rows_v[b], semg[b])
        if k + 1 < nch:
            idx_h[k + 1] = pltpu.async_copy(
                eidx_hbm.at[pl.ds(ebase + off(k + 1), GCH2)], idx_v[1 - b], semi[1 - b])
        gh.wait()
        out_h[k] = pltpu.async_copy(rows_v[b], out_hbm.at[pl.ds(off(k), GCH2)], semo[b])
    out_h[nch - 2].wait()
    out_h[nch - 1].wait()
  return _gather_body


def _make_scatter_body(ebase, seeded):
  def _scatter_body(mlo_hbm, mhi_hbm, eidx_hbm, ilo_hbm, ihi_hbm, olo_hbm, ohi_hbm,
                  idx_v0, idx_v1, mlo_v0, mlo_v1, mhi_v0, mhi_v1, tmp_v,
                  acclo_sh, acchi_sh,
                  semi0, semi1, seml0, seml1, semh0, semh1):
    cid = lax.axis_index("c")
    sid = lax.axis_index("s")
    wid = sid * NC + cid
    if seeded:
        pltpu.sync_copy(ilo_hbm.at[cid, pl.ds(sid * NPS, NPS)], tmp_v)
        pltpu.sync_copy(tmp_v, acclo_sh.at[pl.ds(sid * NPS, NPS)])
        pltpu.sync_copy(ihi_hbm.at[cid, pl.ds(sid * NPS, NPS)], tmp_v)
        pltpu.sync_copy(tmp_v, acchi_sh.at[pl.ds(sid * NPS, NPS)])
    else:
        pltpu.sync_copy(ilo_hbm.at[pl.ds(0, NPS)], tmp_v)
        pltpu.sync_copy(tmp_v, acclo_sh.at[pl.ds(sid * NPS, NPS)])
        pltpu.sync_copy(tmp_v, acchi_sh.at[pl.ds(sid * NPS, NPS)])
    plsc.subcore_barrier()
    base = wid * EPW2
    nch = EPW2 // SCH2
    idx_v = (idx_v0, idx_v1)
    mlo_v = (mlo_v0, mlo_v1)
    mhi_v = (mhi_v0, mhi_v1)
    semi = (semi0, semi1)
    seml = (seml0, seml1)
    semh = (semh0, semh1)

    def off(k):
        return pl.multiple_of(base + k * SCH2, 8)

    def issue(k):
        b = k % 2
        return (pltpu.async_copy(eidx_hbm.at[pl.ds(E + ebase + off(k), SCH2)], idx_v[b], semi[b]),
                pltpu.async_copy(mlo_hbm.at[pl.ds(off(k), SCH2)], mlo_v[b], seml[b]),
                pltpu.async_copy(mhi_hbm.at[pl.ds(off(k), SCH2)], mhi_v[b], semh[b]))

    h = issue(0)
    for k in range(nch):
        b = k % 2
        nxt = issue(k + 1) if k + 1 < nch else None
        for hh in h:
            hh.wait()
        pltpu.sync_copy(mlo_v[b], acclo_sh.at[idx_v[b]], add=True)
        pltpu.sync_copy(mhi_v[b], acchi_sh.at[idx_v[b]], add=True)
        h = nxt
    plsc.subcore_barrier()
    pltpu.sync_copy(acclo_sh.at[pl.ds(sid * NPS, NPS)], tmp_v)
    pltpu.sync_copy(tmp_v, olo_hbm.at[cid, pl.ds(sid * NPS, NPS)])
    pltpu.sync_copy(acchi_sh.at[pl.ds(sid * NPS, NPS)], tmp_v)
    pltpu.sync_copy(tmp_v, ohi_hbm.at[cid, pl.ds(sid * NPS, NPS)])
  return _scatter_body


def _sc_gather(node_pre, edge_index, ebase):
    call = pl.kernel(
        _make_gather_body(ebase),
        out_type=jax.ShapeDtypeStruct((EH, NE), jnp.float32),
        mesh=plsc.VectorSubcoreMesh(core_axis_name="c", subcore_axis_name="s",
                                    num_cores=NC, num_subcores=NS),
        scratch_types=[
            pltpu.VMEM((GCH2,), jnp.int32),
            pltpu.VMEM((GCH2,), jnp.int32),
            pltpu.VMEM((GCH2, NE), jnp.float32),
            pltpu.VMEM((GCH2, NE), jnp.float32),
            pltpu.SemaphoreType.DMA,
            pltpu.SemaphoreType.DMA,
            pltpu.SemaphoreType.DMA,
            pltpu.SemaphoreType.DMA,
            pltpu.SemaphoreType.DMA,
            pltpu.SemaphoreType.DMA,
        ],
        compiler_params=pltpu.CompilerParams(use_tc_tiling_on_sc=False),
    )
    return call(node_pre, edge_index)


def _sc_scatter(msg_lo, msg_hi, edge_index, init_lo, init_hi, ebase, seeded):
    call = pl.kernel(
        _make_scatter_body(ebase, seeded),
        out_type=(jax.ShapeDtypeStruct((NC, N, HG), jnp.float32),
                  jax.ShapeDtypeStruct((NC, N, HG), jnp.float32)),
        mesh=plsc.VectorSubcoreMesh(core_axis_name="c", subcore_axis_name="s",
                                    num_cores=NC, num_subcores=NS),
        scratch_types=[
            pltpu.VMEM((SCH2,), jnp.int32),
            pltpu.VMEM((SCH2,), jnp.int32),
            pltpu.VMEM((SCH2, HG), jnp.float32),
            pltpu.VMEM((SCH2, HG), jnp.float32),
            pltpu.VMEM((SCH2, HG), jnp.float32),
            pltpu.VMEM((SCH2, HG), jnp.float32),
            pltpu.VMEM((NPS, HG), jnp.float32),
            pltpu.VMEM_SHARED((N, HG), jnp.float32),
            pltpu.VMEM_SHARED((N, HG), jnp.float32),
            pltpu.SemaphoreType.DMA,
            pltpu.SemaphoreType.DMA,
            pltpu.SemaphoreType.DMA,
            pltpu.SemaphoreType.DMA,
            pltpu.SemaphoreType.DMA,
            pltpu.SemaphoreType.DMA,
        ],
        compiler_params=pltpu.CompilerParams(use_tc_tiling_on_sc=False),
    )
    return call(msg_lo, msg_hi, edge_index, init_lo, init_hi)



def kernel(x, edge_index, edge_attr, neW1, neb1, neW2, neb2, eeW1, eeb1,
           eeW2, eeb2, gW1, gb1, gW2, gb2, lng, lnb, ppW1, ppb1, ppW2, ppb2,
           ppW3, ppb3):
    eidx = edge_index.astype(jnp.int32).reshape(2 * E)
    gW1e = gW1[:EE]
    gW1x = gW1[EE:]
    r = lambda v: v.reshape(1, -1)

    RN = 2000
    node_pre = pl.pallas_call(
        _node_body,
        grid=(N // RN,),
        in_specs=[
            pl.BlockSpec((RN, NF), lambda i: (i, 0)),
            _full((NF, NE)), _full((1, NE)), _full((NE, NE)), _full((1, NE)),
            _full((NE, NE)),
        ],
        out_specs=pl.BlockSpec((RN, NE), lambda i: (i, 0)),
        out_shape=jax.ShapeDtypeStruct((N, NE), jnp.float32),
    )(x, neW1, r(neb1), neW2, r(neb2), gW1x)

    eye = jnp.eye(P, dtype=jnp.float32)
    kb = lambda w: jnp.kron(eye, w)
    tb = lambda b: jnp.tile(b, P).reshape(1, -1)
    ea3 = edge_attr.reshape(EP, P, EF)
    EPH = EH // P
    REP = 2000
    nblk = EPH // REP

    def msg_half(xp_half, half):
        xp_p = xp_half.reshape(EPH, P * NE)
        boff = half * nblk
        return pl.pallas_call(
            _msg_body,
            grid=(nblk,),
            in_specs=[
                pl.BlockSpec((REP, P, EF), lambda i: (i + boff, 0, 0)),
                pl.BlockSpec((REP, P * NE), lambda i: (i, 0)),
                _full((P * EF, P * EE)), _full((1, P * EE)),
                _full((P * EE, P * EE)), _full((1, P * EE)),
                _full((P * EE, P * NE)), _full((1, P * NE)),
                _full((P * NE, P * HG)), _full((1, P * HG)),
                _full((P * NE, P * HG)), _full((1, P * HG)),
            ],
            out_specs=(pl.BlockSpec((REP, P * HG), lambda i: (i, 0)),
                       pl.BlockSpec((REP, P * HG), lambda i: (i, 0))),
            out_shape=(jax.ShapeDtypeStruct((EPH, P * HG), jnp.float32),
                       jax.ShapeDtypeStruct((EPH, P * HG), jnp.float32)),
        )(ea3, xp_p, kb(eeW1), tb(eeb1), kb(eeW2), tb(eeb2),
          kb(gW1e), tb(gb1), kb(gW2[:, :HG]), tb(gb2[:HG]),
          kb(gW2[:, HG:]), tb(gb2[HG:]))

    zeros = jnp.zeros((NPS, HG), dtype=jnp.float32)
    xa = _sc_gather(node_pre, eidx, 0)
    xb = _sc_gather(node_pre, eidx, EH)
    mlo_a, mhi_a = msg_half(xa, 0)
    mlo_b, mhi_b = msg_half(xb, 1)
    plo, phi = _sc_scatter(mlo_a.reshape(EH, HG), mhi_a.reshape(EH, HG),
                           eidx, zeros, zeros, 0, False)
    alo, ahi = _sc_scatter(mlo_b.reshape(EH, HG), mhi_b.reshape(EH, HG),
                           eidx, plo, phi, EH, True)

    RP = 2000
    out = pl.pallas_call(
        _post_body,
        grid=(N // RP,),
        in_specs=[
            pl.BlockSpec((NC, RP, HG), lambda i: (0, i, 0)),
            pl.BlockSpec((NC, RP, HG), lambda i: (0, i, 0)),
            pl.BlockSpec((RP, NF), lambda i: (i, 0)),
            _full((1, HG)), _full((1, HG)), _full((1, HG)), _full((1, HG)),
            _full((1, NF)), _full((1, NF)),
            _full((HG, GE)), _full((HG, GE)), _full((NF, GE)), _full((1, GE)),
            _full((GE, GE)), _full((1, GE)),
            _full((GE, OF)), _full((1, OF)),
        ],
        out_specs=pl.BlockSpec((RP, OF), lambda i: (i, 0)),
        out_shape=jax.ShapeDtypeStruct((N, OF), jnp.float32),
    )(alo, ahi, x, r(lng[:HG]), r(lnb[:HG]), r(lng[HG:GE]), r(lnb[HG:GE]),
      r(lng[GE:]), r(lnb[GE:]),
      ppW1[:HG], ppW1[HG:GE], ppW1[GE:], r(ppb1), ppW2, r(ppb2), ppW3, r(ppb3))

    return out

# --- scband reference (transcript-rebuilt; emitter-appended) ---
"""Pipeline reference for scband-gnnbranch-29738353558149 (READ-ONLY COPY).

The authoritative reference and input builder live on the scoring server;
editing this copy changes nothing except your own understanding.
"""

import jax, jax.numpy as jnp
import numpy as np


def _leaky(v):
    return jnp.where(v >= 0, v, 0.01 * v)


def _lin(key, fan_in, fan_out):
    k1, k2 = jax.random.split(key)
    lim = 1.0 / np.sqrt(fan_in)
    W = jax.random.uniform(k1, (fan_in, fan_out), minval=-lim, maxval=lim, dtype=jnp.float32)
    b = jax.random.uniform(k2, (fan_out,), minval=-lim, maxval=lim, dtype=jnp.float32)
    return W, b


def setup_inputs(seed: int = 0):
    key = jax.random.key(seed)
    ks = jax.random.split(key, 16)
    N, E = 10000, 320000
    nf, ef, ne, ee, ge, of = 128, 16, 16, 16, 32, 128
    x = jax.random.normal(ks[0], (N, nf), dtype=jnp.float32)
    edge_index = jax.random.randint(ks[1], (2, E), 0, N, dtype=jnp.int64)
    edge_attr = jax.random.normal(ks[2], (E, ef), dtype=jnp.float32)
    neW1, neb1 = _lin(ks[3], nf, ne)
    neW2, neb2 = _lin(ks[4], ne, ne)
    eeW1, eeb1 = _lin(ks[5], ef, ee)
    eeW2, eeb2 = _lin(ks[6], ee, ee)
    gW1, gb1 = _lin(ks[7], ne + ee, (ne + ee) // 2)
    gW2, gb2 = _lin(ks[8], (ne + ee) // 2, ge)
    lng = jnp.ones((nf + ge,), dtype=jnp.float32)
    lnb = jnp.zeros((nf + ge,), dtype=jnp.float32)
    ppW1, ppb1 = _lin(ks[9], nf + ge, ge)
    ppW2, ppb2 = _lin(ks[10], ge, ge)
    ppW3, ppb3 = _lin(ks[11], ge, of)
    return {
        'x': x, 'edge_index': edge_index, 'edge_attr': edge_attr,
        'neW1': neW1, 'neb1': neb1, 'neW2': neW2, 'neb2': neb2,
        'eeW1': eeW1, 'eeb1': eeb1, 'eeW2': eeW2, 'eeb2': eeb2,
        'gW1': gW1, 'gb1': gb1, 'gW2': gW2, 'gb2': gb2,
        'lng': lng, 'lnb': lnb,
        'ppW1': ppW1, 'ppb1': ppb1, 'ppW2': ppW2, 'ppb2': ppb2,
        'ppW3': ppW3, 'ppb3': ppb3,
    }


def reference(x, edge_index, edge_attr, neW1, neb1, neW2, neb2, eeW1, eeb1, eeW2, eeb2, gW1, gb1, gW2, gb2, lng, lnb, ppW1, ppb1, ppW2, ppb2, ppW3, ppb3):
    node_enc = _leaky(_leaky(x @ neW1 + neb1) @ neW2 + neb2)
    edge_enc = _leaky(_leaky(edge_attr @ eeW1 + eeb1) @ eeW2 + eeb2)
    src = edge_index[0]
    dst = edge_index[1]
    x_j = jnp.take(node_enc, src, axis=0)
    feat = jnp.concatenate([edge_enc, x_j], axis=1)
    msg = _leaky(_leaky(feat @ gW1 + gb1) @ gW2 + gb2)
    agg = jax.ops.segment_sum(msg, dst, num_segments=x.shape[0])
    post = jnp.concatenate([agg, x], axis=1)
    mu = jnp.mean(post, axis=1, keepdims=True)
    var = jnp.var(post, axis=1, keepdims=True)
    h = (post - mu) / jnp.sqrt(var + 1e-5) * lng + lnb
    h = _leaky(h @ ppW1 + ppb1)
    h = _leaky(h @ ppW2 + ppb2)
    return h @ ppW3 + ppb3

if __name__ == "__main__":
    import jax
    _d = setup_inputs()
    print(jax.jit(kernel)(*tuple(_d.values())))

</pallas_src>

<mosaic_0001>
#map = affine_map<(d0, d1) -> (0, 0)>
#map1 = affine_map<(d0, d1) -> (0)>
#map2 = affine_map<(d0, d1) -> (0, 0, 0)>
module attributes {stable_mosaic.version = 14 : i64} {
  func.func @_scatter_body(%arg0: i32, %arg1: i32, %arg2: memref<160000x16xf32, #tpu.memory_space<hbm>>, %arg3: memref<160000x16xf32, #tpu.memory_space<hbm>>, %arg4: memref<640000xi32, #tpu.memory_space<hbm>>, %arg5: memref<2x10000x16xf32, #tpu.memory_space<hbm>>, %arg6: memref<2x10000x16xf32, #tpu.memory_space<hbm>>, %arg7: memref<2x10000x16xf32, #tpu.memory_space<hbm>>, %arg8: memref<2x10000x16xf32, #tpu.memory_space<hbm>>, %arg9: memref<1000xi32, #tpu.memory_space<vmem>>, %arg10: memref<1000xi32, #tpu.memory_space<vmem>>, %arg11: memref<1000x16xf32, #tpu.memory_space<vmem>>, %arg12: memref<1000x16xf32, #tpu.memory_space<vmem>>, %arg13: memref<1000x16xf32, #tpu.memory_space<vmem>>, %arg14: memref<1000x16xf32, #tpu.memory_space<vmem>>, %arg15: memref<625x16xf32, #tpu.memory_space<vmem>>, %arg16: memref<10000x16xf32, #tpu.memory_space<vmem_shared>>, %arg17: memref<10000x16xf32, #tpu.memory_space<vmem_shared>>, %arg18: memref<!tpu.dma_semaphore, #tpu.memory_space<semaphore_mem>>, %arg19: memref<!tpu.dma_semaphore, #tpu.memory_space<semaphore_mem>>, %arg20: memref<!tpu.dma_semaphore, #tpu.memory_space<semaphore_mem>>, %arg21: memref<!tpu.dma_semaphore, #tpu.memory_space<semaphore_mem>>, %arg22: memref<!tpu.dma_semaphore, #tpu.memory_space<semaphore_mem>>, %arg23: memref<!tpu.dma_semaphore, #tpu.memory_space<semaphore_mem>>) attributes {dimension_semantics = [#tpu.dimension_semantics<core_parallel>, #tpu.dimension_semantics<subcore_parallel>], iteration_bounds = array<i64: 2, 16>, scalar_prefetch = 0 : i64, scratch_operands = 15 : i64, tpu.core_type = #tpu.core_type<sc_vector_subcore>, window_params = [{transform_indices = #map}, {transform_indices = #map}, {transform_indices = #map1}, {transform_indices = #map2}, {transform_indices = #map2}, {transform_indices = #map2}, {transform_indices = #map2}]} {
    %mul3A = arith.constant 2 : i32
    %mul3A_0 = arith.muli %arg1, %mul3A : i32
    %add3A = arith.addi %mul3A_0, %arg0 : i32
    %mul3A_1 = arith.constant 625 : i32
    %mul3A_2 = arith.muli %arg1, %mul3A_1 : i32
    "tpu.region"() ({
      %run_scoped3A = tpu.sem_alloc : memref<!tpu.dma_semaphore, #tpu.memory_space<semaphore_mem>>
      %dma_start3A_172 = arith.constant 0 : i32
      %dma_start3A_173 = tpu.memref_slice %arg5[%arg0, %mul3A_2, %dma_start3A_172] : memref<2x10000x16xf32, #tpu.memory_space<hbm>> -> memref<1x625x16xf32, #tpu.memory_space<hbm>>
      %dma_start3A_174 = tpu.memref_squeeze %dma_start3A_173 : memref<1x625x16xf32, #tpu.memory_space<hbm>> -> memref<625x16xf32, #tpu.memory_space<hbm>>
      %dma_start3A_175 = arith.constant 0 : i32
      %dma_start3A_176 = tpu.memref_slice %arg5[%arg0, %mul3A_2, %dma_start3A_175] : memref<2x10000x16xf32, #tpu.memory_space<hbm>> -> memref<1x625x16xf32, #tpu.memory_space<hbm>>
      %dma_start3A_177 = tpu.memref_squeeze %dma_start3A_176 : memref<1x625x16xf32, #tpu.memory_space<hbm>> -> memref<625x16xf32, #tpu.memory_space<hbm>>
      tpu.enqueue_dma source(%dma_start3A_177 : memref<625x16xf32, #tpu.memory_space<hbm>>) target(%arg15 : memref<625x16xf32, #tpu.memory_space<vmem>>) target_semaphore(%run_scoped3A : memref<!tpu.dma_semaphore, #tpu.memory_space<semaphore_mem>>)
      %dma_wait3A_178 = arith.constant 0 : i32
      %dma_wait3A_179 = tpu.memref_slice %arg5[%arg0, %mul3A_2, %dma_wait3A_178] : memref<2x10000x16xf32, #tpu.memory_space<hbm>> -> memref<1x625x16xf32, #tpu.memory_space<hbm>>
      %dma_wait3A_180 = tpu.memref_squeeze %dma_wait3A_179 : memref<1x625x16xf32, #tpu.memory_space<hbm>> -> memref<625x16xf32, #tpu.memory_space<hbm>>
      %dma_wait3A_181 = arith.constant 0 : i32
      %dma_wait3A_182 = tpu.memref_slice %arg5[%arg0, %mul3A_2, %dma_wait3A_181] : memref<2x10000x16xf32, #tpu.memory_space<hbm>> -> memref<1x625x16xf32, #tpu.memory_space<hbm>>
      %dma_wait3A_183 = tpu.memref_squeeze %dma_wait3A_182 : memref<1x625x16xf32, #tpu.memory_space<hbm>> -> memref<625x16xf32, #tpu.memory_space<hbm>>
      tpu.wait_dma2 semaphore(%run_scoped3A : memref<!tpu.dma_semaphore, #tpu.memory_space<semaphore_mem>>) src(%dma_wait3A_183 : memref<625x16xf32, #tpu.memory_space<hbm>>) dst(%arg15 : memref<625x16xf32, #tpu.memory_space<vmem>>)
      tpu.yield
    }) : () -> ()
    %mul3A_3 = arith.constant 625 : i32
    %mul3A_4 = arith.muli %arg1, %mul3A_3 : i32
    "tpu.region"() ({
      %run_scoped3A = tpu.sem_alloc : memref<!tpu.dma_semaphore, #tpu.memory_space<semaphore_mem>>
      %dma_start3A_172 = arith.constant 0 : i32
      %dma_start3A_173 = tpu.memref_slice %arg16[%mul3A_4, %dma_start3A_172] : memref<10000x16xf32, #tpu.memory_space<vmem_shared>> -> memref<625x16xf32, #tpu.memory_space<vmem_shared>>
      %dma_start3A_174 = arith.constant 0 : i32
      %dma_start3A_175 = tpu.memref_slice %arg16[%mul3A_4, %dma_start3A_174] : memref<10000x16xf32, #tpu.memory_space<vmem_shared>> -> memref<625x16xf32, #tpu.memory_space<vmem_shared>>
      tpu.enqueue_dma source(%arg15 : memref<625x16xf32, #tpu.memory_space<vmem>>) target(%dma_start3A_175 : memref<625x16xf32, #tpu.memory_space<vmem_shared>>) target_semaphore(%run_scoped3A : memref<!tpu.dma_semaphore, #tpu.memory_space<semaphore_mem>>)
      %dma_wait3A_176 = arith.constant 0 : i32
      %dma_wait3A_177 = tpu.memref_slice %arg16[%mul3A_4, %dma_wait3A_176] : memref<10000x16xf32, #tpu.memory_space<vmem_shared>> -> memref<625x16xf32, #tpu.memory_space<vmem_shared>>
      %dma_wait3A_178 = arith.constant 0 : i32
      %dma_wait3A_179 = tpu.memref_slice %arg16[%mul3A_4, %dma_wait3A_178] : memref<10000x16xf32, #tpu.memory_space<vmem_shared>> -> memref<625x16xf32, #tpu.memory_space<vmem_shared>>
      tpu.wait_dma2 semaphore(%run_scoped3A : memref<!tpu.dma_semaphore, #tpu.memory_space<semaphore_mem>>) src(%arg15 : memref<625x16xf32, #tpu.memory_space<vmem>>) dst(%dma_wait3A_179 : memref<625x16xf32, #tpu.memory_space<vmem_shared>>)
      tpu.yield
    }) : () -> ()
    %mul3A_5 = arith.constant 625 : i32
    %mul3A_6 = arith.muli %arg1, %mul3A_5 : i32
    "tpu.region"() ({
      %run_scoped3A = tpu.sem_alloc : memref<!tpu.dma_semaphore, #tpu.memory_space<semaphore_mem>>
      %dma_start3A_172 = arith.constant 0 : i32
      %dma_start3A_173 = tpu.memref_slice %arg6[%arg0, %mul3A_6, %dma_start3A_172] : memref<2x10000x16xf32, #tpu.memory_space<hbm>> -> memref<1x625x16xf32, #tpu.memory_space<hbm>>
      %dma_start3A_174 = tpu.memref_squeeze %dma_start3A_173 : memref<1x625x16xf32, #tpu.memory_space<hbm>> -> memref<625x16xf32, #tpu.memory_space<hbm>>
      %dma_start3A_175 = arith.constant 0 : i32
      %dma_start3A_176 = tpu.memref_slice %arg6[%arg0, %mul3A_6, %dma_start3A_175] : memref<2x10000x16xf32, #tpu.memory_space<hbm>> -> memref<1x625x16xf32, #tpu.memory_space<hbm>>
      %dma_start3A_177 = tpu.memref_squeeze %dma_start3A_176 : memref<1x625x16xf32, #tpu.memory_space<hbm>> -> memref<625x16xf32, #tpu.memory_space<hbm>>
      tpu.enqueue_dma source(%dma_start3A_177 : memref<625x16xf32, #tpu.memory_space<hbm>>) target(%arg15 : memref<625x16xf32, #tpu.memory_space<vmem>>) target_semaphore(%run_scoped3A : memref<!tpu.dma_semaphore, #tpu.memory_space<semaphore_mem>>)
      %dma_wait3A_178 = arith.constant 0 : i32
      %dma_wait3A_179 = tpu.memref_slice %arg6[%arg0, %mul3A_6, %dma_wait3A_178] : memref<2x10000x16xf32, #tpu.memory_space<hbm>> -> memref<1x625x16xf32, #tpu.memory_space<hbm>>
      %dma_wait3A_180 = tpu.memref_squeeze %dma_wait3A_179 : memref<1x625x16xf32, #tpu.memory_space<hbm>> -> memref<625x16xf32, #tpu.memory_space<hbm>>
      %dma_wait3A_181 = arith.constant 0 : i32
      %dma_wait3A_182 = tpu.memref_slice %arg6[%arg0, %mul3A_6, %dma_wait3A_181] : memref<2x10000x16xf32, #tpu.memory_space<hbm>> -> memref<1x625x16xf32, #tpu.memory_space<hbm>>
      %dma_wait3A_183 = tpu.memref_squeeze %dma_wait3A_182 : memref<1x625x16xf32, #tpu.memory_space<hbm>> -> memref<625x16xf32, #tpu.memory_space<hbm>>
      tpu.wait_dma2 semaphore(%run_scoped3A : memref<!tpu.dma_semaphore, #tpu.memory_space<semaphore_mem>>) src(%dma_wait3A_183 : memref<625x16xf32, #tpu.memory_space<hbm>>) dst(%arg15 : memref<625x16xf32, #tpu.memory_space<vmem>>)
      tpu.yield
    }) : () -> ()
    %mul3A_7 = arith.constant 625 : i32
    %mul3A_8 = arith.muli %arg1, %mul3A_7 : i32
    "tpu.region"() ({
      %run_scoped3A = tpu.sem_alloc : memref<!tpu.dma_semaphore, #tpu.memory_space<semaphore_mem>>
      %dma_start3A_172 = arith.constant 0 : i32
      %dma_start3A_173 = tpu.memref_slice %arg17[%mul3A_8, %dma_start3A_172] : memref<10000x16xf32, #tpu.memory_space<vmem_shared>> -> memref<625x16xf32, #tpu.memory_space<vmem_shared>>
      %dma_start3A_174 = arith.constant 0 : i32
      %dma_start3A_175 = tpu.memref_slice %arg17[%mul3A_8, %dma_start3A_174] : memref<10000x16xf32, #tpu.memory_space<vmem_shared>> -> memref<625x16xf32, #tpu.memory_space<vmem_shared>>
      tpu.enqueue_dma source(%arg15 : memref<625x16xf32, #tpu.memory_space<vmem>>) target(%dma_start3A_175 : memref<625x16xf32, #tpu.memory_space<vmem_shared>>) target_semaphore(%run_scoped3A : memref<!tpu.dma_semaphore, #tpu.memory_space<semaphore_mem>>)
      %dma_wait3A_176 = arith.constant 0 : i32
      %dma_wait3A_177 = tpu.memref_slice %arg17[%mul3A_8, %dma_wait3A_176] : memref<10000x16xf32, #tpu.memory_space<vmem_shared>> -> memref<625x16xf32, #tpu.memory_space<vmem_shared>>
      %dma_wait3A_178 = arith.constant 0 : i32
      %dma_wait3A_179 = tpu.memref_slice %arg17[%mul3A_8, %dma_wait3A_178] : memref<10000x16xf32, #tpu.memory_space<vmem_shared>> -> memref<625x16xf32, #tpu.memory_space<vmem_shared>>
      tpu.wait_dma2 semaphore(%run_scoped3A : memref<!tpu.dma_semaphore, #tpu.memory_space<semaphore_mem>>) src(%arg15 : memref<625x16xf32, #tpu.memory_space<vmem>>) dst(%dma_wait3A_179 : memref<625x16xf32, #tpu.memory_space<vmem_shared>>)
      tpu.yield
    }) : () -> ()
    %barrier3A = arith.constant 0 : index
    tpu.barrier barrier_id(%barrier3A)
    %mul3A_9 = arith.constant 5000 : i32
    %mul3A_10 = arith.muli %add3A, %mul3A_9 : i32
    %add3A_11 = arith.constant 0 : i32
    %add3A_12 = arith.addi %mul3A_10, %add3A_11 : i32
    %multiple_of3A = tpu.assume_multiple %add3A_12, 8 : i32
    %add3A_13 = arith.constant 480000 : i32
    %add3A_14 = arith.addi %add3A_13, %multiple_of3A : i32
    %dma_start3A = tpu.memref_slice %arg4[%add3A_14] : memref<640000xi32, #tpu.memory_space<hbm>> -> memref<1000xi32, #tpu.memory_space<hbm>>
    %dma_start3A_15 = tpu.memref_slice %arg4[%add3A_14] : memref<640000xi32, #tpu.memory_space<hbm>> -> memref<1000xi32, #tpu.memory_space<hbm>>
    tpu.enqueue_dma source(%dma_start3A_15 : memref<1000xi32, #tpu.memory_space<hbm>>) target(%arg9 : memref<1000xi32, #tpu.memory_space<vmem>>) target_semaphore(%arg18 : memref<!tpu.dma_semaphore, #tpu.memory_space<semaphore_mem>>)
    %add3A_16 = arith.constant 0 : i32
    %add3A_17 = arith.addi %mul3A_10, %add3A_16 : i32
    %multiple_of3A_18 = tpu.assume_multiple %add3A_17, 8 : i32
    %dma_start3A_19 = arith.constant 0 : i32
    %dma_start3A_20 = tpu.memref_slice %arg2[%multiple_of3A_18, %dma_start3A_19] : memref<160000x16xf32, #tpu.memory_space<hbm>> -> memref<1000x16xf32, #tpu.memory_space<hbm>>
    %dma_start3A_21 = arith.constant 0 : i32
    %dma_start3A_22 = tpu.memref_slice %arg2[%multiple_of3A_18, %dma_start3A_21] : memref<160000x16xf32, #tpu.memory_space<hbm>> -> memref<1000x16xf32, #tpu.memory_space<hbm>>
    tpu.enqueue_dma source(%dma_start3A_22 : memref<1000x16xf32, #tpu.memory_space<hbm>>) target(%arg11 : memref<1000x16xf32, #tpu.memory_space<vmem>>) target_semaphore(%arg20 : memref<!tpu.dma_semaphore, #tpu.memory_space<semaphore_mem>>)
    %add3A_23 = arith.constant 0 : i32
    %add3A_24 = arith.addi %mul3A_10, %add3A_23 : i32
    %multiple_of3A_25 = tpu.assume_multiple %add3A_24, 8 : i32
    %dma_start3A_26 = arith.constant 0 : i32
    %dma_start3A_27 = tpu.memref_slice %arg3[%multiple_of3A_25, %dma_start3A_26] : memref<160000x16xf32, #tpu.memory_space<hbm>> -> memref<1000x16xf32, #tpu.memory_space<hbm>>
    %dma_start3A_28 = arith.constant 0 : i32
    %dma_start3A_29 = tpu.memref_slice %arg3[%multiple_of3A_25, %dma_start3A_28] : memref<160000x16xf32, #tpu.memory_space<hbm>> -> memref<1000x16xf32, #tpu.memory_space<hbm>>
    tpu.enqueue_dma source(%dma_start3A_29 : memref<1000x16xf32, #tpu.memory_space<hbm>>) target(%arg13 : memref<1000x16xf32, #tpu.memory_space<vmem>>) target_semaphore(%arg22 : memref<!tpu.dma_semaphore, #tpu.memory_space<semaphore_mem>>)
    %add3A_30 = arith.constant 1000 : i32
    %add3A_31 = arith.addi %mul3A_10, %add3A_30 : i32
    %multiple_of3A_32 = tpu.assume_multiple %add3A_31, 8 : i32
    %add3A_33 = arith.constant 480000 : i32
    %add3A_34 = arith.addi %add3A_33, %multiple_of3A_32 : i32
    %dma_start3A_35 = tpu.memref_slice %arg4[%add3A_34] : memref<640000xi32, #tpu.memory_space<hbm>> -> memref<1000xi32, #tpu.memory_space<hbm>>
    %dma_start3A_36 = tpu.memref_slice %arg4[%add3A_34] : memref<640000xi32, #tpu.memory_space<hbm>> -> memref<1000xi32, #tpu.memory_space<hbm>>
    tpu.enqueue_dma source(%dma_start3A_36 : memref<1000xi32, #tpu.memory_space<hbm>>) target(%arg10 : memref<1000xi32, #tpu.memory_space<vmem>>) target_semaphore(%arg19 : memref<!tpu.dma_semaphore, #tpu.memory_space<semaphore_mem>>)
    %add3A_37 = arith.constant 1000 : i32
    %add3A_38 = arith.addi %mul3A_10, %add3A_37 : i32
    %multiple_of3A_39 = tpu.assume_multiple %add3A_38, 8 : i32
    %dma_start3A_40 = arith.constant 0 : i32
    %dma_start3A_41 = tpu.memref_slice %arg2[%multiple_of3A_39, %dma_start3A_40] : memref<160000x16xf32, #tpu.memory_space<hbm>> -> memref<1000x16xf32, #tpu.memory_space<hbm>>
    %dma_start3A_42 = arith.constant 0 : i32
    %dma_start3A_43 = tpu.memref_slice %arg2[%multiple_of3A_39, %dma_start3A_42] : memref<160000x16xf32, #tpu.memory_space<hbm>> -> memref<1000x16xf32, #tpu.memory_space<hbm>>
    tpu.enqueue_dma source(%dma_start3A_43 : memref<1000x16xf32, #tpu.memory_space<hbm>>) target(%arg12 : memref<1000x16xf32, #tpu.memory_space<vmem>>) target_semaphore(%arg21 : memref<!tpu.dma_semaphore, #tpu.memory_space<semaphore_mem>>)
    %add3A_44 = arith.constant 1000 : i32
    %add3A_45 = arith.addi %mul3A_10, %add3A_44 : i32
    %multiple_of3A_46 = tpu.assume_multiple %add3A_45, 8 : i32
    %dma_start3A_47 = arith.constant 0 : i32
    %dma_start3A_48 = tpu.memref_slice %arg3[%multiple_of3A_46, %dma_start3A_47] : memref<160000x16xf32, #tpu.memory_space<hbm>> -> memref<1000x16xf32, #tpu.memory_space<hbm>>
    %dma_start3A_49 = arith.constant 0 : i32
    %dma_start3A_50 = tpu.memref_slice %arg3[%multiple_of3A_46, %dma_start3A_49] : memref<160000x16xf32, #tpu.memory_space<hbm>> -> memref<1000x16xf32, #tpu.memory_space<hbm>>
    tpu.enqueue_dma source(%dma_start3A_50 : memref<1000x16xf32, #tpu.memory_space<hbm>>) target(%arg14 : memref<1000x16xf32, #tpu.memory_space<vmem>>) target_semaphore(%arg23 : memref<!tpu.dma_semaphore, #tpu.memory_space<semaphore_mem>>)
    %dma_wait3A = tpu.memref_slice %arg4[%add3A_14] : memref<640000xi32, #tpu.memory_space<hbm>> -> memref<1000xi32, #tpu.memory_space<hbm>>
    %dma_wait3A_51 = tpu.memref_slice %arg4[%add3A_14] : memref<640000xi32, #tpu.memory_space<hbm>> -> memref<1000xi32, #tpu.memory_space<hbm>>
    tpu.wait_dma2 semaphore(%arg18 : memref<!tpu.dma_semaphore, #tpu.memory_space<semaphore_mem>>) src(%dma_wait3A_51 : memref<1000xi32, #tpu.memory_space<hbm>>) dst(%arg9 : memref<1000xi32, #tpu.memory_space<vmem>>)
    %dma_wait3A_52 = arith.constant 0 : i32
    %dma_wait3A_53 = tpu.memref_slice %arg2[%multiple_of3A_18, %dma_wait3A_52] : memref<160000x16xf32, #tpu.memory_space<hbm>> -> memref<1000x16xf32, #tpu.memory_space<hbm>>
    %dma_wait3A_54 = arith.constant 0 : i32
    %dma_wait3A_55 = tpu.memref_slice %arg2[%multiple_of3A_18, %dma_wait3A_54] : memref<160000x16xf32, #tpu.memory_space<hbm>> -> memref<1000x16xf32, #tpu.memory_space<hbm>>
    tpu.wait_dma2 semaphore(%arg20 : memref<!tpu.dma_semaphore, #tpu.memory_space<semaphore_mem>>) src(%dma_wait3A_55 : memref<1000x16xf32, #tpu.memory_space<hbm>>) dst(%arg11 : memref<1000x16xf32, #tpu.memory_space<vmem>>)
    %dma_wait3A_56 = arith.constant 0 : i32
    %dma_wait3A_57 = tpu.memref_slice %arg3[%multiple_of3A_25, %dma_wait3A_56] : memref<160000x16xf32, #tpu.memory_space<hbm>> -> memref<1000x16xf32, #tpu.memory_space<hbm>>
    %dma_wait3A_58 = arith.constant 0 : i32
    %dma_wait3A_59 = tpu.memref_slice %arg3[%multiple_of3A_25, %dma_wait3A_58] : memref<160000x16xf32, #tpu.memory_space<hbm>> -> memref<1000x16xf32, #tpu.memory_space<hbm>>
    tpu.wait_dma2 semaphore(%arg22 : memref<!tpu.dma_semaphore, #tpu.memory_space<semaphore_mem>>) src(%dma_wait3A_59 : memref<1000x16xf32, #tpu.memory_space<hbm>>) dst(%arg13 : memref<1000x16xf32, #tpu.memory_space<vmem>>)
    "tpu.region"() ({
      %run_scoped3A = tpu.sem_alloc : memref<!tpu.dma_semaphore, #tpu.memory_space<semaphore_mem>>
      %dma_start3A_172 = arith.constant 0 : i32
      %dma_start3A_173 = arith.constant 0 : i32
      %dma_start3A_174 = tpu.memref_slice %arg16[%dma_start3A_172, %dma_start3A_173] : memref<10000x16xf32, #tpu.memory_space<vmem_shared>> -> memref<10000x16xf32, #tpu.memory_space<vmem_shared>>
      tpu.enqueue_indirect_dma source(%arg11 : memref<1000x16xf32, #tpu.memory_space<vmem>>) target(%dma_start3A_174 : memref<10000x16xf32, #tpu.memory_space<vmem_shared>>) offsets(%arg9 : memref<1000xi32, #tpu.memory_space<vmem>>) semaphore(%run_scoped3A : memref<!tpu.dma_semaphore, #tpu.memory_space<semaphore_mem>>) {add = true}
      %dma_wait3A_175 = arith.constant 0 : i32
      %dma_wait3A_176 = arith.constant 0 : i32
      %dma_wait3A_177 = tpu.memref_slice %arg16[%dma_wait3A_175, %dma_wait3A_176] : memref<10000x16xf32, #tpu.memory_space<vmem_shared>> -> memref<10000x16xf32, #tpu.memory_space<vmem_shared>>
      tpu.wait_indirect_dma semaphore(%run_scoped3A : memref<!tpu.dma_semaphore, #tpu.memory_space<semaphore_mem>>) src(%arg11 : memref<1000x16xf32, #tpu.memory_space<vmem>>) dst(%dma_wait3A_177 : memref<10000x16xf32, #tpu.memory_space<vmem_shared>>)
      tpu.yield
    }) : () -> ()
    "tpu.region"() ({
      %run_scoped3A = tpu.sem_alloc : memref<!tpu.dma_semaphore, #tpu.memory_space<semaphore_mem>>
      %dma_start3A_172 = arith.constant 0 : i32
      %dma_start3A_173 = arith.constant 0 : i32
      %dma_start3A_174 = tpu.memref_slice %arg17[%dma_start3A_172, %dma_start3A_173] : memref<10000x16xf32, #tpu.memory_space<vmem_shared>> -> memref<10000x16xf32, #tpu.memory_space<vmem_shared>>
      tpu.enqueue_indirect_dma source(%arg13 : memref<1000x16xf32, #tpu.memory_space<vmem>>) target(%dma_start3A_174 : memref<10000x16xf32, #tpu.memory_space<vmem_shared>>) offsets(%arg9 : memref<1000xi32, #tpu.memory_space<vmem>>) semaphore(%run_scoped3A : memref<!tpu.dma_semaphore, #tpu.memory_space<semaphore_mem>>) {add = true}
      %dma_wait3A_175 = arith.constant 0 : i32
      %dma_wait3A_176 = arith.constant 0 : i32
      %dma_wait3A_177 = tpu.memref_slice %arg17[%dma_wait3A_175, %dma_wait3A_176] : memref<10000x16xf32, #tpu.memory_space<vmem_shared>> -> memref<10000x16xf32, #tpu.memory_space<vmem_shared>>
      tpu.wait_indirect_dma semaphore(%run_scoped3A : memref<!tpu.dma_semaphore, #tpu.memory_space<semaphore_mem>>) src(%arg13 : memref<1000x16xf32, #tpu.memory_space<vmem>>) dst(%dma_wait3A_177 : memref<10000x16xf32, #tpu.memory_space<vmem_shared>>)
      tpu.yield
    }) : () -> ()
    %add3A_60 = arith.constant 2000 : i32
    %add3A_61 = arith.addi %mul3A_10, %add3A_60 : i32
    %multiple_of3A_62 = tpu.assume_multiple %add3A_61, 8 : i32
    %add3A_63 = arith.constant 480000 : i32
    %add3A_64 = arith.addi %add3A_63, %multiple_of3A_62 : i32
    %dma_start3A_65 = tpu.memref_slice %arg4[%add3A_64] : memref<640000xi32, #tpu.memory_space<hbm>> -> memref<1000xi32, #tpu.memory_space<hbm>>
    %dma_start3A_66 = tpu.memref_slice %arg4[%add3A_64] : memref<640000xi32, #tpu.memory_space<hbm>> -> memref<1000xi32, #tpu.memory_space<hbm>>
    tpu.enqueue_dma source(%dma_start3A_66 : memref<1000xi32, #tpu.memory_space<hbm>>) target(%arg9 : memref<1000xi32, #tpu.memory_space<vmem>>) target_semaphore(%arg18 : memref<!tpu.dma_semaphore, #tpu.memory_space<semaphore_mem>>)
    %add3A_67 = arith.constant 2000 : i32
    %add3A_68 = arith.addi %mul3A_10, %add3A_67 : i32
    %multiple_of3A_69 = tpu.assume_multiple %add3A_68, 8 : i32
    %dma_start3A_70 = arith.constant 0 : i32
    %dma_start3A_71 = tpu.memref_slice %arg2[%multiple_of3A_69, %dma_start3A_70] : memref<160000x16xf32, #tpu.memory_space<hbm>> -> memref<1000x16xf32, #tpu.memory_space<hbm>>
    %dma_start3A_72 = arith.constant 0 : i32
    %dma_start3A_73 = tpu.memref_slice %arg2[%multiple_of3A_69, %dma_start3A_72] : memref<160000x16xf32, #tpu.memory_space<hbm>> -> memref<1000x16xf32, #tpu.memory_space<hbm>>
    tpu.enqueue_dma source(%dma_start3A_73 : memref<1000x16xf32, #tpu.memory_space<hbm>>) target(%arg11 : memref<1000x16xf32, #tpu.memory_space<vmem>>) target_semaphore(%arg20 : memref<!tpu.dma_semaphore, #tpu.memory_space<semaphore_mem>>)
    %add3A_74 = arith.constant 2000 : i32
    %add3A_75 = arith.addi %mul3A_10, %add3A_74 : i32
    %multiple_of3A_76 = tpu.assume_multiple %add3A_75, 8 : i32
    %dma_start3A_77 = arith.constant 0 : i32
    %dma_start3A_78 = tpu.memref_slice %arg3[%multiple_of3A_76, %dma_start3A_77] : memref<160000x16xf32, #tpu.memory_space<hbm>> -> memref<1000x16xf32, #tpu.memory_space<hbm>>
    %dma_start3A_79 = arith.constant 0 : i32
    %dma_start3A_80 = tpu.memref_slice %arg3[%multiple_of3A_76, %dma_start3A_79] : memref<160000x16xf32, #tpu.memory_space<hbm>> -> memref<1000x16xf32, #tpu.memory_space<hbm>>
    tpu.enqueue_dma source(%dma_start3A_80 : memref<1000x16xf32, #tpu.memory_space<hbm>>) target(%arg13 : memref<1000x16xf32, #tpu.memory_space<vmem>>) target_semaphore(%arg22 : memref<!tpu.dma_semaphore, #tpu.memory_space<semaphore_mem>>)
    %dma_wait3A_81 = tpu.memref_slice %arg4[%add3A_34] : memref<640000xi32, #tpu.memory_space<hbm>> -> memref<1000xi32, #tpu.memory_space<hbm>>
    %dma_wait3A_82 = tpu.memref_slice %arg4[%add3A_34] : memref<640000xi32, #tpu.memory_space<hbm>> -> memref<1000xi32, #tpu.memory_space<hbm>>
    tpu.wait_dma2 semaphore(%arg19 : memref<!tpu.dma_semaphore, #tpu.memory_space<semaphore_mem>>) src(%dma_wait3A_82 : memref<1000xi32, #tpu.memory_space<hbm>>) dst(%arg10 : memref<1000xi32, #tpu.memory_space<vmem>>)
    %dma_wait3A_83 = arith.constant 0 : i32
    %dma_wait3A_84 = tpu.memref_slice %arg2[%multiple_of3A_39, %dma_wait3A_83] : memref<160000x16xf32, #tpu.memory_space<hbm>> -> memref<1000x16xf32, #tpu.memory_space<hbm>>
    %dma_wait3A_85 = arith.constant 0 : i32
    %dma_wait3A_86 = tpu.memref_slice %arg2[%multiple_of3A_39, %dma_wait3A_85] : memref<160000x16xf32, #tpu.memory_space<hbm>> -> memref<1000x16xf32, #tpu.memory_space<hbm>>
    tpu.wait_dma2 semaphore(%arg21 : memref<!tpu.dma_semaphore, #tpu.memory_space<semaphore_mem>>) src(%dma_wait3A_86 : memref<1000x16xf32, #tpu.memory_space<hbm>>) dst(%arg12 : memref<1000x16xf32, #tpu.memory_space<vmem>>)
    %dma_wait3A_87 = arith.constant 0 : i32
    %dma_wait3A_88 = tpu.memref_slice %arg3[%multiple_of3A_46, %dma_wait3A_87] : memref<160000x16xf32, #tpu.memory_space<hbm>> -> memref<1000x16xf32, #tpu.memory_space<hbm>>
    %dma_wait3A_89 = arith.constant 0 : i32
    %dma_wait3A_90 = tpu.memref_slice %arg3[%multiple_of3A_46, %dma_wait3A_89] : memref<160000x16xf32, #tpu.memory_space<hbm>> -> memref<1000x16xf32, #tpu.memory_space<hbm>>
    tpu.wait_dma2 semaphore(%arg23 : memref<!tpu.dma_semaphore, #tpu.memory_space<semaphore_mem>>) src(%dma_wait3A_90 : memref<1000x16xf32, #tpu.memory_space<hbm>>) dst(%arg14 : memref<1000x16xf32, #tpu.memory_space<vmem>>)
    "tpu.region"() ({
      %run_scoped3A = tpu.sem_alloc : memref<!tpu.dma_semaphore, #tpu.memory_space<semaphore_mem>>
      %dma_start3A_172 = arith.constant 0 : i32
      %dma_start3A_173 = arith.constant 0 : i32
      %dma_start3A_174 = tpu.memref_slice %arg16[%dma_start3A_172, %dma_start3A_173] : memref<10000x16xf32, #tpu.memory_space<vmem_shared>> -> memref<10000x16xf32, #tpu.memory_space<vmem_shared>>
      tpu.enqueue_indirect_dma source(%arg12 : memref<1000x16xf32, #tpu.memory_space<vmem>>) target(%dma_start3A_174 : memref<10000x16xf32, #tpu.memory_space<vmem_shared>>) offsets(%arg10 : memref<1000xi32, #tpu.memory_space<vmem>>) semaphore(%run_scoped3A : memref<!tpu.dma_semaphore, #tpu.memory_space<semaphore_mem>>) {add = true}
      %dma_wait3A_175 = arith.constant 0 : i32
      %dma_wait3A_176 = arith.constant 0 : i32
      %dma_wait3A_177 = tpu.memref_slice %arg16[%dma_wait3A_175, %dma_wait3A_176] : memref<10000x16xf32, #tpu.memory_space<vmem_shared>> -> memref<10000x16xf32, #tpu.memory_space<vmem_shared>>
      tpu.wait_indirect_dma semaphore(%run_scoped3A : memref<!tpu.dma_semaphore, #tpu.memory_space<semaphore_mem>>) src(%arg12 : memref<1000x16xf32, #tpu.memory_space<vmem>>) dst(%dma_wait3A_177 : memref<10000x16xf32, #tpu.memory_space<vmem_shared>>)
      tpu.yield
    }) : () -> ()
    "tpu.region"() ({
      %run_scoped3A = tpu.sem_alloc : memref<!tpu.dma_semaphore, #tpu.memory_space<semaphore_mem>>
      %dma_start3A_172 = arith.constant 0 : i32
      %dma_start3A_173 = arith.constant 0 : i32
      %dma_start3A_174 = tpu.memref_slice %arg17[%dma_start3A_172, %dma_start3A_173] : memref<10000x16xf32, #tpu.memory_space<vmem_shared>> -> memref<10000x16xf32, #tpu.memory_space<vmem_shared>>
      tpu.enqueue_indirect_dma source(%arg14 : memref<1000x16xf32, #tpu.memory_space<vmem>>) target(%dma_start3A_174 : memref<10000x16xf32, #tpu.memory_space<vmem_shared>>) offsets(%arg10 : memref<1000xi32, #tpu.memory_space<vmem>>) semaphore(%run_scoped3A : memref<!tpu.dma_semaphore, #tpu.memory_space<semaphore_mem>>) {add = true}
      %dma_wait3A_175 = arith.constant 0 : i32
      %dma_wait3A_176 = arith.constant 0 : i32
      %dma_wait3A_177 = tpu.memref_slice %arg17[%dma_wait3A_175, %dma_wait3A_176] : memref<10000x16xf32, #tpu.memory_space<vmem_shared>> -> memref<10000x16xf32, #tpu.memory_space<vmem_shared>>
      tpu.wait_indirect_dma semaphore(%run_scoped3A : memref<!tpu.dma_semaphore, #tpu.memory_space<semaphore_mem>>) src(%arg14 : memref<1000x16xf32, #tpu.memory_space<vmem>>) dst(%dma_wait3A_177 : memref<10000x16xf32, #tpu.memory_space<vmem_shared>>)
      tpu.yield
    }) : () -> ()
    %add3A_91 = arith.constant 3000 : i32
    %add3A_92 = arith.addi %mul3A_10, %add3A_91 : i32
    %multiple_of3A_93 = tpu.assume_multiple %add3A_92, 8 : i32
    %add3A_94 = arith.constant 480000 : i32
    %add3A_95 = arith.addi %add3A_94, %multiple_of3A_93 : i32
    %dma_start3A_96 = tpu.memref_slice %arg4[%add3A_95] : memref<640000xi32, #tpu.memory_space<hbm>> -> memref<1000xi32, #tpu.memory_space<hbm>>
    %dma_start3A_97 = tpu.memref_slice %arg4[%add3A_95] : memref<640000xi32, #tpu.memory_space<hbm>> -> memref<1000xi32, #tpu.memory_space<hbm>>
    tpu.enqueue_dma source(%dma_start3A_97 : memref<1000xi32, #tpu.memory_space<hbm>>) target(%arg10 : memref<1000xi32, #tpu.memory_space<vmem>>) target_semaphore(%arg19 : memref<!tpu.dma_semaphore, #tpu.memory_space<semaphore_mem>>)
    %add3A_98 = arith.constant 3000 : i32
    %add3A_99 = arith.addi %mul3A_10, %add3A_98 : i32
    %multiple_of3A_100 = tpu.assume_multiple %add3A_99, 8 : i32
    %dma_start3A_101 = arith.constant 0 : i32
    %dma_start3A_102 = tpu.memref_slice %arg2[%multiple_of3A_100, %dma_start3A_101] : memref<160000x16xf32, #tpu.memory_space<hbm>> -> memref<1000x16xf32, #tpu.memory_space<hbm>>
    %dma_start3A_103 = arith.constant 0 : i32
    %dma_start3A_104 = tpu.memref_slice %arg2[%multiple_of3A_100, %dma_start3A_103] : memref<160000x16xf32, #tpu.memory_space<hbm>> -> memref<1000x16xf32, #tpu.memory_space<hbm>>
    tpu.enqueue_dma source(%dma_start3A_104 : memref<1000x16xf32, #tpu.memory_space<hbm>>) target(%arg12 : memref<1000x16xf32, #tpu.memory_space<vmem>>) target_semaphore(%arg21 : memref<!tpu.dma_semaphore, #tpu.memory_space<semaphore_mem>>)
    %add3A_105 = arith.constant 3000 : i32
    %add3A_106 = arith.addi %mul3A_10, %add3A_105 : i32
    %multiple_of3A_107 = tpu.assume_multiple %add3A_106, 8 : i32
    %dma_start3A_108 = arith.constant 0 : i32
    %dma_start3A_109 = tpu.memref_slice %arg3[%multiple_of3A_107, %dma_start3A_108] : memref<160000x16xf32, #tpu.memory_space<hbm>> -> memref<1000x16xf32, #tpu.memory_space<hbm>>
    %dma_start3A_110 = arith.constant 0 : i32
    %dma_start3A_111 = tpu.memref_slice %arg3[%multiple_of3A_107, %dma_start3A_110] : memref<160000x16xf32, #tpu.memory_space<hbm>> -> memref<1000x16xf32, #tpu.memory_space<hbm>>
    tpu.enqueue_dma source(%dma_start3A_111 : memref<1000x16xf32, #tpu.memory_space<hbm>>) target(%arg14 : memref<1000x16xf32, #tpu.memory_space<vmem>>) target_semaphore(%arg23 : memref<!tpu.dma_semaphore, #tpu.memory_space<semaphore_mem>>)
    %dma_wait3A_112 = tpu.memref_slice %arg4[%add3A_64] : memref<640000xi32, #tpu.memory_space<hbm>> -> memref<1000xi32, #tpu.memory_space<hbm>>
    %dma_wait3A_113 = tpu.memref_slice %arg4[%add3A_64] : memref<640000xi32, #tpu.memory_space<hbm>> -> memref<1000xi32, #tpu.memory_space<hbm>>
    tpu.wait_dma2 semaphore(%arg18 : memref<!tpu.dma_semaphore, #tpu.memory_space<semaphore_mem>>) src(%dma_wait3A_113 : memref<1000xi32, #tpu.memory_space<hbm>>) dst(%arg9 : memref<1000xi32, #tpu.memory_space<vmem>>)
    %dma_wait3A_114 = arith.constant 0 : i32
    %dma_wait3A_115 = tpu.memref_slice %arg2[%multiple_of3A_69, %dma_wait3A_114] : memref<160000x16xf32, #tpu.memory_space<hbm>> -> memref<1000x16xf32, #tpu.memory_space<hbm>>
    %dma_wait3A_116 = arith.constant 0 : i32
    %dma_wait3A_117 = tpu.memref_slice %arg2[%multiple_of3A_69, %dma_wait3A_116] : memref<160000x16xf32, #tpu.memory_space<hbm>> -> memref<1000x16xf32, #tpu.memory_space<hbm>>
    tpu.wait_dma2 semaphore(%arg20 : memref<!tpu.dma_semaphore, #tpu.memory_space<semaphore_mem>>) src(%dma_wait3A_117 : memref<1000x16xf32, #tpu.memory_space<hbm>>) dst(%arg11 : memref<1000x16xf32, #tpu.memory_space<vmem>>)
    %dma_wait3A_118 = arith.constant 0 : i32
    %dma_wait3A_119 = tpu.memref_slice %arg3[%multiple_of3A_76, %dma_wait3A_118] : memref<160000x16xf32, #tpu.memory_space<hbm>> -> memref<1000x16xf32, #tpu.memory_space<hbm>>
    %dma_wait3A_120 = arith.constant 0 : i32
    %dma_wait3A_121 = tpu.memref_slice %arg3[%multiple_of3A_76, %dma_wait3A_120] : memref<160000x16xf32, #tpu.memory_space<hbm>> -> memref<1000x16xf32, #tpu.memory_space<hbm>>
    tpu.wait_dma2 semaphore(%arg22 : memref<!tpu.dma_semaphore, #tpu.memory_space<semaphore_mem>>) src(%dma_wait3A_121 : memref<1000x16xf32, #tpu.memory_space<hbm>>) dst(%arg13 : memref<1000x16xf32, #tpu.memory_space<vmem>>)
    "tpu.region"() ({
      %run_scoped3A = tpu.sem_alloc : memref<!tpu.dma_semaphore, #tpu.memory_space<semaphore_mem>>
      %dma_start3A_172 = arith.constant 0 : i32
      %dma_start3A_173 = arith.constant 0 : i32
      %dma_start3A_174 = tpu.memref_slice %arg16[%dma_start3A_172, %dma_start3A_173] : memref<10000x16xf32, #tpu.memory_space<vmem_shared>> -> memref<10000x16xf32, #tpu.memory_space<vmem_shared>>
      tpu.enqueue_indirect_dma source(%arg11 : memref<1000x16xf32, #tpu.memory_space<vmem>>) target(%dma_start3A_174 : memref<10000x16xf32, #tpu.memory_space<vmem_shared>>) offsets(%arg9 : memref<1000xi32, #tpu.memory_space<vmem>>) semaphore(%run_scoped3A : memref<!tpu.dma_semaphore, #tpu.memory_space<semaphore_mem>>) {add = true}
      %dma_wait3A_175 = arith.constant 0 : i32
      %dma_wait3A_176 = arith.constant 0 : i32
      %dma_wait3A_177 = tpu.memref_slice %arg16[%dma_wait3A_175, %dma_wait3A_176] : memref<10000x16xf32, #tpu.memory_space<vmem_shared>> -> memref<10000x16xf32, #tpu.memory_space<vmem_shared>>
      tpu.wait_indirect_dma semaphore(%run_scoped3A : memref<!tpu.dma_semaphore, #tpu.memory_space<semaphore_mem>>) src(%arg11 : memref<1000x16xf32, #tpu.memory_space<vmem>>) dst(%dma_wait3A_177 : memref<10000x16xf32, #tpu.memory_space<vmem_shared>>)
      tpu.yield
    }) : () -> ()
    "tpu.region"() ({
      %run_scoped3A = tpu.sem_alloc : memref<!tpu.dma_semaphore, #tpu.memory_space<semaphore_mem>>
      %dma_start3A_172 = arith.constant 0 : i32
      %dma_start3A_173 = arith.constant 0 : i32
      %dma_start3A_174 = tpu.memref_slice %arg17[%dma_start3A_172, %dma_start3A_173] : memref<10000x16xf32, #tpu.memory_space<vmem_shared>> -> memref<10000x16xf32, #tpu.memory_space<vmem_shared>>
      tpu.enqueue_indirect_dma source(%arg13 : memref<1000x16xf32, #tpu.memory_space<vmem>>) target(%dma_start3A_174 : memref<10000x16xf32, #tpu.memory_space<vmem_shared>>) offsets(%arg9 : memref<1000xi32, #tpu.memory_space<vmem>>) semaphore(%run_scoped3A : memref<!tpu.dma_semaphore, #tpu.memory_space<semaphore_mem>>) {add = true}
      %dma_wait3A_175 = arith.constant 0 : i32
      %dma_wait3A_176 = arith.constant 0 : i32
      %dma_wait3A_177 = tpu.memref_slice %arg17[%dma_wait3A_175, %dma_wait3A_176] : memref<10000x16xf32, #tpu.memory_space<vmem_shared>> -> memref<10000x16xf32, #tpu.memory_space<vmem_shared>>
      tpu.wait_indirect_dma semaphore(%run_scoped3A : memref<!tpu.dma_semaphore, #tpu.memory_space<semaphore_mem>>) src(%arg13 : memref<1000x16xf32, #tpu.memory_space<vmem>>) dst(%dma_wait3A_177 : memref<10000x16xf32, #tpu.memory_space<vmem_shared>>)
      tpu.yield
    }) : () -> ()
    %add3A_122 = arith.constant 4000 : i32
    %add3A_123 = arith.addi %mul3A_10, %add3A_122 : i32
    %multiple_of3A_124 = tpu.assume_multiple %add3A_123, 8 : i32
    %add3A_125 = arith.constant 480000 : i32
    %add3A_126 = arith.addi %add3A_125, %multiple_of3A_124 : i32
    %dma_start3A_127 = tpu.memref_slice %arg4[%add3A_126] : memref<640000xi32, #tpu.memory_space<hbm>> -> memref<1000xi32, #tpu.memory_space<hbm>>
    %dma_start3A_128 = tpu.memref_slice %arg4[%add3A_126] : memref<640000xi32, #tpu.memory_space<hbm>> -> memref<1000xi32, #tpu.memory_space<hbm>>
    tpu.enqueue_dma source(%dma_start3A_128 : memref<1000xi32, #tpu.memory_space<hbm>>) target(%arg9 : memref<1000xi32, #tpu.memory_space<vmem>>) target_semaphore(%arg18 : memref<!tpu.dma_semaphore, #tpu.memory_space<semaphore_mem>>)
    %add3A_129 = arith.constant 4000 : i32
    %add3A_130 = arith.addi %mul3A_10, %add3A_129 : i32
    %multiple_of3A_131 = tpu.assume_multiple %add3A_130, 8 : i32
    %dma_start3A_132 = arith.constant 0 : i32
    %dma_start3A_133 = tpu.memref_slice %arg2[%multiple_of3A_131, %dma_start3A_132] : memref<160000x16xf32, #tpu.memory_space<hbm>> -> memref<1000x16xf32, #tpu.memory_space<hbm>>
    %dma_start3A_134 = arith.constant 0 : i32
    %dma_start3A_135 = tpu.memref_slice %arg2[%multiple_of3A_131, %dma_start3A_134] : memref<160000x16xf32, #tpu.memory_space<hbm>> -> memref<1000x16xf32, #tpu.memory_space<hbm>>
    tpu.enqueue_dma source(%dma_start3A_135 : memref<1000x16xf32, #tpu.memory_space<hbm>>) target(%arg11 : memref<1000x16xf32, #tpu.memory_space<vmem>>) target_semaphore(%arg20 : memref<!tpu.dma_semaphore, #tpu.memory_space<semaphore_mem>>)
    %add3A_136 = arith.constant 4000 : i32
    %add3A_137 = arith.addi %mul3A_10, %add3A_136 : i32
    %multiple_of3A_138 = tpu.assume_multiple %add3A_137, 8 : i32
    %dma_start3A_139 = arith.constant 0 : i32
    %dma_start3A_140 = tpu.memref_slice %arg3[%multiple_of3A_138, %dma_start3A_139] : memref<160000x16xf32, #tpu.memory_space<hbm>> -> memref<1000x16xf32, #tpu.memory_space<hbm>>
    %dma_start3A_141 = arith.constant 0 : i32
    %dma_start3A_142 = tpu.memref_slice %arg3[%multiple_of3A_138, %dma_start3A_141] : memref<160000x16xf32, #tpu.memory_space<hbm>> -> memref<1000x16xf32, #tpu.memory_space<hbm>>
    tpu.enqueue_dma source(%dma_start3A_142 : memref<1000x16xf32, #tpu.memory_space<hbm>>) target(%arg13 : memref<1000x16xf32, #tpu.memory_space<vmem>>) target_semaphore(%arg22 : memref<!tpu.dma_semaphore, #tpu.memory_space<semaphore_mem>>)
    %dma_wait3A_143 = tpu.memref_slice %arg4[%add3A_95] : memref<640000xi32, #tpu.memory_space<hbm>> -> memref<1000xi32, #tpu.memory_space<hbm>>
    %dma_wait3A_144 = tpu.memref_slice %arg4[%add3A_95] : memref<640000xi32, #tpu.memory_space<hbm>> -> memref<1000xi32, #tpu.memory_space<hbm>>
    tpu.wait_dma2 semaphore(%arg19 : memref<!tpu.dma_semaphore, #tpu.memory_space<semaphore_mem>>) src(%dma_wait3A_144 : memref<1000xi32, #tpu.memory_space<hbm>>) dst(%arg10 : memref<1000xi32, #tpu.memory_space<vmem>>)
    %dma_wait3A_145 = arith.constant 0 : i32
    %dma_wait3A_146 = tpu.memref_slice %arg2[%multiple_of3A_100, %dma_wait3A_145] : memref<160000x16xf32, #tpu.memory_space<hbm>> -> memref<1000x16xf32, #tpu.memory_space<hbm>>
    %dma_wait3A_147 = arith.constant 0 : i32
    %dma_wait3A_148 = tpu.memref_slice %arg2[%multiple_of3A_100, %dma_wait3A_147] : memref<160000x16xf32, #tpu.memory_space<hbm>> -> memref<1000x16xf32, #tpu.memory_space<hbm>>
    tpu.wait_dma2 semaphore(%arg21 : memref<!tpu.dma_semaphore, #tpu.memory_space<semaphore_mem>>) src(%dma_wait3A_148 : memref<1000x16xf32, #tpu.memory_space<hbm>>) dst(%arg12 : memref<1000x16xf32, #tpu.memory_space<vmem>>)
    %dma_wait3A_149 = arith.constant 0 : i32
    %dma_wait3A_150 = tpu.memref_slice %arg3[%multiple_of3A_107, %dma_wait3A_149] : memref<160000x16xf32, #tpu.memory_space<hbm>> -> memref<1000x16xf32, #tpu.memory_space<hbm>>
    %dma_wait3A_151 = arith.constant 0 : i32
    %dma_wait3A_152 = tpu.memref_slice %arg3[%multiple_of3A_107, %dma_wait3A_151] : memref<160000x16xf32, #tpu.memory_space<hbm>> -> memref<1000x16xf32, #tpu.memory_space<hbm>>
    tpu.wait_dma2 semaphore(%arg23 : memref<!tpu.dma_semaphore, #tpu.memory_space<semaphore_mem>>) src(%dma_wait3A_152 : memref<1000x16xf32, #tpu.memory_space<hbm>>) dst(%arg14 : memref<1000x16xf32, #tpu.memory_space<vmem>>)
    "tpu.region"() ({
      %run_scoped3A = tpu.sem_alloc : memref<!tpu.dma_semaphore, #tpu.memory_space<semaphore_mem>>
      %dma_start3A_172 = arith.constant 0 : i32
      %dma_start3A_173 = arith.constant 0 : i32
      %dma_start3A_174 = tpu.memref_slice %arg16[%dma_start3A_172, %dma_start3A_173] : memref<10000x16xf32, #tpu.memory_space<vmem_shared>> -> memref<10000x16xf32, #tpu.memory_space<vmem_shared>>
      tpu.enqueue_indirect_dma source(%arg12 : memref<1000x16xf32, #tpu.memory_space<vmem>>) target(%dma_start3A_174 : memref<10000x16xf32, #tpu.memory_space<vmem_shared>>) offsets(%arg10 : memref<1000xi32, #tpu.memory_space<vmem>>) semaphore(%run_scoped3A : memref<!tpu.dma_semaphore, #tpu.memory_space<semaphore_mem>>) {add = true}
      %dma_wait3A_175 = arith.constant 0 : i32
      %dma_wait3A_176 = arith.constant 0 : i32
      %dma_wait3A_177 = tpu.memref_slice %arg16[%dma_wait3A_175, %dma_wait3A_176] : memref<10000x16xf32, #tpu.memory_space<vmem_shared>> -> memref<10000x16xf32, #tpu.memory_space<vmem_shared>>
      tpu.wait_indirect_dma semaphore(%run_scoped3A : memref<!tpu.dma_semaphore, #tpu.memory_space<semaphore_mem>>) src(%arg12 : memref<1000x16xf32, #tpu.memory_space<vmem>>) dst(%dma_wait3A_177 : memref<10000x16xf32, #tpu.memory_space<vmem_shared>>)
      tpu.yield
    }) : () -> ()
    "tpu.region"() ({
      %run_scoped3A = tpu.sem_alloc : memref<!tpu.dma_semaphore, #tpu.memory_space<semaphore_mem>>
      %dma_start3A_172 = arith.constant 0 : i32
      %dma_start3A_173 = arith.constant 0 : i32
      %dma_start3A_174 = tpu.memref_slice %arg17[%dma_start3A_172, %dma_start3A_173] : memref<10000x16xf32, #tpu.memory_space<vmem_shared>> -> memref<10000x16xf32, #tpu.memory_space<vmem_shared>>
      tpu.enqueue_indirect_dma source(%arg14 : memref<1000x16xf32, #tpu.memory_space<vmem>>) target(%dma_start3A_174 : memref<10000x16xf32, #tpu.memory_space<vmem_shared>>) offsets(%arg10 : memref<1000xi32, #tpu.memory_space<vmem>>) semaphore(%run_scoped3A : memref<!tpu.dma_semaphore, #tpu.memory_space<semaphore_mem>>) {add = true}
      %dma_wait3A_175 = arith.constant 0 : i32
      %dma_wait3A_176 = arith.constant 0 : i32
      %dma_wait3A_177 = tpu.memref_slice %arg17[%dma_wait3A_175, %dma_wait3A_176] : memref<10000x16xf32, #tpu.memory_space<vmem_shared>> -> memref<10000x16xf32, #tpu.memory_space<vmem_shared>>
      tpu.wait_indirect_dma semaphore(%run_scoped3A : memref<!tpu.dma_semaphore, #tpu.memory_space<semaphore_mem>>) src(%arg14 : memref<1000x16xf32, #tpu.memory_space<vmem>>) dst(%dma_wait3A_177 : memref<10000x16xf32, #tpu.memory_space<vmem_shared>>)
      tpu.yield
    }) : () -> ()
    %dma_wait3A_153 = tpu.memref_slice %arg4[%add3A_126] : memref<640000xi32, #tpu.memory_space<hbm>> -> memref<1000xi32, #tpu.memory_space<hbm>>
    %dma_wait3A_154 = tpu.memref_slice %arg4[%add3A_126] : memref<640000xi32, #tpu.memory_space<hbm>> -> memref<1000xi32, #tpu.memory_space<hbm>>
    tpu.wait_dma2 semaphore(%arg18 : memref<!tpu.dma_semaphore, #tpu.memory_space<semaphore_mem>>) src(%dma_wait3A_154 : memref<1000xi32, #tpu.memory_space<hbm>>) dst(%arg9 : memref<1000xi32, #tpu.memory_space<vmem>>)
    %dma_wait3A_155 = arith.constant 0 : i32
    %dma_wait3A_156 = tpu.memref_slice %arg2[%multiple_of3A_131, %dma_wait3A_155] : memref<160000x16xf32, #tpu.memory_space<hbm>> -> memref<1000x16xf32, #tpu.memory_space<hbm>>
    %dma_wait3A_157 = arith.constant 0 : i32
    %dma_wait3A_158 = tpu.memref_slice %arg2[%multiple_of3A_131, %dma_wait3A_157] : memref<160000x16xf32, #tpu.memory_space<hbm>> -> memref<1000x16xf32, #tpu.memory_space<hbm>>
    tpu.wait_dma2 semaphore(%arg20 : memref<!tpu.dma_semaphore, #tpu.memory_space<semaphore_mem>>) src(%dma_wait3A_158 : memref<1000x16xf32, #tpu.memory_space<hbm>>) dst(%arg11 : memref<1000x16xf32, #tpu.memory_space<vmem>>)
    %dma_wait3A_159 = arith.constant 0 : i32
    %dma_wait3A_160 = tpu.memref_slice %arg3[%multiple_of3A_138, %dma_wait3A_159] : memref<160000x16xf32, #tpu.memory_space<hbm>> -> memref<1000x16xf32, #tpu.memory_space<hbm>>
    %dma_wait3A_161 = arith.constant 0 : i32
    %dma_wait3A_162 = tpu.memref_slice %arg3[%multiple_of3A_138, %dma_wait3A_161] : memref<160000x16xf32, #tpu.memory_space<hbm>> -> memref<1000x16xf32, #tpu.memory_space<hbm>>
    tpu.wait_dma2 semaphore(%arg22 : memref<!tpu.dma_semaphore, #tpu.memory_space<semaphore_mem>>) src(%dma_wait3A_162 : memref<1000x16xf32, #tpu.memory_space<hbm>>) dst(%arg13 : memref<1000x16xf32, #tpu.memory_space<vmem>>)
    "tpu.region"() ({
      %run_scoped3A = tpu.sem_alloc : memref<!tpu.dma_semaphore, #tpu.memory_space<semaphore_mem>>
      %dma_start3A_172 = arith.constant 0 : i32
      %dma_start3A_173 = arith.constant 0 : i32
      %dma_start3A_174 = tpu.memref_slice %arg16[%dma_start3A_172, %dma_start3A_173] : memref<10000x16xf32, #tpu.memory_space<vmem_shared>> -> memref<10000x16xf32, #tpu.memory_space<vmem_shared>>
      tpu.enqueue_indirect_dma source(%arg11 : memref<1000x16xf32, #tpu.memory_space<vmem>>) target(%dma_start3A_174 : memref<10000x16xf32, #tpu.memory_space<vmem_shared>>) offsets(%arg9 : memref<1000xi32, #tpu.memory_space<vmem>>) semaphore(%run_scoped3A : memref<!tpu.dma_semaphore, #tpu.memory_space<semaphore_mem>>) {add = true}
      %dma_wait3A_175 = arith.constant 0 : i32
      %dma_wait3A_176 = arith.constant 0 : i32
      %dma_wait3A_177 = tpu.memref_slice %arg16[%dma_wait3A_175, %dma_wait3A_176] : memref<10000x16xf32, #tpu.memory_space<vmem_shared>> -> memref<10000x16xf32, #tpu.memory_space<vmem_shared>>
      tpu.wait_indirect_dma semaphore(%run_scoped3A : memref<!tpu.dma_semaphore, #tpu.memory_space<semaphore_mem>>) src(%arg11 : memref<1000x16xf32, #tpu.memory_space<vmem>>) dst(%dma_wait3A_177 : memref<10000x16xf32, #tpu.memory_space<vmem_shared>>)
      tpu.yield
    }) : () -> ()
    "tpu.region"() ({
      %run_scoped3A = tpu.sem_alloc : memref<!tpu.dma_semaphore, #tpu.memory_space<semaphore_mem>>
      %dma_start3A_172 = arith.constant 0 : i32
      %dma_start3A_173 = arith.constant 0 : i32
      %dma_start3A_174 = tpu.memref_slice %arg17[%dma_start3A_172, %dma_start3A_173] : memref<10000x16xf32, #tpu.memory_space<vmem_shared>> -> memref<10000x16xf32, #tpu.memory_space<vmem_shared>>
      tpu.enqueue_indirect_dma source(%arg13 : memref<1000x16xf32, #tpu.memory_space<vmem>>) target(%dma_start3A_174 : memref<10000x16xf32, #tpu.memory_space<vmem_shared>>) offsets(%arg9 : memref<1000xi32, #tpu.memory_space<vmem>>) semaphore(%run_scoped3A : memref<!tpu.dma_semaphore, #tpu.memory_space<semaphore_mem>>) {add = true}
      %dma_wait3A_175 = arith.constant 0 : i32
      %dma_wait3A_176 = arith.constant 0 : i32
      %dma_wait3A_177 = tpu.memref_slice %arg17[%dma_wait3A_175, %dma_wait3A_176] : memref<10000x16xf32, #tpu.memory_space<vmem_shared>> -> memref<10000x16xf32, #tpu.memory_space<vmem_shared>>
      tpu.wait_indirect_dma semaphore(%run_scoped3A : memref<!tpu.dma_semaphore, #tpu.memory_space<semaphore_mem>>) src(%arg13 : memref<1000x16xf32, #tpu.memory_space<vmem>>) dst(%dma_wait3A_177 : memref<10000x16xf32, #tpu.memory_space<vmem_shared>>)
      tpu.yield
    }) : () -> ()
    %barrier3A_163 = arith.constant 0 : index
    tpu.barrier barrier_id(%barrier3A_163)
    %mul3A_164 = arith.constant 625 : i32
    %mul3A_165 = arith.muli %arg1, %mul3A_164 : i32
    "tpu.region"() ({
      %run_scoped3A = tpu.sem_alloc : memref<!tpu.dma_semaphore, #tpu.memory_space<semaphore_mem>>
      %dma_start3A_172 = arith.constant 0 : i32
      %dma_start3A_173 = tpu.memref_slice %arg16[%mul3A_165, %dma_start3A_172] : memref<10000x16xf32, #tpu.memory_space<vmem_shared>> -> memref<625x16xf32, #tpu.memory_space<vmem_shared>>
      %dma_start3A_174 = arith.constant 0 : i32
      %dma_start3A_175 = tpu.memref_slice %arg16[%mul3A_165, %dma_start3A_174] : memref<10000x16xf32, #tpu.memory_space<vmem_shared>> -> memref<625x16xf32, #tpu.memory_space<vmem_shared>>
      tpu.enqueue_dma source(%dma_start3A_175 : memref<625x16xf32, #tpu.memory_space<vmem_shared>>) target(%arg15 : memref<625x16xf32, #tpu.memory_space<vmem>>) target_semaphore(%run_scoped3A : memref<!tpu.dma_semaphore, #tpu.memory_space<semaphore_mem>>)
      %dma_wait3A_176 = arith.constant 0 : i32
      %dma_wait3A_177 = tpu.memref_slice %arg16[%mul3A_165, %dma_wait3A_176] : memref<10000x16xf32, #tpu.memory_space<vmem_shared>> -> memref<625x16xf32, #tpu.memory_space<vmem_shared>>
      %dma_wait3A_178 = arith.constant 0 : i32
      %dma_wait3A_179 = tpu.memref_slice %arg16[%mul3A_165, %dma_wait3A_178] : memref<10000x16xf32, #tpu.memory_space<vmem_shared>> -> memref<625x16xf32, #tpu.memory_space<vmem_shared>>
      tpu.wait_dma2 semaphore(%run_scoped3A : memref<!tpu.dma_semaphore, #tpu.memory_space<semaphore_mem>>) src(%dma_wait3A_179 : memref<625x16xf32, #tpu.memory_space<vmem_shared>>) dst(%arg15 : memref<625x16xf32, #tpu.memory_space<vmem>>)
      tpu.yield
    }) : () -> ()
    %mul3A_166 = arith.constant 625 : i32
    %mul3A_167 = arith.muli %arg1, %mul3A_166 : i32
    "tpu.region"() ({
      %run_scoped3A = tpu.sem_alloc : memref<!tpu.dma_semaphore, #tpu.memory_space<semaphore_mem>>
      %dma_start3A_172 = arith.constant 0 : i32
      %dma_start3A_173 = tpu.memref_slice %arg7[%arg0, %mul3A_167, %dma_start3A_172] : memref<2x10000x16xf32, #tpu.memory_space<hbm>> -> memref<1x625x16xf32, #tpu.memory_space<hbm>>
      %dma_start3A_174 = tpu.memref_squeeze %dma_start3A_173 : memref<1x625x16xf32, #tpu.memory_space<hbm>> -> memref<625x16xf32, #tpu.memory_space<hbm>>
      %dma_start3A_175 = arith.constant 0 : i32
      %dma_start3A_176 = tpu.memref_slice %arg7[%arg0, %mul3A_167, %dma_start3A_175] : memref<2x10000x16xf32, #tpu.memory_space<hbm>> -> memref<1x625x16xf32, #tpu.memory_space<hbm>>
      %dma_start3A_177 = tpu.memref_squeeze %dma_start3A_176 : memref<1x625x16xf32, #tpu.memory_space<hbm>> -> memref<625x16xf32, #tpu.memory_space<hbm>>
      tpu.enqueue_dma source(%arg15 : memref<625x16xf32, #tpu.memory_space<vmem>>) target(%dma_start3A_177 : memref<625x16xf32, #tpu.memory_space<hbm>>) target_semaphore(%run_scoped3A : memref<!tpu.dma_semaphore, #tpu.memory_space<semaphore_mem>>)
      %dma_wait3A_178 = arith.constant 0 : i32
      %dma_wait3A_179 = tpu.memref_slice %arg7[%arg0, %mul3A_167, %dma_wait3A_178] : memref<2x10000x16xf32, #tpu.memory_space<hbm>> -> memref<1x625x16xf32, #tpu.memory_space<hbm>>
      %dma_wait3A_180 = tpu.memref_squeeze %dma_wait3A_179 : memref<1x625x16xf32, #tpu.memory_space<hbm>> -> memref<625x16xf32, #tpu.memory_space<hbm>>
      %dma_wait3A_181 = arith.constant 0 : i32
      %dma_wait3A_182 = tpu.memref_slice %arg7[%arg0, %mul3A_167, %dma_wait3A_181] : memref<2x10000x16xf32, #tpu.memory_space<hbm>> -> memref<1x625x16xf32, #tpu.memory_space<hbm>>
      %dma_wait3A_183 = tpu.memref_squeeze %dma_wait3A_182 : memref<1x625x16xf32, #tpu.memory_space<hbm>> -> memref<625x16xf32, #tpu.memory_space<hbm>>
      tpu.wait_dma2 semaphore(%run_scoped3A : memref<!tpu.dma_semaphore, #tpu.memory_space<semaphore_mem>>) src(%arg15 : memref<625x16xf32, #tpu.memory_space<vmem>>) dst(%dma_wait3A_183 : memref<625x16xf32, #tpu.memory_space<hbm>>)
      tpu.yield
    }) : () -> ()
    %mul3A_168 = arith.constant 625 : i32
    %mul3A_169 = arith.muli %arg1, %mul3A_168 : i32
    "tpu.region"() ({
      %run_scoped3A = tpu.sem_alloc : memref<!tpu.dma_semaphore, #tpu.memory_space<semaphore_mem>>
      %dma_start3A_172 = arith.constant 0 : i32
      %dma_start3A_173 = tpu.memref_slice %arg17[%mul3A_169, %dma_start3A_172] : memref<10000x16xf32, #tpu.memory_space<vmem_shared>> -> memref<625x16xf32, #tpu.memory_space<vmem_shared>>
      %dma_start3A_174 = arith.constant 0 : i32
      %dma_start3A_175 = tpu.memref_slice %arg17[%mul3A_169, %dma_start3A_174] : memref<10000x16xf32, #tpu.memory_space<vmem_shared>> -> memref<625x16xf32, #tpu.memory_space<vmem_shared>>
      tpu.enqueue_dma source(%dma_start3A_175 : memref<625x16xf32, #tpu.memory_space<vmem_shared>>) target(%arg15 : memref<625x16xf32, #tpu.memory_space<vmem>>) target_semaphore(%run_scoped3A : memref<!tpu.dma_semaphore, #tpu.memory_space<semaphore_mem>>)
      %dma_wait3A_176 = arith.constant 0 : i32
      %dma_wait3A_177 = tpu.memref_slice %arg17[%mul3A_169, %dma_wait3A_176] : memref<10000x16xf32, #tpu.memory_space<vmem_shared>> -> memref<625x16xf32, #tpu.memory_space<vmem_shared>>
      %dma_wait3A_178 = arith.constant 0 : i32
      %dma_wait3A_179 = tpu.memref_slice %arg17[%mul3A_169, %dma_wait3A_178] : memref<10000x16xf32, #tpu.memory_space<vmem_shared>> -> memref<625x16xf32, #tpu.memory_space<vmem_shared>>
      tpu.wait_dma2 semaphore(%run_scoped3A : memref<!tpu.dma_semaphore, #tpu.memory_space<semaphore_mem>>) src(%dma_wait3A_179 : memref<625x16xf32, #tpu.memory_space<vmem_shared>>) dst(%arg15 : memref<625x16xf32, #tpu.memory_space<vmem>>)
      tpu.yield
    }) : () -> ()
    %mul3A_170 = arith.constant 625 : i32
    %mul3A_171 = arith.muli %arg1, %mul3A_170 : i32
    "tpu.region"() ({
      %run_scoped3A = tpu.sem_alloc : memref<!tpu.dma_semaphore, #tpu.memory_space<semaphore_mem>>
      %dma_start3A_172 = arith.constant 0 : i32
      %dma_start3A_173 = tpu.memref_slice %arg8[%arg0, %mul3A_171, %dma_start3A_172] : memref<2x10000x16xf32, #tpu.memory_space<hbm>> -> memref<1x625x16xf32, #tpu.memory_space<hbm>>
      %dma_start3A_174 = tpu.memref_squeeze %dma_start3A_173 : memref<1x625x16xf32, #tpu.memory_space<hbm>> -> memref<625x16xf32, #tpu.memory_space<hbm>>
      %dma_start3A_175 = arith.constant 0 : i32
      %dma_start3A_176 = tpu.memref_slice %arg8[%arg0, %mul3A_171, %dma_start3A_175] : memref<2x10000x16xf32, #tpu.memory_space<hbm>> -> memref<1x625x16xf32, #tpu.memory_space<hbm>>
      %dma_start3A_177 = tpu.memref_squeeze %dma_start3A_176 : memref<1x625x16xf32, #tpu.memory_space<hbm>> -> memref<625x16xf32, #tpu.memory_space<hbm>>
      tpu.enqueue_dma source(%arg15 : memref<625x16xf32, #tpu.memory_space<vmem>>) target(%dma_start3A_177 : memref<625x16xf32, #tpu.memory_space<hbm>>) target_semaphore(%run_scoped3A : memref<!tpu.dma_semaphore, #tpu.memory_space<semaphore_mem>>)
      %dma_wait3A_178 = arith.constant 0 : i32
      %dma_wait3A_179 = tpu.memref_slice %arg8[%arg0, %mul3A_171, %dma_wait3A_178] : memref<2x10000x16xf32, #tpu.memory_space<hbm>> -> memref<1x625x16xf32, #tpu.memory_space<hbm>>
      %dma_wait3A_180 = tpu.memref_squeeze %dma_wait3A_179 : memref<1x625x16xf32, #tpu.memory_space<hbm>> -> memref<625x16xf32, #tpu.memory_space<hbm>>
      %dma_wait3A_181 = arith.constant 0 : i32
      %dma_wait3A_182 = tpu.memref_slice %arg8[%arg0, %mul3A_171, %dma_wait3A_181] : memref<2x10000x16xf32, #tpu.memory_space<hbm>> -> memref<1x625x16xf32, #tpu.memory_space<hbm>>
      %dma_wait3A_183 = tpu.memref_squeeze %dma_wait3A_182 : memref<1x625x16xf32, #tpu.memory_space<hbm>> -> memref<625x16xf32, #tpu.memory_space<hbm>>
      tpu.wait_dma2 semaphore(%run_scoped3A : memref<!tpu.dma_semaphore, #tpu.memory_space<semaphore_mem>>) src(%arg15 : memref<625x16xf32, #tpu.memory_space<vmem>>) dst(%dma_wait3A_183 : memref<625x16xf32, #tpu.memory_space<hbm>>)
      tpu.yield
    }) : () -> ()
    return
  }
}

#map = affine_map<(d0, d1) -> (0, 0)>
#map1 = affine_map<(d0, d1) -> (0)>
module attributes {stable_mosaic.version = 14 : i64} {
  func.func @_gather_body(%arg0: i32, %arg1: i32, %arg2: memref<10000x16xf32, #tpu.memory_space<hbm>>, %arg3: memref<640000xi32, #tpu.memory_space<hbm>>, %arg4: memref<160000x16xf32, #tpu.memory_space<hbm>>, %arg5: memref<1000xi32, #tpu.memory_space<vmem>>, %arg6: memref<1000xi32, #tpu.memory_space<vmem>>, %arg7: memref<1000x16xf32, #tpu.memory_space<vmem>>, %arg8: memref<1000x16xf32, #tpu.memory_space<vmem>>, %arg9: memref<!tpu.dma_semaphore, #tpu.memory_space<semaphore_mem>>, %arg10: memref<!tpu.dma_semaphore, #tpu.memory_space<semaphore_mem>>, %arg11: memref<!tpu.dma_semaphore, #tpu.memory_space<semaphore_mem>>, %arg12: memref<!tpu.dma_semaphore, #tpu.memory_space<semaphore_mem>>, %arg13: memref<!tpu.dma_semaphore, #tpu.memory_space<semaphore_mem>>, %arg14: memref<!tpu.dma_semaphore, #tpu.memory_space<semaphore_mem>>) attributes {dimension_semantics = [#tpu.dimension_semantics<core_parallel>, #tpu.dimension_semantics<subcore_parallel>], iteration_bounds = array<i64: 2, 16>, scalar_prefetch = 0 : i64, scratch_operands = 10 : i64, tpu.core_type = #tpu.core_type<sc_vector_subcore>, window_params = [{transform_indices = #map}, {transform_indices = #map1}, {transform_indices = #map}]} {
    %mul3A = arith.constant 2 : i32
    %mul3A_0 = arith.muli %arg1, %mul3A : i32
    %add3A = arith.addi %mul3A_0, %arg0 : i32
    %mul3A_1 = arith.constant 5000 : i32
    %mul3A_2 = arith.muli %add3A, %mul3A_1 : i32
    %add3A_3 = arith.constant 0 : i32
    %add3A_4 = arith.addi %mul3A_2, %add3A_3 : i32
    %multiple_of3A = tpu.assume_multiple %add3A_4, 8 : i32
    %add3A_5 = arith.constant 160000 : i32
    %add3A_6 = arith.addi %add3A_5, %multiple_of3A : i32
    %dma_start3A = tpu.memref_slice %arg3[%add3A_6] : memref<640000xi32, #tpu.memory_space<hbm>> -> memref<1000xi32, #tpu.memory_space<hbm>>
    %dma_start3A_7 = tpu.memref_slice %arg3[%add3A_6] : memref<640000xi32, #tpu.memory_space<hbm>> -> memref<1000xi32, #tpu.memory_space<hbm>>
    tpu.enqueue_dma source(%dma_start3A_7 : memref<1000xi32, #tpu.memory_space<hbm>>) target(%arg5 : memref<1000xi32, #tpu.memory_space<vmem>>) target_semaphore(%arg9 : memref<!tpu.dma_semaphore, #tpu.memory_space<semaphore_mem>>)
    %dma_wait3A = tpu.memref_slice %arg3[%add3A_6] : memref<640000xi32, #tpu.memory_space<hbm>> -> memref<1000xi32, #tpu.memory_space<hbm>>
    %dma_wait3A_8 = tpu.memref_slice %arg3[%add3A_6] : memref<640000xi32, #tpu.memory_space<hbm>> -> memref<1000xi32, #tpu.memory_space<hbm>>
    tpu.wait_dma2 semaphore(%arg9 : memref<!tpu.dma_semaphore, #tpu.memory_space<semaphore_mem>>) src(%dma_wait3A_8 : memref<1000xi32, #tpu.memory_space<hbm>>) dst(%arg5 : memref<1000xi32, #tpu.memory_space<vmem>>)
    %dma_start3A_9 = arith.constant 0 : i32
    %dma_start3A_10 = arith.constant 0 : i32
    %dma_start3A_11 = tpu.memref_slice %arg2[%dma_start3A_9, %dma_start3A_10] : memref<10000x16xf32, #tpu.memory_space<hbm>> -> memref<10000x16xf32, #tpu.memory_space<hbm>>
    tpu.enqueue_indirect_dma source(%dma_start3A_11 : memref<10000x16xf32, #tpu.memory_space<hbm>>) target(%arg7 : memref<1000x16xf32, #tpu.memory_space<vmem>>) offsets(%arg5 : memref<1000xi32, #tpu.memory_space<vmem>>) semaphore(%arg11 : memref<!tpu.dma_semaphore, #tpu.memory_space<semaphore_mem>>)
    %add3A_12 = arith.constant 1000 : i32
    %add3A_13 = arith.addi %mul3A_2, %add3A_12 : i32
    %multiple_of3A_14 = tpu.assume_multiple %add3A_13, 8 : i32
    %add3A_15 = arith.constant 160000 : i32
    %add3A_16 = arith.addi %add3A_15, %multiple_of3A_14 : i32
    %dma_start3A_17 = tpu.memref_slice %arg3[%add3A_16] : memref<640000xi32, #tpu.memory_space<hbm>> -> memref<1000xi32, #tpu.memory_space<hbm>>
    %dma_start3A_18 = tpu.memref_slice %arg3[%add3A_16] : memref<640000xi32, #tpu.memory_space<hbm>> -> memref<1000xi32, #tpu.memory_space<hbm>>
    tpu.enqueue_dma source(%dma_start3A_18 : memref<1000xi32, #tpu.memory_space<hbm>>) target(%arg6 : memref<1000xi32, #tpu.memory_space<vmem>>) target_semaphore(%arg10 : memref<!tpu.dma_semaphore, #tpu.memory_space<semaphore_mem>>)
    %dma_wait3A_19 = arith.constant 0 : i32
    %dma_wait3A_20 = arith.constant 0 : i32
    %dma_wait3A_21 = tpu.memref_slice %arg2[%dma_wait3A_19, %dma_wait3A_20] : memref<10000x16xf32, #tpu.memory_space<hbm>> -> memref<10000x16xf32, #tpu.memory_space<hbm>>
    tpu.wait_indirect_dma semaphore(%arg11 : memref<!tpu.dma_semaphore, #tpu.memory_space<semaphore_mem>>) src(%dma_wait3A_21 : memref<10000x16xf32, #tpu.memory_space<hbm>>) dst(%arg7 : memref<1000x16xf32, #tpu.memory_space<vmem>>)
    %add3A_22 = arith.constant 0 : i32
    %add3A_23 = arith.addi %mul3A_2, %add3A_22 : i32
    %multiple_of3A_24 = tpu.assume_multiple %add3A_23, 8 : i32
    %dma_start3A_25 = arith.constant 0 : i32
    %dma_start3A_26 = tpu.memref_slice %arg4[%multiple_of3A_24, %dma_start3A_25] : memref<160000x16xf32, #tpu.memory_space<hbm>> -> memref<1000x16xf32, #tpu.memory_space<hbm>>
    %dma_start3A_27 = arith.constant 0 : i32
    %dma_start3A_28 = tpu.memref_slice %arg4[%multiple_of3A_24, %dma_start3A_27] : memref<160000x16xf32, #tpu.memory_space<hbm>> -> memref<1000x16xf32, #tpu.memory_space<hbm>>
    tpu.enqueue_dma source(%arg7 : memref<1000x16xf32, #tpu.memory_space<vmem>>) target(%dma_start3A_28 : memref<1000x16xf32, #tpu.memory_space<hbm>>) target_semaphore(%arg13 : memref<!tpu.dma_semaphore, #tpu.memory_space<semaphore_mem>>)
    %dma_wait3A_29 = tpu.memref_slice %arg3[%add3A_16] : memref<640000xi32, #tpu.memory_space<hbm>> -> memref<1000xi32, #tpu.memory_space<hbm>>
    %dma_wait3A_30 = tpu.memref_slice %arg3[%add3A_16] : memref<640000xi32, #tpu.memory_space<hbm>> -> memref<1000xi32, #tpu.memory_space<hbm>>
    tpu.wait_dma2 semaphore(%arg10 : memref<!tpu.dma_semaphore, #tpu.memory_space<semaphore_mem>>) src(%dma_wait3A_30 : memref<1000xi32, #tpu.memory_space<hbm>>) dst(%arg6 : memref<1000xi32, #tpu.memory_space<vmem>>)
    %dma_start3A_31 = arith.constant 0 : i32
    %dma_start3A_32 = arith.constant 0 : i32
    %dma_start3A_33 = tpu.memref_slice %arg2[%dma_start3A_31, %dma_start3A_32] : memref<10000x16xf32, #tpu.memory_space<hbm>> -> memref<10000x16xf32, #tpu.memory_space<hbm>>
    tpu.enqueue_indirect_dma source(%dma_start3A_33 : memref<10000x16xf32, #tpu.memory_space<hbm>>) target(%arg8 : memref<1000x16xf32, #tpu.memory_space<vmem>>) offsets(%arg6 : memref<1000xi32, #tpu.memory_space<vmem>>) semaphore(%arg12 : memref<!tpu.dma_semaphore, #tpu.memory_space<semaphore_mem>>)
    %add3A_34 = arith.constant 2000 : i32
    %add3A_35 = arith.addi %mul3A_2, %add3A_34 : i32
    %multiple_of3A_36 = tpu.assume_multiple %add3A_35, 8 : i32
    %add3A_37 = arith.constant 160000 : i32
    %add3A_38 = arith.addi %add3A_37, %multiple_of3A_36 : i32
    %dma_start3A_39 = tpu.memref_slice %arg3[%add3A_38] : memref<640000xi32, #tpu.memory_space<hbm>> -> memref<1000xi32, #tpu.memory_space<hbm>>
    %dma_start3A_40 = tpu.memref_slice %arg3[%add3A_38] : memref<640000xi32, #tpu.memory_space<hbm>> -> memref<1000xi32, #tpu.memory_space<hbm>>
    tpu.enqueue_dma source(%dma_start3A_40 : memref<1000xi32, #tpu.memory_space<hbm>>) target(%arg5 : memref<1000xi32, #tpu.memory_space<vmem>>) target_semaphore(%arg9 : memref<!tpu.dma_semaphore, #tpu.memory_space<semaphore_mem>>)
    %dma_wait3A_41 = arith.constant 0 : i32
    %dma_wait3A_42 = arith.constant 0 : i32
    %dma_wait3A_43 = tpu.memref_slice %arg2[%dma_wait3A_41, %dma_wait3A_42] : memref<10000x16xf32, #tpu.memory_space<hbm>> -> memref<10000x16xf32, #tpu.memory_space<hbm>>
    tpu.wait_indirect_dma semaphore(%arg12 : memref<!tpu.dma_semaphore, #tpu.memory_space<semaphore_mem>>) src(%dma_wait3A_43 : memref<10000x16xf32, #tpu.memory_space<hbm>>) dst(%arg8 : memref<1000x16xf32, #tpu.memory_space<vmem>>)
    %add3A_44 = arith.constant 1000 : i32
    %add3A_45 = arith.addi %mul3A_2, %add3A_44 : i32
    %multiple_of3A_46 = tpu.assume_multiple %add3A_45, 8 : i32
    %dma_start3A_47 = arith.constant 0 : i32
    %dma_start3A_48 = tpu.memref_slice %arg4[%multiple_of3A_46, %dma_start3A_47] : memref<160000x16xf32, #tpu.memory_space<hbm>> -> memref<1000x16xf32, #tpu.memory_space<hbm>>
    %dma_start3A_49 = arith.constant 0 : i32
    %dma_start3A_50 = tpu.memref_slice %arg4[%multiple_of3A_46, %dma_start3A_49] : memref<160000x16xf32, #tpu.memory_space<hbm>> -> memref<1000x16xf32, #tpu.memory_space<hbm>>
    tpu.enqueue_dma source(%arg8 : memref<1000x16xf32, #tpu.memory_space<vmem>>) target(%dma_start3A_50 : memref<1000x16xf32, #tpu.memory_space<hbm>>) target_semaphore(%arg14 : memref<!tpu.dma_semaphore, #tpu.memory_space<semaphore_mem>>)
    %dma_wait3A_51 = tpu.memref_slice %arg3[%add3A_38] : memref<640000xi32, #tpu.memory_space<hbm>> -> memref<1000xi32, #tpu.memory_space<hbm>>
    %dma_wait3A_52 = tpu.memref_slice %arg3[%add3A_38] : memref<640000xi32, #tpu.memory_space<hbm>> -> memref<1000xi32, #tpu.memory_space<hbm>>
    tpu.wait_dma2 semaphore(%arg9 : memref<!tpu.dma_semaphore, #tpu.memory_space<semaphore_mem>>) src(%dma_wait3A_52 : memref<1000xi32, #tpu.memory_space<hbm>>) dst(%arg5 : memref<1000xi32, #tpu.memory_space<vmem>>)
    %dma_wait3A_53 = arith.constant 0 : i32
    %dma_wait3A_54 = tpu.memref_slice %arg4[%multiple_of3A_24, %dma_wait3A_53] : memref<160000x16xf32, #tpu.memory_space<hbm>> -> memref<1000x16xf32, #tpu.memory_space<hbm>>
    %dma_wait3A_55 = arith.constant 0 : i32
    %dma_wait3A_56 = tpu.memref_slice %arg4[%multiple_of3A_24, %dma_wait3A_55] : memref<160000x16xf32, #tpu.memory_space<hbm>> -> memref<1000x16xf32, #tpu.memory_space<hbm>>
    tpu.wait_dma2 semaphore(%arg13 : memref<!tpu.dma_semaphore, #tpu.memory_space<semaphore_mem>>) src(%arg7 : memref<1000x16xf32, #tpu.memory_space<vmem>>) dst(%dma_wait3A_56 : memref<1000x16xf32, #tpu.memory_space<hbm>>)
    %dma_start3A_57 = arith.constant 0 : i32
    %dma_start3A_58 = arith.constant 0 : i32
    %dma_start3A_59 = tpu.memref_slice %arg2[%dma_start3A_57, %dma_start3A_58] : memref<10000x16xf32, #tpu.memory_space<hbm>> -> memref<10000x16xf32, #tpu.memory_space<hbm>>
    tpu.enqueue_indirect_dma source(%dma_start3A_59 : memref<10000x16xf32, #tpu.memory_space<hbm>>) target(%arg7 : memref<1000x16xf32, #tpu.memory_space<vmem>>) offsets(%arg5 : memref<1000xi32, #tpu.memory_space<vmem>>) semaphore(%arg11 : memref<!tpu.dma_semaphore, #tpu.memory_space<semaphore_mem>>)
    %add3A_60 = arith.constant 3000 : i32
    %add3A_61 = arith.addi %mul3A_2, %add3A_60 : i32
    %multiple_of3A_62 = tpu.assume_multiple %add3A_61, 8 : i32
    %add3A_63 = arith.constant 160000 : i32
    %add3A_64 = arith.addi %add3A_63, %multiple_of3A_62 : i32
    %dma_start3A_65 = tpu.memref_slice %arg3[%add3A_64] : memref<640000xi32, #tpu.memory_space<hbm>> -> memref<1000xi32, #tpu.memory_space<hbm>>
    %dma_start3A_66 = tpu.memref_slice %arg3[%add3A_64] : memref<640000xi32, #tpu.memory_space<hbm>> -> memref<1000xi32, #tpu.memory_space<hbm>>
    tpu.enqueue_dma source(%dma_start3A_66 : memref<1000xi32, #tpu.memory_space<hbm>>) target(%arg6 : memref<1000xi32, #tpu.memory_space<vmem>>) target_semaphore(%arg10 : memref<!tpu.dma_semaphore, #tpu.memory_space<semaphore_mem>>)
    %dma_wait3A_67 = arith.constant 0 : i32
    %dma_wait3A_68 = arith.constant 0 : i32
    %dma_wait3A_69 = tpu.memref_slice %arg2[%dma_wait3A_67, %dma_wait3A_68] : memref<10000x16xf32, #tpu.memory_space<hbm>> -> memref<10000x16xf32, #tpu.memory_space<hbm>>
    tpu.wait_indirect_dma semaphore(%arg11 : memref<!tpu.dma_semaphore, #tpu.memory_space<semaphore_mem>>) src(%dma_wait3A_69 : memref<10000x16xf32, #tpu.memory_space<hbm>>) dst(%arg7 : memref<1000x16xf32, #tpu.memory_space<vmem>>)
    %add3A_70 = arith.constant 2000 : i32
    %add3A_71 = arith.addi %mul3A_2, %add3A_70 : i32
    %multiple_of3A_72 = tpu.assume_multiple %add3A_71, 8 : i32
    %dma_start3A_73 = arith.constant 0 : i32
    %dma_start3A_74 = tpu.memref_slice %arg4[%multiple_of3A_72, %dma_start3A_73] : memref<160000x16xf32, #tpu.memory_space<hbm>> -> memref<1000x16xf32, #tpu.memory_space<hbm>>
    %dma_start3A_75 = arith.constant 0 : i32
    %dma_start3A_76 = tpu.memref_slice %arg4[%multiple_of3A_72, %dma_start3A_75] : memref<160000x16xf32, #tpu.memory_space<hbm>> -> memref<1000x16xf32, #tpu.memory_space<hbm>>
    tpu.enqueue_dma source(%arg7 : memref<1000x16xf32, #tpu.memory_space<vmem>>) target(%dma_start3A_76 : memref<1000x16xf32, #tpu.memory_space<hbm>>) target_semaphore(%arg13 : memref<!tpu.dma_semaphore, #tpu.memory_space<semaphore_mem>>)
    %dma_wait3A_77 = tpu.memref_slice %arg3[%add3A_64] : memref<640000xi32, #tpu.memory_space<hbm>> -> memref<1000xi32, #tpu.memory_space<hbm>>
    %dma_wait3A_78 = tpu.memref_slice %arg3[%add3A_64] : memref<640000xi32, #tpu.memory_space<hbm>> -> memref<1000xi32, #tpu.memory_space<hbm>>
    tpu.wait_dma2 semaphore(%arg10 : memref<!tpu.dma_semaphore, #tpu.memory_space<semaphore_mem>>) src(%dma_wait3A_78 : memref<1000xi32, #tpu.memory_space<hbm>>) dst(%arg6 : memref<1000xi32, #tpu.memory_space<vmem>>)
    %dma_wait3A_79 = arith.constant 0 : i32
    %dma_wait3A_80 = tpu.memref_slice %arg4[%multiple_of3A_46, %dma_wait3A_79] : memref<160000x16xf32, #tpu.memory_space<hbm>> -> memref<1000x16xf32, #tpu.memory_space<hbm>>
    %dma_wait3A_81 = arith.constant 0 : i32
    %dma_wait3A_82 = tpu.memref_slice %arg4[%multiple_of3A_46, %dma_wait3A_81] : memref<160000x16xf32, #tpu.memory_space<hbm>> -> memref<1000x16xf32, #tpu.memory_space<hbm>>
    tpu.wait_dma2 semaphore(%arg14 : memref<!tpu.dma_semaphore, #tpu.memory_space<semaphore_mem>>) src(%arg8 : memref<1000x16xf32, #tpu.memory_space<vmem>>) dst(%dma_wait3A_82 : memref<1000x16xf32, #tpu.memory_space<hbm>>)
    %dma_start3A_83 = arith.constant 0 : i32
    %dma_start3A_84 = arith.constant 0 : i32
    %dma_start3A_85 = tpu.memref_slice %arg2[%dma_start3A_83, %dma_start3A_84] : memref<10000x16xf32, #tpu.memory_space<hbm>> -> memref<10000x16xf32, #tpu.memory_space<hbm>>
    tpu.enqueue_indirect_dma source(%dma_start3A_85 : memref<10000x16xf32, #tpu.memory_space<hbm>>) target(%arg8 : memref<1000x16xf32, #tpu.memory_space<vmem>>) offsets(%arg6 : memref<1000xi32, #tpu.memory_space<vmem>>) semaphore(%arg12 : memref<!tpu.dma_semaphore, #tpu.memory_space<semaphore_mem>>)
    %add3A_86 = arith.constant 4000 : i32
    %add3A_87 = arith.addi %mul3A_2, %add3A_86 : i32
    %multiple_of3A_88 = tpu.assume_multiple %add3A_87, 8 : i32
    %add3A_89 = arith.constant 160000 : i32
    %add3A_90 = arith.addi %add3A_89, %multiple_of3A_88 : i32
    %dma_start3A_91 = tpu.memref_slice %arg3[%add3A_90] : memref<640000xi32, #tpu.memory_space<hbm>> -> memref<1000xi32, #tpu.memory_space<hbm>>
    %dma_start3A_92 = tpu.memref_slice %arg3[%add3A_90] : memref<640000xi32, #tpu.memory_space<hbm>> -> memref<1000xi32, #tpu.memory_space<hbm>>
    tpu.enqueue_dma source(%dma_start3A_92 : memref<1000xi32, #tpu.memory_space<hbm>>) target(%arg5 : memref<1000xi32, #tpu.memory_space<vmem>>) target_semaphore(%arg9 : memref<!tpu.dma_semaphore, #tpu.memory_space<semaphore_mem>>)
    %dma_wait3A_93 = arith.constant 0 : i32
    %dma_wait3A_94 = arith.constant 0 : i32
    %dma_wait3A_95 = tpu.memref_slice %arg2[%dma_wait3A_93, %dma_wait3A_94] : memref<10000x16xf32, #tpu.memory_space<hbm>> -> memref<10000x16xf32, #tpu.memory_space<hbm>>
    tpu.wait_indirect_dma semaphore(%arg12 : memref<!tpu.dma_semaphore, #tpu.memory_space<semaphore_mem>>) src(%dma_wait3A_95 : memref<10000x16xf32, #tpu.memory_space<hbm>>) dst(%arg8 : memref<1000x16xf32, #tpu.memory_space<vmem>>)
    %add3A_96 = arith.constant 3000 : i32
    %add3A_97 = arith.addi %mul3A_2, %add3A_96 : i32
    %multiple_of3A_98 = tpu.assume_multiple %add3A_97, 8 : i32
    %dma_start3A_99 = arith.constant 0 : i32
    %dma_start3A_100 = tpu.memref_slice %arg4[%multiple_of3A_98, %dma_start3A_99] : memref<160000x16xf32, #tpu.memory_space<hbm>> -> memref<1000x16xf32, #tpu.memory_space<hbm>>
    %dma_start3A_101 = arith.constant 0 : i32
    %dma_start3A_102 = tpu.memref_slice %arg4[%multiple_of3A_98, %dma_start3A_101] : memref<160000x16xf32, #tpu.memory_space<hbm>> -> memref<1000x16xf32, #tpu.memory_space<hbm>>
    tpu.enqueue_dma source(%arg8 : memref<1000x16xf32, #tpu.memory_space<vmem>>) target(%dma_start3A_102 : memref<1000x16xf32, #tpu.memory_space<hbm>>) target_semaphore(%arg14 : memref<!tpu.dma_semaphore, #tpu.memory_space<semaphore_mem>>)
    %dma_wait3A_103 = tpu.memref_slice %arg3[%add3A_90] : memref<640000xi32, #tpu.memory_space<hbm>> -> memref<1000xi32, #tpu.memory_space<hbm>>
    %dma_wait3A_104 = tpu.memref_slice %arg3[%add3A_90] : memref<640000xi32, #tpu.memory_space<hbm>> -> memref<1000xi32, #tpu.memory_space<hbm>>
    tpu.wait_dma2 semaphore(%arg9 : memref<!tpu.dma_semaphore, #tpu.memory_space<semaphore_mem>>) src(%dma_wait3A_104 : memref<1000xi32, #tpu.memory_space<hbm>>) dst(%arg5 : memref<1000xi32, #tpu.memory_space<vmem>>)
    %dma_wait3A_105 = arith.constant 0 : i32
    %dma_wait3A_106 = tpu.memref_slice %arg4[%multiple_of3A_72, %dma_wait3A_105] : memref<160000x16xf32, #tpu.memory_space<hbm>> -> memref<1000x16xf32, #tpu.memory_space<hbm>>
    %dma_wait3A_107 = arith.constant 0 : i32
    %dma_wait3A_108 = tpu.memref_slice %arg4[%multiple_of3A_72, %dma_wait3A_107] : memref<160000x16xf32, #tpu.memory_space<hbm>> -> memref<1000x16xf32, #tpu.memory_space<hbm>>
    tpu.wait_dma2 semaphore(%arg13 : memref<!tpu.dma_semaphore, #tpu.memory_space<semaphore_mem>>) src(%arg7 : memref<1000x16xf32, #tpu.memory_space<vmem>>) dst(%dma_wait3A_108 : memref<1000x16xf32, #tpu.memory_space<hbm>>)
    %dma_start3A_109 = arith.constant 0 : i32
    %dma_start3A_110 = arith.constant 0 : i32
    %dma_start3A_111 = tpu.memref_slice %arg2[%dma_start3A_109, %dma_start3A_110] : memref<10000x16xf32, #tpu.memory_space<hbm>> -> memref<10000x16xf32, #tpu.memory_space<hbm>>
    tpu.enqueue_indirect_dma source(%dma_start3A_111 : memref<10000x16xf32, #tpu.memory_space<hbm>>) target(%arg7 : memref<1000x16xf32, #tpu.memory_space<vmem>>) offsets(%arg5 : memref<1000xi32, #tpu.memory_space<vmem>>) semaphore(%arg11 : memref<!tpu.dma_semaphore, #tpu.memory_space<semaphore_mem>>)
    %dma_wait3A_112 = arith.constant 0 : i32
    %dma_wait3A_113 = arith.constant 0 : i32
    %dma_wait3A_114 = tpu.memref_slice %arg2[%dma_wait3A_112, %dma_wait3A_113] : memref<10000x16xf32, #tpu.memory_space<hbm>> -> memref<10000x16xf32, #tpu.memory_space<hbm>>
    tpu.wait_indirect_dma semaphore(%arg11 : memref<!tpu.dma_semaphore, #tpu.memory_space<semaphore_mem>>) src(%dma_wait3A_114 : memref<10000x16xf32, #tpu.memory_space<hbm>>) dst(%arg7 : memref<1000x16xf32, #tpu.memory_space<vmem>>)
    %add3A_115 = arith.constant 4000 : i32
    %add3A_116 = arith.addi %mul3A_2, %add3A_115 : i32
    %multiple_of3A_117 = tpu.assume_multiple %add3A_116, 8 : i32
    %dma_start3A_118 = arith.constant 0 : i32
    %dma_start3A_119 = tpu.memref_slice %arg4[%multiple_of3A_117, %dma_start3A_118] : memref<160000x16xf32, #tpu.memory_space<hbm>> -> memref<1000x16xf32, #tpu.memory_space<hbm>>
    %dma_start3A_120 = arith.constant 0 : i32
    %dma_start3A_121 = tpu.memref_slice %arg4[%multiple_of3A_117, %dma_start3A_120] : memref<160000x16xf32, #tpu.memory_space<hbm>> -> memref<1000x16xf32, #tpu.memory_space<hbm>>
    tpu.enqueue_dma source(%arg7 : memref<1000x16xf32, #tpu.memory_space<vmem>>) target(%dma_start3A_121 : memref<1000x16xf32, #tpu.memory_space<hbm>>) target_semaphore(%arg13 : memref<!tpu.dma_semaphore, #tpu.memory_space<semaphore_mem>>)
    %dma_wait3A_122 = arith.constant 0 : i32
    %dma_wait3A_123 = tpu.memref_slice %arg4[%multiple_of3A_98, %dma_wait3A_122] : memref<160000x16xf32, #tpu.memory_space<hbm>> -> memref<1000x16xf32, #tpu.memory_space<hbm>>
    %dma_wait3A_124 = arith.constant 0 : i32
    %dma_wait3A_125 = tpu.memref_slice %arg4[%multiple_of3A_98, %dma_wait3A_124] : memref<160000x16xf32, #tpu.memory_space<hbm>> -> memref<1000x16xf32, #tpu.memory_space<hbm>>
    tpu.wait_dma2 semaphore(%arg14 : memref<!tpu.dma_semaphore, #tpu.memory_space<semaphore_mem>>) src(%arg8 : memref<1000x16xf32, #tpu.memory_space<vmem>>) dst(%dma_wait3A_125 : memref<1000x16xf32, #tpu.memory_space<hbm>>)
    %dma_wait3A_126 = arith.constant 0 : i32
    %dma_wait3A_127 = tpu.memref_slice %arg4[%multiple_of3A_117, %dma_wait3A_126] : memref<160000x16xf32, #tpu.memory_space<hbm>> -> memref<1000x16xf32, #tpu.memory_space<hbm>>
    %dma_wait3A_128 = arith.constant 0 : i32
    %dma_wait3A_129 = tpu.memref_slice %arg4[%multiple_of3A_117, %dma_wait3A_128] : memref<160000x16xf32, #tpu.memory_space<hbm>> -> memref<1000x16xf32, #tpu.memory_space<hbm>>
    tpu.wait_dma2 semaphore(%arg13 : memref<!tpu.dma_semaphore, #tpu.memory_space<semaphore_mem>>) src(%arg7 : memref<1000x16xf32, #tpu.memory_space<vmem>>) dst(%dma_wait3A_129 : memref<1000x16xf32, #tpu.memory_space<hbm>>)
    return
  }
}

#map = affine_map<(d0, d1) -> (0, 0)>
#map1 = affine_map<(d0, d1) -> (0)>
module attributes {stable_mosaic.version = 14 : i64} {
  func.func @_gather_body(%arg0: i32, %arg1: i32, %arg2: memref<10000x16xf32, #tpu.memory_space<hbm>>, %arg3: memref<640000xi32, #tpu.memory_space<hbm>>, %arg4: memref<160000x16xf32, #tpu.memory_space<hbm>>, %arg5: memref<1000xi32, #tpu.memory_space<vmem>>, %arg6: memref<1000xi32, #tpu.memory_space<vmem>>, %arg7: memref<1000x16xf32, #tpu.memory_space<vmem>>, %arg8: memref<1000x16xf32, #tpu.memory_space<vmem>>, %arg9: memref<!tpu.dma_semaphore, #tpu.memory_space<semaphore_mem>>, %arg10: memref<!tpu.dma_semaphore, #tpu.memory_space<semaphore_mem>>, %arg11: memref<!tpu.dma_semaphore, #tpu.memory_space<semaphore_mem>>, %arg12: memref<!tpu.dma_semaphore, #tpu.memory_space<semaphore_mem>>, %arg13: memref<!tpu.dma_semaphore, #tpu.memory_space<semaphore_mem>>, %arg14: memref<!tpu.dma_semaphore, #tpu.memory_space<semaphore_mem>>) attributes {dimension_semantics = [#tpu.dimension_semantics<core_parallel>, #tpu.dimension_semantics<subcore_parallel>], iteration_bounds = array<i64: 2, 16>, scalar_prefetch = 0 : i64, scratch_operands = 10 : i64, tpu.core_type = #tpu.core_type<sc_vector_subcore>, window_params = [{transform_indices = #map}, {transform_indices = #map1}, {transform_indices = #map}]} {
    %mul3A = arith.constant 2 : i32
    %mul3A_0 = arith.muli %arg1, %mul3A : i32
    %add3A = arith.addi %mul3A_0, %arg0 : i32
    %mul3A_1 = arith.constant 5000 : i32
    %mul3A_2 = arith.muli %add3A, %mul3A_1 : i32
    %add3A_3 = arith.constant 0 : i32
    %add3A_4 = arith.addi %mul3A_2, %add3A_3 : i32
    %multiple_of3A = tpu.assume_multiple %add3A_4, 8 : i32
    %add3A_5 = arith.constant 0 : i32
    %add3A_6 = arith.addi %add3A_5, %multiple_of3A : i32
    %dma_start3A = tpu.memref_slice %arg3[%add3A_6] : memref<640000xi32, #tpu.memory_space<hbm>> -> memref<1000xi32, #tpu.memory_space<hbm>>
    %dma_start3A_7 = tpu.memref_slice %arg3[%add3A_6] : memref<640000xi32, #tpu.memory_space<hbm>> -> memref<1000xi32, #tpu.memory_space<hbm>>
    tpu.enqueue_dma source(%dma_start3A_7 : memref<1000xi32, #tpu.memory_space<hbm>>) target(%arg5 : memref<1000xi32, #tpu.memory_space<vmem>>) target_semaphore(%arg9 : memref<!tpu.dma_semaphore, #tpu.memory_space<semaphore_mem>>)
    %dma_wait3A = tpu.memref_slice %arg3[%add3A_6] : memref<640000xi32, #tpu.memory_space<hbm>> -> memref<1000xi32, #tpu.memory_space<hbm>>
    %dma_wait3A_8 = tpu.memref_slice %arg3[%add3A_6] : memref<640000xi32, #tpu.memory_space<hbm>> -> memref<1000xi32, #tpu.memory_space<hbm>>
    tpu.wait_dma2 semaphore(%arg9 : memref<!tpu.dma_semaphore, #tpu.memory_space<semaphore_mem>>) src(%dma_wait3A_8 : memref<1000xi32, #tpu.memory_space<hbm>>) dst(%arg5 : memref<1000xi32, #tpu.memory_space<vmem>>)
    %dma_start3A_9 = arith.constant 0 : i32
    %dma_start3A_10 = arith.constant 0 : i32
    %dma_start3A_11 = tpu.memref_slice %arg2[%dma_start3A_9, %dma_start3A_10] : memref<10000x16xf32, #tpu.memory_space<hbm>> -> memref<10000x16xf32, #tpu.memory_space<hbm>>
    tpu.enqueue_indirect_dma source(%dma_start3A_11 : memref<10000x16xf32, #tpu.memory_space<hbm>>) target(%arg7 : memref<1000x16xf32, #tpu.memory_space<vmem>>) offsets(%arg5 : memref<1000xi32, #tpu.memory_space<vmem>>) semaphore(%arg11 : memref<!tpu.dma_semaphore, #tpu.memory_space<semaphore_mem>>)
    %add3A_12 = arith.constant 1000 : i32
    %add3A_13 = arith.addi %mul3A_2, %add3A_12 : i32
    %multiple_of3A_14 = tpu.assume_multiple %add3A_13, 8 : i32
    %add3A_15 = arith.constant 0 : i32
    %add3A_16 = arith.addi %add3A_15, %multiple_of3A_14 : i32
    %dma_start3A_17 = tpu.memref_slice %arg3[%add3A_16] : memref<640000xi32, #tpu.memory_space<hbm>> -> memref<1000xi32, #tpu.memory_space<hbm>>
    %dma_start3A_18 = tpu.memref_slice %arg3[%add3A_16] : memref<640000xi32, #tpu.memory_space<hbm>> -> memref<1000xi32, #tpu.memory_space<hbm>>
    tpu.enqueue_dma source(%dma_start3A_18 : memref<1000xi32, #tpu.memory_space<hbm>>) target(%arg6 : memref<1000xi32, #tpu.memory_space<vmem>>) target_semaphore(%arg10 : memref<!tpu.dma_semaphore, #tpu.memory_space<semaphore_mem>>)
    %dma_wait3A_19 = arith.constant 0 : i32
    %dma_wait3A_20 = arith.constant 0 : i32
    %dma_wait3A_21 = tpu.memref_slice %arg2[%dma_wait3A_19, %dma_wait3A_20] : memref<10000x16xf32, #tpu.memory_space<hbm>> -> memref<10000x16xf32, #tpu.memory_space<hbm>>
    tpu.wait_indirect_dma semaphore(%arg11 : memref<!tpu.dma_semaphore, #tpu.memory_space<semaphore_mem>>) src(%dma_wait3A_21 : memref<10000x16xf32, #tpu.memory_space<hbm>>) dst(%arg7 : memref<1000x16xf32, #tpu.memory_space<vmem>>)
    %add3A_22 = arith.constant 0 : i32
    %add3A_23 = arith.addi %mul3A_2, %add3A_22 : i32
    %multiple_of3A_24 = tpu.assume_multiple %add3A_23, 8 : i32
    %dma_start3A_25 = arith.constant 0 : i32
    %dma_start3A_26 = tpu.memref_slice %arg4[%multiple_of3A_24, %dma_start3A_25] : memref<160000x16xf32, #tpu.memory_space<hbm>> -> memref<1000x16xf32, #tpu.memory_space<hbm>>
    %dma_start3A_27 = arith.constant 0 : i32
    %dma_start3A_28 = tpu.memref_slice %arg4[%multiple_of3A_24, %dma_start3A_27] : memref<160000x16xf32, #tpu.memory_space<hbm>> -> memref<1000x16xf32, #tpu.memory_space<hbm>>
    tpu.enqueue_dma source(%arg7 : memref<1000x16xf32, #tpu.memory_space<vmem>>) target(%dma_start3A_28 : memref<1000x16xf32, #tpu.memory_space<hbm>>) target_semaphore(%arg13 : memref<!tpu.dma_semaphore, #tpu.memory_space<semaphore_mem>>)
    %dma_wait3A_29 = tpu.memref_slice %arg3[%add3A_16] : memref<640000xi32, #tpu.memory_space<hbm>> -> memref<1000xi32, #tpu.memory_space<hbm>>
    %dma_wait3A_30 = tpu.memref_slice %arg3[%add3A_16] : memref<640000xi32, #tpu.memory_space<hbm>> -> memref<1000xi32, #tpu.memory_space<hbm>>
    tpu.wait_dma2 semaphore(%arg10 : memref<!tpu.dma_semaphore, #tpu.memory_space<semaphore_mem>>) src(%dma_wait3A_30 : memref<1000xi32, #tpu.memory_space<hbm>>) dst(%arg6 : memref<1000xi32, #tpu.memory_space<vmem>>)
    %dma_start3A_31 = arith.constant 0 : i32
    %dma_start3A_32 = arith.constant 0 : i32
    %dma_start3A_33 = tpu.memref_slice %arg2[%dma_start3A_31, %dma_start3A_32] : memref<10000x16xf32, #tpu.memory_space<hbm>> -> memref<10000x16xf32, #tpu.memory_space<hbm>>
    tpu.enqueue_indirect_dma source(%dma_start3A_33 : memref<10000x16xf32, #tpu.memory_space<hbm>>) target(%arg8 : memref<1000x16xf32, #tpu.memory_space<vmem>>) offsets(%arg6 : memref<1000xi32, #tpu.memory_space<vmem>>) semaphore(%arg12 : memref<!tpu.dma_semaphore, #tpu.memory_space<semaphore_mem>>)
    %add3A_34 = arith.constant 2000 : i32
    %add3A_35 = arith.addi %mul3A_2, %add3A_34 : i32
    %multiple_of3A_36 = tpu.assume_multiple %add3A_35, 8 : i32
    %add3A_37 = arith.constant 0 : i32
    %add3A_38 = arith.addi %add3A_37, %multiple_of3A_36 : i32
    %dma_start3A_39 = tpu.memref_slice %arg3[%add3A_38] : memref<640000xi32, #tpu.memory_space<hbm>> -> memref<1000xi32, #tpu.memory_space<hbm>>
    %dma_start3A_40 = tpu.memref_slice %arg3[%add3A_38] : memref<640000xi32, #tpu.memory_space<hbm>> -> memref<1000xi32, #tpu.memory_space<hbm>>
    tpu.enqueue_dma source(%dma_start3A_40 : memref<1000xi32, #tpu.memory_space<hbm>>) target(%arg5 : memref<1000xi32, #tpu.memory_space<vmem>>) target_semaphore(%arg9 : memref<!tpu.dma_semaphore, #tpu.memory_space<semaphore_mem>>)
    %dma_wait3A_41 = arith.constant 0 : i32
    %dma_wait3A_42 = arith.constant 0 : i32
    %dma_wait3A_43 = tpu.memref_slice %arg2[%dma_wait3A_41, %dma_wait3A_42] : memref<10000x16xf32, #tpu.memory_space<hbm>> -> memref<10000x16xf32, #tpu.memory_space<hbm>>
    tpu.wait_indirect_dma semaphore(%arg12 : memref<!tpu.dma_semaphore, #tpu.memory_space<semaphore_mem>>) src(%dma_wait3A_43 : memref<10000x16xf32, #tpu.memory_space<hbm>>) dst(%arg8 : memref<1000x16xf32, #tpu.memory_space<vmem>>)
    %add3A_44 = arith.constant 1000 : i32
    %add3A_45 = arith.addi %mul3A_2, %add3A_44 : i32
    %multiple_of3A_46 = tpu.assume_multiple %add3A_45, 8 : i32
    %dma_start3A_47 = arith.constant 0 : i32
    %dma_start3A_48 = tpu.memref_slice %arg4[%multiple_of3A_46, %dma_start3A_47] : memref<160000x16xf32, #tpu.memory_space<hbm>> -> memref<1000x16xf32, #tpu.memory_space<hbm>>
    %dma_start3A_49 = arith.constant 0 : i32
    %dma_start3A_50 = tpu.memref_slice %arg4[%multiple_of3A_46, %dma_start3A_49] : memref<160000x16xf32, #tpu.memory_space<hbm>> -> memref<1000x16xf32, #tpu.memory_space<hbm>>
    tpu.enqueue_dma source(%arg8 : memref<1000x16xf32, #tpu.memory_space<vmem>>) target(%dma_start3A_50 : memref<1000x16xf32, #tpu.memory_space<hbm>>) target_semaphore(%arg14 : memref<!tpu.dma_semaphore, #tpu.memory_space<semaphore_mem>>)
    %dma_wait3A_51 = tpu.memref_slice %arg3[%add3A_38] : memref<640000xi32, #tpu.memory_space<hbm>> -> memref<1000xi32, #tpu.memory_space<hbm>>
    %dma_wait3A_52 = tpu.memref_slice %arg3[%add3A_38] : memref<640000xi32, #tpu.memory_space<hbm>> -> memref<1000xi32, #tpu.memory_space<hbm>>
    tpu.wait_dma2 semaphore(%arg9 : memref<!tpu.dma_semaphore, #tpu.memory_space<semaphore_mem>>) src(%dma_wait3A_52 : memref<1000xi32, #tpu.memory_space<hbm>>) dst(%arg5 : memref<1000xi32, #tpu.memory_space<vmem>>)
    %dma_wait3A_53 = arith.constant 0 : i32
    %dma_wait3A_54 = tpu.memref_slice %arg4[%multiple_of3A_24, %dma_wait3A_53] : memref<160000x16xf32, #tpu.memory_space<hbm>> -> memref<1000x16xf32, #tpu.memory_space<hbm>>
    %dma_wait3A_55 = arith.constant 0 : i32
    %dma_wait3A_56 = tpu.memref_slice %arg4[%multiple_of3A_24, %dma_wait3A_55] : memref<160000x16xf32, #tpu.memory_space<hbm>> -> memref<1000x16xf32, #tpu.memory_space<hbm>>
    tpu.wait_dma2 semaphore(%arg13 : memref<!tpu.dma_semaphore, #tpu.memory_space<semaphore_mem>>) src(%arg7 : memref<1000x16xf32, #tpu.memory_space<vmem>>) dst(%dma_wait3A_56 : memref<1000x16xf32, #tpu.memory_space<hbm>>)
    %dma_start3A_57 = arith.constant 0 : i32
    %dma_start3A_58 = arith.constant 0 : i32
    %dma_start3A_59 = tpu.memref_slice %arg2[%dma_start3A_57, %dma_start3A_58] : memref<10000x16xf32, #tpu.memory_space<hbm>> -> memref<10000x16xf32, #tpu.memory_space<hbm>>
    tpu.enqueue_indirect_dma source(%dma_start3A_59 : memref<10000x16xf32, #tpu.memory_space<hbm>>) target(%arg7 : memref<1000x16xf32, #tpu.memory_space<vmem>>) offsets(%arg5 : memref<1000xi32, #tpu.memory_space<vmem>>) semaphore(%arg11 : memref<!tpu.dma_semaphore, #tpu.memory_space<semaphore_mem>>)
    %add3A_60 = arith.constant 3000 : i32
    %add3A_61 = arith.addi %mul3A_2, %add3A_60 : i32
    %multiple_of3A_62 = tpu.assume_multiple %add3A_61, 8 : i32
    %add3A_63 = arith.constant 0 : i32
    %add3A_64 = arith.addi %add3A_63, %multiple_of3A_62 : i32
    %dma_start3A_65 = tpu.memref_slice %arg3[%add3A_64] : memref<640000xi32, #tpu.memory_space<hbm>> -> memref<1000xi32, #tpu.memory_space<hbm>>
    %dma_start3A_66 = tpu.memref_slice %arg3[%add3A_64] : memref<640000xi32, #tpu.memory_space<hbm>> -> memref<1000xi32, #tpu.memory_space<hbm>>
    tpu.enqueue_dma source(%dma_start3A_66 : memref<1000xi32, #tpu.memory_space<hbm>>) target(%arg6 : memref<1000xi32, #tpu.memory_space<vmem>>) target_semaphore(%arg10 : memref<!tpu.dma_semaphore, #tpu.memory_space<semaphore_mem>>)
    %dma_wait3A_67 = arith.constant 0 : i32
    %dma_wait3A_68 = arith.constant 0 : i32
    %dma_wait3A_69 = tpu.memref_slice %arg2[%dma_wait3A_67, %dma_wait3A_68] : memref<10000x16xf32, #tpu.memory_space<hbm>> -> memref<10000x16xf32, #tpu.memory_space<hbm>>
    tpu.wait_indirect_dma semaphore(%arg11 : memref<!tpu.dma_semaphore, #tpu.memory_space<semaphore_mem>>) src(%dma_wait3A_69 : memref<10000x16xf32, #tpu.memory_space<hbm>>) dst(%arg7 : memref<1000x16xf32, #tpu.memory_space<vmem>>)
    %add3A_70 = arith.constant 2000 : i32
    %add3A_71 = arith.addi %mul3A_2, %add3A_70 : i32
    %multiple_of3A_72 = tpu.assume_multiple %add3A_71, 8 : i32
    %dma_start3A_73 = arith.constant 0 : i32
    %dma_start3A_74 = tpu.memref_slice %arg4[%multiple_of3A_72, %dma_start3A_73] : memref<160000x16xf32, #tpu.memory_space<hbm>> -> memref<1000x16xf32, #tpu.memory_space<hbm>>
    %dma_start3A_75 = arith.constant 0 : i32
    %dma_start3A_76 = tpu.memref_slice %arg4[%multiple_of3A_72, %dma_start3A_75] : memref<160000x16xf32, #tpu.memory_space<hbm>> -> memref<1000x16xf32, #tpu.memory_space<hbm>>
    tpu.enqueue_dma source(%arg7 : memref<1000x16xf32, #tpu.memory_space<vmem>>) target(%dma_start3A_76 : memref<1000x16xf32, #tpu.memory_space<hbm>>) target_semaphore(%arg13 : memref<!tpu.dma_semaphore, #tpu.memory_space<semaphore_mem>>)
    %dma_wait3A_77 = tpu.memref_slice %arg3[%add3A_64] : memref<640000xi32, #tpu.memory_space<hbm>> -> memref<1000xi32, #tpu.memory_space<hbm>>
    %dma_wait3A_78 = tpu.memref_slice %arg3[%add3A_64] : memref<640000xi32, #tpu.memory_space<hbm>> -> memref<1000xi32, #tpu.memory_space<hbm>>
    tpu.wait_dma2 semaphore(%arg10 : memref<!tpu.dma_semaphore, #tpu.memory_space<semaphore_mem>>) src(%dma_wait3A_78 : memref<1000xi32, #tpu.memory_space<hbm>>) dst(%arg6 : memref<1000xi32, #tpu.memory_space<vmem>>)
    %dma_wait3A_79 = arith.constant 0 : i32
    %dma_wait3A_80 = tpu.memref_slice %arg4[%multiple_of3A_46, %dma_wait3A_79] : memref<160000x16xf32, #tpu.memory_space<hbm>> -> memref<1000x16xf32, #tpu.memory_space<hbm>>
    %dma_wait3A_81 = arith.constant 0 : i32
    %dma_wait3A_82 = tpu.memref_slice %arg4[%multiple_of3A_46, %dma_wait3A_81] : memref<160000x16xf32, #tpu.memory_space<hbm>> -> memref<1000x16xf32, #tpu.memory_space<hbm>>
    tpu.wait_dma2 semaphore(%arg14 : memref<!tpu.dma_semaphore, #tpu.memory_space<semaphore_mem>>) src(%arg8 : memref<1000x16xf32, #tpu.memory_space<vmem>>) dst(%dma_wait3A_82 : memref<1000x16xf32, #tpu.memory_space<hbm>>)
    %dma_start3A_83 = arith.constant 0 : i32
    %dma_start3A_84 = arith.constant 0 : i32
    %dma_start3A_85 = tpu.memref_slice %arg2[%dma_start3A_83, %dma_start3A_84] : memref<10000x16xf32, #tpu.memory_space<hbm>> -> memref<10000x16xf32, #tpu.memory_space<hbm>>
    tpu.enqueue_indirect_dma source(%dma_start3A_85 : memref<10000x16xf32, #tpu.memory_space<hbm>>) target(%arg8 : memref<1000x16xf32, #tpu.memory_space<vmem>>) offsets(%arg6 : memref<1000xi32, #tpu.memory_space<vmem>>) semaphore(%arg12 : memref<!tpu.dma_semaphore, #tpu.memory_space<semaphore_mem>>)
    %add3A_86 = arith.constant 4000 : i32
    %add3A_87 = arith.addi %mul3A_2, %add3A_86 : i32
    %multiple_of3A_88 = tpu.assume_multiple %add3A_87, 8 : i32
    %add3A_89 = arith.constant 0 : i32
    %add3A_90 = arith.addi %add3A_89, %multiple_of3A_88 : i32
    %dma_start3A_91 = tpu.memref_slice %arg3[%add3A_90] : memref<640000xi32, #tpu.memory_space<hbm>> -> memref<1000xi32, #tpu.memory_space<hbm>>
    %dma_start3A_92 = tpu.memref_slice %arg3[%add3A_90] : memref<640000xi32, #tpu.memory_space<hbm>> -> memref<1000xi32, #tpu.memory_space<hbm>>
    tpu.enqueue_dma source(%dma_start3A_92 : memref<1000xi32, #tpu.memory_space<hbm>>) target(%arg5 : memref<1000xi32, #tpu.memory_space<vmem>>) target_semaphore(%arg9 : memref<!tpu.dma_semaphore, #tpu.memory_space<semaphore_mem>>)
    %dma_wait3A_93 = arith.constant 0 : i32
    %dma_wait3A_94 = arith.constant 0 : i32
    %dma_wait3A_95 = tpu.memref_slice %arg2[%dma_wait3A_93, %dma_wait3A_94] : memref<10000x16xf32, #tpu.memory_space<hbm>> -> memref<10000x16xf32, #tpu.memory_space<hbm>>
    tpu.wait_indirect_dma semaphore(%arg12 : memref<!tpu.dma_semaphore, #tpu.memory_space<semaphore_mem>>) src(%dma_wait3A_95 : memref<10000x16xf32, #tpu.memory_space<hbm>>) dst(%arg8 : memref<1000x16xf32, #tpu.memory_space<vmem>>)
    %add3A_96 = arith.constant 3000 : i32
    %add3A_97 = arith.addi %mul3A_2, %add3A_96 : i32
    %multiple_of3A_98 = tpu.assume_multiple %add3A_97, 8 : i32
    %dma_start3A_99 = arith.constant 0 : i32
    %dma_start3A_100 = tpu.memref_slice %arg4[%multiple_of3A_98, %dma_start3A_99] : memref<160000x16xf32, #tpu.memory_space<hbm>> -> memref<1000x16xf32, #tpu.memory_space<hbm>>
    %dma_start3A_101 = arith.constant 0 : i32
    %dma_start3A_102 = tpu.memref_slice %arg4[%multiple_of3A_98, %dma_start3A_101] : memref<160000x16xf32, #tpu.memory_space<hbm>> -> memref<1000x16xf32, #tpu.memory_space<hbm>>
    tpu.enqueue_dma source(%arg8 : memref<1000x16xf32, #tpu.memory_space<vmem>>) target(%dma_start3A_102 : memref<1000x16xf32, #tpu.memory_space<hbm>>) target_semaphore(%arg14 : memref<!tpu.dma_semaphore, #tpu.memory_space<semaphore_mem>>)
    %dma_wait3A_103 = tpu.memref_slice %arg3[%add3A_90] : memref<640000xi32, #tpu.memory_space<hbm>> -> memref<1000xi32, #tpu.memory_space<hbm>>
    %dma_wait3A_104 = tpu.memref_slice %arg3[%add3A_90] : memref<640000xi32, #tpu.memory_space<hbm>> -> memref<1000xi32, #tpu.memory_space<hbm>>
    tpu.wait_dma2 semaphore(%arg9 : memref<!tpu.dma_semaphore, #tpu.memory_space<semaphore_mem>>) src(%dma_wait3A_104 : memref<1000xi32, #tpu.memory_space<hbm>>) dst(%arg5 : memref<1000xi32, #tpu.memory_space<vmem>>)
    %dma_wait3A_105 = arith.constant 0 : i32
    %dma_wait3A_106 = tpu.memref_slice %arg4[%multiple_of3A_72, %dma_wait3A_105] : memref<160000x16xf32, #tpu.memory_space<hbm>> -> memref<1000x16xf32, #tpu.memory_space<hbm>>
    %dma_wait3A_107 = arith.constant 0 : i32
    %dma_wait3A_108 = tpu.memref_slice %arg4[%multiple_of3A_72, %dma_wait3A_107] : memref<160000x16xf32, #tpu.memory_space<hbm>> -> memref<1000x16xf32, #tpu.memory_space<hbm>>
    tpu.wait_dma2 semaphore(%arg13 : memref<!tpu.dma_semaphore, #tpu.memory_space<semaphore_mem>>) src(%arg7 : memref<1000x16xf32, #tpu.memory_space<vmem>>) dst(%dma_wait3A_108 : memref<1000x16xf32, #tpu.memory_space<hbm>>)
    %dma_start3A_109 = arith.constant 0 : i32
    %dma_start3A_110 = arith.constant 0 : i32
    %dma_start3A_111 = tpu.memref_slice %arg2[%dma_start3A_109, %dma_start3A_110] : memref<10000x16xf32, #tpu.memory_space<hbm>> -> memref<10000x16xf32, #tpu.memory_space<hbm>>
    tpu.enqueue_indirect_dma source(%dma_start3A_111 : memref<10000x16xf32, #tpu.memory_space<hbm>>) target(%arg7 : memref<1000x16xf32, #tpu.memory_space<vmem>>) offsets(%arg5 : memref<1000xi32, #tpu.memory_space<vmem>>) semaphore(%arg11 : memref<!tpu.dma_semaphore, #tpu.memory_space<semaphore_mem>>)
    %dma_wait3A_112 = arith.constant 0 : i32
    %dma_wait3A_113 = arith.constant 0 : i32
    %dma_wait3A_114 = tpu.memref_slice %arg2[%dma_wait3A_112, %dma_wait3A_113] : memref<10000x16xf32, #tpu.memory_space<hbm>> -> memref<10000x16xf32, #tpu.memory_space<hbm>>
    tpu.wait_indirect_dma semaphore(%arg11 : memref<!tpu.dma_semaphore, #tpu.memory_space<semaphore_mem>>) src(%dma_wait3A_114 : memref<10000x16xf32, #tpu.memory_space<hbm>>) dst(%arg7 : memref<1000x16xf32, #tpu.memory_space<vmem>>)
    %add3A_115 = arith.constant 4000 : i32
    %add3A_116 = arith.addi %mul3A_2, %add3A_115 : i32
    %multiple_of3A_117 = tpu.assume_multiple %add3A_116, 8 : i32
    %dma_start3A_118 = arith.constant 0 : i32
    %dma_start3A_119 = tpu.memref_slice %arg4[%multiple_of3A_117, %dma_start3A_118] : memref<160000x16xf32, #tpu.memory_space<hbm>> -> memref<1000x16xf32, #tpu.memory_space<hbm>>
    %dma_start3A_120 = arith.constant 0 : i32
    %dma_start3A_121 = tpu.memref_slice %arg4[%multiple_of3A_117, %dma_start3A_120] : memref<160000x16xf32, #tpu.memory_space<hbm>> -> memref<1000x16xf32, #tpu.memory_space<hbm>>
    tpu.enqueue_dma source(%arg7 : memref<1000x16xf32, #tpu.memory_space<vmem>>) target(%dma_start3A_121 : memref<1000x16xf32, #tpu.memory_space<hbm>>) target_semaphore(%arg13 : memref<!tpu.dma_semaphore, #tpu.memory_space<semaphore_mem>>)
    %dma_wait3A_122 = arith.constant 0 : i32
    %dma_wait3A_123 = tpu.memref_slice %arg4[%multiple_of3A_98, %dma_wait3A_122] : memref<160000x16xf32, #tpu.memory_space<hbm>> -> memref<1000x16xf32, #tpu.memory_space<hbm>>
    %dma_wait3A_124 = arith.constant 0 : i32
    %dma_wait3A_125 = tpu.memref_slice %arg4[%multiple_of3A_98, %dma_wait3A_124] : memref<160000x16xf32, #tpu.memory_space<hbm>> -> memref<1000x16xf32, #tpu.memory_space<hbm>>
    tpu.wait_dma2 semaphore(%arg14 : memref<!tpu.dma_semaphore, #tpu.memory_space<semaphore_mem>>) src(%arg8 : memref<1000x16xf32, #tpu.memory_space<vmem>>) dst(%dma_wait3A_125 : memref<1000x16xf32, #tpu.memory_space<hbm>>)
    %dma_wait3A_126 = arith.constant 0 : i32
    %dma_wait3A_127 = tpu.memref_slice %arg4[%multiple_of3A_117, %dma_wait3A_126] : memref<160000x16xf32, #tpu.memory_space<hbm>> -> memref<1000x16xf32, #tpu.memory_space<hbm>>
    %dma_wait3A_128 = arith.constant 0 : i32
    %dma_wait3A_129 = tpu.memref_slice %arg4[%multiple_of3A_117, %dma_wait3A_128] : memref<160000x16xf32, #tpu.memory_space<hbm>> -> memref<1000x16xf32, #tpu.memory_space<hbm>>
    tpu.wait_dma2 semaphore(%arg13 : memref<!tpu.dma_semaphore, #tpu.memory_space<semaphore_mem>>) src(%arg7 : memref<1000x16xf32, #tpu.memory_space<vmem>>) dst(%dma_wait3A_129 : memref<1000x16xf32, #tpu.memory_space<hbm>>)
    return
  }
}

#map = affine_map<(d0, d1) -> (0, 0)>
#map1 = affine_map<(d0, d1) -> (0)>
#map2 = affine_map<(d0, d1) -> (0, 0, 0)>
module attributes {stable_mosaic.version = 14 : i64} {
  func.func @_scatter_body(%arg0: i32, %arg1: i32, %arg2: memref<160000x16xf32, #tpu.memory_space<hbm>>, %arg3: memref<160000x16xf32, #tpu.memory_space<hbm>>, %arg4: memref<640000xi32, #tpu.memory_space<hbm>>, %arg5: memref<625x16xf32, #tpu.memory_space<hbm>>, %arg6: memref<625x16xf32, #tpu.memory_space<hbm>>, %arg7: memref<2x10000x16xf32, #tpu.memory_space<hbm>>, %arg8: memref<2x10000x16xf32, #tpu.memory_space<hbm>>, %arg9: memref<1000xi32, #tpu.memory_space<vmem>>, %arg10: memref<1000xi32, #tpu.memory_space<vmem>>, %arg11: memref<1000x16xf32, #tpu.memory_space<vmem>>, %arg12: memref<1000x16xf32, #tpu.memory_space<vmem>>, %arg13: memref<1000x16xf32, #tpu.memory_space<vmem>>, %arg14: memref<1000x16xf32, #tpu.memory_space<vmem>>, %arg15: memref<625x16xf32, #tpu.memory_space<vmem>>, %arg16: memref<10000x16xf32, #tpu.memory_space<vmem_shared>>, %arg17: memref<10000x16xf32, #tpu.memory_space<vmem_shared>>, %arg18: memref<!tpu.dma_semaphore, #tpu.memory_space<semaphore_mem>>, %arg19: memref<!tpu.dma_semaphore, #tpu.memory_space<semaphore_mem>>, %arg20: memref<!tpu.dma_semaphore, #tpu.memory_space<semaphore_mem>>, %arg21: memref<!tpu.dma_semaphore, #tpu.memory_space<semaphore_mem>>, %arg22: memref<!tpu.dma_semaphore, #tpu.memory_space<semaphore_mem>>, %arg23: memref<!tpu.dma_semaphore, #tpu.memory_space<semaphore_mem>>) attributes {dimension_semantics = [#tpu.dimension_semantics<core_parallel>, #tpu.dimension_semantics<subcore_parallel>], iteration_bounds = array<i64: 2, 16>, scalar_prefetch = 0 : i64, scratch_operands = 15 : i64, tpu.core_type = #tpu.core_type<sc_vector_subcore>, window_params = [{transform_indices = #map}, {transform_indices = #map}, {transform_indices = #map1}, {transform_indices = #map}, {transform_indices = #map}, {transform_indices = #map2}, {transform_indices = #map2}]} {
    %mul3A = arith.constant 2 : i32
    %mul3A_0 = arith.muli %arg1, %mul3A : i32
    %add3A = arith.addi %mul3A_0, %arg0 : i32
    "tpu.region"() ({
      %run_scoped3A = tpu.sem_alloc : memref<!tpu.dma_semaphore, #tpu.memory_space<semaphore_mem>>
      %dma_start3A_168 = arith.constant 0 : i32
      %dma_start3A_169 = arith.constant 0 : i32
      %dma_start3A_170 = tpu.memref_slice %arg5[%dma_start3A_168, %dma_start3A_169] : memref<625x16xf32, #tpu.memory_space<hbm>> -> memref<625x16xf32, #tpu.memory_space<hbm>>
      %dma_start3A_171 = arith.constant 0 : i32
      %dma_start3A_172 = arith.constant 0 : i32
      %dma_start3A_173 = tpu.memref_slice %arg5[%dma_start3A_171, %dma_start3A_172] : memref<625x16xf32, #tpu.memory_space<hbm>> -> memref<625x16xf32, #tpu.memory_space<hbm>>
      tpu.enqueue_dma source(%dma_start3A_173 : memref<625x16xf32, #tpu.memory_space<hbm>>) target(%arg15 : memref<625x16xf32, #tpu.memory_space<vmem>>) target_semaphore(%run_scoped3A : memref<!tpu.dma_semaphore, #tpu.memory_space<semaphore_mem>>)
      %dma_wait3A_174 = arith.constant 0 : i32
      %dma_wait3A_175 = arith.constant 0 : i32
      %dma_wait3A_176 = tpu.memref_slice %arg5[%dma_wait3A_174, %dma_wait3A_175] : memref<625x16xf32, #tpu.memory_space<hbm>> -> memref<625x16xf32, #tpu.memory_space<hbm>>
      %dma_wait3A_177 = arith.constant 0 : i32
      %dma_wait3A_178 = arith.constant 0 : i32
      %dma_wait3A_179 = tpu.memref_slice %arg5[%dma_wait3A_177, %dma_wait3A_178] : memref<625x16xf32, #tpu.memory_space<hbm>> -> memref<625x16xf32, #tpu.memory_space<hbm>>
      tpu.wait_dma2 semaphore(%run_scoped3A : memref<!tpu.dma_semaphore, #tpu.memory_space<semaphore_mem>>) src(%dma_wait3A_179 : memref<625x16xf32, #tpu.memory_space<hbm>>) dst(%arg15 : memref<625x16xf32, #tpu.memory_space<vmem>>)
      tpu.yield
    }) : () -> ()
    %mul3A_1 = arith.constant 625 : i32
    %mul3A_2 = arith.muli %arg1, %mul3A_1 : i32
    "tpu.region"() ({
      %run_scoped3A = tpu.sem_alloc : memref<!tpu.dma_semaphore, #tpu.memory_space<semaphore_mem>>
      %dma_start3A_168 = arith.constant 0 : i32
      %dma_start3A_169 = tpu.memref_slice %arg16[%mul3A_2, %dma_start3A_168] : memref<10000x16xf32, #tpu.memory_space<vmem_shared>> -> memref<625x16xf32, #tpu.memory_space<vmem_shared>>
      %dma_start3A_170 = arith.constant 0 : i32
      %dma_start3A_171 = tpu.memref_slice %arg16[%mul3A_2, %dma_start3A_170] : memref<10000x16xf32, #tpu.memory_space<vmem_shared>> -> memref<625x16xf32, #tpu.memory_space<vmem_shared>>
      tpu.enqueue_dma source(%arg15 : memref<625x16xf32, #tpu.memory_space<vmem>>) target(%dma_start3A_171 : memref<625x16xf32, #tpu.memory_space<vmem_shared>>) target_semaphore(%run_scoped3A : memref<!tpu.dma_semaphore, #tpu.memory_space<semaphore_mem>>)
      %dma_wait3A_172 = arith.constant 0 : i32
      %dma_wait3A_173 = tpu.memref_slice %arg16[%mul3A_2, %dma_wait3A_172] : memref<10000x16xf32, #tpu.memory_space<vmem_shared>> -> memref<625x16xf32, #tpu.memory_space<vmem_shared>>
      %dma_wait3A_174 = arith.constant 0 : i32
      %dma_wait3A_175 = tpu.memref_slice %arg16[%mul3A_2, %dma_wait3A_174] : memref<10000x16xf32, #tpu.memory_space<vmem_shared>> -> memref<625x16xf32, #tpu.memory_space<vmem_shared>>
      tpu.wait_dma2 semaphore(%run_scoped3A : memref<!tpu.dma_semaphore, #tpu.memory_space<semaphore_mem>>) src(%arg15 : memref<625x16xf32, #tpu.memory_space<vmem>>) dst(%dma_wait3A_175 : memref<625x16xf32, #tpu.memory_space<vmem_shared>>)
      tpu.yield
    }) : () -> ()
    %mul3A_3 = arith.constant 625 : i32
    %mul3A_4 = arith.muli %arg1, %mul3A_3 : i32
    "tpu.region"() ({
      %run_scoped3A = tpu.sem_alloc : memref<!tpu.dma_semaphore, #tpu.memory_space<semaphore_mem>>
      %dma_start3A_168 = arith.constant 0 : i32
      %dma_start3A_169 = tpu.memref_slice %arg17[%mul3A_4, %dma_start3A_168] : memref<10000x16xf32, #tpu.memory_space<vmem_shared>> -> memref<625x16xf32, #tpu.memory_space<vmem_shared>>
      %dma_start3A_170 = arith.constant 0 : i32
      %dma_start3A_171 = tpu.memref_slice %arg17[%mul3A_4, %dma_start3A_170] : memref<10000x16xf32, #tpu.memory_space<vmem_shared>> -> memref<625x16xf32, #tpu.memory_space<vmem_shared>>
      tpu.enqueue_dma source(%arg15 : memref<625x16xf32, #tpu.memory_space<vmem>>) target(%dma_start3A_171 : memref<625x16xf32, #tpu.memory_space<vmem_shared>>) target_semaphore(%run_scoped3A : memref<!tpu.dma_semaphore, #tpu.memory_space<semaphore_mem>>)
      %dma_wait3A_172 = arith.constant 0 : i32
      %dma_wait3A_173 = tpu.memref_slice %arg17[%mul3A_4, %dma_wait3A_172] : memref<10000x16xf32, #tpu.memory_space<vmem_shared>> -> memref<625x16xf32, #tpu.memory_space<vmem_shared>>
      %dma_wait3A_174 = arith.constant 0 : i32
      %dma_wait3A_175 = tpu.memref_slice %arg17[%mul3A_4, %dma_wait3A_174] : memref<10000x16xf32, #tpu.memory_space<vmem_shared>> -> memref<625x16xf32, #tpu.memory_space<vmem_shared>>
      tpu.wait_dma2 semaphore(%run_scoped3A : memref<!tpu.dma_semaphore, #tpu.memory_space<semaphore_mem>>) src(%arg15 : memref<625x16xf32, #tpu.memory_space<vmem>>) dst(%dma_wait3A_175 : memref<625x16xf32, #tpu.memory_space<vmem_shared>>)
      tpu.yield
    }) : () -> ()
    %barrier3A = arith.constant 0 : index
    tpu.barrier barrier_id(%barrier3A)
    %mul3A_5 = arith.constant 5000 : i32
    %mul3A_6 = arith.muli %add3A, %mul3A_5 : i32
    %add3A_7 = arith.constant 0 : i32
    %add3A_8 = arith.addi %mul3A_6, %add3A_7 : i32
    %multiple_of3A = tpu.assume_multiple %add3A_8, 8 : i32
    %add3A_9 = arith.constant 320000 : i32
    %add3A_10 = arith.addi %add3A_9, %multiple_of3A : i32
    %dma_start3A = tpu.memref_slice %arg4[%add3A_10] : memref<640000xi32, #tpu.memory_space<hbm>> -> memref<1000xi32, #tpu.memory_space<hbm>>
    %dma_start3A_11 = tpu.memref_slice %arg4[%add3A_10] : memref<640000xi32, #tpu.memory_space<hbm>> -> memref<1000xi32, #tpu.memory_space<hbm>>
    tpu.enqueue_dma source(%dma_start3A_11 : memref<1000xi32, #tpu.memory_space<hbm>>) target(%arg9 : memref<1000xi32, #tpu.memory_space<vmem>>) target_semaphore(%arg18 : memref<!tpu.dma_semaphore, #tpu.memory_space<semaphore_mem>>)
    %add3A_12 = arith.constant 0 : i32
    %add3A_13 = arith.addi %mul3A_6, %add3A_12 : i32
    %multiple_of3A_14 = tpu.assume_multiple %add3A_13, 8 : i32
    %dma_start3A_15 = arith.constant 0 : i32
    %dma_start3A_16 = tpu.memref_slice %arg2[%multiple_of3A_14, %dma_start3A_15] : memref<160000x16xf32, #tpu.memory_space<hbm>> -> memref<1000x16xf32, #tpu.memory_space<hbm>>
    %dma_start3A_17 = arith.constant 0 : i32
    %dma_start3A_18 = tpu.memref_slice %arg2[%multiple_of3A_14, %dma_start3A_17] : memref<160000x16xf32, #tpu.memory_space<hbm>> -> memref<1000x16xf32, #tpu.memory_space<hbm>>
    tpu.enqueue_dma source(%dma_start3A_18 : memref<1000x16xf32, #tpu.memory_space<hbm>>) target(%arg11 : memref<1000x16xf32, #tpu.memory_space<vmem>>) target_semaphore(%arg20 : memref<!tpu.dma_semaphore, #tpu.memory_space<semaphore_mem>>)
    %add3A_19 = arith.constant 0 : i32
    %add3A_20 = arith.addi %mul3A_6, %add3A_19 : i32
    %multiple_of3A_21 = tpu.assume_multiple %add3A_20, 8 : i32
    %dma_start3A_22 = arith.constant 0 : i32
    %dma_start3A_23 = tpu.memref_slice %arg3[%multiple_of3A_21, %dma_start3A_22] : memref<160000x16xf32, #tpu.memory_space<hbm>> -> memref<1000x16xf32, #tpu.memory_space<hbm>>
    %dma_start3A_24 = arith.constant 0 : i32
    %dma_start3A_25 = tpu.memref_slice %arg3[%multiple_of3A_21, %dma_start3A_24] : memref<160000x16xf32, #tpu.memory_space<hbm>> -> memref<1000x16xf32, #tpu.memory_space<hbm>>
    tpu.enqueue_dma source(%dma_start3A_25 : memref<1000x16xf32, #tpu.memory_space<hbm>>) target(%arg13 : memref<1000x16xf32, #tpu.memory_space<vmem>>) target_semaphore(%arg22 : memref<!tpu.dma_semaphore, #tpu.memory_space<semaphore_mem>>)
    %add3A_26 = arith.constant 1000 : i32
    %add3A_27 = arith.addi %mul3A_6, %add3A_26 : i32
    %multiple_of3A_28 = tpu.assume_multiple %add3A_27, 8 : i32
    %add3A_29 = arith.constant 320000 : i32
    %add3A_30 = arith.addi %add3A_29, %multiple_of3A_28 : i32
    %dma_start3A_31 = tpu.memref_slice %arg4[%add3A_30] : memref<640000xi32, #tpu.memory_space<hbm>> -> memref<1000xi32, #tpu.memory_space<hbm>>
    %dma_start3A_32 = tpu.memref_slice %arg4[%add3A_30] : memref<640000xi32, #tpu.memory_space<hbm>> -> memref<1000xi32, #tpu.memory_space<hbm>>
    tpu.enqueue_dma source(%dma_start3A_32 : memref<1000xi32, #tpu.memory_space<hbm>>) target(%arg10 : memref<1000xi32, #tpu.memory_space<vmem>>) target_semaphore(%arg19 : memref<!tpu.dma_semaphore, #tpu.memory_space<semaphore_mem>>)
    %add3A_33 = arith.constant 1000 : i32
    %add3A_34 = arith.addi %mul3A_6, %add3A_33 : i32
    %multiple_of3A_35 = tpu.assume_multiple %add3A_34, 8 : i32
    %dma_start3A_36 = arith.constant 0 : i32
    %dma_start3A_37 = tpu.memref_slice %arg2[%multiple_of3A_35, %dma_start3A_36] : memref<160000x16xf32, #tpu.memory_space<hbm>> -> memref<1000x16xf32, #tpu.memory_space<hbm>>
    %dma_start3A_38 = arith.constant 0 : i32
    %dma_start3A_39 = tpu.memref_slice %arg2[%multiple_of3A_35, %dma_start3A_38] : memref<160000x16xf32, #tpu.memory_space<hbm>> -> memref<1000x16xf32, #tpu.memory_space<hbm>>
    tpu.enqueue_dma source(%dma_start3A_39 : memref<1000x16xf32, #tpu.memory_space<hbm>>) target(%arg12 : memref<1000x16xf32, #tpu.memory_space<vmem>>) target_semaphore(%arg21 : memref<!tpu.dma_semaphore, #tpu.memory_space<semaphore_mem>>)
    %add3A_40 = arith.constant 1000 : i32
    %add3A_41 = arith.addi %mul3A_6, %add3A_40 : i32
    %multiple_of3A_42 = tpu.assume_multiple %add3A_41, 8 : i32
    %dma_start3A_43 = arith.constant 0 : i32
    %dma_start3A_44 = tpu.memref_slice %arg3[%multiple_of3A_42, %dma_start3A_43] : memref<160000x16xf32, #tpu.memory_space<hbm>> -> memref<1000x16xf32, #tpu.memory_space<hbm>>
    %dma_start3A_45 = arith.constant 0 : i32
    %dma_start3A_46 = tpu.memref_slice %arg3[%multiple_of3A_42, %dma_start3A_45] : memref<160000x16xf32, #tpu.memory_space<hbm>> -> memref<1000x16xf32, #tpu.memory_space<hbm>>
    tpu.enqueue_dma source(%dma_start3A_46 : memref<1000x16xf32, #tpu.memory_space<hbm>>) target(%arg14 : memref<1000x16xf32, #tpu.memory_space<vmem>>) target_semaphore(%arg23 : memref<!tpu.dma_semaphore, #tpu.memory_space<semaphore_mem>>)
    %dma_wait3A = tpu.memref_slice %arg4[%add3A_10] : memref<640000xi32, #tpu.memory_space<hbm>> -> memref<1000xi32, #tpu.memory_space<hbm>>
    %dma_wait3A_47 = tpu.memref_slice %arg4[%add3A_10] : memref<640000xi32, #tpu.memory_space<hbm>> -> memref<1000xi32, #tpu.memory_space<hbm>>
    tpu.wait_dma2 semaphore(%arg18 : memref<!tpu.dma_semaphore, #tpu.memory_space<semaphore_mem>>) src(%dma_wait3A_47 : memref<1000xi32, #tpu.memory_space<hbm>>) dst(%arg9 : memref<1000xi32, #tpu.memory_space<vmem>>)
    %dma_wait3A_48 = arith.constant 0 : i32
    %dma_wait3A_49 = tpu.memref_slice %arg2[%multiple_of3A_14, %dma_wait3A_48] : memref<160000x16xf32, #tpu.memory_space<hbm>> -> memref<1000x16xf32, #tpu.memory_space<hbm>>
    %dma_wait3A_50 = arith.constant 0 : i32
    %dma_wait3A_51 = tpu.memref_slice %arg2[%multiple_of3A_14, %dma_wait3A_50] : memref<160000x16xf32, #tpu.memory_space<hbm>> -> memref<1000x16xf32, #tpu.memory_space<hbm>>
    tpu.wait_dma2 semaphore(%arg20 : memref<!tpu.dma_semaphore, #tpu.memory_space<semaphore_mem>>) src(%dma_wait3A_51 : memref<1000x16xf32, #tpu.memory_space<hbm>>) dst(%arg11 : memref<1000x16xf32, #tpu.memory_space<vmem>>)
    %dma_wait3A_52 = arith.constant 0 : i32
    %dma_wait3A_53 = tpu.memref_slice %arg3[%multiple_of3A_21, %dma_wait3A_52] : memref<160000x16xf32, #tpu.memory_space<hbm>> -> memref<1000x16xf32, #tpu.memory_space<hbm>>
    %dma_wait3A_54 = arith.constant 0 : i32
    %dma_wait3A_55 = tpu.memref_slice %arg3[%multiple_of3A_21, %dma_wait3A_54] : memref<160000x16xf32, #tpu.memory_space<hbm>> -> memref<1000x16xf32, #tpu.memory_space<hbm>>
    tpu.wait_dma2 semaphore(%arg22 : memref<!tpu.dma_semaphore, #tpu.memory_space<semaphore_mem>>) src(%dma_wait3A_55 : memref<1000x16xf32, #tpu.memory_space<hbm>>) dst(%arg13 : memref<1000x16xf32, #tpu.memory_space<vmem>>)
    "tpu.region"() ({
      %run_scoped3A = tpu.sem_alloc : memref<!tpu.dma_semaphore, #tpu.memory_space<semaphore_mem>>
      %dma_start3A_168 = arith.constant 0 : i32
      %dma_start3A_169 = arith.constant 0 : i32
      %dma_start3A_170 = tpu.memref_slice %arg16[%dma_start3A_168, %dma_start3A_169] : memref<10000x16xf32, #tpu.memory_space<vmem_shared>> -> memref<10000x16xf32, #tpu.memory_space<vmem_shared>>
      tpu.enqueue_indirect_dma source(%arg11 : memref<1000x16xf32, #tpu.memory_space<vmem>>) target(%dma_start3A_170 : memref<10000x16xf32, #tpu.memory_space<vmem_shared>>) offsets(%arg9 : memref<1000xi32, #tpu.memory_space<vmem>>) semaphore(%run_scoped3A : memref<!tpu.dma_semaphore, #tpu.memory_space<semaphore_mem>>) {add = true}
      %dma_wait3A_171 = arith.constant 0 : i32
      %dma_wait3A_172 = arith.constant 0 : i32
      %dma_wait3A_173 = tpu.memref_slice %arg16[%dma_wait3A_171, %dma_wait3A_172] : memref<10000x16xf32, #tpu.memory_space<vmem_shared>> -> memref<10000x16xf32, #tpu.memory_space<vmem_shared>>
      tpu.wait_indirect_dma semaphore(%run_scoped3A : memref<!tpu.dma_semaphore, #tpu.memory_space<semaphore_mem>>) src(%arg11 : memref<1000x16xf32, #tpu.memory_space<vmem>>) dst(%dma_wait3A_173 : memref<10000x16xf32, #tpu.memory_space<vmem_shared>>)
      tpu.yield
    }) : () -> ()
    "tpu.region"() ({
      %run_scoped3A = tpu.sem_alloc : memref<!tpu.dma_semaphore, #tpu.memory_space<semaphore_mem>>
      %dma_start3A_168 = arith.constant 0 : i32
      %dma_start3A_169 = arith.constant 0 : i32
      %dma_start3A_170 = tpu.memref_slice %arg17[%dma_start3A_168, %dma_start3A_169] : memref<10000x16xf32, #tpu.memory_space<vmem_shared>> -> memref<10000x16xf32, #tpu.memory_space<vmem_shared>>
      tpu.enqueue_indirect_dma source(%arg13 : memref<1000x16xf32, #tpu.memory_space<vmem>>) target(%dma_start3A_170 : memref<10000x16xf32, #tpu.memory_space<vmem_shared>>) offsets(%arg9 : memref<1000xi32, #tpu.memory_space<vmem>>) semaphore(%run_scoped3A : memref<!tpu.dma_semaphore, #tpu.memory_space<semaphore_mem>>) {add = true}
      %dma_wait3A_171 = arith.constant 0 : i32
      %dma_wait3A_172 = arith.constant 0 : i32
      %dma_wait3A_173 = tpu.memref_slice %arg17[%dma_wait3A_171, %dma_wait3A_172] : memref<10000x16xf32, #tpu.memory_space<vmem_shared>> -> memref<10000x16xf32, #tpu.memory_space<vmem_shared>>
      tpu.wait_indirect_dma semaphore(%run_scoped3A : memref<!tpu.dma_semaphore, #tpu.memory_space<semaphore_mem>>) src(%arg13 : memref<1000x16xf32, #tpu.memory_space<vmem>>) dst(%dma_wait3A_173 : memref<10000x16xf32, #tpu.memory_space<vmem_shared>>)
      tpu.yield
    }) : () -> ()
    %add3A_56 = arith.constant 2000 : i32
    %add3A_57 = arith.addi %mul3A_6, %add3A_56 : i32
    %multiple_of3A_58 = tpu.assume_multiple %add3A_57, 8 : i32
    %add3A_59 = arith.constant 320000 : i32
    %add3A_60 = arith.addi %add3A_59, %multiple_of3A_58 : i32
    %dma_start3A_61 = tpu.memref_slice %arg4[%add3A_60] : memref<640000xi32, #tpu.memory_space<hbm>> -> memref<1000xi32, #tpu.memory_space<hbm>>
    %dma_start3A_62 = tpu.memref_slice %arg4[%add3A_60] : memref<640000xi32, #tpu.memory_space<hbm>> -> memref<1000xi32, #tpu.memory_space<hbm>>
    tpu.enqueue_dma source(%dma_start3A_62 : memref<1000xi32, #tpu.memory_space<hbm>>) target(%arg9 : memref<1000xi32, #tpu.memory_space<vmem>>) target_semaphore(%arg18 : memref<!tpu.dma_semaphore, #tpu.memory_space<semaphore_mem>>)
    %add3A_63 = arith.constant 2000 : i32
    %add3A_64 = arith.addi %mul3A_6, %add3A_63 : i32
    %multiple_of3A_65 = tpu.assume_multiple %add3A_64, 8 : i32
    %dma_start3A_66 = arith.constant 0 : i32
    %dma_start3A_67 = tpu.memref_slice %arg2[%multiple_of3A_65, %dma_start3A_66] : memref<160000x16xf32, #tpu.memory_space<hbm>> -> memref<1000x16xf32, #tpu.memory_space<hbm>>
    %dma_start3A_68 = arith.constant 0 : i32
    %dma_start3A_69 = tpu.memref_slice %arg2[%multiple_of3A_65, %dma_start3A_68] : memref<160000x16xf32, #tpu.memory_space<hbm>> -> memref<1000x16xf32, #tpu.memory_space<hbm>>
    tpu.enqueue_dma source(%dma_start3A_69 : memref<1000x16xf32, #tpu.memory_space<hbm>>) target(%arg11 : memref<1000x16xf32, #tpu.memory_space<vmem>>) target_semaphore(%arg20 : memref<!tpu.dma_semaphore, #tpu.memory_space<semaphore_mem>>)
    %add3A_70 = arith.constant 2000 : i32
    %add3A_71 = arith.addi %mul3A_6, %add3A_70 : i32
    %multiple_of3A_72 = tpu.assume_multiple %add3A_71, 8 : i32
    %dma_start3A_73 = arith.constant 0 : i32
    %dma_start3A_74 = tpu.memref_slice %arg3[%multiple_of3A_72, %dma_start3A_73] : memref<160000x16xf32, #tpu.memory_space<hbm>> -> memref<1000x16xf32, #tpu.memory_space<hbm>>
    %dma_start3A_75 = arith.constant 0 : i32
    %dma_start3A_76 = tpu.memref_slice %arg3[%multiple_of3A_72, %dma_start3A_75] : memref<160000x16xf32, #tpu.memory_space<hbm>> -> memref<1000x16xf32, #tpu.memory_space<hbm>>
    tpu.enqueue_dma source(%dma_start3A_76 : memref<1000x16xf32, #tpu.memory_space<hbm>>) target(%arg13 : memref<1000x16xf32, #tpu.memory_space<vmem>>) target_semaphore(%arg22 : memref<!tpu.dma_semaphore, #tpu.memory_space<semaphore_mem>>)
    %dma_wait3A_77 = tpu.memref_slice %arg4[%add3A_30] : memref<640000xi32, #tpu.memory_space<hbm>> -> memref<1000xi32, #tpu.memory_space<hbm>>
    %dma_wait3A_78 = tpu.memref_slice %arg4[%add3A_30] : memref<640000xi32, #tpu.memory_space<hbm>> -> memref<1000xi32, #tpu.memory_space<hbm>>
    tpu.wait_dma2 semaphore(%arg19 : memref<!tpu.dma_semaphore, #tpu.memory_space<semaphore_mem>>) src(%dma_wait3A_78 : memref<1000xi32, #tpu.memory_space<hbm>>) dst(%arg10 : memref<1000xi32, #tpu.memory_space<vmem>>)
    %dma_wait3A_79 = arith.constant 0 : i32
    %dma_wait3A_80 = tpu.memref_slice %arg2[%multiple_of3A_35, %dma_wait3A_79] : memref<160000x16xf32, #tpu.memory_space<hbm>> -> memref<1000x16xf32, #tpu.memory_space<hbm>>
    %dma_wait3A_81 = arith.constant 0 : i32
    %dma_wait3A_82 = tpu.memref_slice %arg2[%multiple_of3A_35, %dma_wait3A_81] : memref<160000x16xf32, #tpu.memory_space<hbm>> -> memref<1000x16xf32, #tpu.memory_space<hbm>>
    tpu.wait_dma2 semaphore(%arg21 : memref<!tpu.dma_semaphore, #tpu.memory_space<semaphore_mem>>) src(%dma_wait3A_82 : memref<1000x16xf32, #tpu.memory_space<hbm>>) dst(%arg12 : memref<1000x16xf32, #tpu.memory_space<vmem>>)
    %dma_wait3A_83 = arith.constant 0 : i32
    %dma_wait3A_84 = tpu.memref_slice %arg3[%multiple_of3A_42, %dma_wait3A_83] : memref<160000x16xf32, #tpu.memory_space<hbm>> -> memref<1000x16xf32, #tpu.memory_space<hbm>>
    %dma_wait3A_85 = arith.constant 0 : i32
    %dma_wait3A_86 = tpu.memref_slice %arg3[%multiple_of3A_42, %dma_wait3A_85] : memref<160000x16xf32, #tpu.memory_space<hbm>> -> memref<1000x16xf32, #tpu.memory_space<hbm>>
    tpu.wait_dma2 semaphore(%arg23 : memref<!tpu.dma_semaphore, #tpu.memory_space<semaphore_mem>>) src(%dma_wait3A_86 : memref<1000x16xf32, #tpu.memory_space<hbm>>) dst(%arg14 : memref<1000x16xf32, #tpu.memory_space<vmem>>)
    "tpu.region"() ({
      %run_scoped3A = tpu.sem_alloc : memref<!tpu.dma_semaphore, #tpu.memory_space<semaphore_mem>>
      %dma_start3A_168 = arith.constant 0 : i32
      %dma_start3A_169 = arith.constant 0 : i32
      %dma_start3A_170 = tpu.memref_slice %arg16[%dma_start3A_168, %dma_start3A_169] : memref<10000x16xf32, #tpu.memory_space<vmem_shared>> -> memref<10000x16xf32, #tpu.memory_space<vmem_shared>>
      tpu.enqueue_indirect_dma source(%arg12 : memref<1000x16xf32, #tpu.memory_space<vmem>>) target(%dma_start3A_170 : memref<10000x16xf32, #tpu.memory_space<vmem_shared>>) offsets(%arg10 : memref<1000xi32, #tpu.memory_space<vmem>>) semaphore(%run_scoped3A : memref<!tpu.dma_semaphore, #tpu.memory_space<semaphore_mem>>) {add = true}
      %dma_wait3A_171 = arith.constant 0 : i32
      %dma_wait3A_172 = arith.constant 0 : i32
      %dma_wait3A_173 = tpu.memref_slice %arg16[%dma_wait3A_171, %dma_wait3A_172] : memref<10000x16xf32, #tpu.memory_space<vmem_shared>> -> memref<10000x16xf32, #tpu.memory_space<vmem_shared>>
      tpu.wait_indirect_dma semaphore(%run_scoped3A : memref<!tpu.dma_semaphore, #tpu.memory_space<semaphore_mem>>) src(%arg12 : memref<1000x16xf32, #tpu.memory_space<vmem>>) dst(%dma_wait3A_173 : memref<10000x16xf32, #tpu.memory_space<vmem_shared>>)
      tpu.yield
    }) : () -> ()
    "tpu.region"() ({
      %run_scoped3A = tpu.sem_alloc : memref<!tpu.dma_semaphore, #tpu.memory_space<semaphore_mem>>
      %dma_start3A_168 = arith.constant 0 : i32
      %dma_start3A_169 = arith.constant 0 : i32
      %dma_start3A_170 = tpu.memref_slice %arg17[%dma_start3A_168, %dma_start3A_169] : memref<10000x16xf32, #tpu.memory_space<vmem_shared>> -> memref<10000x16xf32, #tpu.memory_space<vmem_shared>>
      tpu.enqueue_indirect_dma source(%arg14 : memref<1000x16xf32, #tpu.memory_space<vmem>>) target(%dma_start3A_170 : memref<10000x16xf32, #tpu.memory_space<vmem_shared>>) offsets(%arg10 : memref<1000xi32, #tpu.memory_space<vmem>>) semaphore(%run_scoped3A : memref<!tpu.dma_semaphore, #tpu.memory_space<semaphore_mem>>) {add = true}
      %dma_wait3A_171 = arith.constant 0 : i32
      %dma_wait3A_172 = arith.constant 0 : i32
      %dma_wait3A_173 = tpu.memref_slice %arg17[%dma_wait3A_171, %dma_wait3A_172] : memref<10000x16xf32, #tpu.memory_space<vmem_shared>> -> memref<10000x16xf32, #tpu.memory_space<vmem_shared>>
      tpu.wait_indirect_dma semaphore(%run_scoped3A : memref<!tpu.dma_semaphore, #tpu.memory_space<semaphore_mem>>) src(%arg14 : memref<1000x16xf32, #tpu.memory_space<vmem>>) dst(%dma_wait3A_173 : memref<10000x16xf32, #tpu.memory_space<vmem_shared>>)
      tpu.yield
    }) : () -> ()
    %add3A_87 = arith.constant 3000 : i32
    %add3A_88 = arith.addi %mul3A_6, %add3A_87 : i32
    %multiple_of3A_89 = tpu.assume_multiple %add3A_88, 8 : i32
    %add3A_90 = arith.constant 320000 : i32
    %add3A_91 = arith.addi %add3A_90, %multiple_of3A_89 : i32
    %dma_start3A_92 = tpu.memref_slice %arg4[%add3A_91] : memref<640000xi32, #tpu.memory_space<hbm>> -> memref<1000xi32, #tpu.memory_space<hbm>>
    %dma_start3A_93 = tpu.memref_slice %arg4[%add3A_91] : memref<640000xi32, #tpu.memory_space<hbm>> -> memref<1000xi32, #tpu.memory_space<hbm>>
    tpu.enqueue_dma source(%dma_start3A_93 : memref<1000xi32, #tpu.memory_space<hbm>>) target(%arg10 : memref<1000xi32, #tpu.memory_space<vmem>>) target_semaphore(%arg19 : memref<!tpu.dma_semaphore, #tpu.memory_space<semaphore_mem>>)
    %add3A_94 = arith.constant 3000 : i32
    %add3A_95 = arith.addi %mul3A_6, %add3A_94 : i32
    %multiple_of3A_96 = tpu.assume_multiple %add3A_95, 8 : i32
    %dma_start3A_97 = arith.constant 0 : i32
    %dma_start3A_98 = tpu.memref_slice %arg2[%multiple_of3A_96, %dma_start3A_97] : memref<160000x16xf32, #tpu.memory_space<hbm>> -> memref<1000x16xf32, #tpu.memory_space<hbm>>
    %dma_start3A_99 = arith.constant 0 : i32
    %dma_start3A_100 = tpu.memref_slice %arg2[%multiple_of3A_96, %dma_start3A_99] : memref<160000x16xf32, #tpu.memory_space<hbm>> -> memref<1000x16xf32, #tpu.memory_space<hbm>>
    tpu.enqueue_dma source(%dma_start3A_100 : memref<1000x16xf32, #tpu.memory_space<hbm>>) target(%arg12 : memref<1000x16xf32, #tpu.memory_space<vmem>>) target_semaphore(%arg21 : memref<!tpu.dma_semaphore, #tpu.memory_space<semaphore_mem>>)
    %add3A_101 = arith.constant 3000 : i32
    %add3A_102 = arith.addi %mul3A_6, %add3A_101 : i32
    %multiple_of3A_103 = tpu.assume_multiple %add3A_102, 8 : i32
    %dma_start3A_104 = arith.constant 0 : i32
    %dma_start3A_105 = tpu.memref_slice %arg3[%multiple_of3A_103, %dma_start3A_104] : memref<160000x16xf32, #tpu.memory_space<hbm>> -> memref<1000x16xf32, #tpu.memory_space<hbm>>
    %dma_start3A_106 = arith.constant 0 : i32
    %dma_start3A_107 = tpu.memref_slice %arg3[%multiple_of3A_103, %dma_start3A_106] : memref<160000x16xf32, #tpu.memory_space<hbm>> -> memref<1000x16xf32, #tpu.memory_space<hbm>>
    tpu.enqueue_dma source(%dma_start3A_107 : memref<1000x16xf32, #tpu.memory_space<hbm>>) target(%arg14 : memref<1000x16xf32, #tpu.memory_space<vmem>>) target_semaphore(%arg23 : memref<!tpu.dma_semaphore, #tpu.memory_space<semaphore_mem>>)
    %dma_wait3A_108 = tpu.memref_slice %arg4[%add3A_60] : memref<640000xi32, #tpu.memory_space<hbm>> -> memref<1000xi32, #tpu.memory_space<hbm>>
    %dma_wait3A_109 = tpu.memref_slice %arg4[%add3A_60] : memref<640000xi32, #tpu.memory_space<hbm>> -> memref<1000xi32, #tpu.memory_space<hbm>>
    tpu.wait_dma2 semaphore(%arg18 : memref<!tpu.dma_semaphore, #tpu.memory_space<semaphore_mem>>) src(%dma_wait3A_109 : memref<1000xi32, #tpu.memory_space<hbm>>) dst(%arg9 : memref<1000xi32, #tpu.memory_space<vmem>>)
    %dma_wait3A_110 = arith.constant 0 : i32
    %dma_wait3A_111 = tpu.memref_slice %arg2[%multiple_of3A_65, %dma_wait3A_110] : memref<160000x16xf32, #tpu.memory_space<hbm>> -> memref<1000x16xf32, #tpu.memory_space<hbm>>
    %dma_wait3A_112 = arith.constant 0 : i32
    %dma_wait3A_113 = tpu.memref_slice %arg2[%multiple_of3A_65, %dma_wait3A_112] : memref<160000x16xf32, #tpu.memory_space<hbm>> -> memref<1000x16xf32, #tpu.memory_space<hbm>>
    tpu.wait_dma2 semaphore(%arg20 : memref<!tpu.dma_semaphore, #tpu.memory_space<semaphore_mem>>) src(%dma_wait3A_113 : memref<1000x16xf32, #tpu.memory_space<hbm>>) dst(%arg11 : memref<1000x16xf32, #tpu.memory_space<vmem>>)
    %dma_wait3A_114 = arith.constant 0 : i32
    %dma_wait3A_115 = tpu.memref_slice %arg3[%multiple_of3A_72, %dma_wait3A_114] : memref<160000x16xf32, #tpu.memory_space<hbm>> -> memref<1000x16xf32, #tpu.memory_space<hbm>>
    %dma_wait3A_116 = arith.constant 0 : i32
    %dma_wait3A_117 = tpu.memref_slice %arg3[%multiple_of3A_72, %dma_wait3A_116] : memref<160000x16xf32, #tpu.memory_space<hbm>> -> memref<1000x16xf32, #tpu.memory_space<hbm>>
    tpu.wait_dma2 semaphore(%arg22 : memref<!tpu.dma_semaphore, #tpu.memory_space<semaphore_mem>>) src(%dma_wait3A_117 : memref<1000x16xf32, #tpu.memory_space<hbm>>) dst(%arg13 : memref<1000x16xf32, #tpu.memory_space<vmem>>)
    "tpu.region"() ({
      %run_scoped3A = tpu.sem_alloc : memref<!tpu.dma_semaphore, #tpu.memory_space<semaphore_mem>>
      %dma_start3A_168 = arith.constant 0 : i32
      %dma_start3A_169 = arith.constant 0 : i32
      %dma_start3A_170 = tpu.memref_slice %arg16[%dma_start3A_168, %dma_start3A_169] : memref<10000x16xf32, #tpu.memory_space<vmem_shared>> -> memref<10000x16xf32, #tpu.memory_space<vmem_shared>>
      tpu.enqueue_indirect_dma source(%arg11 : memref<1000x16xf32, #tpu.memory_space<vmem>>) target(%dma_start3A_170 : memref<10000x16xf32, #tpu.memory_space<vmem_shared>>) offsets(%arg9 : memref<1000xi32, #tpu.memory_space<vmem>>) semaphore(%run_scoped3A : memref<!tpu.dma_semaphore, #tpu.memory_space<semaphore_mem>>) {add = true}
      %dma_wait3A_171 = arith.constant 0 : i32
      %dma_wait3A_172 = arith.constant 0 : i32
      %dma_wait3A_173 = tpu.memref_slice %arg16[%dma_wait3A_171, %dma_wait3A_172] : memref<10000x16xf32, #tpu.memory_space<vmem_shared>> -> memref<10000x16xf32, #tpu.memory_space<vmem_shared>>
      tpu.wait_indirect_dma semaphore(%run_scoped3A : memref<!tpu.dma_semaphore, #tpu.memory_space<semaphore_mem>>) src(%arg11 : memref<1000x16xf32, #tpu.memory_space<vmem>>) dst(%dma_wait3A_173 : memref<10000x16xf32, #tpu.memory_space<vmem_shared>>)
      tpu.yield
    }) : () -> ()
    "tpu.region"() ({
      %run_scoped3A = tpu.sem_alloc : memref<!tpu.dma_semaphore, #tpu.memory_space<semaphore_mem>>
      %dma_start3A_168 = arith.constant 0 : i32
      %dma_start3A_169 = arith.constant 0 : i32
      %dma_start3A_170 = tpu.memref_slice %arg17[%dma_start3A_168, %dma_start3A_169] : memref<10000x16xf32, #tpu.memory_space<vmem_shared>> -> memref<10000x16xf32, #tpu.memory_space<vmem_shared>>
      tpu.enqueue_indirect_dma source(%arg13 : memref<1000x16xf32, #tpu.memory_space<vmem>>) target(%dma_start3A_170 : memref<10000x16xf32, #tpu.memory_space<vmem_shared>>) offsets(%arg9 : memref<1000xi32, #tpu.memory_space<vmem>>) semaphore(%run_scoped3A : memref<!tpu.dma_semaphore, #tpu.memory_space<semaphore_mem>>) {add = true}
      %dma_wait3A_171 = arith.constant 0 : i32
      %dma_wait3A_172 = arith.constant 0 : i32
      %dma_wait3A_173 = tpu.memref_slice %arg17[%dma_wait3A_171, %dma_wait3A_172] : memref<10000x16xf32, #tpu.memory_space<vmem_shared>> -> memref<10000x16xf32, #tpu.memory_space<vmem_shared>>
      tpu.wait_indirect_dma semaphore(%run_scoped3A : memref<!tpu.dma_semaphore, #tpu.memory_space<semaphore_mem>>) src(%arg13 : memref<1000x16xf32, #tpu.memory_space<vmem>>) dst(%dma_wait3A_173 : memref<10000x16xf32, #tpu.memory_space<vmem_shared>>)
      tpu.yield
    }) : () -> ()
    %add3A_118 = arith.constant 4000 : i32
    %add3A_119 = arith.addi %mul3A_6, %add3A_118 : i32
    %multiple_of3A_120 = tpu.assume_multiple %add3A_119, 8 : i32
    %add3A_121 = arith.constant 320000 : i32
    %add3A_122 = arith.addi %add3A_121, %multiple_of3A_120 : i32
    %dma_start3A_123 = tpu.memref_slice %arg4[%add3A_122] : memref<640000xi32, #tpu.memory_space<hbm>> -> memref<1000xi32, #tpu.memory_space<hbm>>
    %dma_start3A_124 = tpu.memref_slice %arg4[%add3A_122] : memref<640000xi32, #tpu.memory_space<hbm>> -> memref<1000xi32, #tpu.memory_space<hbm>>
    tpu.enqueue_dma source(%dma_start3A_124 : memref<1000xi32, #tpu.memory_space<hbm>>) target(%arg9 : memref<1000xi32, #tpu.memory_space<vmem>>) target_semaphore(%arg18 : memref<!tpu.dma_semaphore, #tpu.memory_space<semaphore_mem>>)
    %add3A_125 = arith.constant 4000 : i32
    %add3A_126 = arith.addi %mul3A_6, %add3A_125 : i32
    %multiple_of3A_127 = tpu.assume_multiple %add3A_126, 8 : i32
    %dma_start3A_128 = arith.constant 0 : i32
    %dma_start3A_129 = tpu.memref_slice %arg2[%multiple_of3A_127, %dma_start3A_128] : memref<160000x16xf32, #tpu.memory_space<hbm>> -> memref<1000x16xf32, #tpu.memory_space<hbm>>
    %dma_start3A_130 = arith.constant 0 : i32
    %dma_start3A_131 = tpu.memref_slice %arg2[%multiple_of3A_127, %dma_start3A_130] : memref<160000x16xf32, #tpu.memory_space<hbm>> -> memref<1000x16xf32, #tpu.memory_space<hbm>>
    tpu.enqueue_dma source(%dma_start3A_131 : memref<1000x16xf32, #tpu.memory_space<hbm>>) target(%arg11 : memref<1000x16xf32, #tpu.memory_space<vmem>>) target_semaphore(%arg20 : memref<!tpu.dma_semaphore, #tpu.memory_space<semaphore_mem>>)
    %add3A_132 = arith.constant 4000 : i32
    %add3A_133 = arith.addi %mul3A_6, %add3A_132 : i32
    %multiple_of3A_134 = tpu.assume_multiple %add3A_133, 8 : i32
    %dma_start3A_135 = arith.constant 0 : i32
    %dma_start3A_136 = tpu.memref_slice %arg3[%multiple_of3A_134, %dma_start3A_135] : memref<160000x16xf32, #tpu.memory_space<hbm>> -> memref<1000x16xf32, #tpu.memory_space<hbm>>
    %dma_start3A_137 = arith.constant 0 : i32
    %dma_start3A_138 = tpu.memref_slice %arg3[%multiple_of3A_134, %dma_start3A_137] : memref<160000x16xf32, #tpu.memory_space<hbm>> -> memref<1000x16xf32, #tpu.memory_space<hbm>>
    tpu.enqueue_dma source(%dma_start3A_138 : memref<1000x16xf32, #tpu.memory_space<hbm>>) target(%arg13 : memref<1000x16xf32, #tpu.memory_space<vmem>>) target_semaphore(%arg22 : memref<!tpu.dma_semaphore, #tpu.memory_space<semaphore_mem>>)
    %dma_wait3A_139 = tpu.memref_slice %arg4[%add3A_91] : memref<640000xi32, #tpu.memory_space<hbm>> -> memref<1000xi32, #tpu.memory_space<hbm>>
    %dma_wait3A_140 = tpu.memref_slice %arg4[%add3A_91] : memref<640000xi32, #tpu.memory_space<hbm>> -> memref<1000xi32, #tpu.memory_space<hbm>>
    tpu.wait_dma2 semaphore(%arg19 : memref<!tpu.dma_semaphore, #tpu.memory_space<semaphore_mem>>) src(%dma_wait3A_140 : memref<1000xi32, #tpu.memory_space<hbm>>) dst(%arg10 : memref<1000xi32, #tpu.memory_space<vmem>>)
    %dma_wait3A_141 = arith.constant 0 : i32
    %dma_wait3A_142 = tpu.memref_slice %arg2[%multiple_of3A_96, %dma_wait3A_141] : memref<160000x16xf32, #tpu.memory_space<hbm>> -> memref<1000x16xf32, #tpu.memory_space<hbm>>
    %dma_wait3A_143 = arith.constant 0 : i32
    %dma_wait3A_144 = tpu.memref_slice %arg2[%multiple_of3A_96, %dma_wait3A_143] : memref<160000x16xf32, #tpu.memory_space<hbm>> -> memref<1000x16xf32, #tpu.memory_space<hbm>>
    tpu.wait_dma2 semaphore(%arg21 : memref<!tpu.dma_semaphore, #tpu.memory_space<semaphore_mem>>) src(%dma_wait3A_144 : memref<1000x16xf32, #tpu.memory_space<hbm>>) dst(%arg12 : memref<1000x16xf32, #tpu.memory_space<vmem>>)
    %dma_wait3A_145 = arith.constant 0 : i32
    %dma_wait3A_146 = tpu.memref_slice %arg3[%multiple_of3A_103, %dma_wait3A_145] : memref<160000x16xf32, #tpu.memory_space<hbm>> -> memref<1000x16xf32, #tpu.memory_space<hbm>>
    %dma_wait3A_147 = arith.constant 0 : i32
    %dma_wait3A_148 = tpu.memref_slice %arg3[%multiple_of3A_103, %dma_wait3A_147] : memref<160000x16xf32, #tpu.memory_space<hbm>> -> memref<1000x16xf32, #tpu.memory_space<hbm>>
    tpu.wait_dma2 semaphore(%arg23 : memref<!tpu.dma_semaphore, #tpu.memory_space<semaphore_mem>>) src(%dma_wait3A_148 : memref<1000x16xf32, #tpu.memory_space<hbm>>) dst(%arg14 : memref<1000x16xf32, #tpu.memory_space<vmem>>)
    "tpu.region"() ({
      %run_scoped3A = tpu.sem_alloc : memref<!tpu.dma_semaphore, #tpu.memory_space<semaphore_mem>>
      %dma_start3A_168 = arith.constant 0 : i32
      %dma_start3A_169 = arith.constant 0 : i32
      %dma_start3A_170 = tpu.memref_slice %arg16[%dma_start3A_168, %dma_start3A_169] : memref<10000x16xf32, #tpu.memory_space<vmem_shared>> -> memref<10000x16xf32, #tpu.memory_space<vmem_shared>>
      tpu.enqueue_indirect_dma source(%arg12 : memref<1000x16xf32, #tpu.memory_space<vmem>>) target(%dma_start3A_170 : memref<10000x16xf32, #tpu.memory_space<vmem_shared>>) offsets(%arg10 : memref<1000xi32, #tpu.memory_space<vmem>>) semaphore(%run_scoped3A : memref<!tpu.dma_semaphore, #tpu.memory_space<semaphore_mem>>) {add = true}
      %dma_wait3A_171 = arith.constant 0 : i32
      %dma_wait3A_172 = arith.constant 0 : i32
      %dma_wait3A_173 = tpu.memref_slice %arg16[%dma_wait3A_171, %dma_wait3A_172] : memref<10000x16xf32, #tpu.memory_space<vmem_shared>> -> memref<10000x16xf32, #tpu.memory_space<vmem_shared>>
      tpu.wait_indirect_dma semaphore(%run_scoped3A : memref<!tpu.dma_semaphore, #tpu.memory_space<semaphore_mem>>) src(%arg12 : memref<1000x16xf32, #tpu.memory_space<vmem>>) dst(%dma_wait3A_173 : memref<10000x16xf32, #tpu.memory_space<vmem_shared>>)
      tpu.yield
    }) : () -> ()
    "tpu.region"() ({
      %run_scoped3A = tpu.sem_alloc : memref<!tpu.dma_semaphore, #tpu.memory_space<semaphore_mem>>
      %dma_start3A_168 = arith.constant 0 : i32
      %dma_start3A_169 = arith.constant 0 : i32
      %dma_start3A_170 = tpu.memref_slice %arg17[%dma_start3A_168, %dma_start3A_169] : memref<10000x16xf32, #tpu.memory_space<vmem_shared>> -> memref<10000x16xf32, #tpu.memory_space<vmem_shared>>
      tpu.enqueue_indirect_dma source(%arg14 : memref<1000x16xf32, #tpu.memory_space<vmem>>) target(%dma_start3A_170 : memref<10000x16xf32, #tpu.memory_space<vmem_shared>>) offsets(%arg10 : memref<1000xi32, #tpu.memory_space<vmem>>) semaphore(%run_scoped3A : memref<!tpu.dma_semaphore, #tpu.memory_space<semaphore_mem>>) {add = true}
      %dma_wait3A_171 = arith.constant 0 : i32
      %dma_wait3A_172 = arith.constant 0 : i32
      %dma_wait3A_173 = tpu.memref_slice %arg17[%dma_wait3A_171, %dma_wait3A_172] : memref<10000x16xf32, #tpu.memory_space<vmem_shared>> -> memref<10000x16xf32, #tpu.memory_space<vmem_shared>>
      tpu.wait_indirect_dma semaphore(%run_scoped3A : memref<!tpu.dma_semaphore, #tpu.memory_space<semaphore_mem>>) src(%arg14 : memref<1000x16xf32, #tpu.memory_space<vmem>>) dst(%dma_wait3A_173 : memref<10000x16xf32, #tpu.memory_space<vmem_shared>>)
      tpu.yield
    }) : () -> ()
    %dma_wait3A_149 = tpu.memref_slice %arg4[%add3A_122] : memref<640000xi32, #tpu.memory_space<hbm>> -> memref<1000xi32, #tpu.memory_space<hbm>>
    %dma_wait3A_150 = tpu.memref_slice %arg4[%add3A_122] : memref<640000xi32, #tpu.memory_space<hbm>> -> memref<1000xi32, #tpu.memory_space<hbm>>
    tpu.wait_dma2 semaphore(%arg18 : memref<!tpu.dma_semaphore, #tpu.memory_space<semaphore_mem>>) src(%dma_wait3A_150 : memref<1000xi32, #tpu.memory_space<hbm>>) dst(%arg9 : memref<1000xi32, #tpu.memory_space<vmem>>)
    %dma_wait3A_151 = arith.constant 0 : i32
    %dma_wait3A_152 = tpu.memref_slice %arg2[%multiple_of3A_127, %dma_wait3A_151] : memref<160000x16xf32, #tpu.memory_space<hbm>> -> memref<1000x16xf32, #tpu.memory_space<hbm>>
    %dma_wait3A_153 = arith.constant 0 : i32
    %dma_wait3A_154 = tpu.memref_slice %arg2[%multiple_of3A_127, %dma_wait3A_153] : memref<160000x16xf32, #tpu.memory_space<hbm>> -> memref<1000x16xf32, #tpu.memory_space<hbm>>
    tpu.wait_dma2 semaphore(%arg20 : memref<!tpu.dma_semaphore, #tpu.memory_space<semaphore_mem>>) src(%dma_wait3A_154 : memref<1000x16xf32, #tpu.memory_space<hbm>>) dst(%arg11 : memref<1000x16xf32, #tpu.memory_space<vmem>>)
    %dma_wait3A_155 = arith.constant 0 : i32
    %dma_wait3A_156 = tpu.memref_slice %arg3[%multiple_of3A_134, %dma_wait3A_155] : memref<160000x16xf32, #tpu.memory_space<hbm>> -> memref<1000x16xf32, #tpu.memory_space<hbm>>
    %dma_wait3A_157 = arith.constant 0 : i32
    %dma_wait3A_158 = tpu.memref_slice %arg3[%multiple_of3A_134, %dma_wait3A_157] : memref<160000x16xf32, #tpu.memory_space<hbm>> -> memref<1000x16xf32, #tpu.memory_space<hbm>>
    tpu.wait_dma2 semaphore(%arg22 : memref<!tpu.dma_semaphore, #tpu.memory_space<semaphore_mem>>) src(%dma_wait3A_158 : memref<1000x16xf32, #tpu.memory_space<hbm>>) dst(%arg13 : memref<1000x16xf32, #tpu.memory_space<vmem>>)
    "tpu.region"() ({
      %run_scoped3A = tpu.sem_alloc : memref<!tpu.dma_semaphore, #tpu.memory_space<semaphore_mem>>
      %dma_start3A_168 = arith.constant 0 : i32
      %dma_start3A_169 = arith.constant 0 : i32
      %dma_start3A_170 = tpu.memref_slice %arg16[%dma_start3A_168, %dma_start3A_169] : memref<10000x16xf32, #tpu.memory_space<vmem_shared>> -> memref<10000x16xf32, #tpu.memory_space<vmem_shared>>
      tpu.enqueue_indirect_dma source(%arg11 : memref<1000x16xf32, #tpu.memory_space<vmem>>) target(%dma_start3A_170 : memref<10000x16xf32, #tpu.memory_space<vmem_shared>>) offsets(%arg9 : memref<1000xi32, #tpu.memory_space<vmem>>) semaphore(%run_scoped3A : memref<!tpu.dma_semaphore, #tpu.memory_space<semaphore_mem>>) {add = true}
      %dma_wait3A_171 = arith.constant 0 : i32
      %dma_wait3A_172 = arith.constant 0 : i32
      %dma_wait3A_173 = tpu.memref_slice %arg16[%dma_wait3A_171, %dma_wait3A_172] : memref<10000x16xf32, #tpu.memory_space<vmem_shared>> -> memref<10000x16xf32, #tpu.memory_space<vmem_shared>>
      tpu.wait_indirect_dma semaphore(%run_scoped3A : memref<!tpu.dma_semaphore, #tpu.memory_space<semaphore_mem>>) src(%arg11 : memref<1000x16xf32, #tpu.memory_space<vmem>>) dst(%dma_wait3A_173 : memref<10000x16xf32, #tpu.memory_space<vmem_shared>>)
      tpu.yield
    }) : () -> ()
    "tpu.region"() ({
      %run_scoped3A = tpu.sem_alloc : memref<!tpu.dma_semaphore, #tpu.memory_space<semaphore_mem>>
      %dma_start3A_168 = arith.constant 0 : i32
      %dma_start3A_169 = arith.constant 0 : i32
      %dma_start3A_170 = tpu.memref_slice %arg17[%dma_start3A_168, %dma_start3A_169] : memref<10000x16xf32, #tpu.memory_space<vmem_shared>> -> memref<10000x16xf32, #tpu.memory_space<vmem_shared>>
      tpu.enqueue_indirect_dma source(%arg13 : memref<1000x16xf32, #tpu.memory_space<vmem>>) target(%dma_start3A_170 : memref<10000x16xf32, #tpu.memory_space<vmem_shared>>) offsets(%arg9 : memref<1000xi32, #tpu.memory_space<vmem>>) semaphore(%run_scoped3A : memref<!tpu.dma_semaphore, #tpu.memory_space<semaphore_mem>>) {add = true}
      %dma_wait3A_171 = arith.constant 0 : i32
      %dma_wait3A_172 = arith.constant 0 : i32
      %dma_wait3A_173 = tpu.memref_slice %arg17[%dma_wait3A_171, %dma_wait3A_172] : memref<10000x16xf32, #tpu.memory_space<vmem_shared>> -> memref<10000x16xf32, #tpu.memory_space<vmem_shared>>
      tpu.wait_indirect_dma semaphore(%run_scoped3A : memref<!tpu.dma_semaphore, #tpu.memory_space<semaphore_mem>>) src(%arg13 : memref<1000x16xf32, #tpu.memory_space<vmem>>) dst(%dma_wait3A_173 : memref<10000x16xf32, #tpu.memory_space<vmem_shared>>)
      tpu.yield
    }) : () -> ()
    %barrier3A_159 = arith.constant 0 : index
    tpu.barrier barrier_id(%barrier3A_159)
    %mul3A_160 = arith.constant 625 : i32
    %mul3A_161 = arith.muli %arg1, %mul3A_160 : i32
    "tpu.region"() ({
      %run_scoped3A = tpu.sem_alloc : memref<!tpu.dma_semaphore, #tpu.memory_space<semaphore_mem>>
      %dma_start3A_168 = arith.constant 0 : i32
      %dma_start3A_169 = tpu.memref_slice %arg16[%mul3A_161, %dma_start3A_168] : memref<10000x16xf32, #tpu.memory_space<vmem_shared>> -> memref<625x16xf32, #tpu.memory_space<vmem_shared>>
      %dma_start3A_170 = arith.constant 0 : i32
      %dma_start3A_171 = tpu.memref_slice %arg16[%mul3A_161, %dma_start3A_170] : memref<10000x16xf32, #tpu.memory_space<vmem_shared>> -> memref<625x16xf32, #tpu.memory_space<vmem_shared>>
      tpu.enqueue_dma source(%dma_start3A_171 : memref<625x16xf32, #tpu.memory_space<vmem_shared>>) target(%arg15 : memref<625x16xf32, #tpu.memory_space<vmem>>) target_semaphore(%run_scoped3A : memref<!tpu.dma_semaphore, #tpu.memory_space<semaphore_mem>>)
      %dma_wait3A_172 = arith.constant 0 : i32
      %dma_wait3A_173 = tpu.memref_slice %arg16[%mul3A_161, %dma_wait3A_172] : memref<10000x16xf32, #tpu.memory_space<vmem_shared>> -> memref<625x16xf32, #tpu.memory_space<vmem_shared>>
      %dma_wait3A_174 = arith.constant 0 : i32
      %dma_wait3A_175 = tpu.memref_slice %arg16[%mul3A_161, %dma_wait3A_174] : memref<10000x16xf32, #tpu.memory_space<vmem_shared>> -> memref<625x16xf32, #tpu.memory_space<vmem_shared>>
      tpu.wait_dma2 semaphore(%run_scoped3A : memref<!tpu.dma_semaphore, #tpu.memory_space<semaphore_mem>>) src(%dma_wait3A_175 : memref<625x16xf32, #tpu.memory_space<vmem_shared>>) dst(%arg15 : memref<625x16xf32, #tpu.memory_space<vmem>>)
      tpu.yield
    }) : () -> ()
    %mul3A_162 = arith.constant 625 : i32
    %mul3A_163 = arith.muli %arg1, %mul3A_162 : i32
    "tpu.region"() ({
      %run_scoped3A = tpu.sem_alloc : memref<!tpu.dma_semaphore, #tpu.memory_space<semaphore_mem>>
      %dma_start3A_168 = arith.constant 0 : i32
      %dma_start3A_169 = tpu.memref_slice %arg7[%arg0, %mul3A_163, %dma_start3A_168] : memref<2x10000x16xf32, #tpu.memory_space<hbm>> -> memref<1x625x16xf32, #tpu.memory_space<hbm>>
      %dma_start3A_170 = tpu.memref_squeeze %dma_start3A_169 : memref<1x625x16xf32, #tpu.memory_space<hbm>> -> memref<625x16xf32, #tpu.memory_space<hbm>>
      %dma_start3A_171 = arith.constant 0 : i32
      %dma_start3A_172 = tpu.memref_slice %arg7[%arg0, %mul3A_163, %dma_start3A_171] : memref<2x10000x16xf32, #tpu.memory_space<hbm>> -> memref<1x625x16xf32, #tpu.memory_space<hbm>>
      %dma_start3A_173 = tpu.memref_squeeze %dma_start3A_172 : memref<1x625x16xf32, #tpu.memory_space<hbm>> -> memref<625x16xf32, #tpu.memory_space<hbm>>
      tpu.enqueue_dma source(%arg15 : memref<625x16xf32, #tpu.memory_space<vmem>>) target(%dma_start3A_173 : memref<625x16xf32, #tpu.memory_space<hbm>>) target_semaphore(%run_scoped3A : memref<!tpu.dma_semaphore, #tpu.memory_space<semaphore_mem>>)
      %dma_wait3A_174 = arith.constant 0 : i32
      %dma_wait3A_175 = tpu.memref_slice %arg7[%arg0, %mul3A_163, %dma_wait3A_174] : memref<2x10000x16xf32, #tpu.memory_space<hbm>> -> memref<1x625x16xf32, #tpu.memory_space<hbm>>
      %dma_wait3A_176 = tpu.memref_squeeze %dma_wait3A_175 : memref<1x625x16xf32, #tpu.memory_space<hbm>> -> memref<625x16xf32, #tpu.memory_space<hbm>>
      %dma_wait3A_177 = arith.constant 0 : i32
      %dma_wait3A_178 = tpu.memref_slice %arg7[%arg0, %mul3A_163, %dma_wait3A_177] : memref<2x10000x16xf32, #tpu.memory_space<hbm>> -> memref<1x625x16xf32, #tpu.memory_space<hbm>>
      %dma_wait3A_179 = tpu.memref_squeeze %dma_wait3A_178 : memref<1x625x16xf32, #tpu.memory_space<hbm>> -> memref<625x16xf32, #tpu.memory_space<hbm>>
      tpu.wait_dma2 semaphore(%run_scoped3A : memref<!tpu.dma_semaphore, #tpu.memory_space<semaphore_mem>>) src(%arg15 : memref<625x16xf32, #tpu.memory_space<vmem>>) dst(%dma_wait3A_179 : memref<625x16xf32, #tpu.memory_space<hbm>>)
      tpu.yield
    }) : () -> ()
    %mul3A_164 = arith.constant 625 : i32
    %mul3A_165 = arith.muli %arg1, %mul3A_164 : i32
    "tpu.region"() ({
      %run_scoped3A = tpu.sem_alloc : memref<!tpu.dma_semaphore, #tpu.memory_space<semaphore_mem>>
      %dma_start3A_168 = arith.constant 0 : i32
      %dma_start3A_169 = tpu.memref_slice %arg17[%mul3A_165, %dma_start3A_168] : memref<10000x16xf32, #tpu.memory_space<vmem_shared>> -> memref<625x16xf32, #tpu.memory_space<vmem_shared>>
      %dma_start3A_170 = arith.constant 0 : i32
      %dma_start3A_171 = tpu.memref_slice %arg17[%mul3A_165, %dma_start3A_170] : memref<10000x16xf32, #tpu.memory_space<vmem_shared>> -> memref<625x16xf32, #tpu.memory_space<vmem_shared>>
      tpu.enqueue_dma source(%dma_start3A_171 : memref<625x16xf32, #tpu.memory_space<vmem_shared>>) target(%arg15 : memref<625x16xf32, #tpu.memory_space<vmem>>) target_semaphore(%run_scoped3A : memref<!tpu.dma_semaphore, #tpu.memory_space<semaphore_mem>>)
      %dma_wait3A_172 = arith.constant 0 : i32
      %dma_wait3A_173 = tpu.memref_slice %arg17[%mul3A_165, %dma_wait3A_172] : memref<10000x16xf32, #tpu.memory_space<vmem_shared>> -> memref<625x16xf32, #tpu.memory_space<vmem_shared>>
      %dma_wait3A_174 = arith.constant 0 : i32
      %dma_wait3A_175 = tpu.memref_slice %arg17[%mul3A_165, %dma_wait3A_174] : memref<10000x16xf32, #tpu.memory_space<vmem_shared>> -> memref<625x16xf32, #tpu.memory_space<vmem_shared>>
      tpu.wait_dma2 semaphore(%run_scoped3A : memref<!tpu.dma_semaphore, #tpu.memory_space<semaphore_mem>>) src(%dma_wait3A_175 : memref<625x16xf32, #tpu.memory_space<vmem_shared>>) dst(%arg15 : memref<625x16xf32, #tpu.memory_space<vmem>>)
      tpu.yield
    }) : () -> ()
    %mul3A_166 = arith.constant 625 : i32
    %mul3A_167 = arith.muli %arg1, %mul3A_166 : i32
    "tpu.region"() ({
      %run_scoped3A = tpu.sem_alloc : memref<!tpu.dma_semaphore, #tpu.memory_space<semaphore_mem>>
      %dma_start3A_168 = arith.constant 0 : i32
      %dma_start3A_169 = tpu.memref_slice %arg8[%arg0, %mul3A_167, %dma_start3A_168] : memref<2x10000x16xf32, #tpu.memory_space<hbm>> -> memref<1x625x16xf32, #tpu.memory_space<hbm>>
      %dma_start3A_170 = tpu.memref_squeeze %dma_start3A_169 : memref<1x625x16xf32, #tpu.memory_space<hbm>> -> memref<625x16xf32, #tpu.memory_space<hbm>>
      %dma_start3A_171 = arith.constant 0 : i32
      %dma_start3A_172 = tpu.memref_slice %arg8[%arg0, %mul3A_167, %dma_start3A_171] : memref<2x10000x16xf32, #tpu.memory_space<hbm>> -> memref<1x625x16xf32, #tpu.memory_space<hbm>>
      %dma_start3A_173 = tpu.memref_squeeze %dma_start3A_172 : memref<1x625x16xf32, #tpu.memory_space<hbm>> -> memref<625x16xf32, #tpu.memory_space<hbm>>
      tpu.enqueue_dma source(%arg15 : memref<625x16xf32, #tpu.memory_space<vmem>>) target(%dma_start3A_173 : memref<625x16xf32, #tpu.memory_space<hbm>>) target_semaphore(%run_scoped3A : memref<!tpu.dma_semaphore, #tpu.memory_space<semaphore_mem>>)
      %dma_wait3A_174 = arith.constant 0 : i32
      %dma_wait3A_175 = tpu.memref_slice %arg8[%arg0, %mul3A_167, %dma_wait3A_174] : memref<2x10000x16xf32, #tpu.memory_space<hbm>> -> memref<1x625x16xf32, #tpu.memory_space<hbm>>
      %dma_wait3A_176 = tpu.memref_squeeze %dma_wait3A_175 : memref<1x625x16xf32, #tpu.memory_space<hbm>> -> memref<625x16xf32, #tpu.memory_space<hbm>>
      %dma_wait3A_177 = arith.constant 0 : i32
      %dma_wait3A_178 = tpu.memref_slice %arg8[%arg0, %mul3A_167, %dma_wait3A_177] : memref<2x10000x16xf32, #tpu.memory_space<hbm>> -> memref<1x625x16xf32, #tpu.memory_space<hbm>>
      %dma_wait3A_179 = tpu.memref_squeeze %dma_wait3A_178 : memref<1x625x16xf32, #tpu.memory_space<hbm>> -> memref<625x16xf32, #tpu.memory_space<hbm>>
      tpu.wait_dma2 semaphore(%run_scoped3A : memref<!tpu.dma_semaphore, #tpu.memory_space<semaphore_mem>>) src(%arg15 : memref<625x16xf32, #tpu.memory_space<vmem>>) dst(%dma_wait3A_179 : memref<625x16xf32, #tpu.memory_space<hbm>>)
      tpu.yield
    }) : () -> ()
    return
  }
}

module attributes {stable_mosaic.version = 14 : i64} {
  func.func @_node_body(%arg0: i32, %arg1: memref<2000x128xf32, #tpu.memory_space<vmem>>, %arg2: memref<128x16xf32, #tpu.memory_space<vmem>>, %arg3: memref<1x16xf32, #tpu.memory_space<vmem>>, %arg4: memref<16x16xf32, #tpu.memory_space<vmem>>, %arg5: memref<1x16xf32, #tpu.memory_space<vmem>>, %arg6: memref<16x16xf32, #tpu.memory_space<vmem>>, %arg7: memref<2000x16xf32, #tpu.memory_space<vmem>>) attributes {dimension_semantics = [#tpu.dimension_semantics<arbitrary>], iteration_bounds = array<i64: 5>, scalar_prefetch = 0 : i64, scratch_operands = 0 : i64, tpu.core_type = #tpu.core_type<tc>, window_params = [{transform_indices = @transform_0, window_bounds = array<i64: 2000, 128>}, {pipeline_mode = #tpu.pipeline_mode<synchronous>, transform_indices = @transform_1, window_bounds = array<i64: 128, 16>}, {pipeline_mode = #tpu.pipeline_mode<synchronous>, transform_indices = @transform_2, window_bounds = array<i64: 1, 16>}, {pipeline_mode = #tpu.pipeline_mode<synchronous>, transform_indices = @transform_3, window_bounds = array<i64: 16, 16>}, {pipeline_mode = #tpu.pipeline_mode<synchronous>, transform_indices = @transform_4, window_bounds = array<i64: 1, 16>}, {pipeline_mode = #tpu.pipeline_mode<synchronous>, transform_indices = @transform_5, window_bounds = array<i64: 16, 16>}, {transform_indices = @transform_6, window_bounds = array<i64: 2000, 16>}]} {
    %get3A = arith.constant 0 : index
    %get3A_0 = arith.constant 0 : index
    %get3A_1 = vector.load %arg1[%get3A, %get3A_0] : memref<2000x128xf32, #tpu.memory_space<vmem>>, vector<2000x128xf32>
    %get3A_2 = arith.constant 0 : index
    %get3A_3 = arith.constant 0 : index
    %get3A_4 = vector.load %arg2[%get3A_2, %get3A_3] : memref<128x16xf32, #tpu.memory_space<vmem>>, vector<128x16xf32>
    %dot_general3A = arith.constant dense<0.000000e+00> : vector<2000x16xf32>
    %dot_general3A_5 = tpu.matmul %get3A_1, %get3A_4, %dot_general3A {dimension_numbers = #tpu.dot_dimension_numbers<[1], [0], [0], [1], [0, 0, 1, 1], [], []>, transpose_lhs_hint = false} : vector<2000x128xf32>, vector<128x16xf32>, vector<2000x16xf32> -> vector<2000x16xf32>
    %get3A_6 = arith.constant 0 : index
    %get3A_7 = arith.constant 0 : index
    %get3A_8 = vector.load %arg3[%get3A_6, %get3A_7] : memref<1x16xf32, #tpu.memory_space<vmem>>, vector<1x16xf32>
    %add3A = vector.broadcast %get3A_8 : vector<1x16xf32> to vector<2000x16xf32>
    %add3A_9 = arith.addf %dot_general3A_5, %add3A : vector<2000x16xf32>
    %ge3A = arith.constant 0.000000e+00 : f32
    %ge3A_10 = vector.broadcast %ge3A : f32 to vector<2000x16xf32>
    %ge3A_11 = arith.cmpf oge, %add3A_9, %ge3A_10 : vector<2000x16xf32>
    %mul3A = arith.constant 0.00999999977 : f32
    %mul3A_12 = vector.broadcast %mul3A : f32 to vector<2000x16xf32>
    %mul3A_13 = arith.mulf %mul3A_12, %add3A_9 : vector<2000x16xf32>
    %select_n3A = arith.select %ge3A_11, %add3A_9, %mul3A_13 : vector<2000x16xi1>, vector<2000x16xf32>
    %get3A_14 = arith.constant 0 : index
    %get3A_15 = arith.constant 0 : index
    %get3A_16 = vector.load %arg4[%get3A_14, %get3A_15] : memref<16x16xf32, #tpu.memory_space<vmem>>, vector<16x16xf32>
    %dot_general3A_17 = arith.constant dense<0.000000e+00> : vector<2000x16xf32>
    %dot_general3A_18 = tpu.matmul %select_n3A, %get3A_16, %dot_general3A_17 {dimension_numbers = #tpu.dot_dimension_numbers<[1], [0], [0], [1], [0, 0, 1, 1], [], []>, transpose_lhs_hint = false} : vector<2000x16xf32>, vector<16x16xf32>, vector<2000x16xf32> -> vector<2000x16xf32>
    %get3A_19 = arith.constant 0 : index
    %get3A_20 = arith.constant 0 : index
    %get3A_21 = vector.load %arg5[%get3A_19, %get3A_20] : memref<1x16xf32, #tpu.memory_space<vmem>>, vector<1x16xf32>
    %add3A_22 = vector.broadcast %get3A_21 : vector<1x16xf32> to vector<2000x16xf32>
    %add3A_23 = arith.addf %dot_general3A_18, %add3A_22 : vector<2000x16xf32>
    %ge3A_24 = arith.constant 0.000000e+00 : f32
    %ge3A_25 = vector.broadcast %ge3A_24 : f32 to vector<2000x16xf32>
    %ge3A_26 = arith.cmpf oge, %add3A_23, %ge3A_25 : vector<2000x16xf32>
    %mul3A_27 = arith.constant 0.00999999977 : f32
    %mul3A_28 = vector.broadcast %mul3A_27 : f32 to vector<2000x16xf32>
    %mul3A_29 = arith.mulf %mul3A_28, %add3A_23 : vector<2000x16xf32>
    %select_n3A_30 = arith.select %ge3A_26, %add3A_23, %mul3A_29 : vector<2000x16xi1>, vector<2000x16xf32>
    %get3A_31 = arith.constant 0 : index
    %get3A_32 = arith.constant 0 : index
    %get3A_33 = vector.load %arg6[%get3A_31, %get3A_32] : memref<16x16xf32, #tpu.memory_space<vmem>>, vector<16x16xf32>
    %dot_general3A_34 = arith.constant dense<0.000000e+00> : vector<2000x16xf32>
    %dot_general3A_35 = tpu.matmul %select_n3A_30, %get3A_33, %dot_general3A_34 {dimension_numbers = #tpu.dot_dimension_numbers<[1], [0], [0], [1], [0, 0, 1, 1], [], []>, transpose_lhs_hint = false} : vector<2000x16xf32>, vector<16x16xf32>, vector<2000x16xf32> -> vector<2000x16xf32>
    %swap3A = arith.constant 0 : index
    %swap3A_36 = arith.constant 0 : index
    %swap3A_37 = vector.load %arg7[%swap3A, %swap3A_36] : memref<2000x16xf32, #tpu.memory_space<vmem>>, vector<2000x16xf32>
    tpu.vector_store %arg7[%swap3A, %swap3A_36], %dot_general3A_35 {strides = array<i32>} : memref<2000x16xf32, #tpu.memory_space<vmem>>, vector<2000x16xf32>,
    return
  }
  func.func @transform_0(%arg0: i32) -> (i32, i32) {
    %c0_i32 = arith.constant 0 : i32
    %c0_i32_0 = arith.constant 0 : i32
    return %arg0, %c0_i32 : i32, i32
  }
  func.func @transform_1(%arg0: i32) -> (i32, i32) {
    %c0_i32 = arith.constant 0 : i32
    %c0_i32_0 = arith.constant 0 : i32
    %c0_i32_1 = arith.constant 0 : i32
    return %c0_i32, %c0_i32_0 : i32, i32
  }
  func.func @transform_2(%arg0: i32) -> (i32, i32) {
    %c0_i32 = arith.constant 0 : i32
    %c0_i32_0 = arith.constant 0 : i32
    %c0_i32_1 = arith.constant 0 : i32
    return %c0_i32, %c0_i32_0 : i32, i32
  }
  func.func @transform_3(%arg0: i32) -> (i32, i32) {
    %c0_i32 = arith.constant 0 : i32
    %c0_i32_0 = arith.constant 0 : i32
    %c0_i32_1 = arith.constant 0 : i32
    return %c0_i32, %c0_i32_0 : i32, i32
  }
  func.func @transform_4(%arg0: i32) -> (i32, i32) {
    %c0_i32 = arith.constant 0 : i32
    %c0_i32_0 = arith.constant 0 : i32
    %c0_i32_1 = arith.constant 0 : i32
    return %c0_i32, %c0_i32_0 : i32, i32
  }
  func.func @transform_5(%arg0: i32) -> (i32, i32) {
    %c0_i32 = arith.constant 0 : i32
    %c0_i32_0 = arith.constant 0 : i32
    %c0_i32_1 = arith.constant 0 : i32
    return %c0_i32, %c0_i32_0 : i32, i32
  }
  func.func @transform_6(%arg0: i32) -> (i32, i32) {
    %c0_i32 = arith.constant 0 : i32
    %c0_i32_0 = arith.constant 0 : i32
    return %arg0, %c0_i32 : i32, i32
  }
}

module attributes {stable_mosaic.version = 14 : i64} {
  func.func @_msg_body(%arg0: i32, %arg1: memref<2000x8x16xf32, #tpu.memory_space<vmem>>, %arg2: memref<2000x128xf32, #tpu.memory_space<vmem>>, %arg3: memref<128x128xf32, #tpu.memory_space<vmem>>, %arg4: memref<1x128xf32, #tpu.memory_space<vmem>>, %arg5: memref<128x128xf32, #tpu.memory_space<vmem>>, %arg6: memref<1x128xf32, #tpu.memory_space<vmem>>, %arg7: memref<128x128xf32, #tpu.memory_space<vmem>>, %arg8: memref<1x128xf32, #tpu.memory_space<vmem>>, %arg9: memref<128x128xf32, #tpu.memory_space<vmem>>, %arg10: memref<1x128xf32, #tpu.memory_space<vmem>>, %arg11: memref<128x128xf32, #tpu.memory_space<vmem>>, %arg12: memref<1x128xf32, #tpu.memory_space<vmem>>, %arg13: memref<2000x128xf32, #tpu.memory_space<vmem>>, %arg14: memref<2000x128xf32, #tpu.memory_space<vmem>>) attributes {dimension_semantics = [#tpu.dimension_semantics<arbitrary>], iteration_bounds = array<i64: 10>, scalar_prefetch = 0 : i64, scratch_operands = 0 : i64, tpu.core_type = #tpu.core_type<tc>, window_params = [{transform_indices = @transform_0, window_bounds = array<i64: 2000, 8, 16>}, {transform_indices = @transform_1, window_bounds = array<i64: 2000, 128>}, {pipeline_mode = #tpu.pipeline_mode<synchronous>, transform_indices = @transform_2, window_bounds = array<i64: 128, 128>}, {pipeline_mode = #tpu.pipeline_mode<synchronous>, transform_indices = @transform_3, window_bounds = array<i64: 1, 128>}, {pipeline_mode = #tpu.pipeline_mode<synchronous>, transform_indices = @transform_4, window_bounds = array<i64: 128, 128>}, {pipeline_mode = #tpu.pipeline_mode<synchronous>, transform_indices = @transform_5, window_bounds = array<i64: 1, 128>}, {pipeline_mode = #tpu.pipeline_mode<synchronous>, transform_indices = @transform_6, window_bounds = array<i64: 128, 128>}, {pipeline_mode = #tpu.pipeline_mode<synchronous>, transform_indices = @transform_7, window_bounds = array<i64: 1, 128>}, {pipeline_mode = #tpu.pipeline_mode<synchronous>, transform_indices = @transform_8, window_bounds = array<i64: 128, 128>}, {pipeline_mode = #tpu.pipeline_mode<synchronous>, transform_indices = @transform_9, window_bounds = array<i64: 1, 128>}, {pipeline_mode = #tpu.pipeline_mode<synchronous>, transform_indices = @transform_10, window_bounds = array<i64: 128, 128>}, {pipeline_mode = #tpu.pipeline_mode<synchronous>, transform_indices = @transform_11, window_bounds = array<i64: 1, 128>}, {transform_indices = @transform_12, window_bounds = array<i64: 2000, 128>}, {transform_indices = @transform_13, window_bounds = array<i64: 2000, 128>}]} {
    %get3A = arith.constant 0 : index
    %get3A_0 = arith.constant 0 : index
    %get3A_1 = arith.constant 0 : index
    %get3A_2 = vector.load %arg1[%get3A, %get3A_0, %get3A_1] : memref<2000x8x16xf32, #tpu.memory_space<vmem>>, vector<2000x1x16xf32>
    %get3A_3 = vector.shape_cast %get3A_2 : vector<2000x1x16xf32> to vector<2000x16xf32>
    %get3A_4 = arith.constant 0 : index
    %get3A_5 = arith.constant 1 : index
    %get3A_6 = arith.constant 0 : index
    %get3A_7 = vector.load %arg1[%get3A_4, %get3A_5, %get3A_6] : memref<2000x8x16xf32, #tpu.memory_space<vmem>>, vector<2000x1x16xf32>
    %get3A_8 = vector.shape_cast %get3A_7 : vector<2000x1x16xf32> to vector<2000x16xf32>
    %get3A_9 = arith.constant 0 : index
    %get3A_10 = arith.constant 2 : index
    %get3A_11 = arith.constant 0 : index
    %get3A_12 = vector.load %arg1[%get3A_9, %get3A_10, %get3A_11] : memref<2000x8x16xf32, #tpu.memory_space<vmem>>, vector<2000x1x16xf32>
    %get3A_13 = vector.shape_cast %get3A_12 : vector<2000x1x16xf32> to vector<2000x16xf32>
    %get3A_14 = arith.constant 0 : index
    %get3A_15 = arith.constant 3 : index
    %get3A_16 = arith.constant 0 : index
    %get3A_17 = vector.load %arg1[%get3A_14, %get3A_15, %get3A_16] : memref<2000x8x16xf32, #tpu.memory_space<vmem>>, vector<2000x1x16xf32>
    %get3A_18 = vector.shape_cast %get3A_17 : vector<2000x1x16xf32> to vector<2000x16xf32>
    %get3A_19 = arith.constant 0 : index
    %get3A_20 = arith.constant 4 : index
    %get3A_21 = arith.constant 0 : index
    %get3A_22 = vector.load %arg1[%get3A_19, %get3A_20, %get3A_21] : memref<2000x8x16xf32, #tpu.memory_space<vmem>>, vector<2000x1x16xf32>
    %get3A_23 = vector.shape_cast %get3A_22 : vector<2000x1x16xf32> to vector<2000x16xf32>
    %get3A_24 = arith.constant 0 : index
    %get3A_25 = arith.constant 5 : index
    %get3A_26 = arith.constant 0 : index
    %get3A_27 = vector.load %arg1[%get3A_24, %get3A_25, %get3A_26] : memref<2000x8x16xf32, #tpu.memory_space<vmem>>, vector<2000x1x16xf32>
    %get3A_28 = vector.shape_cast %get3A_27 : vector<2000x1x16xf32> to vector<2000x16xf32>
    %get3A_29 = arith.constant 0 : index
    %get3A_30 = arith.constant 6 : index
    %get3A_31 = arith.constant 0 : index
    %get3A_32 = vector.load %arg1[%get3A_29, %get3A_30, %get3A_31] : memref<2000x8x16xf32, #tpu.memory_space<vmem>>, vector<2000x1x16xf32>
    %get3A_33 = vector.shape_cast %get3A_32 : vector<2000x1x16xf32> to vector<2000x16xf32>
    %get3A_34 = arith.constant 0 : index
    %get3A_35 = arith.constant 7 : index
    %get3A_36 = arith.constant 0 : index
    %get3A_37 = vector.load %arg1[%get3A_34, %get3A_35, %get3A_36] : memref<2000x8x16xf32, #tpu.memory_space<vmem>>, vector<2000x1x16xf32>
    %get3A_38 = vector.shape_cast %get3A_37 : vector<2000x1x16xf32> to vector<2000x16xf32>
    %concatenate3A = tpu.concatenate %get3A_3, %get3A_8, %get3A_13, %get3A_18, %get3A_23, %get3A_28, %get3A_33, %get3A_38 in 1 : vector<2000x16xf32>, vector<2000x16xf32>, vector<2000x16xf32>, vector<2000x16xf32>, vector<2000x16xf32>, vector<2000x16xf32>, vector<2000x16xf32>, vector<2000x16xf32> -> vector<2000x128xf32>
    %get3A_39 = arith.constant 0 : index
    %get3A_40 = arith.constant 0 : index
    %get3A_41 = vector.load %arg3[%get3A_39, %get3A_40] : memref<128x128xf32, #tpu.memory_space<vmem>>, vector<128x128xf32>
    %dot_general3A = arith.constant dense<0.000000e+00> : vector<2000x128xf32>
    %dot_general3A_42 = tpu.matmul %concatenate3A, %get3A_41, %dot_general3A {dimension_numbers = #tpu.dot_dimension_numbers<[1], [0], [0], [1], [0, 0, 1, 1], [], []>, transpose_lhs_hint = false} : vector<2000x128xf32>, vector<128x128xf32>, vector<2000x128xf32> -> vector<2000x128xf32>
    %get3A_43 = arith.constant 0 : index
    %get3A_44 = arith.constant 0 : index
    %get3A_45 = vector.load %arg4[%get3A_43, %get3A_44] : memref<1x128xf32, #tpu.memory_space<vmem>>, vector<1x128xf32>
    %add3A = vector.broadcast %get3A_45 : vector<1x128xf32> to vector<2000x128xf32>
    %add3A_46 = arith.addf %dot_general3A_42, %add3A : vector<2000x128xf32>
    %ge3A = arith.constant 0.000000e+00 : f32
    %ge3A_47 = vector.broadcast %ge3A : f32 to vector<2000x128xf32>
    %ge3A_48 = arith.cmpf oge, %add3A_46, %ge3A_47 : vector<2000x128xf32>
    %mul3A = arith.constant 0.00999999977 : f32
    %mul3A_49 = vector.broadcast %mul3A : f32 to vector<2000x128xf32>
    %mul3A_50 = arith.mulf %mul3A_49, %add3A_46 : vector<2000x128xf32>
    %select_n3A = arith.select %ge3A_48, %add3A_46, %mul3A_50 : vector<2000x128xi1>, vector<2000x128xf32>
    %get3A_51 = arith.constant 0 : index
    %get3A_52 = arith.constant 0 : index
    %get3A_53 = vector.load %arg5[%get3A_51, %get3A_52] : memref<128x128xf32, #tpu.memory_space<vmem>>, vector<128x128xf32>
    %dot_general3A_54 = arith.constant dense<0.000000e+00> : vector<2000x128xf32>
    %dot_general3A_55 = tpu.matmul %select_n3A, %get3A_53, %dot_general3A_54 {dimension_numbers = #tpu.dot_dimension_numbers<[1], [0], [0], [1], [0, 0, 1, 1], [], []>, transpose_lhs_hint = false} : vector<2000x128xf32>, vector<128x128xf32>, vector<2000x128xf32> -> vector<2000x128xf32>
    %get3A_56 = arith.constant 0 : index
    %get3A_57 = arith.constant 0 : index
    %get3A_58 = vector.load %arg6[%get3A_56, %get3A_57] : memref<1x128xf32, #tpu.memory_space<vmem>>, vector<1x128xf32>
    %add3A_59 = vector.broadcast %get3A_58 : vector<1x128xf32> to vector<2000x128xf32>
    %add3A_60 = arith.addf %dot_general3A_55, %add3A_59 : vector<2000x128xf32>
    %ge3A_61 = arith.constant 0.000000e+00 : f32
    %ge3A_62 = vector.broadcast %ge3A_61 : f32 to vector<2000x128xf32>
    %ge3A_63 = arith.cmpf oge, %add3A_60, %ge3A_62 : vector<2000x128xf32>
    %mul3A_64 = arith.constant 0.00999999977 : f32
    %mul3A_65 = vector.broadcast %mul3A_64 : f32 to vector<2000x128xf32>
    %mul3A_66 = arith.mulf %mul3A_65, %add3A_60 : vector<2000x128xf32>
    %select_n3A_67 = arith.select %ge3A_63, %add3A_60, %mul3A_66 : vector<2000x128xi1>, vector<2000x128xf32>
    %get3A_68 = arith.constant 0 : index
    %get3A_69 = arith.constant 0 : index
    %get3A_70 = vector.load %arg7[%get3A_68, %get3A_69] : memref<128x128xf32, #tpu.memory_space<vmem>>, vector<128x128xf32>
    %dot_general3A_71 = arith.constant dense<0.000000e+00> : vector<2000x128xf32>
    %dot_general3A_72 = tpu.matmul %select_n3A_67, %get3A_70, %dot_general3A_71 {dimension_numbers = #tpu.dot_dimension_numbers<[1], [0], [0], [1], [0, 0, 1, 1], [], []>, transpose_lhs_hint = false} : vector<2000x128xf32>, vector<128x128xf32>, vector<2000x128xf32> -> vector<2000x128xf32>
    %get3A_73 = arith.constant 0 : index
    %get3A_74 = arith.constant 0 : index
    %get3A_75 = vector.load %arg2[%get3A_73, %get3A_74] : memref<2000x128xf32, #tpu.memory_space<vmem>>, vector<2000x128xf32>
    %add3A_76 = arith.addf %dot_general3A_72, %get3A_75 : vector<2000x128xf32>
    %get3A_77 = arith.constant 0 : index
    %get3A_78 = arith.constant 0 : index
    %get3A_79 = vector.load %arg8[%get3A_77, %get3A_78] : memref<1x128xf32, #tpu.memory_space<vmem>>, vector<1x128xf32>
    %add3A_80 = vector.broadcast %get3A_79 : vector<1x128xf32> to vector<2000x128xf32>
    %add3A_81 = arith.addf %add3A_76, %add3A_80 : vector<2000x128xf32>
    %ge3A_82 = arith.constant 0.000000e+00 : f32
    %ge3A_83 = vector.broadcast %ge3A_82 : f32 to vector<2000x128xf32>
    %ge3A_84 = arith.cmpf oge, %add3A_81, %ge3A_83 : vector<2000x128xf32>
    %mul3A_85 = arith.constant 0.00999999977 : f32
    %mul3A_86 = vector.broadcast %mul3A_85 : f32 to vector<2000x128xf32>
    %mul3A_87 = arith.mulf %mul3A_86, %add3A_81 : vector<2000x128xf32>
    %select_n3A_88 = arith.select %ge3A_84, %add3A_81, %mul3A_87 : vector<2000x128xi1>, vector<2000x128xf32>
    %get3A_89 = arith.constant 0 : index
    %get3A_90 = arith.constant 0 : index
    %get3A_91 = vector.load %arg9[%get3A_89, %get3A_90] : memref<128x128xf32, #tpu.memory_space<vmem>>, vector<128x128xf32>
    %dot_general3A_92 = arith.constant dense<0.000000e+00> : vector<2000x128xf32>
    %dot_general3A_93 = tpu.matmul %select_n3A_88, %get3A_91, %dot_general3A_92 {dimension_numbers = #tpu.dot_dimension_numbers<[1], [0], [0], [1], [0, 0, 1, 1], [], []>, transpose_lhs_hint = false} : vector<2000x128xf32>, vector<128x128xf32>, vector<2000x128xf32> -> vector<2000x128xf32>
    %get3A_94 = arith.constant 0 : index
    %get3A_95 = arith.constant 0 : index
    %get3A_96 = vector.load %arg10[%get3A_94, %get3A_95] : memref<1x128xf32, #tpu.memory_space<vmem>>, vector<1x128xf32>
    %add3A_97 = vector.broadcast %get3A_96 : vector<1x128xf32> to vector<2000x128xf32>
    %add3A_98 = arith.addf %dot_general3A_93, %add3A_97 : vector<2000x128xf32>
    %ge3A_99 = arith.constant 0.000000e+00 : f32
    %ge3A_100 = vector.broadcast %ge3A_99 : f32 to vector<2000x128xf32>
    %ge3A_101 = arith.cmpf oge, %add3A_98, %ge3A_100 : vector<2000x128xf32>
    %mul3A_102 = arith.constant 0.00999999977 : f32
    %mul3A_103 = vector.broadcast %mul3A_102 : f32 to vector<2000x128xf32>
    %mul3A_104 = arith.mulf %mul3A_103, %add3A_98 : vector<2000x128xf32>
    %select_n3A_105 = arith.select %ge3A_101, %add3A_98, %mul3A_104 : vector<2000x128xi1>, vector<2000x128xf32>
    %swap3A = arith.constant 0 : index
    %swap3A_106 = arith.constant 0 : index
    %swap3A_107 = vector.load %arg13[%swap3A, %swap3A_106] : memref<2000x128xf32, #tpu.memory_space<vmem>>, vector<2000x128xf32>
    tpu.vector_store %arg13[%swap3A, %swap3A_106], %select_n3A_105 {strides = array<i32>} : memref<2000x128xf32, #tpu.memory_space<vmem>>, vector<2000x128xf32>,
    %get3A_108 = arith.constant 0 : index
    %get3A_109 = arith.constant 0 : index
    %get3A_110 = vector.load %arg11[%get3A_108, %get3A_109] : memref<128x128xf32, #tpu.memory_space<vmem>>, vector<128x128xf32>
    %dot_general3A_111 = arith.constant dense<0.000000e+00> : vector<2000x128xf32>
    %dot_general3A_112 = tpu.matmul %select_n3A_88, %get3A_110, %dot_general3A_111 {dimension_numbers = #tpu.dot_dimension_numbers<[1], [0], [0], [1], [0, 0, 1, 1], [], []>, transpose_lhs_hint = false} : vector<2000x128xf32>, vector<128x128xf32>, vector<2000x128xf32> -> vector<2000x128xf32>
    %get3A_113 = arith.constant 0 : index
    %get3A_114 = arith.constant 0 : index
    %get3A_115 = vector.load %arg12[%get3A_113, %get3A_114] : memref<1x128xf32, #tpu.memory_space<vmem>>, vector<1x128xf32>
    %add3A_116 = vector.broadcast %get3A_115 : vector<1x128xf32> to vector<2000x128xf32>
    %add3A_117 = arith.addf %dot_general3A_112, %add3A_116 : vector<2000x128xf32>
    %ge3A_118 = arith.constant 0.000000e+00 : f32
    %ge3A_119 = vector.broadcast %ge3A_118 : f32 to vector<2000x128xf32>
    %ge3A_120 = arith.cmpf oge, %add3A_117, %ge3A_119 : vector<2000x128xf32>
    %mul3A_121 = arith.constant 0.00999999977 : f32
    %mul3A_122 = vector.broadcast %mul3A_121 : f32 to vector<2000x128xf32>
    %mul3A_123 = arith.mulf %mul3A_122, %add3A_117 : vector<2000x128xf32>
    %select_n3A_124 = arith.select %ge3A_120, %add3A_117, %mul3A_123 : vector<2000x128xi1>, vector<2000x128xf32>
    %swap3A_125 = arith.constant 0 : index
    %swap3A_126 = arith.constant 0 : index
    %swap3A_127 = vector.load %arg14[%swap3A_125, %swap3A_126] : memref<2000x128xf32, #tpu.memory_space<vmem>>, vector<2000x128xf32>
    tpu.vector_store %arg14[%swap3A_125, %swap3A_126], %select_n3A_124 {strides = array<i32>} : memref<2000x128xf32, #tpu.memory_space<vmem>>, vector<2000x128xf32>,
    return
  }
  func.func @transform_0(%arg0: i32) -> (i32, i32, i32) {
    %add3A = arith.constant 0 : i32
    %add3A_0 = arith.addi %arg0, %add3A : i32
    %c0_i32 = arith.constant 0 : i32
    %c0_i32_1 = arith.constant 0 : i32
    %c0_i32_2 = arith.constant 0 : i32
    return %add3A_0, %c0_i32, %c0_i32_1 : i32, i32, i32
  }
  func.func @transform_1(%arg0: i32) -> (i32, i32) {
    %c0_i32 = arith.constant 0 : i32
    %c0_i32_0 = arith.constant 0 : i32
    return %arg0, %c0_i32 : i32, i32
  }
  func.func @transform_2(%arg0: i32) -> (i32, i32) {
    %c0_i32 = arith.constant 0 : i32
    %c0_i32_0 = arith.constant 0 : i32
    %c0_i32_1 = arith.constant 0 : i32
    return %c0_i32, %c0_i32_0 : i32, i32
  }
  func.func @transform_3(%arg0: i32) -> (i32, i32) {
    %c0_i32 = arith.constant 0 : i32
    %c0_i32_0 = arith.constant 0 : i32
    %c0_i32_1 = arith.constant 0 : i32
    return %c0_i32, %c0_i32_0 : i32, i32
  }
  func.func @transform_4(%arg0: i32) -> (i32, i32) {
    %c0_i32 = arith.constant 0 : i32
    %c0_i32_0 = arith.constant 0 : i32
    %c0_i32_1 = arith.constant 0 : i32
    return %c0_i32, %c0_i32_0 : i32, i32
  }
  func.func @transform_5(%arg0: i32) -> (i32, i32) {
    %c0_i32 = arith.constant 0 : i32
    %c0_i32_0 = arith.constant 0 : i32
    %c0_i32_1 = arith.constant 0 : i32
    return %c0_i32, %c0_i32_0 : i32, i32
  }
  func.func @transform_6(%arg0: i32) -> (i32, i32) {
    %c0_i32 = arith.constant 0 : i32
    %c0_i32_0 = arith.constant 0 : i32
    %c0_i32_1 = arith.constant 0 : i32
    return %c0_i32, %c0_i32_0 : i32, i32
  }
  func.func @transform_7(%arg0: i32) -> (i32, i32) {
    %c0_i32 = arith.constant 0 : i32
    %c0_i32_0 = arith.constant 0 : i32
    %c0_i32_1 = arith.constant 0 : i32
    return %c0_i32, %c0_i32_0 : i32, i32
  }
  func.func @transform_8(%arg0: i32) -> (i32, i32) {
    %c0_i32 = arith.constant 0 : i32
    %c0_i32_0 = arith.constant 0 : i32
    %c0_i32_1 = arith.constant 0 : i32
    return %c0_i32, %c0_i32_0 : i32, i32
  }
  func.func @transform_9(%arg0: i32) -> (i32, i32) {
    %c0_i32 = arith.constant 0 : i32
    %c0_i32_0 = arith.constant 0 : i32
    %c0_i32_1 = arith.constant 0 : i32
    return %c0_i32, %c0_i32_0 : i32, i32
  }
  func.func @transform_10(%arg0: i32) -> (i32, i32) {
    %c0_i32 = arith.constant 0 : i32
    %c0_i32_0 = arith.constant 0 : i32
    %c0_i32_1 = arith.constant 0 : i32
    return %c0_i32, %c0_i32_0 : i32, i32
  }
  func.func @transform_11(%arg0: i32) -> (i32, i32) {
    %c0_i32 = arith.constant 0 : i32
    %c0_i32_0 = arith.constant 0 : i32
    %c0_i32_1 = arith.constant 0 : i32
    return %c0_i32, %c0_i32_0 : i32, i32
  }
  func.func @transform_12(%arg0: i32) -> (i32, i32) {
    %c0_i32 = arith.constant 0 : i32
    %c0_i32_0 = arith.constant 0 : i32
    return %arg0, %c0_i32 : i32, i32
  }
  func.func @transform_13(%arg0: i32) -> (i32, i32) {
    %c0_i32 = arith.constant 0 : i32
    %c0_i32_0 = arith.constant 0 : i32
    return %arg0, %c0_i32 : i32, i32
  }
}

module attributes {stable_mosaic.version = 14 : i64} {
  func.func @_msg_body(%arg0: i32, %arg1: memref<2000x8x16xf32, #tpu.memory_space<vmem>>, %arg2: memref<2000x128xf32, #tpu.memory_space<vmem>>, %arg3: memref<128x128xf32, #tpu.memory_space<vmem>>, %arg4: memref<1x128xf32, #tpu.memory_space<vmem>>, %arg5: memref<128x128xf32, #tpu.memory_space<vmem>>, %arg6: memref<1x128xf32, #tpu.memory_space<vmem>>, %arg7: memref<128x128xf32, #tpu.memory_space<vmem>>, %arg8: memref<1x128xf32, #tpu.memory_space<vmem>>, %arg9: memref<128x128xf32, #tpu.memory_space<vmem>>, %arg10: memref<1x128xf32, #tpu.memory_space<vmem>>, %arg11: memref<128x128xf32, #tpu.memory_space<vmem>>, %arg12: memref<1x128xf32, #tpu.memory_space<vmem>>, %arg13: memref<2000x128xf32, #tpu.memory_space<vmem>>, %arg14: memref<2000x128xf32, #tpu.memory_space<vmem>>) attributes {dimension_semantics = [#tpu.dimension_semantics<arbitrary>], iteration_bounds = array<i64: 10>, scalar_prefetch = 0 : i64, scratch_operands = 0 : i64, tpu.core_type = #tpu.core_type<tc>, window_params = [{transform_indices = @transform_0, window_bounds = array<i64: 2000, 8, 16>}, {transform_indices = @transform_1, window_bounds = array<i64: 2000, 128>}, {pipeline_mode = #tpu.pipeline_mode<synchronous>, transform_indices = @transform_2, window_bounds = array<i64: 128, 128>}, {pipeline_mode = #tpu.pipeline_mode<synchronous>, transform_indices = @transform_3, window_bounds = array<i64: 1, 128>}, {pipeline_mode = #tpu.pipeline_mode<synchronous>, transform_indices = @transform_4, window_bounds = array<i64: 128, 128>}, {pipeline_mode = #tpu.pipeline_mode<synchronous>, transform_indices = @transform_5, window_bounds = array<i64: 1, 128>}, {pipeline_mode = #tpu.pipeline_mode<synchronous>, transform_indices = @transform_6, window_bounds = array<i64: 128, 128>}, {pipeline_mode = #tpu.pipeline_mode<synchronous>, transform_indices = @transform_7, window_bounds = array<i64: 1, 128>}, {pipeline_mode = #tpu.pipeline_mode<synchronous>, transform_indices = @transform_8, window_bounds = array<i64: 128, 128>}, {pipeline_mode = #tpu.pipeline_mode<synchronous>, transform_indices = @transform_9, window_bounds = array<i64: 1, 128>}, {pipeline_mode = #tpu.pipeline_mode<synchronous>, transform_indices = @transform_10, window_bounds = array<i64: 128, 128>}, {pipeline_mode = #tpu.pipeline_mode<synchronous>, transform_indices = @transform_11, window_bounds = array<i64: 1, 128>}, {transform_indices = @transform_12, window_bounds = array<i64: 2000, 128>}, {transform_indices = @transform_13, window_bounds = array<i64: 2000, 128>}]} {
    %get3A = arith.constant 0 : index
    %get3A_0 = arith.constant 0 : index
    %get3A_1 = arith.constant 0 : index
    %get3A_2 = vector.load %arg1[%get3A, %get3A_0, %get3A_1] : memref<2000x8x16xf32, #tpu.memory_space<vmem>>, vector<2000x1x16xf32>
    %get3A_3 = vector.shape_cast %get3A_2 : vector<2000x1x16xf32> to vector<2000x16xf32>
    %get3A_4 = arith.constant 0 : index
    %get3A_5 = arith.constant 1 : index
    %get3A_6 = arith.constant 0 : index
    %get3A_7 = vector.load %arg1[%get3A_4, %get3A_5, %get3A_6] : memref<2000x8x16xf32, #tpu.memory_space<vmem>>, vector<2000x1x16xf32>
    %get3A_8 = vector.shape_cast %get3A_7 : vector<2000x1x16xf32> to vector<2000x16xf32>
    %get3A_9 = arith.constant 0 : index
    %get3A_10 = arith.constant 2 : index
    %get3A_11 = arith.constant 0 : index
    %get3A_12 = vector.load %arg1[%get3A_9, %get3A_10, %get3A_11] : memref<2000x8x16xf32, #tpu.memory_space<vmem>>, vector<2000x1x16xf32>
    %get3A_13 = vector.shape_cast %get3A_12 : vector<2000x1x16xf32> to vector<2000x16xf32>
    %get3A_14 = arith.constant 0 : index
    %get3A_15 = arith.constant 3 : index
    %get3A_16 = arith.constant 0 : index
    %get3A_17 = vector.load %arg1[%get3A_14, %get3A_15, %get3A_16] : memref<2000x8x16xf32, #tpu.memory_space<vmem>>, vector<2000x1x16xf32>
    %get3A_18 = vector.shape_cast %get3A_17 : vector<2000x1x16xf32> to vector<2000x16xf32>
    %get3A_19 = arith.constant 0 : index
    %get3A_20 = arith.constant 4 : index
    %get3A_21 = arith.constant 0 : index
    %get3A_22 = vector.load %arg1[%get3A_19, %get3A_20, %get3A_21] : memref<2000x8x16xf32, #tpu.memory_space<vmem>>, vector<2000x1x16xf32>
    %get3A_23 = vector.shape_cast %get3A_22 : vector<2000x1x16xf32> to vector<2000x16xf32>
    %get3A_24 = arith.constant 0 : index
    %get3A_25 = arith.constant 5 : index
    %get3A_26 = arith.constant 0 : index
    %get3A_27 = vector.load %arg1[%get3A_24, %get3A_25, %get3A_26] : memref<2000x8x16xf32, #tpu.memory_space<vmem>>, vector<2000x1x16xf32>
    %get3A_28 = vector.shape_cast %get3A_27 : vector<2000x1x16xf32> to vector<2000x16xf32>
    %get3A_29 = arith.constant 0 : index
    %get3A_30 = arith.constant 6 : index
    %get3A_31 = arith.constant 0 : index
    %get3A_32 = vector.load %arg1[%get3A_29, %get3A_30, %get3A_31] : memref<2000x8x16xf32, #tpu.memory_space<vmem>>, vector<2000x1x16xf32>
    %get3A_33 = vector.shape_cast %get3A_32 : vector<2000x1x16xf32> to vector<2000x16xf32>
    %get3A_34 = arith.constant 0 : index
    %get3A_35 = arith.constant 7 : index
    %get3A_36 = arith.constant 0 : index
    %get3A_37 = vector.load %arg1[%get3A_34, %get3A_35, %get3A_36] : memref<2000x8x16xf32, #tpu.memory_space<vmem>>, vector<2000x1x16xf32>
    %get3A_38 = vector.shape_cast %get3A_37 : vector<2000x1x16xf32> to vector<2000x16xf32>
    %concatenate3A = tpu.concatenate %get3A_3, %get3A_8, %get3A_13, %get3A_18, %get3A_23, %get3A_28, %get3A_33, %get3A_38 in 1 : vector<2000x16xf32>, vector<2000x16xf32>, vector<2000x16xf32>, vector<2000x16xf32>, vector<2000x16xf32>, vector<2000x16xf32>, vector<2000x16xf32>, vector<2000x16xf32> -> vector<2000x128xf32>
    %get3A_39 = arith.constant 0 : index
    %get3A_40 = arith.constant 0 : index
    %get3A_41 = vector.load %arg3[%get3A_39, %get3A_40] : memref<128x128xf32, #tpu.memory_space<vmem>>, vector<128x128xf32>
    %dot_general3A = arith.constant dense<0.000000e+00> : vector<2000x128xf32>
    %dot_general3A_42 = tpu.matmul %concatenate3A, %get3A_41, %dot_general3A {dimension_numbers = #tpu.dot_dimension_numbers<[1], [0], [0], [1], [0, 0, 1, 1], [], []>, transpose_lhs_hint = false} : vector<2000x128xf32>, vector<128x128xf32>, vector<2000x128xf32> -> vector<2000x128xf32>
    %get3A_43 = arith.constant 0 : index
    %get3A_44 = arith.constant 0 : index
    %get3A_45 = vector.load %arg4[%get3A_43, %get3A_44] : memref<1x128xf32, #tpu.memory_space<vmem>>, vector<1x128xf32>
    %add3A = vector.broadcast %get3A_45 : vector<1x128xf32> to vector<2000x128xf32>
    %add3A_46 = arith.addf %dot_general3A_42, %add3A : vector<2000x128xf32>
    %ge3A = arith.constant 0.000000e+00 : f32
    %ge3A_47 = vector.broadcast %ge3A : f32 to vector<2000x128xf32>
    %ge3A_48 = arith.cmpf oge, %add3A_46, %ge3A_47 : vector<2000x128xf32>
    %mul3A = arith.constant 0.00999999977 : f32
    %mul3A_49 = vector.broadcast %mul3A : f32 to vector<2000x128xf32>
    %mul3A_50 = arith.mulf %mul3A_49, %add3A_46 : vector<2000x128xf32>
    %select_n3A = arith.select %ge3A_48, %add3A_46, %mul3A_50 : vector<2000x128xi1>, vector<2000x128xf32>
    %get3A_51 = arith.constant 0 : index
    %get3A_52 = arith.constant 0 : index
    %get3A_53 = vector.load %arg5[%get3A_51, %get3A_52] : memref<128x128xf32, #tpu.memory_space<vmem>>, vector<128x128xf32>
    %dot_general3A_54 = arith.constant dense<0.000000e+00> : vector<2000x128xf32>
    %dot_general3A_55 = tpu.matmul %select_n3A, %get3A_53, %dot_general3A_54 {dimension_numbers = #tpu.dot_dimension_numbers<[1], [0], [0], [1], [0, 0, 1, 1], [], []>, transpose_lhs_hint = false} : vector<2000x128xf32>, vector<128x128xf32>, vector<2000x128xf32> -> vector<2000x128xf32>
    %get3A_56 = arith.constant 0 : index
    %get3A_57 = arith.constant 0 : index
    %get3A_58 = vector.load %arg6[%get3A_56, %get3A_57] : memref<1x128xf32, #tpu.memory_space<vmem>>, vector<1x128xf32>
    %add3A_59 = vector.broadcast %get3A_58 : vector<1x128xf32> to vector<2000x128xf32>
    %add3A_60 = arith.addf %dot_general3A_55, %add3A_59 : vector<2000x128xf32>
    %ge3A_61 = arith.constant 0.000000e+00 : f32
    %ge3A_62 = vector.broadcast %ge3A_61 : f32 to vector<2000x128xf32>
    %ge3A_63 = arith.cmpf oge, %add3A_60, %ge3A_62 : vector<2000x128xf32>
    %mul3A_64 = arith.constant 0.00999999977 : f32
    %mul3A_65 = vector.broadcast %mul3A_64 : f32 to vector<2000x128xf32>
    %mul3A_66 = arith.mulf %mul3A_65, %add3A_60 : vector<2000x128xf32>
    %select_n3A_67 = arith.select %ge3A_63, %add3A_60, %mul3A_66 : vector<2000x128xi1>, vector<2000x128xf32>
    %get3A_68 = arith.constant 0 : index
    %get3A_69 = arith.constant 0 : index
    %get3A_70 = vector.load %arg7[%get3A_68, %get3A_69] : memref<128x128xf32, #tpu.memory_space<vmem>>, vector<128x128xf32>
    %dot_general3A_71 = arith.constant dense<0.000000e+00> : vector<2000x128xf32>
    %dot_general3A_72 = tpu.matmul %select_n3A_67, %get3A_70, %dot_general3A_71 {dimension_numbers = #tpu.dot_dimension_numbers<[1], [0], [0], [1], [0, 0, 1, 1], [], []>, transpose_lhs_hint = false} : vector<2000x128xf32>, vector<128x128xf32>, vector<2000x128xf32> -> vector<2000x128xf32>
    %get3A_73 = arith.constant 0 : index
    %get3A_74 = arith.constant 0 : index
    %get3A_75 = vector.load %arg2[%get3A_73, %get3A_74] : memref<2000x128xf32, #tpu.memory_space<vmem>>, vector<2000x128xf32>
    %add3A_76 = arith.addf %dot_general3A_72, %get3A_75 : vector<2000x128xf32>
    %get3A_77 = arith.constant 0 : index
    %get3A_78 = arith.constant 0 : index
    %get3A_79 = vector.load %arg8[%get3A_77, %get3A_78] : memref<1x128xf32, #tpu.memory_space<vmem>>, vector<1x128xf32>
    %add3A_80 = vector.broadcast %get3A_79 : vector<1x128xf32> to vector<2000x128xf32>
    %add3A_81 = arith.addf %add3A_76, %add3A_80 : vector<2000x128xf32>
    %ge3A_82 = arith.constant 0.000000e+00 : f32
    %ge3A_83 = vector.broadcast %ge3A_82 : f32 to vector<2000x128xf32>
    %ge3A_84 = arith.cmpf oge, %add3A_81, %ge3A_83 : vector<2000x128xf32>
    %mul3A_85 = arith.constant 0.00999999977 : f32
    %mul3A_86 = vector.broadcast %mul3A_85 : f32 to vector<2000x128xf32>
    %mul3A_87 = arith.mulf %mul3A_86, %add3A_81 : vector<2000x128xf32>
    %select_n3A_88 = arith.select %ge3A_84, %add3A_81, %mul3A_87 : vector<2000x128xi1>, vector<2000x128xf32>
    %get3A_89 = arith.constant 0 : index
    %get3A_90 = arith.constant 0 : index
    %get3A_91 = vector.load %arg9[%get3A_89, %get3A_90] : memref<128x128xf32, #tpu.memory_space<vmem>>, vector<128x128xf32>
    %dot_general3A_92 = arith.constant dense<0.000000e+00> : vector<2000x128xf32>
    %dot_general3A_93 = tpu.matmul %select_n3A_88, %get3A_91, %dot_general3A_92 {dimension_numbers = #tpu.dot_dimension_numbers<[1], [0], [0], [1], [0, 0, 1, 1], [], []>, transpose_lhs_hint = false} : vector<2000x128xf32>, vector<128x128xf32>, vector<2000x128xf32> -> vector<2000x128xf32>
    %get3A_94 = arith.constant 0 : index
    %get3A_95 = arith.constant 0 : index
    %get3A_96 = vector.load %arg10[%get3A_94, %get3A_95] : memref<1x128xf32, #tpu.memory_space<vmem>>, vector<1x128xf32>
    %add3A_97 = vector.broadcast %get3A_96 : vector<1x128xf32> to vector<2000x128xf32>
    %add3A_98 = arith.addf %dot_general3A_93, %add3A_97 : vector<2000x128xf32>
    %ge3A_99 = arith.constant 0.000000e+00 : f32
    %ge3A_100 = vector.broadcast %ge3A_99 : f32 to vector<2000x128xf32>
    %ge3A_101 = arith.cmpf oge, %add3A_98, %ge3A_100 : vector<2000x128xf32>
    %mul3A_102 = arith.constant 0.00999999977 : f32
    %mul3A_103 = vector.broadcast %mul3A_102 : f32 to vector<2000x128xf32>
    %mul3A_104 = arith.mulf %mul3A_103, %add3A_98 : vector<2000x128xf32>
    %select_n3A_105 = arith.select %ge3A_101, %add3A_98, %mul3A_104 : vector<2000x128xi1>, vector<2000x128xf32>
    %swap3A = arith.constant 0 : index
    %swap3A_106 = arith.constant 0 : index
    %swap3A_107 = vector.load %arg13[%swap3A, %swap3A_106] : memref<2000x128xf32, #tpu.memory_space<vmem>>, vector<2000x128xf32>
    tpu.vector_store %arg13[%swap3A, %swap3A_106], %select_n3A_105 {strides = array<i32>} : memref<2000x128xf32, #tpu.memory_space<vmem>>, vector<2000x128xf32>,
    %get3A_108 = arith.constant 0 : index
    %get3A_109 = arith.constant 0 : index
    %get3A_110 = vector.load %arg11[%get3A_108, %get3A_109] : memref<128x128xf32, #tpu.memory_space<vmem>>, vector<128x128xf32>
    %dot_general3A_111 = arith.constant dense<0.000000e+00> : vector<2000x128xf32>
    %dot_general3A_112 = tpu.matmul %select_n3A_88, %get3A_110, %dot_general3A_111 {dimension_numbers = #tpu.dot_dimension_numbers<[1], [0], [0], [1], [0, 0, 1, 1], [], []>, transpose_lhs_hint = false} : vector<2000x128xf32>, vector<128x128xf32>, vector<2000x128xf32> -> vector<2000x128xf32>
    %get3A_113 = arith.constant 0 : index
    %get3A_114 = arith.constant 0 : index
    %get3A_115 = vector.load %arg12[%get3A_113, %get3A_114] : memref<1x128xf32, #tpu.memory_space<vmem>>, vector<1x128xf32>
    %add3A_116 = vector.broadcast %get3A_115 : vector<1x128xf32> to vector<2000x128xf32>
    %add3A_117 = arith.addf %dot_general3A_112, %add3A_116 : vector<2000x128xf32>
    %ge3A_118 = arith.constant 0.000000e+00 : f32
    %ge3A_119 = vector.broadcast %ge3A_118 : f32 to vector<2000x128xf32>
    %ge3A_120 = arith.cmpf oge, %add3A_117, %ge3A_119 : vector<2000x128xf32>
    %mul3A_121 = arith.constant 0.00999999977 : f32
    %mul3A_122 = vector.broadcast %mul3A_121 : f32 to vector<2000x128xf32>
    %mul3A_123 = arith.mulf %mul3A_122, %add3A_117 : vector<2000x128xf32>
    %select_n3A_124 = arith.select %ge3A_120, %add3A_117, %mul3A_123 : vector<2000x128xi1>, vector<2000x128xf32>
    %swap3A_125 = arith.constant 0 : index
    %swap3A_126 = arith.constant 0 : index
    %swap3A_127 = vector.load %arg14[%swap3A_125, %swap3A_126] : memref<2000x128xf32, #tpu.memory_space<vmem>>, vector<2000x128xf32>
    tpu.vector_store %arg14[%swap3A_125, %swap3A_126], %select_n3A_124 {strides = array<i32>} : memref<2000x128xf32, #tpu.memory_space<vmem>>, vector<2000x128xf32>,
    return
  }
  func.func @transform_0(%arg0: i32) -> (i32, i32, i32) {
    %add3A = arith.constant 10 : i32
    %add3A_0 = arith.addi %arg0, %add3A : i32
    %c0_i32 = arith.constant 0 : i32
    %c0_i32_1 = arith.constant 0 : i32
    %c0_i32_2 = arith.constant 0 : i32
    return %add3A_0, %c0_i32, %c0_i32_1 : i32, i32, i32
  }
  func.func @transform_1(%arg0: i32) -> (i32, i32) {
    %c0_i32 = arith.constant 0 : i32
    %c0_i32_0 = arith.constant 0 : i32
    return %arg0, %c0_i32 : i32, i32
  }
  func.func @transform_2(%arg0: i32) -> (i32, i32) {
    %c0_i32 = arith.constant 0 : i32
    %c0_i32_0 = arith.constant 0 : i32
    %c0_i32_1 = arith.constant 0 : i32
    return %c0_i32, %c0_i32_0 : i32, i32
  }
  func.func @transform_3(%arg0: i32) -> (i32, i32) {
    %c0_i32 = arith.constant 0 : i32
    %c0_i32_0 = arith.constant 0 : i32
    %c0_i32_1 = arith.constant 0 : i32
    return %c0_i32, %c0_i32_0 : i32, i32
  }
  func.func @transform_4(%arg0: i32) -> (i32, i32) {
    %c0_i32 = arith.constant 0 : i32
    %c0_i32_0 = arith.constant 0 : i32
    %c0_i32_1 = arith.constant 0 : i32
    return %c0_i32, %c0_i32_0 : i32, i32
  }
  func.func @transform_5(%arg0: i32) -> (i32, i32) {
    %c0_i32 = arith.constant 0 : i32
    %c0_i32_0 = arith.constant 0 : i32
    %c0_i32_1 = arith.constant 0 : i32
    return %c0_i32, %c0_i32_0 : i32, i32
  }
  func.func @transform_6(%arg0: i32) -> (i32, i32) {
    %c0_i32 = arith.constant 0 : i32
    %c0_i32_0 = arith.constant 0 : i32
    %c0_i32_1 = arith.constant 0 : i32
    return %c0_i32, %c0_i32_0 : i32, i32
  }
  func.func @transform_7(%arg0: i32) -> (i32, i32) {
    %c0_i32 = arith.constant 0 : i32
    %c0_i32_0 = arith.constant 0 : i32
    %c0_i32_1 = arith.constant 0 : i32
    return %c0_i32, %c0_i32_0 : i32, i32
  }
  func.func @transform_8(%arg0: i32) -> (i32, i32) {
    %c0_i32 = arith.constant 0 : i32
    %c0_i32_0 = arith.constant 0 : i32
    %c0_i32_1 = arith.constant 0 : i32
    return %c0_i32, %c0_i32_0 : i32, i32
  }
  func.func @transform_9(%arg0: i32) -> (i32, i32) {
    %c0_i32 = arith.constant 0 : i32
    %c0_i32_0 = arith.constant 0 : i32
    %c0_i32_1 = arith.constant 0 : i32
    return %c0_i32, %c0_i32_0 : i32, i32
  }
  func.func @transform_10(%arg0: i32) -> (i32, i32) {
    %c0_i32 = arith.constant 0 : i32
    %c0_i32_0 = arith.constant 0 : i32
    %c0_i32_1 = arith.constant 0 : i32
    return %c0_i32, %c0_i32_0 : i32, i32
  }
  func.func @transform_11(%arg0: i32) -> (i32, i32) {
    %c0_i32 = arith.constant 0 : i32
    %c0_i32_0 = arith.constant 0 : i32
    %c0_i32_1 = arith.constant 0 : i32
    return %c0_i32, %c0_i32_0 : i32, i32
  }
  func.func @transform_12(%arg0: i32) -> (i32, i32) {
    %c0_i32 = arith.constant 0 : i32
    %c0_i32_0 = arith.constant 0 : i32
    return %arg0, %c0_i32 : i32, i32
  }
  func.func @transform_13(%arg0: i32) -> (i32, i32) {
    %c0_i32 = arith.constant 0 : i32
    %c0_i32_0 = arith.constant 0 : i32
    return %arg0, %c0_i32 : i32, i32
  }
}

module attributes {stable_mosaic.version = 14 : i64} {
  func.func @_post_body(%arg0: i32, %arg1: memref<2x2000x16xf32, #tpu.memory_space<vmem>>, %arg2: memref<2x2000x16xf32, #tpu.memory_space<vmem>>, %arg3: memref<2000x128xf32, #tpu.memory_space<vmem>>, %arg4: memref<1x16xf32, #tpu.memory_space<vmem>>, %arg5: memref<1x16xf32, #tpu.memory_space<vmem>>, %arg6: memref<1x16xf32, #tpu.memory_space<vmem>>, %arg7: memref<1x16xf32, #tpu.memory_space<vmem>>, %arg8: memref<1x128xf32, #tpu.memory_space<vmem>>, %arg9: memref<1x128xf32, #tpu.memory_space<vmem>>, %arg10: memref<16x32xf32, #tpu.memory_space<vmem>>, %arg11: memref<16x32xf32, #tpu.memory_space<vmem>>, %arg12: memref<128x32xf32, #tpu.memory_space<vmem>>, %arg13: memref<1x32xf32, #tpu.memory_space<vmem>>, %arg14: memref<32x32xf32, #tpu.memory_space<vmem>>, %arg15: memref<1x32xf32, #tpu.memory_space<vmem>>, %arg16: memref<32x128xf32, #tpu.memory_space<vmem>>, %arg17: memref<1x128xf32, #tpu.memory_space<vmem>>, %arg18: memref<2000x128xf32, #tpu.memory_space<vmem>>) attributes {dimension_semantics = [#tpu.dimension_semantics<arbitrary>], iteration_bounds = array<i64: 5>, scalar_prefetch = 0 : i64, scratch_operands = 0 : i64, tpu.core_type = #tpu.core_type<tc>, window_params = [{transform_indices = @transform_0, window_bounds = array<i64: 2, 2000, 16>}, {transform_indices = @transform_1, window_bounds = array<i64: 2, 2000, 16>}, {transform_indices = @transform_2, window_bounds = array<i64: 2000, 128>}, {pipeline_mode = #tpu.pipeline_mode<synchronous>, transform_indices = @transform_3, window_bounds = array<i64: 1, 16>}, {pipeline_mode = #tpu.pipeline_mode<synchronous>, transform_indices = @transform_4, window_bounds = array<i64: 1, 16>}, {pipeline_mode = #tpu.pipeline_mode<synchronous>, transform_indices = @transform_5, window_bounds = array<i64: 1, 16>}, {pipeline_mode = #tpu.pipeline_mode<synchronous>, transform_indices = @transform_6, window_bounds = array<i64: 1, 16>}, {pipeline_mode = #tpu.pipeline_mode<synchronous>, transform_indices = @transform_7, window_bounds = array<i64: 1, 128>}, {pipeline_mode = #tpu.pipeline_mode<synchronous>, transform_indices = @transform_8, window_bounds = array<i64: 1, 128>}, {pipeline_mode = #tpu.pipeline_mode<synchronous>, transform_indices = @transform_9, window_bounds = array<i64: 16, 32>}, {pipeline_mode = #tpu.pipeline_mode<synchronous>, transform_indices = @transform_10, window_bounds = array<i64: 16, 32>}, {pipeline_mode = #tpu.pipeline_mode<synchronous>, transform_indices = @transform_11, window_bounds = array<i64: 128, 32>}, {pipeline_mode = #tpu.pipeline_mode<synchronous>, transform_indices = @transform_12, window_bounds = array<i64: 1, 32>}, {pipeline_mode = #tpu.pipeline_mode<synchronous>, transform_indices = @transform_13, window_bounds = array<i64: 32, 32>}, {pipeline_mode = #tpu.pipeline_mode<synchronous>, transform_indices = @transform_14, window_bounds = array<i64: 1, 32>}, {pipeline_mode = #tpu.pipeline_mode<synchronous>, transform_indices = @transform_15, window_bounds = array<i64: 32, 128>}, {pipeline_mode = #tpu.pipeline_mode<synchronous>, transform_indices = @transform_16, window_bounds = array<i64: 1, 128>}, {transform_indices = @transform_17, window_bounds = array<i64: 2000, 128>}]} {
    %get3A = arith.constant 0 : index
    %get3A_0 = arith.constant 0 : index
    %get3A_1 = arith.constant 0 : index
    %get3A_2 = vector.load %arg1[%get3A, %get3A_0, %get3A_1] : memref<2x2000x16xf32, #tpu.memory_space<vmem>>, vector<1x2000x16xf32>
    %get3A_3 = vector.shape_cast %get3A_2 : vector<1x2000x16xf32> to vector<2000x16xf32>
    %get3A_4 = arith.constant 1 : index
    %get3A_5 = arith.constant 0 : index
    %get3A_6 = arith.constant 0 : index
    %get3A_7 = vector.load %arg1[%get3A_4, %get3A_5, %get3A_6] : memref<2x2000x16xf32, #tpu.memory_space<vmem>>, vector<1x2000x16xf32>
    %get3A_8 = vector.shape_cast %get3A_7 : vector<1x2000x16xf32> to vector<2000x16xf32>
    %add3A = arith.addf %get3A_3, %get3A_8 : vector<2000x16xf32>
    %get3A_9 = arith.constant 0 : index
    %get3A_10 = arith.constant 0 : index
    %get3A_11 = arith.constant 0 : index
    %get3A_12 = vector.load %arg2[%get3A_9, %get3A_10, %get3A_11] : memref<2x2000x16xf32, #tpu.memory_space<vmem>>, vector<1x2000x16xf32>
    %get3A_13 = vector.shape_cast %get3A_12 : vector<1x2000x16xf32> to vector<2000x16xf32>
    %get3A_14 = arith.constant 1 : index
    %get3A_15 = arith.constant 0 : index
    %get3A_16 = arith.constant 0 : index
    %get3A_17 = vector.load %arg2[%get3A_14, %get3A_15, %get3A_16] : memref<2x2000x16xf32, #tpu.memory_space<vmem>>, vector<1x2000x16xf32>
    %get3A_18 = vector.shape_cast %get3A_17 : vector<1x2000x16xf32> to vector<2000x16xf32>
    %add3A_19 = arith.addf %get3A_13, %get3A_18 : vector<2000x16xf32>
    %get3A_20 = arith.constant 0 : index
    %get3A_21 = arith.constant 0 : index
    %get3A_22 = vector.load %arg3[%get3A_20, %get3A_21] : memref<2000x128xf32, #tpu.memory_space<vmem>>, vector<2000x128xf32>
    %reduce_sum3A = arith.constant dense<0.000000e+00> : vector<2000xf32>
    %reduce_sum3A_23 = vector.multi_reduction <add>, %add3A, %reduce_sum3A [1] : vector<2000x16xf32> to vector<2000xf32>
    %broadcast_in_dim3A = vector.shape_cast %reduce_sum3A_23 : vector<2000xf32> to vector<2000x1xf32>
    %reduce_sum3A_24 = arith.constant dense<0.000000e+00> : vector<2000xf32>
    %reduce_sum3A_25 = vector.multi_reduction <add>, %add3A_19, %reduce_sum3A_24 [1] : vector<2000x16xf32> to vector<2000xf32>
    %broadcast_in_dim3A_26 = vector.shape_cast %reduce_sum3A_25 : vector<2000xf32> to vector<2000x1xf32>
    %add3A_27 = arith.addf %broadcast_in_dim3A, %broadcast_in_dim3A_26 : vector<2000x1xf32>
    %reduce_sum3A_28 = arith.constant dense<0.000000e+00> : vector<2000xf32>
    %reduce_sum3A_29 = vector.multi_reduction <add>, %get3A_22, %reduce_sum3A_28 [1] : vector<2000x128xf32> to vector<2000xf32>
    %broadcast_in_dim3A_30 = vector.shape_cast %reduce_sum3A_29 : vector<2000xf32> to vector<2000x1xf32>
    %add3A_31 = arith.addf %add3A_27, %broadcast_in_dim3A_30 : vector<2000x1xf32>
    %div3A = arith.constant 1.600000e+02 : f32
    %div3A_32 = vector.broadcast %div3A : f32 to vector<2000x1xf32>
    %div3A_33 = arith.divf %add3A_31, %div3A_32 : vector<2000x1xf32>
    %sub3A = vector.broadcast %div3A_33 : vector<2000x1xf32> to vector<2000x16xf32>
    %sub3A_34 = arith.subf %add3A, %sub3A : vector<2000x16xf32>
    %sub3A_35 = vector.broadcast %div3A_33 : vector<2000x1xf32> to vector<2000x16xf32>
    %sub3A_36 = arith.subf %add3A_19, %sub3A_35 : vector<2000x16xf32>
    %sub3A_37 = vector.broadcast %div3A_33 : vector<2000x1xf32> to vector<2000x128xf32>
    %sub3A_38 = arith.subf %get3A_22, %sub3A_37 : vector<2000x128xf32>
    %mul3A = arith.mulf %sub3A_34, %sub3A_34 : vector<2000x16xf32>
    %reduce_sum3A_39 = arith.constant dense<0.000000e+00> : vector<2000xf32>
    %reduce_sum3A_40 = vector.multi_reduction <add>, %mul3A, %reduce_sum3A_39 [1] : vector<2000x16xf32> to vector<2000xf32>
    %broadcast_in_dim3A_41 = vector.shape_cast %reduce_sum3A_40 : vector<2000xf32> to vector<2000x1xf32>
    %mul3A_42 = arith.mulf %sub3A_36, %sub3A_36 : vector<2000x16xf32>
    %reduce_sum3A_43 = arith.constant dense<0.000000e+00> : vector<2000xf32>
    %reduce_sum3A_44 = vector.multi_reduction <add>, %mul3A_42, %reduce_sum3A_43 [1] : vector<2000x16xf32> to vector<2000xf32>
    %broadcast_in_dim3A_45 = vector.shape_cast %reduce_sum3A_44 : vector<2000xf32> to vector<2000x1xf32>
    %add3A_46 = arith.addf %broadcast_in_dim3A_41, %broadcast_in_dim3A_45 : vector<2000x1xf32>
    %mul3A_47 = arith.mulf %sub3A_38, %sub3A_38 : vector<2000x128xf32>
    %reduce_sum3A_48 = arith.constant dense<0.000000e+00> : vector<2000xf32>
    %reduce_sum3A_49 = vector.multi_reduction <add>, %mul3A_47, %reduce_sum3A_48 [1] : vector<2000x128xf32> to vector<2000xf32>
    %broadcast_in_dim3A_50 = vector.shape_cast %reduce_sum3A_49 : vector<2000xf32> to vector<2000x1xf32>
    %add3A_51 = arith.addf %add3A_46, %broadcast_in_dim3A_50 : vector<2000x1xf32>
    %div3A_52 = arith.constant 1.600000e+02 : f32
    %div3A_53 = vector.broadcast %div3A_52 : f32 to vector<2000x1xf32>
    %div3A_54 = arith.divf %add3A_51, %div3A_53 : vector<2000x1xf32>
    %add3A_55 = arith.constant 9.99999974E-6 : f32
    %add3A_56 = vector.broadcast %add3A_55 : f32 to vector<2000x1xf32>
    %add3A_57 = arith.addf %div3A_54, %add3A_56 : vector<2000x1xf32>
    %rsqrt3A = math.rsqrt %add3A_57 : vector<2000x1xf32>
    %mul3A_58 = vector.broadcast %rsqrt3A : vector<2000x1xf32> to vector<2000x16xf32>
    %mul3A_59 = arith.mulf %sub3A_34, %mul3A_58 : vector<2000x16xf32>
    %get3A_60 = arith.constant 0 : index
    %get3A_61 = arith.constant 0 : index
    %get3A_62 = vector.load %arg4[%get3A_60, %get3A_61] : memref<1x16xf32, #tpu.memory_space<vmem>>, vector<1x16xf32>
    %mul3A_63 = vector.broadcast %get3A_62 : vector<1x16xf32> to vector<2000x16xf32>
    %mul3A_64 = arith.mulf %mul3A_59, %mul3A_63 : vector<2000x16xf32>
    %get3A_65 = arith.constant 0 : index
    %get3A_66 = arith.constant 0 : index
    %get3A_67 = vector.load %arg5[%get3A_65, %get3A_66] : memref<1x16xf32, #tpu.memory_space<vmem>>, vector<1x16xf32>
    %add3A_68 = vector.broadcast %get3A_67 : vector<1x16xf32> to vector<2000x16xf32>
    %add3A_69 = arith.addf %mul3A_64, %add3A_68 : vector<2000x16xf32>
    %mul3A_70 = vector.broadcast %rsqrt3A : vector<2000x1xf32> to vector<2000x16xf32>
    %mul3A_71 = arith.mulf %sub3A_36, %mul3A_70 : vector<2000x16xf32>
    %get3A_72 = arith.constant 0 : index
    %get3A_73 = arith.constant 0 : index
    %get3A_74 = vector.load %arg6[%get3A_72, %get3A_73] : memref<1x16xf32, #tpu.memory_space<vmem>>, vector<1x16xf32>
    %mul3A_75 = vector.broadcast %get3A_74 : vector<1x16xf32> to vector<2000x16xf32>
    %mul3A_76 = arith.mulf %mul3A_71, %mul3A_75 : vector<2000x16xf32>
    %get3A_77 = arith.constant 0 : index
    %get3A_78 = arith.constant 0 : index
    %get3A_79 = vector.load %arg7[%get3A_77, %get3A_78] : memref<1x16xf32, #tpu.memory_space<vmem>>, vector<1x16xf32>
    %add3A_80 = vector.broadcast %get3A_79 : vector<1x16xf32> to vector<2000x16xf32>
    %add3A_81 = arith.addf %mul3A_76, %add3A_80 : vector<2000x16xf32>
    %mul3A_82 = vector.broadcast %rsqrt3A : vector<2000x1xf32> to vector<2000x128xf32>
    %mul3A_83 = arith.mulf %sub3A_38, %mul3A_82 : vector<2000x128xf32>
    %get3A_84 = arith.constant 0 : index
    %get3A_85 = arith.constant 0 : index
    %get3A_86 = vector.load %arg8[%get3A_84, %get3A_85] : memref<1x128xf32, #tpu.memory_space<vmem>>, vector<1x128xf32>
    %mul3A_87 = vector.broadcast %get3A_86 : vector<1x128xf32> to vector<2000x128xf32>
    %mul3A_88 = arith.mulf %mul3A_83, %mul3A_87 : vector<2000x128xf32>
    %get3A_89 = arith.constant 0 : index
    %get3A_90 = arith.constant 0 : index
    %get3A_91 = vector.load %arg9[%get3A_89, %get3A_90] : memref<1x128xf32, #tpu.memory_space<vmem>>, vector<1x128xf32>
    %add3A_92 = vector.broadcast %get3A_91 : vector<1x128xf32> to vector<2000x128xf32>
    %add3A_93 = arith.addf %mul3A_88, %add3A_92 : vector<2000x128xf32>
    %get3A_94 = arith.constant 0 : index
    %get3A_95 = arith.constant 0 : index
    %get3A_96 = vector.load %arg10[%get3A_94, %get3A_95] : memref<16x32xf32, #tpu.memory_space<vmem>>, vector<16x32xf32>
    %dot_general3A = arith.constant dense<0.000000e+00> : vector<2000x32xf32>
    %dot_general3A_97 = tpu.matmul %add3A_69, %get3A_96, %dot_general3A {dimension_numbers = #tpu.dot_dimension_numbers<[1], [0], [0], [1], [0, 0, 1, 1], [], []>, transpose_lhs_hint = false} : vector<2000x16xf32>, vector<16x32xf32>, vector<2000x32xf32> -> vector<2000x32xf32>
    %get3A_98 = arith.constant 0 : index
    %get3A_99 = arith.constant 0 : index
    %get3A_100 = vector.load %arg11[%get3A_98, %get3A_99] : memref<16x32xf32, #tpu.memory_space<vmem>>, vector<16x32xf32>
    %dot_general3A_101 = arith.constant dense<0.000000e+00> : vector<2000x32xf32>
    %dot_general3A_102 = tpu.matmul %add3A_81, %get3A_100, %dot_general3A_101 {dimension_numbers = #tpu.dot_dimension_numbers<[1], [0], [0], [1], [0, 0, 1, 1], [], []>, transpose_lhs_hint = false} : vector<2000x16xf32>, vector<16x32xf32>, vector<2000x32xf32> -> vector<2000x32xf32>
    %add3A_103 = arith.addf %dot_general3A_97, %dot_general3A_102 : vector<2000x32xf32>
    %get3A_104 = arith.constant 0 : index
    %get3A_105 = arith.constant 0 : index
    %get3A_106 = vector.load %arg12[%get3A_104, %get3A_105] : memref<128x32xf32, #tpu.memory_space<vmem>>, vector<128x32xf32>
    %dot_general3A_107 = arith.constant dense<0.000000e+00> : vector<2000x32xf32>
    %dot_general3A_108 = tpu.matmul %add3A_93, %get3A_106, %dot_general3A_107 {dimension_numbers = #tpu.dot_dimension_numbers<[1], [0], [0], [1], [0, 0, 1, 1], [], []>, transpose_lhs_hint = false} : vector<2000x128xf32>, vector<128x32xf32>, vector<2000x32xf32> -> vector<2000x32xf32>
    %add3A_109 = arith.addf %add3A_103, %dot_general3A_108 : vector<2000x32xf32>
    %get3A_110 = arith.constant 0 : index
    %get3A_111 = arith.constant 0 : index
    %get3A_112 = vector.load %arg13[%get3A_110, %get3A_111] : memref<1x32xf32, #tpu.memory_space<vmem>>, vector<1x32xf32>
    %add3A_113 = vector.broadcast %get3A_112 : vector<1x32xf32> to vector<2000x32xf32>
    %add3A_114 = arith.addf %add3A_109, %add3A_113 : vector<2000x32xf32>
    %ge3A = arith.constant 0.000000e+00 : f32
    %ge3A_115 = vector.broadcast %ge3A : f32 to vector<2000x32xf32>
    %ge3A_116 = arith.cmpf oge, %add3A_114, %ge3A_115 : vector<2000x32xf32>
    %mul3A_117 = arith.constant 0.00999999977 : f32
    %mul3A_118 = vector.broadcast %mul3A_117 : f32 to vector<2000x32xf32>
    %mul3A_119 = arith.mulf %mul3A_118, %add3A_114 : vector<2000x32xf32>
    %select_n3A = arith.select %ge3A_116, %add3A_114, %mul3A_119 : vector<2000x32xi1>, vector<2000x32xf32>
    %get3A_120 = arith.constant 0 : index
    %get3A_121 = arith.constant 0 : index
    %get3A_122 = vector.load %arg14[%get3A_120, %get3A_121] : memref<32x32xf32, #tpu.memory_space<vmem>>, vector<32x32xf32>
    %dot_general3A_123 = arith.constant dense<0.000000e+00> : vector<2000x32xf32>
    %dot_general3A_124 = tpu.matmul %select_n3A, %get3A_122, %dot_general3A_123 {dimension_numbers = #tpu.dot_dimension_numbers<[1], [0], [0], [1], [0, 0, 1, 1], [], []>, transpose_lhs_hint = false} : vector<2000x32xf32>, vector<32x32xf32>, vector<2000x32xf32> -> vector<2000x32xf32>
    %get3A_125 = arith.constant 0 : index
    %get3A_126 = arith.constant 0 : index
    %get3A_127 = vector.load %arg15[%get3A_125, %get3A_126] : memref<1x32xf32, #tpu.memory_space<vmem>>, vector<1x32xf32>
    %add3A_128 = vector.broadcast %get3A_127 : vector<1x32xf32> to vector<2000x32xf32>
    %add3A_129 = arith.addf %dot_general3A_124, %add3A_128 : vector<2000x32xf32>
    %ge3A_130 = arith.constant 0.000000e+00 : f32
    %ge3A_131 = vector.broadcast %ge3A_130 : f32 to vector<2000x32xf32>
    %ge3A_132 = arith.cmpf oge, %add3A_129, %ge3A_131 : vector<2000x32xf32>
    %mul3A_133 = arith.constant 0.00999999977 : f32
    %mul3A_134 = vector.broadcast %mul3A_133 : f32 to vector<2000x32xf32>
    %mul3A_135 = arith.mulf %mul3A_134, %add3A_129 : vector<2000x32xf32>
    %select_n3A_136 = arith.select %ge3A_132, %add3A_129, %mul3A_135 : vector<2000x32xi1>, vector<2000x32xf32>
    %get3A_137 = arith.constant 0 : index
    %get3A_138 = arith.constant 0 : index
    %get3A_139 = vector.load %arg16[%get3A_137, %get3A_138] : memref<32x128xf32, #tpu.memory_space<vmem>>, vector<32x128xf32>
    %dot_general3A_140 = arith.constant dense<0.000000e+00> : vector<2000x128xf32>
    %dot_general3A_141 = tpu.matmul %select_n3A_136, %get3A_139, %dot_general3A_140 {dimension_numbers = #tpu.dot_dimension_numbers<[1], [0], [0], [1], [0, 0, 1, 1], [], []>, transpose_lhs_hint = false} : vector<2000x32xf32>, vector<32x128xf32>, vector<2000x128xf32> -> vector<2000x128xf32>
    %get3A_142 = arith.constant 0 : index
    %get3A_143 = arith.constant 0 : index
    %get3A_144 = vector.load %arg17[%get3A_142, %get3A_143] : memref<1x128xf32, #tpu.memory_space<vmem>>, vector<1x128xf32>
    %add3A_145 = vector.broadcast %get3A_144 : vector<1x128xf32> to vector<2000x128xf32>
    %add3A_146 = arith.addf %dot_general3A_141, %add3A_145 : vector<2000x128xf32>
    %swap3A = arith.constant 0 : index
    %swap3A_147 = arith.constant 0 : index
    %swap3A_148 = vector.load %arg18[%swap3A, %swap3A_147] : memref<2000x128xf32, #tpu.memory_space<vmem>>, vector<2000x128xf32>
    tpu.vector_store %arg18[%swap3A, %swap3A_147], %add3A_146 {strides = array<i32>} : memref<2000x128xf32, #tpu.memory_space<vmem>>, vector<2000x128xf32>,
    return
  }
  func.func @transform_0(%arg0: i32) -> (i32, i32, i32) {
    %c0_i32 = arith.constant 0 : i32
    %c0_i32_0 = arith.constant 0 : i32
    %c0_i32_1 = arith.constant 0 : i32
    return %c0_i32, %arg0, %c0_i32_0 : i32, i32, i32
  }
  func.func @transform_1(%arg0: i32) -> (i32, i32, i32) {
    %c0_i32 = arith.constant 0 : i32
    %c0_i32_0 = arith.constant 0 : i32
    %c0_i32_1 = arith.constant 0 : i32
    return %c0_i32, %arg0, %c0_i32_0 : i32, i32, i32
  }
  func.func @transform_2(%arg0: i32) -> (i32, i32) {
    %c0_i32 = arith.constant 0 : i32
    %c0_i32_0 = arith.constant 0 : i32
    return %arg0, %c0_i32 : i32, i32
  }
  func.func @transform_3(%arg0: i32) -> (i32, i32) {
    %c0_i32 = arith.constant 0 : i32
    %c0_i32_0 = arith.constant 0 : i32
    %c0_i32_1 = arith.constant 0 : i32
    return %c0_i32, %c0_i32_0 : i32, i32
  }
  func.func @transform_4(%arg0: i32) -> (i32, i32) {
    %c0_i32 = arith.constant 0 : i32
    %c0_i32_0 = arith.constant 0 : i32
    %c0_i32_1 = arith.constant 0 : i32
    return %c0_i32, %c0_i32_0 : i32, i32
  }
  func.func @transform_5(%arg0: i32) -> (i32, i32) {
    %c0_i32 = arith.constant 0 : i32
    %c0_i32_0 = arith.constant 0 : i32
    %c0_i32_1 = arith.constant 0 : i32
    return %c0_i32, %c0_i32_0 : i32, i32
  }
  func.func @transform_6(%arg0: i32) -> (i32, i32) {
    %c0_i32 = arith.constant 0 : i32
    %c0_i32_0 = arith.constant 0 : i32
    %c0_i32_1 = arith.constant 0 : i32
    return %c0_i32, %c0_i32_0 : i32, i32
  }
  func.func @transform_7(%arg0: i32) -> (i32, i32) {
    %c0_i32 = arith.constant 0 : i32
    %c0_i32_0 = arith.constant 0 : i32
    %c0_i32_1 = arith.constant 0 : i32
    return %c0_i32, %c0_i32_0 : i32, i32
  }
  func.func @transform_8(%arg0: i32) -> (i32, i32) {
    %c0_i32 = arith.constant 0 : i32
    %c0_i32_0 = arith.constant 0 : i32
    %c0_i32_1 = arith.constant 0 : i32
    return %c0_i32, %c0_i32_0 : i32, i32
  }
  func.func @transform_9(%arg0: i32) -> (i32, i32) {
    %c0_i32 = arith.constant 0 : i32
    %c0_i32_0 = arith.constant 0 : i32
    %c0_i32_1 = arith.constant 0 : i32
    return %c0_i32, %c0_i32_0 : i32, i32
  }
  func.func @transform_10(%arg0: i32) -> (i32, i32) {
    %c0_i32 = arith.constant 0 : i32
    %c0_i32_0 = arith.constant 0 : i32
    %c0_i32_1 = arith.constant 0 : i32
    return %c0_i32, %c0_i32_0 : i32, i32
  }
  func.func @transform_11(%arg0: i32) -> (i32, i32) {
    %c0_i32 = arith.constant 0 : i32
    %c0_i32_0 = arith.constant 0 : i32
    %c0_i32_1 = arith.constant 0 : i32
    return %c0_i32, %c0_i32_0 : i32, i32
  }
  func.func @transform_12(%arg0: i32) -> (i32, i32) {
    %c0_i32 = arith.constant 0 : i32
    %c0_i32_0 = arith.constant 0 : i32
    %c0_i32_1 = arith.constant 0 : i32
    return %c0_i32, %c0_i32_0 : i32, i32
  }
  func.func @transform_13(%arg0: i32) -> (i32, i32) {
    %c0_i32 = arith.constant 0 : i32
    %c0_i32_0 = arith.constant 0 : i32
    %c0_i32_1 = arith.constant 0 : i32
    return %c0_i32, %c0_i32_0 : i32, i32
  }
  func.func @transform_14(%arg0: i32) -> (i32, i32) {
    %c0_i32 = arith.constant 0 : i32
    %c0_i32_0 = arith.constant 0 : i32
    %c0_i32_1 = arith.constant 0 : i32
    return %c0_i32, %c0_i32_0 : i32, i32
  }
  func.func @transform_15(%arg0: i32) -> (i32, i32) {
    %c0_i32 = arith.constant 0 : i32
    %c0_i32_0 = arith.constant 0 : i32
    %c0_i32_1 = arith.constant 0 : i32
    return %c0_i32, %c0_i32_0 : i32, i32
  }
  func.func @transform_16(%arg0: i32) -> (i32, i32) {
    %c0_i32 = arith.constant 0 : i32
    %c0_i32_0 = arith.constant 0 : i32
    %c0_i32_1 = arith.constant 0 : i32
    return %c0_i32, %c0_i32_0 : i32, i32
  }
  func.func @transform_17(%arg0: i32) -> (i32, i32) {
    %c0_i32 = arith.constant 0 : i32
    %c0_i32_0 = arith.constant 0 : i32
    return %arg0, %c0_i32 : i32, i32
  }
}

</mosaic_0001>

<sc_bundles>
// kernel: kernel.10.cloned.1.call-start
scs
__scs_entry_jumppad:
0x0: {  	(pc) =	sbr.rel $0x88, $3  }
0x1: {  	(tag) =	ssettag $0x0;
	lr =	simm.s32 $0x1  }
0x2: {  	[smem:$0x3F8A] =	sst lr;
	_ =	strace $0xD0000000  }
0x3: {  	_ = 	snop  }
0x4: {  	_ = 	snop  }
0x5: {  	_ = 	snop  }
0x6: {  	_ = 	snop  }
0x7: {  	_ = 	snop  }
__scs_overlays_trampoline_lowered:
0x8: {  	[smem:$0x3F99] =	sst s0  }
0x9: {  	[smem:$0x3F9A] =	sst s1  }
0xa: {  	[smem:$0x3F9B] =	sst s2  }
0xb: {  	[smem:$0x3F9C] =	sst s3  }
0xc: {  	[smem:$0x3F9D] =	sst s4  }
0xd: {  	[smem:$0x3F9E] =	sst s5  }
0xe: {  	[smem:$0x3F9F] =	sst s6  }
0xf: {  	[smem:$0x3FA0] =	sst s7  }
0x10: {  	[smem:$0x3FA1] =	sst s8  }
0x11: {  	[smem:$0x3FA2] =	sst s9;
	s0 =	simm.s32 @!p0 $0x0  }
0x12: {  	s1 =	sld [smem:$0x3F88];
	s0 =	simm.s32 @p0 $0x1  }
0x13: {  	[smem:$0x3FA3] =	sst s0;
	s0 =	simm.s32 @!p1 $0x0  }
0x14: {  	s2 =	sld [smem:$0x3F87];
	s0 =	simm.s32 @p1 $0x1  }
0x15: {  	[smem:$0x3FA4] =	sst s0;
	s0 =	simm.s32 @!p2 $0x0  }
0x16: {  	s3 =	sld [smem:$0x3FDB];
	s0 =	simm.s32 @p2 $0x1  }
0x17: {  	s4 =	simm.s32 $0x1BF5;
	[smem:$0x3FA6] =	sst s0  }
0x18: {  	s0 =	sld [smem:$0x3F89];
	_ =	swait.ge [sflag:s4], $0x0  }
0x19: {  	s7 =	sld [smem:$0x3F8A]  }
0x1a: {  	s8 =	sadd.s32 $0xFFFFE003, lr  }
0x1b: {  	s9 =	sadd.s32 $0xFFFFFEF7, lr;
	s5 =	simm.s32 $0xFFFFFFFF;
	p2 =	slt.u32 s8, $0xFFFFF086  }
0x1c: {  	p1 =	slt.u32 s9, $0xF7A;
	s5 =	simm.s32 @!p2 $0x0  }
0x1d: {  	s5 =	simm.s32 @p1 $0x1;
	p0 =	seq.s32 s7, s2  }
0x1e: {  	s7 =	smul.u32 @!p0 $0xF7A, s2;
	p2 =	seq.s32 @!p0 s5, $0x0  }
0x1f: {  	s9 =	smul.u32 $0xF7A, s1;
	s8 =	simm.s32 @!p0 $0x1BF5;
	p2 =	por !p2, p0  }
0x20: {  	[sflag:s8] =	ssyncset.s32 @!p0 $0xFFFFF086;
	s6 =	sadd.s32 @!p0 s3, s7;
	s7 =	simm.s32 @!p0 $0x108  }
0x21: {  	s3 =	sadd.s32 s3, s9;
	s6 =	sadd.s32 @!p0 $0x88, s6;
	s7 =	simm.s32 @p2 $0x1082  }
0x22: {  	[simem:s7], [sflag:s8] =	dma.local @!p0 [hbm:s6], $0xF7A  }
0x23: {  	s9 =	sor.u32 $0xD0000000, s2;
	s6 =	simm.s32 $0x108;
	_ =	swait.ge @!p0 [sflag:s8], $0x0  }
0x24: {  	s3 =	sadd.s32 $0x88, s3;
	s6 =	simm.s32 @!p1 $0x1082;
	[sflag:s4] =	ssyncset.s32 $0xFFFFF086  }
0x25: {  	[simem:s6], [sflag:s4] =	dma.local [hbm:s3], $0xF7A  }
0x26: {  	[smem:$0x3F8A] =	sst s1;
	(tag) =	ssettag s2;
	_ =	strace s9  }
0x27: {  	s1 =	sld [smem:$0x3F9A]  }
0x28: {  	s2 =	sld [smem:$0x3F9B]  }
0x29: {  	s4 =	sld [smem:$0x3F9D]  }
0x2a: {  	p0 =	seq.s32 s5, $0x0;
	s5 =	sld [smem:$0x3F9E]  }
0x2b: {  	s6 =	sld [smem:$0x3F9F]  }
0x2c: {  	s7 =	sld [smem:$0x3FA0]  }
0x2d: {  	s3 =	simm.s32 $0x108;
	s8 =	sld [smem:$0x3FA1]  }
0x2e: {  	s3 =	simm.s32 @!p0 $0x1082;
	s9 =	sld [smem:$0x3FA2]  }
0x2f: {  	lr =	sadd.s32 s0, s3;
	s0 =	sld [smem:$0x3F99]  }
0x30: {  	s3 =	sld [smem:$0x3F9C]  }
0x31: {  	[smem:$0x3FA5] =	sst s10  }
0x32: {  	s10 =	sld [smem:$0x3FA3];
	_ =	sdelay $0x3  }
0x33: {  	p0 =	seq.s32 s10, $0x1;
	s10 =	sld [smem:$0x3FA5];
	_ =	sdelay $0x3  }
0x34: {  	[smem:$0x3FA5] =	sst s10  }
0x35: {  	s10 =	sld [smem:$0x3FA4];
	_ =	sdelay $0x3  }
0x36: {  	p1 =	seq.s32 s10, $0x1;
	s10 =	sld [smem:$0x3FA5];
	_ =	sdelay $0x3  }
0x37: {  	[smem:$0x3FA5] =	sst s10  }
0x38: {  	s10 =	sld [smem:$0x3FA6]  }
0x39: {  	_ = 	snop;
	(pc) =	sbr.ind lr, $3  }
0x3a: {  	_ = 	snop  }
0x3b: {  	_ = 	snop  }
0x3c: {  	p2 =	seq.s32 s10, $0x1;
	s10 =	sld [smem:$0x3FA5]  }
0x3d: {  	_ =	shalt  }
0x3e: {  	_ =	shalt  }
0x3f: {  	_ =	shalt  }
0x40: {  	_ =	shalt  }
0x41: {  	_ =	shalt  }
0x42: {  	_ =	shalt  }
0x43: {  	_ =	shalt  }
0x44: {  	_ =	shalt  }
0x45: {  	_ =	shalt  }
0x46: {  	_ =	shalt  }
0x47: {  	_ =	shalt  }
0x48: {  	_ =	shalt  }
0x49: {  	_ =	shalt  }
0x4a: {  	_ =	shalt  }
0x4b: {  	_ =	shalt  }
0x4c: {  	_ =	shalt  }
0x4d: {  	_ =	shalt  }
0x4e: {  	_ =	shalt  }
0x4f: {  	_ =	shalt  }
0x50: {  	_ =	shalt  }
0x51: {  	_ =	shalt  }
0x52: {  	_ =	shalt  }
0x53: {  	_ =	shalt  }
0x54: {  	_ =	shalt  }
0x55: {  	_ =	shalt  }
0x56: {  	_ =	shalt  }
0x57: {  	_ =	shalt  }
0x58: {  	_ =	shalt  }
0x59: {  	_ =	shalt  }
0x5a: {  	_ =	shalt  }
0x5b: {  	_ =	shalt  }
0x5c: {  	_ =	shalt  }
0x5d: {  	_ =	shalt  }
0x5e: {  	_ =	shalt  }
0x5f: {  	_ =	shalt  }
0x60: {  	_ =	shalt  }
0x61: {  	_ =	shalt  }
0x62: {  	_ =	shalt  }
0x63: {  	_ =	shalt  }
0x64: {  	_ =	shalt  }
0x65: {  	_ =	shalt  }
0x66: {  	_ =	shalt  }
0x67: {  	_ =	shalt  }
0x68: {  	_ =	shalt  }
0x69: {  	_ =	shalt  }
0x6a: {  	_ =	shalt  }
0x6b: {  	_ =	shalt  }
0x6c: {  	_ =	shalt  }
0x6d: {  	_ =	shalt  }
0x6e: {  	_ =	shalt  }
0x6f: {  	_ =	shalt  }
0x70: {  	_ =	shalt  }
0x71: {  	_ =	shalt  }
0x72: {  	_ =	shalt  }
0x73: {  	_ =	shalt  }
0x74: {  	_ =	shalt  }
0x75: {  	_ =	shalt  }
0x76: {  	_ =	shalt  }
0x77: {  	_ =	shalt  }
0x78: {  	_ =	shalt  }
0x79: {  	_ =	shalt  }
0x7a: {  	_ =	shalt  }
0x7b: {  	_ =	shalt  }
0x7c: {  	_ =	shalt  }
0x7d: {  	_ =	shalt  }
0x7e: {  	_ =	shalt  }
0x7f: {  	_ =	shalt  }
0x80: {  	_ =	shalt  }
0x81: {  	_ =	shalt  }
0x82: {  	_ =	shalt  }
0x83: {  	_ =	shalt  }
0x84: {  	_ =	shalt  }
0x85: {  	_ =	shalt  }
0x86: {  	_ =	shalt  }
0x87: {  	_ =	shalt  }
.Lfunc_end0:
.L_simem_size_0:
called_computation_lowered:
.L_overlay_start_0:
0x88: {  	s2 =	sld [smem:$0x3FD9]  }
0x89: {  	s3 =	sld [smem:$0x3FFE];
	_ =	sdelay $0x1  }
0x8a: {  	s1 =	srdreg.scid  }
0x8b: {  	s0 =	sand.u32 $0x1, s1  }
0x8c: {  	s17 =	sshll.u32 s0, $0xA;
	s2 =	sadd.s32 s3, s2  }
0x8d: {  	s2 =	sadd.s32 s2, s17  }
0x8e: {  	[smem:$0x3FB1] =	sst s2  }
0x8f: {  	_ = 	snop  }
0x90: {  	s2 =	sld [smem:$0x3FD0];
	(tm) =	ssettm $0x1  }
0x91: {  	s18 =	sld [smem:$0x3FFB];
	_ =	sdelay $0x3  }
0x92: {  	_ =	strace s18  }
0x93: {  	s3 =	sld [smem:$0x3FFC];
	_ =	sdelay $0x3  }
0x94: {  	_ =	strace s3  }
0x95: {  	s3 =	sld [smem:$0x3FFD];
	_ =	sdelay $0x3  }
0x96: {  	_ =	strace s3  }
0x97: {  	_ =	strace $0x8FFFFFFF  }
0x98: {  	s19 =	sld [smem:$0x3FDB];
	_ =	sdelay $0x1  }
0x99: {  	s4 =	simm.s32 $_scs_section_size  }
0x9a: {  	s5 =	simm.s32 $_size__tile_overlayer_lowered;
	s6 =	simm.s32 $_tile_overlayer_lowered  }
0x9b: {  	s22 =	simm.s32 $0x1BFF;
	s21 =	sshll.u32 s6, $0x1;
	s3 =	sadd.s32 s4, s19  }
0x9c: {  	s7 =	simm.s32 $0x0;
	s20 =	sshll.u32 s5, $0x1;
	s5 =	sadd.s32 s21, s3  }
0x9d: {  	[timem:s7], [sflag:s22] =	dma.local [hbm:s5], s20  }
0x9e: {  	_ =	swait.ge [sflag:s22], s20  }
0x9f: {  	s4 =	ssub.s32 $0x0, s20;
	[sflag:s22] =	ssyncset.done $0x0  }
0xa0: {  	[sflag:s22] =	ssyncadd.s32 s4;
	_ =	sdelay $0x1  }
0xa1: {  	s23 =	simm.s32 $0x1B8B  }
0xa2: {  	_ =	swait.ge [sflag:s23], $0x1  }
0xa3: {  	[sflag:s23] =	ssyncset.done $0x0  }
0xa4: {  	s25 =	simm.s32 $0x1B8E;
	s24 =	sld [smem:$0x3FFE];
	[sflag:s23] =	ssyncadd.s32 $0xFFFFFFFF  }
0xa5: {  	s26 =	simm.s32 $execute0_lowered;
	[smem:$0x3FD2] =	sst s25  }
0xa6: {  	s5 =	sshll.u32 s26, $0x1;
	_ =	strace $0x80000046;
	[dreg:$0x1] =	wrdreg $0xFFFFFFFF  }
0xa7: {  	s28 =	simm.s32 $_size_execute0_lowered;
	s3 =	sadd.s32 s3, s5;
	[dreg:$0x0] =	wrdreg $0x0  }
0xa8: {  	s5 =	sshll.u32 s28, $0x1;
	[dreg:$0x2] =	wrdreg s3  }
0xa9: {  	[dreg:$0x3] =	wrdreg s5  }
0xaa: {  	[dreg:$0x4] =	wrdreg $0xC0  }
0xab: {  	_ =	task [dreg:s7], $0x5FFFF  }
0xac: {  	[dreg:$0x1] =	wrdreg $0xFFFFFFFF  }
0xad: {  	[dreg:$0x0] =	wrdreg $0x60  }
0xae: {  	[dreg:$0x2] =	wrdreg s24  }
0xaf: {  	[dreg:$0x3] =	wrdreg s2  }
0xb0: {  	[dreg:$0x4] =	wrdreg $0xA  }
0xb1: {  	_ =	task.clear_ibuf [dreg:s7], $0x5FFFF;
	_ =	strace $0x90000046  }
0xb2: {  	s29 =	simm.s32 $0xA;
	_ =	strace $0x80000048  }
0xb3: {  	_ =	swait.ge [sflag:s29], $0x1  }
0xb4: {  	[sflag:s29] =	ssyncadd.s32 $0xFFFFFFFF  }
0xb5: {  	_ =	strace $0x90000048  }
0xb6: {  	_ =	sfence  }
0xb7: {  	s30 =	sld [smem:$0x0];
	_ =	sdelay $0x2  }
0xb8: {  	s31 =	sshll.u32 s1, $0xD;
	s1 =	sshrl.u32 s1, $0x2  }
0xb9: {  	s3 =	sand.u32 $0x4000, s31;
	s1 =	sadd.s32 s1, s30  }
0xba: {  	s0 =	sor.u32 s3, s0;
	s1 =	sshll.u32 s1, $0x11  }
0xbb: {  	s0 =	sor.u32 s1, s0  }
0xbc: {  	s0 =	sadd.s32 $0x8F2B, s0  }
0xbd: {  	[sflag:s0] =	ssyncadd.remote.s32 $0x1  }
0xbe: {  	_ =	sfence.sel $0xFFFF  }
0xbf: {  	[dreg:$0x0] =	wrdreg $0xFFFFFFFF;
	(pc) =	sbr.abs _section_cstart, $3  }
0xc0: {  	[dreg:$0x1] =	wrdreg $0xFFFFFFFF  }
0xc1: {  	_ =	task.clear_ibuf [dreg:s7], $0x2FFFF;
	_ =	strace $0x9FFFFFFF  }
0xc2: {  	(tm) =	ssettm $0x7FFFFFFF  }
0xc3: {  	_ =	shalt  }
tec
execute0_lowered:
.L_overlay_start_1:
0x0: {  	(tag) =	ssettag $0x1  }
0x1: {  	s1 =	srdreg.scid;
	s0 =	stileid.u32  }
0x2: {  	s22 =	sand.u32 $0x1, s1;
	s26 =	sshll.u32 s0, $0x1  }
0x3: {  	s11 =	sor.u32 s22, s26  }
0x4: {  	s10 =	rddreg [dreg:$0x0];
	s21 =	smul.u32 $0x1388, s11  }
0x5: {  	s20 =	rddreg [dreg:$0x1];
	s2 =	simm.s32 $0x0  }
0x6: {  	s4 =	simm.s32 $0x1;
	[smem:$0x7FF] =	sst s2;
	s3 =	sshrl.u32 s21, $0x3  }
0x7: {  	s1 =	rddreg [dreg:$0x2];
	_ =	strace $0x80000047;
	s3 =	sadd.s32 s20, s3  }
0x8: {  	[tilespmem:s2], [sflag:$0x1] =	stream.linear.gather [hbm4b:s3+s2], $0x3E8, $0x38;
	[tilespmem:$0x84D0] =	vst v63  }
0x9: {  	s6 =	simm.s32 $0x3E8;
	_ =	swait.ge [sflag:s4], $0x3E8  }
0xa: {  	s7 =	simm.s32 $0x7D0;
	s15 =	sadd.s32 $0x3E8, s21;
	[sflag:s4] =	ssyncset.done $0x0  }
0xb: {  	s5 =	sadd.s32 $0x7600, s10;
	s8 =	sshrl.u32 s15, $0x3;
	[sflag:s4] =	ssyncadd.s32 $0xFFFFFC18  }
0xc: {  	[tilespmem:s7], [sflag:$0x3] =	stream.indirect.gather [hbm4b:s5+s6], $0x10, s2, s6, $0xb8;
	[tilespmem:$0x84D0] =	vst v63  }
0xd: {  	s9 =	simm.s32 $0x3;
	s8 =	sadd.s32 s20, s8  }
0xe: {  	[tilespmem:s6], [sflag:$0x2] =	stream.linear.gather [hbm4b:s8+s2], $0x3E8, $0x38;
	[tilespmem:$0x84D0] =	vst v63  }
0xf: {  	s11 =	smul.u32 $0x2710, s11;
	_ =	swait.ge [sflag:s9], $0x3E80  }
0x10: {  	s23 =	sadd.s32 $0xC600, s10;
	[sflag:s9] =	ssyncset.done $0x0  }
0x11: {  	s10 =	sadd.s32 s23, s11;
	s11 =	simm.s32 $0x2;
	[sflag:s9] =	ssyncadd.s32 $0xFFFFC180  }
0x12: {  	[hbm4b:s10+s2] =	stream.linear.scatter [tilespmem:s7], [sflag:$0x5], $0x3E80, $0x38;
	[tilespmem:$0x84D0] =	vst v63  }
0x13: {  	_ =	swait.ge [sflag:s11], $0x3E8  }
0x14: {  	s18 =	sadd.s32 $0x7D0, s21;
	[sflag:s11] =	ssyncset.done $0x0  }
0x15: {  	s12 =	simm.s32 $0x4650;
	s13 =	sshrl.u32 s18, $0x3;
	[sflag:s11] =	ssyncadd.s32 $0xFFFFFC18  }
0x16: {  	[tilespmem:s12], [sflag:$0x4] =	stream.indirect.gather [hbm4b:s5+s6], $0x10, s6, s6, $0xb8;
	[tilespmem:$0x84D0] =	vst v63  }
0x17: {  	s14 =	simm.s32 $0x4;
	s13 =	sadd.s32 s20, s13  }
0x18: {  	[tilespmem:s2], [sflag:$0x1] =	stream.linear.gather [hbm4b:s13+s2], $0x3E8, $0x38;
	[tilespmem:$0x84D0] =	vst v63  }
0x19: {  	_ =	swait.ge [sflag:s14], $0x3E80  }
0x1a: {  	s15 =	sshll.u32 s15, $0x1;
	[sflag:s14] =	ssyncset.done $0x0  }
0x1b: {  	s15 =	sadd.s32 s23, s15;
	[sflag:s14] =	ssyncadd.s32 $0xFFFFC180  }
0x1c: {  	[hbm4b:s15+s2] =	stream.linear.scatter [tilespmem:s12], [sflag:$0x6], $0x3E80, $0x38;
	[tilespmem:$0x84D0] =	vst v63  }
0x1d: {  	_ =	swait.ge [sflag:s4], $0x3E8  }
0x1e: {  	[sflag:s4] =	ssyncset.done $0x0  }
0x1f: {  	s16 =	simm.s32 $0x5;
	[sflag:s4] =	ssyncadd.s32 $0xFFFFFC18  }
0x20: {  	_ =	swait.ge [sflag:s16], $0x3E80  }
0x21: {  	s24 =	sadd.s32 $0xBB8, s21;
	[sflag:s16] =	ssyncset.done $0x0  }
0x22: {  	s17 =	sshrl.u32 s24, $0x3;
	[sflag:s16] =	ssyncadd.s32 $0xFFFFC180  }
0x23: {  	[tilespmem:s7], [sflag:$0x3] =	stream.indirect.gather [hbm4b:s5+s6], $0x10, s2, s6, $0xb8;
	[tilespmem:$0x84D0] =	vst v63  }
0x24: {  	s17 =	sadd.s32 s20, s17  }
0x25: {  	[tilespmem:s6], [sflag:$0x2] =	stream.linear.gather [hbm4b:s17+s2], $0x3E8, $0x38;
	[tilespmem:$0x84D0] =	vst v63  }
0x26: {  	_ =	swait.ge [sflag:s9], $0x3E80  }
0x27: {  	s18 =	sshll.u32 s18, $0x1;
	[sflag:s9] =	ssyncset.done $0x0  }
0x28: {  	s18 =	sadd.s32 s23, s18;
	[sflag:s9] =	ssyncadd.s32 $0xFFFFC180  }
0x29: {  	[hbm4b:s18+s2] =	stream.linear.scatter [tilespmem:s7], [sflag:$0x5], $0x3E80, $0x38;
	[tilespmem:$0x84D0] =	vst v63  }
0x2a: {  	_ =	swait.ge [sflag:s11], $0x3E8  }
0x2b: {  	[sflag:s11] =	ssyncset.done $0x0  }
0x2c: {  	s19 =	simm.s32 $0x6;
	[sflag:s11] =	ssyncadd.s32 $0xFFFFFC18  }
0x2d: {  	_ =	swait.ge [sflag:s19], $0x3E80  }
0x2e: {  	s25 =	sadd.s32 $0xFA0, s21;
	[sflag:s19] =	ssyncset.done $0x0  }
0x2f: {  	s21 =	sshrl.u32 s25, $0x3;
	[sflag:s19] =	ssyncadd.s32 $0xFFFFC180  }
0x30: {  	[tilespmem:s12], [sflag:$0x4] =	stream.indirect.gather [hbm4b:s5+s6], $0x10, s6, s6, $0xb8;
	[tilespmem:$0x84D0] =	vst v63  }
0x31: {  	s20 =	sadd.s32 s20, s21  }
0x32: {  	[tilespmem:s2], [sflag:$0x1] =	stream.linear.gather [hbm4b:s20+s2], $0x3E8, $0x38;
	[tilespmem:$0x84D0] =	vst v63  }
0x33: {  	_ =	swait.ge [sflag:s14], $0x3E80  }
0x34: {  	s28 =	sshll.u32 s24, $0x1;
	[sflag:s14] =	ssyncset.done $0x0  }
0x35: {  	s21 =	sadd.s32 s23, s28;
	[sflag:s14] =	ssyncadd.s32 $0xFFFFC180  }
0x36: {  	[hbm4b:s21+s2] =	stream.linear.scatter [tilespmem:s12], [sflag:$0x6], $0x3E80, $0x38;
	[tilespmem:$0x84D0] =	vst v63  }
0x37: {  	_ =	swait.ge [sflag:s4], $0x3E8  }
0x38: {  	[sflag:s4] =	ssyncset.done $0x0  }
0x39: {  	[sflag:s4] =	ssyncadd.s32 $0xFFFFFC18  }
0x3a: {  	_ =	swait.ge [sflag:s16], $0x3E80  }
0x3b: {  	s30 =	ssub.s32 $0x2, s22;
	[sflag:s16] =	ssyncset.done $0x0  }
0x3c: {  	s31 =	sshrl.u32 s30, $0x1;
	s29 =	sshll.u32 s25, $0x1;
	[sflag:s16] =	ssyncadd.s32 $0xFFFFC180  }
0x3d: {  	[tilespmem:s7], [sflag:$0x3] =	stream.indirect.gather [hbm4b:s5+s6], $0x10, s2, s6, $0xb8;
	[tilespmem:$0x84D0] =	vst v63  }
0x3e: {  	s22 =	sadd.s32 s23, s29;
	s23 =	ssub.s32 s30, s31;
	_ =	swait.ge [sflag:s9], $0x3E80  }
0x3f: {  	s23 =	smax.u32 s23, $0x1;
	[sflag:s9] =	ssyncset.done $0x0  }
0x40: {  	p0 =	sne.s32 s23, $0x1;
	[sflag:s9] =	ssyncadd.s32 $0xFFFFC180  }
0x41: {  	[hbm4b:s22+s2] =	stream.linear.scatter [tilespmem:s7], [sflag:$0x5], $0x3E80, $0x38;
	[tilespmem:$0x84D0] =	vst v63  }
.Ltmp0:
0x42: {  	_ =	swait.ge [sflag:s19], $0x3E80;
	(pc) =	sbr.rel @!p0 .LBB2_2-.Ltmp0, $4  }
0x43: {  	[sflag:s19] =	ssyncset.done $0x0  }
0x44: {  	[sflag:s19] =	ssyncadd.s32 $0xFFFFC180  }
0x45: {  	_ =	swait.ge [sflag:s16], $0x3E80  }
0x46: {  	s23 =	sadd.s32 $0xFFFFFFFF, s23;
	[sflag:s16] =	ssyncset.done $0x0  }
.LBB2_1:
0x47: {  	p0 =	sne.s32 s23, $0x1;
	s23 =	sadd.s32 $0xFFFFFFFF, s23;
	[sflag:s16] =	ssyncadd.s32 $0xFFFFC180  }
0x48: {  	[tilespmem:s2], [sflag:$0x1] =	stream.linear.gather [hbm4b:s3+s2], $0x3E8, $0x38;
	[tilespmem:$0x84D0] =	vst v63  }
0x49: {  	_ =	swait.ge [sflag:s4], $0x3E8  }
0x4a: {  	[sflag:s4] =	ssyncset.done $0x0  }
0x4b: {  	[sflag:s4] =	ssyncadd.s32 $0xFFFFFC18  }
0x4c: {  	[tilespmem:s7], [sflag:$0x3] =	stream.indirect.gather [hbm4b:s5+s6], $0x10, s2, s6, $0xb8;
	[tilespmem:$0x84D0] =	vst v63  }
0x4d: {  	_ = 	snop  }
0x4e: {  	[tilespmem:s6], [sflag:$0x2] =	stream.linear.gather [hbm4b:s8+s2], $0x3E8, $0x38;
	[tilespmem:$0x84D0] =	vst v63  }
0x4f: {  	_ =	swait.ge [sflag:s9], $0x3E80  }
0x50: {  	[sflag:s9] =	ssyncset.done $0x0  }
0x51: {  	[sflag:s9] =	ssyncadd.s32 $0xFFFFC180  }
0x52: {  	[hbm4b:s10+s2] =	stream.linear.scatter [tilespmem:s7], [sflag:$0x5], $0x3E80, $0x38;
	[tilespmem:$0x84D0] =	vst v63  }
0x53: {  	_ =	swait.ge [sflag:s11], $0x3E8  }
0x54: {  	[sflag:s11] =	ssyncset.done $0x0  }
0x55: {  	[sflag:s11] =	ssyncadd.s32 $0xFFFFFC18  }
0x56: {  	[tilespmem:s12], [sflag:$0x4] =	stream.indirect.gather [hbm4b:s5+s6], $0x10, s6, s6, $0xb8;
	[tilespmem:$0x84D0] =	vst v63  }
0x57: {  	_ = 	snop  }
0x58: {  	[tilespmem:s2], [sflag:$0x1] =	stream.linear.gather [hbm4b:s13+s2], $0x3E8, $0x38;
	[tilespmem:$0x84D0] =	vst v63  }
0x59: {  	_ =	swait.ge [sflag:s14], $0x3E80  }
0x5a: {  	[sflag:s14] =	ssyncset.done $0x0  }
0x5b: {  	[sflag:s14] =	ssyncadd.s32 $0xFFFFC180  }
0x5c: {  	[hbm4b:s15+s2] =	stream.linear.scatter [tilespmem:s12], [sflag:$0x6], $0x3E80, $0x38;
	[tilespmem:$0x84D0] =	vst v63  }
0x5d: {  	_ =	swait.ge [sflag:s4], $0x3E8  }
0x5e: {  	[sflag:s4] =	ssyncset.done $0x0  }
0x5f: {  	[sflag:s4] =	ssyncadd.s32 $0xFFFFFC18  }
0x60: {  	_ =	swait.ge [sflag:s16], $0x3E80  }
0x61: {  	[sflag:s16] =	ssyncset.done $0x0  }
0x62: {  	[sflag:s16] =	ssyncadd.s32 $0xFFFFC180  }
0x63: {  	[tilespmem:s7], [sflag:$0x3] =	stream.indirect.gather [hbm4b:s5+s6], $0x10, s2, s6, $0xb8;
	[tilespmem:$0x84D0] =	vst v63  }
0x64: {  	_ = 	snop  }
0x65: {  	[tilespmem:s6], [sflag:$0x2] =	stream.linear.gather [hbm4b:s17+s2], $0x3E8, $0x38;
	[tilespmem:$0x84D0] =	vst v63  }
0x66: {  	_ =	swait.ge [sflag:s9], $0x3E80  }
0x67: {  	[sflag:s9] =	ssyncset.done $0x0  }
0x68: {  	[sflag:s9] =	ssyncadd.s32 $0xFFFFC180  }
0x69: {  	[hbm4b:s18+s2] =	stream.linear.scatter [tilespmem:s7], [sflag:$0x5], $0x3E80, $0x38;
	[tilespmem:$0x84D0] =	vst v63  }
0x6a: {  	_ =	swait.ge [sflag:s11], $0x3E8  }
0x6b: {  	[sflag:s11] =	ssyncset.done $0x0  }
0x6c: {  	[sflag:s11] =	ssyncadd.s32 $0xFFFFFC18  }
0x6d: {  	_ =	swait.ge [sflag:s19], $0x3E80  }
0x6e: {  	[sflag:s19] =	ssyncset.done $0x0  }
0x6f: {  	[sflag:s19] =	ssyncadd.s32 $0xFFFFC180  }
0x70: {  	[tilespmem:s12], [sflag:$0x4] =	stream.indirect.gather [hbm4b:s5+s6], $0x10, s6, s6, $0xb8;
	[tilespmem:$0x84D0] =	vst v63  }
0x71: {  	_ = 	snop  }
0x72: {  	[tilespmem:s2], [sflag:$0x1] =	stream.linear.gather [hbm4b:s20+s2], $0x3E8, $0x38;
	[tilespmem:$0x84D0] =	vst v63  }
0x73: {  	_ =	swait.ge [sflag:s14], $0x3E80  }
0x74: {  	[sflag:s14] =	ssyncset.done $0x0  }
0x75: {  	[sflag:s14] =	ssyncadd.s32 $0xFFFFC180  }
0x76: {  	[hbm4b:s21+s2] =	stream.linear.scatter [tilespmem:s12], [sflag:$0x6], $0x3E80, $0x38;
	[tilespmem:$0x84D0] =	vst v63  }
0x77: {  	_ =	swait.ge [sflag:s4], $0x3E8  }
0x78: {  	[sflag:s4] =	ssyncset.done $0x0  }
0x79: {  	[sflag:s4] =	ssyncadd.s32 $0xFFFFFC18  }
0x7a: {  	_ =	swait.ge [sflag:s16], $0x3E80  }
0x7b: {  	[sflag:s16] =	ssyncset.done $0x0  }
0x7c: {  	[sflag:s16] =	ssyncadd.s32 $0xFFFFC180  }
0x7d: {  	[tilespmem:s7], [sflag:$0x3] =	stream.indirect.gather [hbm4b:s5+s6], $0x10, s2, s6, $0xb8;
	[tilespmem:$0x84D0] =	vst v63  }
0x7e: {  	_ =	swait.ge [sflag:s9], $0x3E80  }
0x7f: {  	[sflag:s9] =	ssyncset.done $0x0  }
0x80: {  	[sflag:s9] =	ssyncadd.s32 $0xFFFFC180  }
0x81: {  	[hbm4b:s22+s2] =	stream.linear.scatter [tilespmem:s7], [sflag:$0x5], $0x3E80, $0x38;
	[tilespmem:$0x84D0] =	vst v63  }
.Ltmp1:
0x82: {  	_ =	swait.ge [sflag:s19], $0x3E80;
	(pc) =	sbr.rel @p0 .LBB2_1-.Ltmp1, $4  }
0x83: {  	[sflag:s19] =	ssyncset.done $0x0  }
0x84: {  	[sflag:s19] =	ssyncadd.s32 $0xFFFFC180  }
0x85: {  	_ =	swait.ge [sflag:s16], $0x3E80  }
0x86: {  	[sflag:s16] =	ssyncset.done $0x0  }
.LBB2_2:
0x87: {  	[sflag:s16] =	ssyncadd.s32 $0xFFFFC180  }
0x88: {  	_ =	sfence.sel $0x180000  }
0x89: {  	[bflag:$0x0] =	sbarrier.arrive $0xFFFF  }
0x8a: {  	p0 =	sne.s32 s0, $0x0;
	_ =	strace $0x90000047  }
0x8b: {  	s0 =	sadd.s32 @!p0 $0x100000, s1;
	[bflag:$0x2] =	sbarrier.arrive $0xFFFF  }
0x8c: {  	[sflag:s0] =	ssyncadd.tile.s32 @!p0 $0x1;
	_ =	shalt  }
.Lfunc_end2:
_tile_overlayer_lowered:
.L_overlay_start_2:
0x8d: {  	(tag) =	ssettag $0x2  }
0x8e: {  	s0 =	rddreg [dreg:$0x0];
	s2 =	stileid.u32  }
0x8f: {  	s1 =	rddreg [dreg:$0x1];
	p0 =	sne.s32 s2, $0x0  }
0x90: {  	s3 =	rddreg [dreg:$0x2];
	[bflag:$0x3] =	sbarrier.arrive $0xFFFF;
	s2 =	simm.s32 @!p0 $0x1C07  }
0x91: {  	[timem:s3], [sflag:s2] =	dma.local @!p0 [hbm:s0], s1  }
0x92: {  	s0 =	simm.s32 @!p0 $0x7  }
0x93: {  	_ =	swait.ge @!p0 [sflag:s0], s1  }
0x94: {  	s1 =	ssub.s32 @!p0 $0x0, s1;
	[sflag:s0] =	ssyncset.done @!p0 $0x0  }
0x95: {  	[sflag:s0] =	ssyncadd.s32 @!p0 s1  }
0x96: {  	[bflag:$0x3] =	sbarrier.arrive $0xFFFF  }
0x97: {  	_ =	shalt  }

// kernel: kernel.13.cloned.1.call-start
scs
__scs_entry_jumppad:
0x0: {  	(pc) =	sbr.rel $0x88, $3  }
0x1: {  	(tag) =	ssettag $0x0;
	lr =	simm.s32 $0x1  }
0x2: {  	[smem:$0x3F8A] =	sst lr;
	_ =	strace $0xD0000000  }
0x3: {  	_ = 	snop  }
0x4: {  	_ = 	snop  }
0x5: {  	_ = 	snop  }
0x6: {  	_ = 	snop  }
0x7: {  	_ = 	snop  }
__scs_overlays_trampoline_lowered:
0x8: {  	[smem:$0x3F99] =	sst s0  }
0x9: {  	[smem:$0x3F9A] =	sst s1  }
0xa: {  	[smem:$0x3F9B] =	sst s2  }
0xb: {  	[smem:$0x3F9C] =	sst s3  }
0xc: {  	[smem:$0x3F9D] =	sst s4  }
0xd: {  	[smem:$0x3F9E] =	sst s5  }
0xe: {  	[smem:$0x3F9F] =	sst s6  }
0xf: {  	[smem:$0x3FA0] =	sst s7  }
0x10: {  	[smem:$0x3FA1] =	sst s8  }
0x11: {  	[smem:$0x3FA2] =	sst s9;
	s0 =	simm.s32 @!p0 $0x0  }
0x12: {  	s1 =	sld [smem:$0x3F88];
	s0 =	simm.s32 @p0 $0x1  }
0x13: {  	[smem:$0x3FA3] =	sst s0;
	s0 =	simm.s32 @!p1 $0x0  }
0x14: {  	s2 =	sld [smem:$0x3F87];
	s0 =	simm.s32 @p1 $0x1  }
0x15: {  	[smem:$0x3FA4] =	sst s0;
	s0 =	simm.s32 @!p2 $0x0  }
0x16: {  	s3 =	sld [smem:$0x3FDB];
	s0 =	simm.s32 @p2 $0x1  }
0x17: {  	s4 =	simm.s32 $0x1BF5;
	[smem:$0x3FA6] =	sst s0  }
0x18: {  	s0 =	sld [smem:$0x3F89];
	_ =	swait.ge [sflag:s4], $0x0  }
0x19: {  	s7 =	sld [smem:$0x3F8A]  }
0x1a: {  	s8 =	sadd.s32 $0xFFFFE003, lr  }
0x1b: {  	s9 =	sadd.s32 $0xFFFFFEF7, lr;
	s5 =	simm.s32 $0xFFFFFFFF;
	p2 =	slt.u32 s8, $0xFFFFF086  }
0x1c: {  	p1 =	slt.u32 s9, $0xF7A;
	s5 =	simm.s32 @!p2 $0x0  }
0x1d: {  	s5 =	simm.s32 @p1 $0x1;
	p0 =	seq.s32 s7, s2  }
0x1e: {  	s7 =	smul.u32 @!p0 $0xF7A, s2;
	p2 =	seq.s32 @!p0 s5, $0x0  }
0x1f: {  	s9 =	smul.u32 $0xF7A, s1;
	s8 =	simm.s32 @!p0 $0x1BF5;
	p2 =	por !p2, p0  }
0x20: {  	[sflag:s8] =	ssyncset.s32 @!p0 $0xFFFFF086;
	s6 =	sadd.s32 @!p0 s3, s7;
	s7 =	simm.s32 @!p0 $0x108  }
0x21: {  	s3 =	sadd.s32 s3, s9;
	s6 =	sadd.s32 @!p0 $0x88, s6;
	s7 =	simm.s32 @p2 $0x1082  }
0x22: {  	[simem:s7], [sflag:s8] =	dma.local @!p0 [hbm:s6], $0xF7A  }
0x23: {  	s9 =	sor.u32 $0xD0000000, s2;
	s6 =	simm.s32 $0x108;
	_ =	swait.ge @!p0 [sflag:s8], $0x0  }
0x24: {  	s3 =	sadd.s32 $0x88, s3;
	s6 =	simm.s32 @!p1 $0x1082;
	[sflag:s4] =	ssyncset.s32 $0xFFFFF086  }
0x25: {  	[simem:s6], [sflag:s4] =	dma.local [hbm:s3], $0xF7A  }
0x26: {  	[smem:$0x3F8A] =	sst s1;
	(tag) =	ssettag s2;
	_ =	strace s9  }
0x27: {  	s1 =	sld [smem:$0x3F9A]  }
0x28: {  	s2 =	sld [smem:$0x3F9B]  }
0x29: {  	s4 =	sld [smem:$0x3F9D]  }
0x2a: {  	p0 =	seq.s32 s5, $0x0;
	s5 =	sld [smem:$0x3F9E]  }
0x2b: {  	s6 =	sld [smem:$0x3F9F]  }
0x2c: {  	s7 =	sld [smem:$0x3FA0]  }
0x2d: {  	s3 =	simm.s32 $0x108;
	s8 =	sld [smem:$0x3FA1]  }
0x2e: {  	s3 =	simm.s32 @!p0 $0x1082;
	s9 =	sld [smem:$0x3FA2]  }
0x2f: {  	lr =	sadd.s32 s0, s3;
	s0 =	sld [smem:$0x3F99]  }
0x30: {  	s3 =	sld [smem:$0x3F9C]  }
0x31: {  	[smem:$0x3FA5] =	sst s10  }
0x32: {  	s10 =	sld [smem:$0x3FA3];
	_ =	sdelay $0x3  }
0x33: {  	p0 =	seq.s32 s10, $0x1;
	s10 =	sld [smem:$0x3FA5];
	_ =	sdelay $0x3  }
0x34: {  	[smem:$0x3FA5] =	sst s10  }
0x35: {  	s10 =	sld [smem:$0x3FA4];
	_ =	sdelay $0x3  }
0x36: {  	p1 =	seq.s32 s10, $0x1;
	s10 =	sld [smem:$0x3FA5];
	_ =	sdelay $0x3  }
0x37: {  	[smem:$0x3FA5] =	sst s10  }
0x38: {  	s10 =	sld [smem:$0x3FA6]  }
0x39: {  	_ = 	snop;
	(pc) =	sbr.ind lr, $3  }
0x3a: {  	_ = 	snop  }
0x3b: {  	_ = 	snop  }
0x3c: {  	p2 =	seq.s32 s10, $0x1;
	s10 =	sld [smem:$0x3FA5]  }
0x3d: {  	_ =	shalt  }
0x3e: {  	_ =	shalt  }
0x3f: {  	_ =	shalt  }
0x40: {  	_ =	shalt  }
0x41: {  	_ =	shalt  }
0x42: {  	_ =	shalt  }
0x43: {  	_ =	shalt  }
0x44: {  	_ =	shalt  }
0x45: {  	_ =	shalt  }
0x46: {  	_ =	shalt  }
0x47: {  	_ =	shalt  }
0x48: {  	_ =	shalt  }
0x49: {  	_ =	shalt  }
0x4a: {  	_ =	shalt  }
0x4b: {  	_ =	shalt  }
0x4c: {  	_ =	shalt  }
0x4d: {  	_ =	shalt  }
0x4e: {  	_ =	shalt  }
0x4f: {  	_ =	shalt  }
0x50: {  	_ =	shalt  }
0x51: {  	_ =	shalt  }
0x52: {  	_ =	shalt  }
0x53: {  	_ =	shalt  }
0x54: {  	_ =	shalt  }
0x55: {  	_ =	shalt  }
0x56: {  	_ =	shalt  }
0x57: {  	_ =	shalt  }
0x58: {  	_ =	shalt  }
0x59: {  	_ =	shalt  }
0x5a: {  	_ =	shalt  }
0x5b: {  	_ =	shalt  }
0x5c: {  	_ =	shalt  }
0x5d: {  	_ =	shalt  }
0x5e: {  	_ =	shalt  }
0x5f: {  	_ =	shalt  }
0x60: {  	_ =	shalt  }
0x61: {  	_ =	shalt  }
0x62: {  	_ =	shalt  }
0x63: {  	_ =	shalt  }
0x64: {  	_ =	shalt  }
0x65: {  	_ =	shalt  }
0x66: {  	_ =	shalt  }
0x67: {  	_ =	shalt  }
0x68: {  	_ =	shalt  }
0x69: {  	_ =	shalt  }
0x6a: {  	_ =	shalt  }
0x6b: {  	_ =	shalt  }
0x6c: {  	_ =	shalt  }
0x6d: {  	_ =	shalt  }
0x6e: {  	_ =	shalt  }
0x6f: {  	_ =	shalt  }
0x70: {  	_ =	shalt  }
0x71: {  	_ =	shalt  }
0x72: {  	_ =	shalt  }
0x73: {  	_ =	shalt  }
0x74: {  	_ =	shalt  }
0x75: {  	_ =	shalt  }
0x76: {  	_ =	shalt  }
0x77: {  	_ =	shalt  }
0x78: {  	_ =	shalt  }
0x79: {  	_ =	shalt  }
0x7a: {  	_ =	shalt  }
0x7b: {  	_ =	shalt  }
0x7c: {  	_ =	shalt  }
0x7d: {  	_ =	shalt  }
0x7e: {  	_ =	shalt  }
0x7f: {  	_ =	shalt  }
0x80: {  	_ =	shalt  }
0x81: {  	_ =	shalt  }
0x82: {  	_ =	shalt  }
0x83: {  	_ =	shalt  }
0x84: {  	_ =	shalt  }
0x85: {  	_ =	shalt  }
0x86: {  	_ =	shalt  }
0x87: {  	_ =	shalt  }
.Lfunc_end0:
.L_simem_size_0:
called_computation.1_lowered:
.L_overlay_start_0:
0x88: {  	s2 =	sld [smem:$0x3FD9]  }
0x89: {  	s3 =	sld [smem:$0x3FFE];
	_ =	sdelay $0x1  }
0x8a: {  	s1 =	srdreg.scid  }
0x8b: {  	s0 =	sand.u32 $0x1, s1  }
0x8c: {  	s17 =	sshll.u32 s0, $0xA;
	s2 =	sadd.s32 s3, s2  }
0x8d: {  	s2 =	sadd.s32 s2, s17  }
0x8e: {  	[smem:$0x3FB1] =	sst s2  }
0x8f: {  	_ = 	snop  }
0x90: {  	s18 =	sld [smem:$0x3FD0];
	(tm) =	ssettm $0x1  }
0x91: {  	s19 =	sld [smem:$0x3FFB];
	_ =	sdelay $0x3  }
0x92: {  	_ =	strace s19  }
0x93: {  	s2 =	sld [smem:$0x3FFC];
	_ =	sdelay $0x3  }
0x94: {  	_ =	strace s2  }
0x95: {  	s2 =	sld [smem:$0x3FFD];
	_ =	sdelay $0x3  }
0x96: {  	_ =	strace s2  }
0x97: {  	_ =	strace $0x8FFFFFFF  }
0x98: {  	s20 =	sld [smem:$0x3FDB];
	_ =	sdelay $0x1  }
0x99: {  	s4 =	simm.s32 $_scs_section_size  }
0x9a: {  	s5 =	simm.s32 $_size__tile_overlayer_lowered;
	s6 =	simm.s32 $_tile_overlayer_lowered  }
0x9b: {  	s7 =	simm.s32 $0x1BFF;
	s21 =	sshll.u32 s6, $0x1;
	s4 =	sadd.s32 s4, s20  }
0x9c: {  	s22 =	simm.s32 $0x0;
	s5 =	sshll.u32 s5, $0x1;
	s6 =	sadd.s32 s21, s4  }
0x9d: {  	[timem:s22], [sflag:s7] =	dma.local [hbm:s6], s5  }
0x9e: {  	_ =	swait.ge [sflag:s7], s5  }
0x9f: {  	s5 =	ssub.s32 $0x0, s5;
	[sflag:s7] =	ssyncset.done $0x0  }
0xa0: {  	[sflag:s7] =	ssyncadd.s32 s5;
	_ =	sdelay $0x1  }
0xa1: {  	s23 =	simm.s32 $0x1B8B  }
0xa2: {  	_ =	swait.ge [sflag:s23], $0x1  }
0xa3: {  	[sflag:s23] =	ssyncset.done $0x0  }
0xa4: {  	[sflag:s23] =	ssyncadd.s32 $0xFFFFFFFF  }
0xa5: {  	s5 =	sld [smem:$0x0]  }
0xa6: {  	s6 =	sand.u32 $0xFFFFFFFE, s1  }
0xa7: {  	p0 =	sne.s32 s1, s6  }
0xa8: {  	s6 =	sshll.u32 @p0 s6, $0xE  }
0xa9: {  	s6 =	sadd.s32 @p0 $0x11B8D, s6;
	s7 =	sshll.u32 @p0 s5, $0x11  }
0xaa: {  	s6 =	sor.u32 @p0 s7, s6  }
0xab: {  	[sflag:s6] =	ssyncadd.remote.s32 @p0 $0x1;
	_ =	sdelay $0x1  }
0xac: {  	s6 =	simm.s32 @p0 $0x1B8D  }
0xad: {  	_ =	swait.eq @p0 [sflag:s6], $0x1  }
0xae: {  	[sflag:s6] =	ssyncadd.s32 @p0 $0xFFFFFFFF  }
0xaf: {  	s7 =	sshll.u32 @!p0 s1, $0xE  }
0xb0: {  	s7 =	sor.u32 @!p0 $0x4000, s7;
	s6 =	simm.s32 @!p0 $0x1B8D  }
0xb1: {  	s5 =	sshll.u32 @!p0 s5, $0x11;
	s7 =	sadd.s32 @!p0 $0x11B8D, s7;
	_ =	swait.eq @!p0 [sflag:s6], $0x1  }
0xb2: {  	s5 =	sor.u32 @!p0 s5, s7;
	[sflag:s6] =	ssyncadd.s32 @!p0 $0xFFFFFFFF  }
0xb3: {  	s25 =	simm.s32 $0x1B8E;
	s24 =	sld [smem:$0x3FFE];
	[sflag:s5] =	ssyncadd.remote.s32 @!p0 $0x1  }
0xb4: {  	s26 =	simm.s32 $execute0_lowered;
	[smem:$0x3FD2] =	sst s25  }
0xb5: {  	s6 =	sshll.u32 s26, $0x1;
	_ =	strace $0x80000049;
	[dreg:$0x1] =	wrdreg $0xFFFFFFFF  }
0xb6: {  	s28 =	simm.s32 $_size_execute0_lowered;
	s4 =	sadd.s32 s4, s6;
	[dreg:$0x0] =	wrdreg $0x0  }
0xb7: {  	s6 =	sshll.u32 s28, $0x1;
	[dreg:$0x2] =	wrdreg s4  }
0xb8: {  	[dreg:$0x3] =	wrdreg s6  }
0xb9: {  	[dreg:$0x4] =	wrdreg $0xC0  }
0xba: {  	_ =	task [dreg:s22], $0x5FFFF  }
0xbb: {  	[dreg:$0x1] =	wrdreg $0xFFFFFFFF  }
0xbc: {  	[dreg:$0x0] =	wrdreg $0x60  }
0xbd: {  	[dreg:$0x2] =	wrdreg s24  }
0xbe: {  	[dreg:$0x3] =	wrdreg s18  }
0xbf: {  	[dreg:$0x4] =	wrdreg $0x9  }
0xc0: {  	_ =	task.clear_ibuf [dreg:s22], $0x5FFFF;
	_ =	strace $0x90000049  }
0xc1: {  	s29 =	simm.s32 $0x9;
	_ =	strace $0x8000004B  }
0xc2: {  	_ =	swait.ge [sflag:s29], $0x1  }
0xc3: {  	[sflag:s29] =	ssyncadd.s32 $0xFFFFFFFF  }
0xc4: {  	_ =	strace $0x9000004B  }
0xc5: {  	_ =	sfence  }
0xc6: {  	s30 =	sld [smem:$0x0];
	_ =	sdelay $0x2  }
0xc7: {  	s31 =	sshll.u32 s1, $0xD;
	s1 =	sshrl.u32 s1, $0x2  }
0xc8: {  	s4 =	sand.u32 $0x4000, s31;
	s1 =	sadd.s32 s1, s30  }
0xc9: {  	s0 =	sor.u32 s4, s0;
	s1 =	sshll.u32 s1, $0x11  }
0xca: {  	s0 =	sor.u32 s1, s0  }
0xcb: {  	s0 =	sadd.s32 $0x8F2B, s0  }
0xcc: {  	[sflag:s0] =	ssyncadd.remote.s32 $0x1  }
0xcd: {  	_ =	sfence.sel $0xFFFF  }
0xce: {  	[dreg:$0x0] =	wrdreg $0xFFFFFFFF;
	(pc) =	sbr.abs _section_cstart, $3  }
0xcf: {  	[dreg:$0x1] =	wrdreg $0xFFFFFFFF  }
0xd0: {  	_ =	task.clear_ibuf [dreg:s22], $0x2FFFF;
	_ =	strace $0x9FFFFFFF  }
0xd1: {  	(tm) =	ssettm $0x7FFFFFFF  }
tec
execute0_lowered:
.L_overlay_start_1:
0x0: {  	(tag) =	ssettag $0x1  }
0x1: {  	s1 =	srdreg.scid;
	s0 =	stileid.u32  }
0x2: {  	s22 =	sand.u32 $0x1, s1;
	s30 =	sshll.u32 s0, $0x1  }
0x3: {  	s14 =	sor.u32 s22, s30  }
0x4: {  	s17 =	smul.u32 $0x1388, s14  }
0x5: {  	s10 =	rddreg [dreg:$0x0]  }
0x6: {  	s18 =	rddreg [dreg:$0x1];
	s2 =	simm.s32 $0x0;
	s3 =	sshrl.u32 s17, $0x3  }
0x7: {  	s4 =	simm.s32 $0x1;
	[smem:$0x7FF] =	sst s2;
	s20 =	sadd.s32 s18, s3  }
0x8: {  	s1 =	rddreg [dreg:$0x2];
	_ =	strace $0x8000004A;
	s3 =	sadd.s32 $0x4E20, s20  }
0x9: {  	[tilespmem:s2], [sflag:$0x1] =	stream.linear.gather [hbm4b:s3+s2], $0x3E8, $0x38;
	[tilespmem:$0x84D0] =	vst v63  }
0xa: {  	s7 =	simm.s32 $0x7D0;
	_ =	swait.ge [sflag:s4], $0x3E8  }
0xb: {  	s5 =	sadd.s32 $0x7600, s10;
	s6 =	sadd.s32 $0x274E8, s17;
	[sflag:s4] =	ssyncset.done $0x0  }
0xc: {  	s8 =	sshrl.u32 s6, $0x3;
	s6 =	simm.s32 $0x3E8;
	[sflag:s4] =	ssyncadd.s32 $0xFFFFFC18  }
0xd: {  	[tilespmem:s7], [sflag:$0x3] =	stream.indirect.gather [hbm4b:s5+s6], $0x10, s2, s6, $0xb8;
	[tilespmem:$0x84D0] =	vst v63  }
0xe: {  	s9 =	simm.s32 $0x3;
	s8 =	sadd.s32 s18, s8  }
0xf: {  	[tilespmem:s6], [sflag:$0x2] =	stream.linear.gather [hbm4b:s8+s2], $0x3E8, $0x38;
	[tilespmem:$0x84D0] =	vst v63  }
0x10: {  	s11 =	smul.u32 $0x2710, s14;
	_ =	swait.ge [sflag:s9], $0x3E80  }
0x11: {  	s15 =	sadd.s32 $0x5A800, s10;
	[sflag:s9] =	ssyncset.done $0x0  }
0x12: {  	s10 =	sadd.s32 s15, s11;
	s11 =	simm.s32 $0x2;
	[sflag:s9] =	ssyncadd.s32 $0xFFFFC180  }
0x13: {  	[hbm4b:s10+s2] =	stream.linear.scatter [tilespmem:s7], [sflag:$0x5], $0x3E80, $0x38;
	[tilespmem:$0x84D0] =	vst v63  }
0x14: {  	_ =	swait.ge [sflag:s11], $0x3E8  }
0x15: {  	[sflag:s11] =	ssyncset.done $0x0  }
0x16: {  	s12 =	simm.s32 $0x4650;
	[sflag:s11] =	ssyncadd.s32 $0xFFFFFC18  }
0x17: {  	[tilespmem:s12], [sflag:$0x4] =	stream.indirect.gather [hbm4b:s5+s6], $0x10, s6, s6, $0xb8;
	[tilespmem:$0x84D0] =	vst v63  }
0x18: {  	s16 =	smul.u32 $0x13880, s14;
	s14 =	simm.s32 $0x4;
	s13 =	sadd.s32 $0x4F1A, s20  }
0x19: {  	[tilespmem:s2], [sflag:$0x1] =	stream.linear.gather [hbm4b:s13+s2], $0x3E8, $0x38;
	[tilespmem:$0x84D0] =	vst v63  }
0x1a: {  	s16 =	sshrl.u32 s16, $0x3;
	_ =	swait.ge [sflag:s14], $0x3E80  }
0x1b: {  	s23 =	sadd.s32 s15, s16;
	[sflag:s14] =	ssyncset.done $0x0  }
0x1c: {  	s15 =	sadd.s32 $0x7D0, s23;
	[sflag:s14] =	ssyncadd.s32 $0xFFFFC180  }
0x1d: {  	[hbm4b:s15+s2] =	stream.linear.scatter [tilespmem:s12], [sflag:$0x6], $0x3E80, $0x38;
	[tilespmem:$0x84D0] =	vst v63  }
0x1e: {  	_ =	swait.ge [sflag:s4], $0x3E8  }
0x1f: {  	[sflag:s4] =	ssyncset.done $0x0  }
0x20: {  	s16 =	simm.s32 $0x5;
	[sflag:s4] =	ssyncadd.s32 $0xFFFFFC18  }
0x21: {  	_ =	swait.ge [sflag:s16], $0x3E80  }
0x22: {  	s17 =	sadd.s32 $0x27CB8, s17;
	[sflag:s16] =	ssyncset.done $0x0  }
0x23: {  	s17 =	sshrl.u32 s17, $0x3;
	[sflag:s16] =	ssyncadd.s32 $0xFFFFC180  }
0x24: {  	[tilespmem:s7], [sflag:$0x3] =	stream.indirect.gather [hbm4b:s5+s6], $0x10, s2, s6, $0xb8;
	[tilespmem:$0x84D0] =	vst v63  }
0x25: {  	s17 =	sadd.s32 s18, s17  }
0x26: {  	[tilespmem:s6], [sflag:$0x2] =	stream.linear.gather [hbm4b:s17+s2], $0x3E8, $0x38;
	[tilespmem:$0x84D0] =	vst v63  }
0x27: {  	_ =	swait.ge [sflag:s9], $0x3E80  }
0x28: {  	[sflag:s9] =	ssyncset.done $0x0  }
0x29: {  	s18 =	sadd.s32 $0xFA0, s23;
	[sflag:s9] =	ssyncadd.s32 $0xFFFFC180  }
0x2a: {  	[hbm4b:s18+s2] =	stream.linear.scatter [tilespmem:s7], [sflag:$0x5], $0x3E80, $0x38;
	[tilespmem:$0x84D0] =	vst v63  }
0x2b: {  	_ =	swait.ge [sflag:s11], $0x3E8  }
0x2c: {  	[sflag:s11] =	ssyncset.done $0x0  }
0x2d: {  	s19 =	simm.s32 $0x6;
	[sflag:s11] =	ssyncadd.s32 $0xFFFFFC18  }
0x2e: {  	_ =	swait.ge [sflag:s19], $0x3E80  }
0x2f: {  	[sflag:s19] =	ssyncset.done $0x0  }
0x30: {  	[sflag:s19] =	ssyncadd.s32 $0xFFFFC180  }
0x31: {  	[tilespmem:s12], [sflag:$0x4] =	stream.indirect.gather [hbm4b:s5+s6], $0x10, s6, s6, $0xb8;
	[tilespmem:$0x84D0] =	vst v63  }
0x32: {  	s20 =	sadd.s32 $0x5014, s20  }
0x33: {  	[tilespmem:s2], [sflag:$0x1] =	stream.linear.gather [hbm4b:s20+s2], $0x3E8, $0x38;
	[tilespmem:$0x84D0] =	vst v63  }
0x34: {  	_ =	swait.ge [sflag:s14], $0x3E80  }
0x35: {  	[sflag:s14] =	ssyncset.done $0x0  }
0x36: {  	s21 =	sadd.s32 $0x1770, s23;
	[sflag:s14] =	ssyncadd.s32 $0xFFFFC180  }
0x37: {  	[hbm4b:s21+s2] =	stream.linear.scatter [tilespmem:s12], [sflag:$0x6], $0x3E80, $0x38;
	[tilespmem:$0x84D0] =	vst v63  }
0x38: {  	_ =	swait.ge [sflag:s4], $0x3E8  }
0x39: {  	[sflag:s4] =	ssyncset.done $0x0  }
0x3a: {  	[sflag:s4] =	ssyncadd.s32 $0xFFFFFC18  }
0x3b: {  	_ =	swait.ge [sflag:s16], $0x3E80  }
0x3c: {  	s24 =	ssub.s32 $0x2, s22;
	[sflag:s16] =	ssyncset.done $0x0  }
0x3d: {  	s31 =	sshrl.u32 s24, $0x1;
	[sflag:s16] =	ssyncadd.s32 $0xFFFFC180  }
0x3e: {  	[tilespmem:s7], [sflag:$0x3] =	stream.indirect.gather [hbm4b:s5+s6], $0x10, s2, s6, $0xb8;
	[tilespmem:$0x84D0] =	vst v63  }
0x3f: {  	s22 =	sadd.s32 $0x1F40, s23;
	s23 =	ssub.s32 s24, s31;
	_ =	swait.ge [sflag:s9], $0x3E80  }
0x40: {  	s23 =	smax.u32 s23, $0x1;
	[sflag:s9] =	ssyncset.done $0x0  }
0x41: {  	p0 =	sne.s32 s23, $0x1;
	[sflag:s9] =	ssyncadd.s32 $0xFFFFC180  }
0x42: {  	[hbm4b:s22+s2] =	stream.linear.scatter [tilespmem:s7], [sflag:$0x5], $0x3E80, $0x38;
	[tilespmem:$0x84D0] =	vst v63  }
.Ltmp0:
0x43: {  	_ =	swait.ge [sflag:s19], $0x3E80;
	(pc) =	sbr.rel @!p0 .LBB2_2-.Ltmp0, $4  }
0x44: {  	[sflag:s19] =	ssyncset.done $0x0  }
0x45: {  	[sflag:s19] =	ssyncadd.s32 $0xFFFFC180  }
0x46: {  	_ =	swait.ge [sflag:s16], $0x3E80  }
0x47: {  	s23 =	sadd.s32 $0xFFFFFFFF, s23;
	[sflag:s16] =	ssyncset.done $0x0  }
.LBB2_1:
0x48: {  	p0 =	sne.s32 s23, $0x1;
	s23 =	sadd.s32 $0xFFFFFFFF, s23;
	[sflag:s16] =	ssyncadd.s32 $0xFFFFC180  }
0x49: {  	[tilespmem:s2], [sflag:$0x1] =	stream.linear.gather [hbm4b:s3+s2], $0x3E8, $0x38;
	[tilespmem:$0x84D0] =	vst v63  }
0x4a: {  	_ =	swait.ge [sflag:s4], $0x3E8  }
0x4b: {  	[sflag:s4] =	ssyncset.done $0x0  }
0x4c: {  	[sflag:s4] =	ssyncadd.s32 $0xFFFFFC18  }
0x4d: {  	[tilespmem:s7], [sflag:$0x3] =	stream.indirect.gather [hbm4b:s5+s6], $0x10, s2, s6, $0xb8;
	[tilespmem:$0x84D0] =	vst v63  }
0x4e: {  	_ = 	snop  }
0x4f: {  	[tilespmem:s6], [sflag:$0x2] =	stream.linear.gather [hbm4b:s8+s2], $0x3E8, $0x38;
	[tilespmem:$0x84D0] =	vst v63  }
0x50: {  	_ =	swait.ge [sflag:s9], $0x3E80  }
0x51: {  	[sflag:s9] =	ssyncset.done $0x0  }
0x52: {  	[sflag:s9] =	ssyncadd.s32 $0xFFFFC180  }
0x53: {  	[hbm4b:s10+s2] =	stream.linear.scatter [tilespmem:s7], [sflag:$0x5], $0x3E80, $0x38;
	[tilespmem:$0x84D0] =	vst v63  }
0x54: {  	_ =	swait.ge [sflag:s11], $0x3E8  }
0x55: {  	[sflag:s11] =	ssyncset.done $0x0  }
0x56: {  	[sflag:s11] =	ssyncadd.s32 $0xFFFFFC18  }
0x57: {  	[tilespmem:s12], [sflag:$0x4] =	stream.indirect.gather [hbm4b:s5+s6], $0x10, s6, s6, $0xb8;
	[tilespmem:$0x84D0] =	vst v63  }
0x58: {  	_ = 	snop  }
0x59: {  	[tilespmem:s2], [sflag:$0x1] =	stream.linear.gather [hbm4b:s13+s2], $0x3E8, $0x38;
	[tilespmem:$0x84D0] =	vst v63  }
0x5a: {  	_ =	swait.ge [sflag:s14], $0x3E80  }
0x5b: {  	[sflag:s14] =	ssyncset.done $0x0  }
0x5c: {  	[sflag:s14] =	ssyncadd.s32 $0xFFFFC180  }
0x5d: {  	[hbm4b:s15+s2] =	stream.linear.scatter [tilespmem:s12], [sflag:$0x6], $0x3E80, $0x38;
	[tilespmem:$0x84D0] =	vst v63  }
0x5e: {  	_ =	swait.ge [sflag:s4], $0x3E8  }
0x5f: {  	[sflag:s4] =	ssyncset.done $0x0  }
0x60: {  	[sflag:s4] =	ssyncadd.s32 $0xFFFFFC18  }
0x61: {  	_ =	swait.ge [sflag:s16], $0x3E80  }
0x62: {  	[sflag:s16] =	ssyncset.done $0x0  }
0x63: {  	[sflag:s16] =	ssyncadd.s32 $0xFFFFC180  }
0x64: {  	[tilespmem:s7], [sflag:$0x3] =	stream.indirect.gather [hbm4b:s5+s6], $0x10, s2, s6, $0xb8;
	[tilespmem:$0x84D0] =	vst v63  }
0x65: {  	_ = 	snop  }
0x66: {  	[tilespmem:s6], [sflag:$0x2] =	stream.linear.gather [hbm4b:s17+s2], $0x3E8, $0x38;
	[tilespmem:$0x84D0] =	vst v63  }
0x67: {  	_ =	swait.ge [sflag:s9], $0x3E80  }
0x68: {  	[sflag:s9] =	ssyncset.done $0x0  }
0x69: {  	[sflag:s9] =	ssyncadd.s32 $0xFFFFC180  }
0x6a: {  	[hbm4b:s18+s2] =	stream.linear.scatter [tilespmem:s7], [sflag:$0x5], $0x3E80, $0x38;
	[tilespmem:$0x84D0] =	vst v63  }
0x6b: {  	_ =	swait.ge [sflag:s11], $0x3E8  }
0x6c: {  	[sflag:s11] =	ssyncset.done $0x0  }
0x6d: {  	[sflag:s11] =	ssyncadd.s32 $0xFFFFFC18  }
0x6e: {  	_ =	swait.ge [sflag:s19], $0x3E80  }
0x6f: {  	[sflag:s19] =	ssyncset.done $0x0  }
0x70: {  	[sflag:s19] =	ssyncadd.s32 $0xFFFFC180  }
0x71: {  	[tilespmem:s12], [sflag:$0x4] =	stream.indirect.gather [hbm4b:s5+s6], $0x10, s6, s6, $0xb8;
	[tilespmem:$0x84D0] =	vst v63  }
0x72: {  	_ = 	snop  }
0x73: {  	[tilespmem:s2], [sflag:$0x1] =	stream.linear.gather [hbm4b:s20+s2], $0x3E8, $0x38;
	[tilespmem:$0x84D0] =	vst v63  }
0x74: {  	_ =	swait.ge [sflag:s14], $0x3E80  }
0x75: {  	[sflag:s14] =	ssyncset.done $0x0  }
0x76: {  	[sflag:s14] =	ssyncadd.s32 $0xFFFFC180  }
0x77: {  	[hbm4b:s21+s2] =	stream.linear.scatter [tilespmem:s12], [sflag:$0x6], $0x3E80, $0x38;
	[tilespmem:$0x84D0] =	vst v63  }
0x78: {  	_ =	swait.ge [sflag:s4], $0x3E8  }
0x79: {  	[sflag:s4] =	ssyncset.done $0x0  }
0x7a: {  	[sflag:s4] =	ssyncadd.s32 $0xFFFFFC18  }
0x7b: {  	_ =	swait.ge [sflag:s16], $0x3E80  }
0x7c: {  	[sflag:s16] =	ssyncset.done $0x0  }
0x7d: {  	[sflag:s16] =	ssyncadd.s32 $0xFFFFC180  }
0x7e: {  	[tilespmem:s7], [sflag:$0x3] =	stream.indirect.gather [hbm4b:s5+s6], $0x10, s2, s6, $0xb8;
	[tilespmem:$0x84D0] =	vst v63  }
0x7f: {  	_ =	swait.ge [sflag:s9], $0x3E80  }
0x80: {  	[sflag:s9] =	ssyncset.done $0x0  }
0x81: {  	[sflag:s9] =	ssyncadd.s32 $0xFFFFC180  }
0x82: {  	[hbm4b:s22+s2] =	stream.linear.scatter [tilespmem:s7], [sflag:$0x5], $0x3E80, $0x38;
	[tilespmem:$0x84D0] =	vst v63  }
.Ltmp1:
0x83: {  	_ =	swait.ge [sflag:s19], $0x3E80;
	(pc) =	sbr.rel @p0 .LBB2_1-.Ltmp1, $4  }
0x84: {  	[sflag:s19] =	ssyncset.done $0x0  }
0x85: {  	[sflag:s19] =	ssyncadd.s32 $0xFFFFC180  }
0x86: {  	_ =	swait.ge [sflag:s16], $0x3E80  }
0x87: {  	[sflag:s16] =	ssyncset.done $0x0  }
.LBB2_2:
0x88: {  	[sflag:s16] =	ssyncadd.s32 $0xFFFFC180  }
0x89: {  	_ =	sfence.sel $0x180000  }
0x8a: {  	[bflag:$0x0] =	sbarrier.arrive $0xFFFF  }
0x8b: {  	p0 =	sne.s32 s0, $0x0;
	_ =	strace $0x9000004A  }
0x8c: {  	s0 =	sadd.s32 @!p0 $0x100000, s1;
	[bflag:$0x2] =	sbarrier.arrive $0xFFFF  }
0x8d: {  	[sflag:s0] =	ssyncadd.tile.s32 @!p0 $0x1;
	_ =	shalt  }
.Lfunc_end2:
_tile_overlayer_lowered:
.L_overlay_start_2:
0x8e: {  	(tag) =	ssettag $0x2  }
0x8f: {  	s0 =	rddreg [dreg:$0x0];
	s2 =	stileid.u32  }
0x90: {  	s1 =	rddreg [dreg:$0x1];
	p0 =	sne.s32 s2, $0x0  }
0x91: {  	s3 =	rddreg [dreg:$0x2];
	[bflag:$0x3] =	sbarrier.arrive $0xFFFF;
	s2 =	simm.s32 @!p0 $0x1C07  }
0x92: {  	[timem:s3], [sflag:s2] =	dma.local @!p0 [hbm:s0], s1  }
0x93: {  	s0 =	simm.s32 @!p0 $0x7  }
0x94: {  	_ =	swait.ge @!p0 [sflag:s0], s1  }
0x95: {  	s1 =	ssub.s32 @!p0 $0x0, s1;
	[sflag:s0] =	ssyncset.done @!p0 $0x0  }
0x96: {  	[sflag:s0] =	ssyncadd.s32 @!p0 s1  }
0x97: {  	[bflag:$0x3] =	sbarrier.arrive $0xFFFF  }
0x98: {  	_ =	shalt  }

// kernel: kernel.16.cloned.1.call-start
scs
__scs_entry_jumppad:
0x0: {  	(pc) =	sbr.rel $0x88, $3  }
0x1: {  	(tag) =	ssettag $0x0;
	lr =	simm.s32 $0x1  }
0x2: {  	[smem:$0x3F8A] =	sst lr;
	_ =	strace $0xD0000000  }
0x3: {  	_ = 	snop  }
0x4: {  	_ = 	snop  }
0x5: {  	_ = 	snop  }
0x6: {  	_ = 	snop  }
0x7: {  	_ = 	snop  }
__scs_overlays_trampoline_lowered:
0x8: {  	[smem:$0x3F99] =	sst s0  }
0x9: {  	[smem:$0x3F9A] =	sst s1  }
0xa: {  	[smem:$0x3F9B] =	sst s2  }
0xb: {  	[smem:$0x3F9C] =	sst s3  }
0xc: {  	[smem:$0x3F9D] =	sst s4  }
0xd: {  	[smem:$0x3F9E] =	sst s5  }
0xe: {  	[smem:$0x3F9F] =	sst s6  }
0xf: {  	[smem:$0x3FA0] =	sst s7  }
0x10: {  	[smem:$0x3FA1] =	sst s8  }
0x11: {  	[smem:$0x3FA2] =	sst s9;
	s0 =	simm.s32 @!p0 $0x0  }
0x12: {  	s1 =	sld [smem:$0x3F88];
	s0 =	simm.s32 @p0 $0x1  }
0x13: {  	[smem:$0x3FA3] =	sst s0;
	s0 =	simm.s32 @!p1 $0x0  }
0x14: {  	s2 =	sld [smem:$0x3F87];
	s0 =	simm.s32 @p1 $0x1  }
0x15: {  	[smem:$0x3FA4] =	sst s0;
	s0 =	simm.s32 @!p2 $0x0  }
0x16: {  	s3 =	sld [smem:$0x3FDB];
	s0 =	simm.s32 @p2 $0x1  }
0x17: {  	s4 =	simm.s32 $0x1BF5;
	[smem:$0x3FA6] =	sst s0  }
0x18: {  	s0 =	sld [smem:$0x3F89];
	_ =	swait.ge [sflag:s4], $0x0  }
0x19: {  	s7 =	sld [smem:$0x3F8A]  }
0x1a: {  	s8 =	sadd.s32 $0xFFFFE003, lr  }
0x1b: {  	s9 =	sadd.s32 $0xFFFFFEF7, lr;
	s5 =	simm.s32 $0xFFFFFFFF;
	p2 =	slt.u32 s8, $0xFFFFF086  }
0x1c: {  	p1 =	slt.u32 s9, $0xF7A;
	s5 =	simm.s32 @!p2 $0x0  }
0x1d: {  	s5 =	simm.s32 @p1 $0x1;
	p0 =	seq.s32 s7, s2  }
0x1e: {  	s7 =	smul.u32 @!p0 $0xF7A, s2;
	p2 =	seq.s32 @!p0 s5, $0x0  }
0x1f: {  	s9 =	smul.u32 $0xF7A, s1;
	s8 =	simm.s32 @!p0 $0x1BF5;
	p2 =	por !p2, p0  }
0x20: {  	[sflag:s8] =	ssyncset.s32 @!p0 $0xFFFFF086;
	s6 =	sadd.s32 @!p0 s3, s7;
	s7 =	simm.s32 @!p0 $0x108  }
0x21: {  	s3 =	sadd.s32 s3, s9;
	s6 =	sadd.s32 @!p0 $0x88, s6;
	s7 =	simm.s32 @p2 $0x1082  }
0x22: {  	[simem:s7], [sflag:s8] =	dma.local @!p0 [hbm:s6], $0xF7A  }
0x23: {  	s9 =	sor.u32 $0xD0000000, s2;
	s6 =	simm.s32 $0x108;
	_ =	swait.ge @!p0 [sflag:s8], $0x0  }
0x24: {  	s3 =	sadd.s32 $0x88, s3;
	s6 =	simm.s32 @!p1 $0x1082;
	[sflag:s4] =	ssyncset.s32 $0xFFFFF086  }
0x25: {  	[simem:s6], [sflag:s4] =	dma.local [hbm:s3], $0xF7A  }
0x26: {  	[smem:$0x3F8A] =	sst s1;
	(tag) =	ssettag s2;
	_ =	strace s9  }
0x27: {  	s1 =	sld [smem:$0x3F9A]  }
0x28: {  	s2 =	sld [smem:$0x3F9B]  }
0x29: {  	s4 =	sld [smem:$0x3F9D]  }
0x2a: {  	p0 =	seq.s32 s5, $0x0;
	s5 =	sld [smem:$0x3F9E]  }
0x2b: {  	s6 =	sld [smem:$0x3F9F]  }
0x2c: {  	s7 =	sld [smem:$0x3FA0]  }
0x2d: {  	s3 =	simm.s32 $0x108;
	s8 =	sld [smem:$0x3FA1]  }
0x2e: {  	s3 =	simm.s32 @!p0 $0x1082;
	s9 =	sld [smem:$0x3FA2]  }
0x2f: {  	lr =	sadd.s32 s0, s3;
	s0 =	sld [smem:$0x3F99]  }
0x30: {  	s3 =	sld [smem:$0x3F9C]  }
0x31: {  	[smem:$0x3FA5] =	sst s10  }
0x32: {  	s10 =	sld [smem:$0x3FA3];
	_ =	sdelay $0x3  }
0x33: {  	p0 =	seq.s32 s10, $0x1;
	s10 =	sld [smem:$0x3FA5];
	_ =	sdelay $0x3  }
0x34: {  	[smem:$0x3FA5] =	sst s10  }
0x35: {  	s10 =	sld [smem:$0x3FA4];
	_ =	sdelay $0x3  }
0x36: {  	p1 =	seq.s32 s10, $0x1;
	s10 =	sld [smem:$0x3FA5];
	_ =	sdelay $0x3  }
0x37: {  	[smem:$0x3FA5] =	sst s10  }
0x38: {  	s10 =	sld [smem:$0x3FA6]  }
0x39: {  	_ = 	snop;
	(pc) =	sbr.ind lr, $3  }
0x3a: {  	_ = 	snop  }
0x3b: {  	_ = 	snop  }
0x3c: {  	p2 =	seq.s32 s10, $0x1;
	s10 =	sld [smem:$0x3FA5]  }
0x3d: {  	_ =	shalt  }
0x3e: {  	_ =	shalt  }
0x3f: {  	_ =	shalt  }
0x40: {  	_ =	shalt  }
0x41: {  	_ =	shalt  }
0x42: {  	_ =	shalt  }
0x43: {  	_ =	shalt  }
0x44: {  	_ =	shalt  }
0x45: {  	_ =	shalt  }
0x46: {  	_ =	shalt  }
0x47: {  	_ =	shalt  }
0x48: {  	_ =	shalt  }
0x49: {  	_ =	shalt  }
0x4a: {  	_ =	shalt  }
0x4b: {  	_ =	shalt  }
0x4c: {  	_ =	shalt  }
0x4d: {  	_ =	shalt  }
0x4e: {  	_ =	shalt  }
0x4f: {  	_ =	shalt  }
0x50: {  	_ =	shalt  }
0x51: {  	_ =	shalt  }
0x52: {  	_ =	shalt  }
0x53: {  	_ =	shalt  }
0x54: {  	_ =	shalt  }
0x55: {  	_ =	shalt  }
0x56: {  	_ =	shalt  }
0x57: {  	_ =	shalt  }
0x58: {  	_ =	shalt  }
0x59: {  	_ =	shalt  }
0x5a: {  	_ =	shalt  }
0x5b: {  	_ =	shalt  }
0x5c: {  	_ =	shalt  }
0x5d: {  	_ =	shalt  }
0x5e: {  	_ =	shalt  }
0x5f: {  	_ =	shalt  }
0x60: {  	_ =	shalt  }
0x61: {  	_ =	shalt  }
0x62: {  	_ =	shalt  }
0x63: {  	_ =	shalt  }
0x64: {  	_ =	shalt  }
0x65: {  	_ =	shalt  }
0x66: {  	_ =	shalt  }
0x67: {  	_ =	shalt  }
0x68: {  	_ =	shalt  }
0x69: {  	_ =	shalt  }
0x6a: {  	_ =	shalt  }
0x6b: {  	_ =	shalt  }
0x6c: {  	_ =	shalt  }
0x6d: {  	_ =	shalt  }
0x6e: {  	_ =	shalt  }
0x6f: {  	_ =	shalt  }
0x70: {  	_ =	shalt  }
0x71: {  	_ =	shalt  }
0x72: {  	_ =	shalt  }
0x73: {  	_ =	shalt  }
0x74: {  	_ =	shalt  }
0x75: {  	_ =	shalt  }
0x76: {  	_ =	shalt  }
0x77: {  	_ =	shalt  }
0x78: {  	_ =	shalt  }
0x79: {  	_ =	shalt  }
0x7a: {  	_ =	shalt  }
0x7b: {  	_ =	shalt  }
0x7c: {  	_ =	shalt  }
0x7d: {  	_ =	shalt  }
0x7e: {  	_ =	shalt  }
0x7f: {  	_ =	shalt  }
0x80: {  	_ =	shalt  }
0x81: {  	_ =	shalt  }
0x82: {  	_ =	shalt  }
0x83: {  	_ =	shalt  }
0x84: {  	_ =	shalt  }
0x85: {  	_ =	shalt  }
0x86: {  	_ =	shalt  }
0x87: {  	_ =	shalt  }
.Lfunc_end0:
.L_simem_size_0:
called_computation.2_lowered:
.L_overlay_start_0:
0x88: {  	s2 =	sld [smem:$0x3FD9]  }
0x89: {  	s3 =	sld [smem:$0x3FFE];
	_ =	sdelay $0x1  }
0x8a: {  	s1 =	srdreg.scid  }
0x8b: {  	s0 =	sand.u32 $0x1, s1  }
0x8c: {  	s17 =	sshll.u32 s0, $0xA;
	s2 =	sadd.s32 s3, s2  }
0x8d: {  	s2 =	sadd.s32 s2, s17  }
0x8e: {  	[smem:$0x3FB1] =	sst s2  }
0x8f: {  	_ = 	snop  }
0x90: {  	s18 =	sld [smem:$0x3FD0];
	(tm) =	ssettm $0x1  }
0x91: {  	s19 =	sld [smem:$0x3FFB];
	_ =	sdelay $0x3  }
0x92: {  	_ =	strace s19  }
0x93: {  	s2 =	sld [smem:$0x3FFC];
	_ =	sdelay $0x3  }
0x94: {  	_ =	strace s2  }
0x95: {  	s2 =	sld [smem:$0x3FFD];
	_ =	sdelay $0x3  }
0x96: {  	_ =	strace s2  }
0x97: {  	_ =	strace $0x8FFFFFFF  }
0x98: {  	s20 =	sld [smem:$0x3FDB];
	_ =	sdelay $0x1  }
0x99: {  	s4 =	simm.s32 $_scs_section_size  }
0x9a: {  	s5 =	simm.s32 $_size__tile_overlayer_lowered;
	s6 =	simm.s32 $_tile_overlayer_lowered  }
0x9b: {  	s7 =	simm.s32 $0x1BFF;
	s21 =	sshll.u32 s6, $0x1;
	s4 =	sadd.s32 s4, s20  }
0x9c: {  	s22 =	simm.s32 $0x0;
	s5 =	sshll.u32 s5, $0x1;
	s6 =	sadd.s32 s21, s4  }
0x9d: {  	[timem:s22], [sflag:s7] =	dma.local [hbm:s6], s5  }
0x9e: {  	_ =	swait.ge [sflag:s7], s5  }
0x9f: {  	s5 =	ssub.s32 $0x0, s5;
	[sflag:s7] =	ssyncset.done $0x0  }
0xa0: {  	[sflag:s7] =	ssyncadd.s32 s5;
	_ =	sdelay $0x1  }
0xa1: {  	s23 =	simm.s32 $0x1B8B  }
0xa2: {  	_ =	swait.ge [sflag:s23], $0x1  }
0xa3: {  	[sflag:s23] =	ssyncset.done $0x0  }
0xa4: {  	[sflag:s23] =	ssyncadd.s32 $0xFFFFFFFF  }
0xa5: {  	s5 =	sld [smem:$0x0]  }
0xa6: {  	s6 =	sand.u32 $0xFFFFFFFE, s1  }
0xa7: {  	p0 =	sne.s32 s1, s6  }
0xa8: {  	s6 =	sshll.u32 @p0 s6, $0xE  }
0xa9: {  	s6 =	sadd.s32 @p0 $0x11B8D, s6;
	s7 =	sshll.u32 @p0 s5, $0x11  }
0xaa: {  	s6 =	sor.u32 @p0 s7, s6  }
0xab: {  	[sflag:s6] =	ssyncadd.remote.s32 @p0 $0x1;
	_ =	sdelay $0x1  }
0xac: {  	s6 =	simm.s32 @p0 $0x1B8D  }
0xad: {  	_ =	swait.eq @p0 [sflag:s6], $0x1  }
0xae: {  	[sflag:s6] =	ssyncadd.s32 @p0 $0xFFFFFFFF  }
0xaf: {  	s7 =	sshll.u32 @!p0 s1, $0xE  }
0xb0: {  	s7 =	sor.u32 @!p0 $0x4000, s7;
	s6 =	simm.s32 @!p0 $0x1B8D  }
0xb1: {  	s5 =	sshll.u32 @!p0 s5, $0x11;
	s7 =	sadd.s32 @!p0 $0x11B8D, s7;
	_ =	swait.eq @!p0 [sflag:s6], $0x1  }
0xb2: {  	s5 =	sor.u32 @!p0 s5, s7;
	[sflag:s6] =	ssyncadd.s32 @!p0 $0xFFFFFFFF  }
0xb3: {  	s25 =	simm.s32 $0x1B8E;
	s24 =	sld [smem:$0x3FFE];
	[sflag:s5] =	ssyncadd.remote.s32 @!p0 $0x1  }
0xb4: {  	s26 =	simm.s32 $execute0_lowered;
	[smem:$0x3FD2] =	sst s25  }
0xb5: {  	s6 =	sshll.u32 s26, $0x1;
	_ =	strace $0x8000004C;
	[dreg:$0x1] =	wrdreg $0xFFFFFFFF  }
0xb6: {  	s28 =	simm.s32 $_size_execute0_lowered;
	s4 =	sadd.s32 s4, s6;
	[dreg:$0x0] =	wrdreg $0x0  }
0xb7: {  	s6 =	sshll.u32 s28, $0x1;
	[dreg:$0x2] =	wrdreg s4  }
0xb8: {  	[dreg:$0x3] =	wrdreg s6  }
0xb9: {  	[dreg:$0x4] =	wrdreg $0xC0  }
0xba: {  	_ =	task [dreg:s22], $0x5FFFF  }
0xbb: {  	[dreg:$0x1] =	wrdreg $0xFFFFFFFF  }
0xbc: {  	[dreg:$0x0] =	wrdreg $0x60  }
0xbd: {  	[dreg:$0x2] =	wrdreg s24  }
0xbe: {  	[dreg:$0x3] =	wrdreg s18  }
0xbf: {  	[dreg:$0x4] =	wrdreg $0x128E00  }
0xc0: {  	[dreg:$0x5] =	wrdreg $0x14FF00  }
0xc1: {  	[dreg:$0x6] =	wrdreg $0xA  }
0xc2: {  	_ =	task.clear_ibuf [dreg:s22], $0x7FFFF;
	_ =	strace $0x9000004C  }
0xc3: {  	s29 =	simm.s32 $0xA;
	_ =	strace $0x8000004E  }
0xc4: {  	_ =	swait.ge [sflag:s29], $0x1  }
0xc5: {  	[sflag:s29] =	ssyncadd.s32 $0xFFFFFFFF  }
0xc6: {  	_ =	strace $0x9000004E  }
0xc7: {  	_ =	sfence  }
0xc8: {  	s30 =	sld [smem:$0x0];
	_ =	sdelay $0x2  }
0xc9: {  	s31 =	sshll.u32 s1, $0xD;
	s1 =	sshrl.u32 s1, $0x2  }
0xca: {  	s4 =	sand.u32 $0x4000, s31;
	s1 =	sadd.s32 s1, s30  }
0xcb: {  	s0 =	sor.u32 s4, s0;
	s1 =	sshll.u32 s1, $0x11  }
0xcc: {  	s0 =	sor.u32 s1, s0  }
0xcd: {  	s0 =	sadd.s32 $0x8F2B, s0  }
0xce: {  	[sflag:s0] =	ssyncadd.remote.s32 $0x1  }
0xcf: {  	_ =	sfence.sel $0xFFFF  }
0xd0: {  	[dreg:$0x0] =	wrdreg $0xFFFFFFFF;
	(pc) =	sbr.abs _section_cstart, $3  }
0xd1: {  	[dreg:$0x1] =	wrdreg $0xFFFFFFFF  }
0xd2: {  	_ =	task.clear_ibuf [dreg:s22], $0x2FFFF;
	_ =	strace $0x9FFFFFFF  }
0xd3: {  	(tm) =	ssettm $0x7FFFFFFF  }
tec
execute0_lowered:
.L_overlay_start_1:
0x0: {  	(tag) =	ssettag $0x1  }
0x1: {  	s0 =	rddreg [dreg:$0x0]  }
0x2: {  	s1 =	rddreg [dreg:$0x1]  }
0x3: {  	s4 =	rddreg [dreg:$0x2]  }
0x4: {  	s3 =	rddreg [dreg:$0x3]  }
0x5: {  	s2 =	simm.s32 $0x0;
	s5 =	srdreg.scid;
	s6 =	stileid.u32  }
0x6: {  	p0 =	por $0x0, $0x0;
	s5 =	sand.u32 $0x1, s5;
	s7 =	smul.u32 $0x2710, s6  }
0x7: {  	s6 =	sshll.u32 s6, $0x1;
	[smem:$0x7FF] =	sst s2;
	s11 =	sadd.s32 $0x58AA00, s0  }
0x8: {  	s12 =	sadd.s32 $0x5D8C00, s0;
	s8 =	smul.u32 $0x27100, s5;
	s6 =	sor.u32 s5, s6  }
0x9: {  	s9 =	sadd.s32 $0xC600, s0;
	_ =	strace $0x8000004D;
	s10 =	smul.u32 $0x1388, s6  }
0xa: {  	[dreg:$0x5] =	wrdreg s12;
	s5 =	ssub.s32 $0x2, s5;
	s13 =	smul.u32 $0x2710, s6  }
0xb: {  	s6 =	smul.u32 $0x13880, s6;
	s14 =	sshrl.u32 s5, $0x1;
	s8 =	sadd.s32 s7, s8  }
0xc: {  	s17 =	ssub.s32 s5, s14;
	s5 =	sadd.s32 s7, s3;
	s14 =	simm.s32 $0x5  }
0xd: {  	s23 =	sshrl.u32 s10, $0x3;
	s8 =	sshrl.u32 s8, $0x3;
	s25 =	sadd.s32 s9, s13  }
0xe: {  	s26 =	sadd.s32 $0x4E5E8, s10;
	s13 =	sadd.s32 s11, s13;
	s15 =	sshrl.u32 s6, $0x3  }
0xf: {  	s6 =	sadd.s32 s7, s4;
	s20 =	sadd.s32 $0x4EDB8, s10;
	s12 =	sadd.s32 s1, s23  }
0x10: {  	s0 =	sadd.s32 s8, s0;
	[dreg:$0x7] =	wrdreg s25;
	s8 =	sshrl.u32 s26, $0x3  }
0x11: {  	[dreg:$0x8] =	wrdreg s13;
	s16 =	sadd.s32 $0x7D0, s15;
	s19 =	sadd.s32 $0xFA0, s15  }
0x12: {  	s21 =	sshrl.u32 s20, $0x3;
	s22 =	sadd.s32 $0x1770, s15;
	s23 =	sadd.s32 $0x1F40, s15  }
0x13: {  	s15 =	simm.s32 $0x3;
	s24 =	sadd.s32 $0x9C40, s12;
	s13 =	sadd.s32 s1, s8  }
0x14: {  	s18 =	sadd.s32 s9, s16;
	s8 =	sadd.s32 s11, s16;
	s29 =	sadd.s32 $0x9D3A, s12  }
0x15: {  	s30 =	sadd.s32 s9, s19;
	s31 =	sadd.s32 s11, s19;
	s25 =	sadd.s32 s1, s21  }
0x16: {  	s26 =	sadd.s32 s9, s22;
	s28 =	sadd.s32 s11, s22;
	s19 =	sadd.s32 $0x9E34, s12  }
0x17: {  	s20 =	sadd.s32 s9, s23;
	s21 =	sadd.s32 s11, s23;
	s10 =	sadd.s32 $0x5D9200, s0  }
0x18: {  	s7 =	sadd.s32 $0x5E3000, s0;
	[dreg:$0x6] =	wrdreg s24;
	s24 =	smax.u32 s17, $0x1  }
0x19: {  	s9 =	simm.s32 $0x101D0;
	s1 =	rddreg [dreg:$0x5];
	p1 =	sne.s32 s24, $0x1  }
.Ltmp0:
0x1a: {  	s11 =	simm.s32 $0x84D0;
	[dreg:$0x9] =	wrdreg s13;
	(pc) =	sbr.rel @!p1 .LBB2_3-.Ltmp0, $4  }
0x1b: {  	s12 =	simm.s32 $0x3E8;
	s16 =	simm.s32 $0x1;
	[dreg:$0xa] =	wrdreg s18  }
0x1c: {  	s23 =	simm.s32 $0x4;
	s22 =	simm.s32 $0x6;
	[dreg:$0xb] =	wrdreg s8  }
0x1d: {  	s8 =	simm.s32 $0x7;
	s13 =	simm.s32 $0x7D0;
	s18 =	simm.s32 $0x4650  }
0x1e: {  	s17 =	simm.s32 $0xC350;
	s0 =	sadd.s32 $0xFFFFFFFF, s24;
	s24 =	simm.s32 $0x2  }
0x1f: {  	[tilespmem:s9], [sflag:$0x7] =	stream.linear.gather [hbm4b:s1+s2], $0x2710, $0x38;
	[tilespmem:$0x17700] =	vst v63  }
0x20: {  	_ =	swait.ge [sflag:s8], $0x2710  }
0x21: {  	[sflag:s8] =	ssyncset.done $0x0  }
0x22: {  	[sflag:s8] =	ssyncadd.s32 $0xFFFFD8F0  }
0x23: {  	[spmem:s6] =	stream.linear.scatter [tilespmem:s9], [sflag:$0x7], $0x2710, $0x38;
	[tilespmem:$0x17700] =	vst v63  }
0x24: {  	_ =	swait.ge [sflag:s8], $0x2710  }
0x25: {  	[sflag:s8] =	ssyncset.done $0x0  }
0x26: {  	[sflag:s8] =	ssyncadd.s32 $0xFFFFD8F0  }
0x27: {  	[spmem:s5] =	stream.linear.scatter [tilespmem:s9], [sflag:$0x7], $0x2710, $0x38;
	[tilespmem:$0x17700] =	vst v63  }
0x28: {  	_ =	swait.ge [sflag:s8], $0x2710  }
0x29: {  	[sflag:s8] =	ssyncset.done $0x0  }
0x2a: {  	[sflag:s8] =	ssyncadd.s32 $0xFFFFD8F0  }
0x2b: {  	[bflag:$0x0] =	sbarrier.arrive $0xFFFF  }
0x2c: {  	s1 =	rddreg [dreg:$0x6]  }
0x2d: {  	[dreg:$0xc] =	wrdreg s0  }
0x2e: {  	[tilespmem:s2], [sflag:$0x1] =	stream.linear.gather [hbm4b:s1+s2], $0x3E8, $0x38;
	[tilespmem:$0x17700] =	vst v63  }
0x2f: {  	s0 =	rddreg [dreg:$0x7]  }
0x30: {  	[tilespmem:s13], [sflag:$0x3] =	stream.linear.gather [hbm4b:s0+s2], $0x3E80, $0x38;
	[tilespmem:$0x17700] =	vst v63  }
0x31: {  	s1 =	rddreg [dreg:$0x8]  }
0x32: {  	[tilespmem:s11], [sflag:$0x5] =	stream.linear.gather [hbm4b:s1+s2], $0x3E80, $0x38;
	[tilespmem:$0x17700] =	vst v63  }
0x33: {  	s0 =	rddreg [dreg:$0x9]  }
0x34: {  	[tilespmem:s12], [sflag:$0x2] =	stream.linear.gather [hbm4b:s0+s2], $0x3E8, $0x38;
	[tilespmem:$0x17700] =	vst v63  }
0x35: {  	s1 =	rddreg [dreg:$0xa]  }
0x36: {  	[tilespmem:s18], [sflag:$0x4] =	stream.linear.gather [hbm4b:s1+s2], $0x3E80, $0x38;
	[tilespmem:$0x17700] =	vst v63  }
0x37: {  	s0 =	rddreg [dreg:$0xb]  }
0x38: {  	[tilespmem:s17], [sflag:$0x6] =	stream.linear.gather [hbm4b:s0+s2], $0x3E80, $0x38;
	[tilespmem:$0x17700] =	vst v63  }
0x39: {  	_ =	swait.ge [sflag:s16], $0x3E8  }
0x3a: {  	[sflag:s16] =	ssyncset.done $0x0  }
0x3b: {  	[sflag:s16] =	ssyncadd.s32 $0xFFFFFC18  }
0x3c: {  	_ =	swait.ge [sflag:s15], $0x3E80  }
0x3d: {  	[sflag:s15] =	ssyncset.done $0x0  }
0x3e: {  	[sflag:s15] =	ssyncadd.s32 $0xFFFFC180  }
0x3f: {  	_ =	swait.ge [sflag:s14], $0x3E80  }
0x40: {  	[sflag:s14] =	ssyncset.done $0x0  }
0x41: {  	[sflag:s14] =	ssyncadd.s32 $0xFFFFC180  }
0x42: {  	[spmem:s4] =	stream.indirect.scatter.add.f32 [tilespmem:s13], [sflag:$0x7], $0x10, s2, s12, $0xb8;
	[tilespmem:$0x17700] =	vst v63  }
0x43: {  	_ =	swait.ge [sflag:s8], $0x3E80  }
0x44: {  	[sflag:s8] =	ssyncset.done $0x0  }
0x45: {  	[sflag:s8] =	ssyncadd.s32 $0xFFFFC180  }
0x46: {  	[spmem:s3] =	stream.indirect.scatter.add.f32 [tilespmem:s11], [sflag:$0x7], $0x10, s2, s12, $0xb8;
	[tilespmem:$0x17700] =	vst v63  }
0x47: {  	_ =	swait.ge [sflag:s8], $0x3E80  }
0x48: {  	[sflag:s8] =	ssyncset.done $0x0  }
0x49: {  	[sflag:s8] =	ssyncadd.s32 $0xFFFFC180  }
0x4a: {  	[tilespmem:s2], [sflag:$0x1] =	stream.linear.gather [hbm4b:s29+s2], $0x3E8, $0x38;
	[tilespmem:$0x17700] =	vst v63  }
0x4b: {  	_ = 	snop  }
0x4c: {  	[tilespmem:s13], [sflag:$0x3] =	stream.linear.gather [hbm4b:s30+s2], $0x3E80, $0x38;
	[tilespmem:$0x17700] =	vst v63  }
0x4d: {  	_ = 	snop  }
0x4e: {  	[tilespmem:s11], [sflag:$0x5] =	stream.linear.gather [hbm4b:s31+s2], $0x3E80, $0x38;
	[tilespmem:$0x17700] =	vst v63  }
0x4f: {  	_ =	swait.ge [sflag:s24], $0x3E8  }
0x50: {  	[sflag:s24] =	ssyncset.done $0x0  }
0x51: {  	[sflag:s24] =	ssyncadd.s32 $0xFFFFFC18  }
0x52: {  	_ =	swait.ge [sflag:s23], $0x3E80  }
0x53: {  	[sflag:s23] =	ssyncset.done $0x0  }
0x54: {  	[sflag:s23] =	ssyncadd.s32 $0xFFFFC180  }
0x55: {  	_ =	swait.ge [sflag:s22], $0x3E80  }
0x56: {  	[sflag:s22] =	ssyncset.done $0x0  }
0x57: {  	[sflag:s22] =	ssyncadd.s32 $0xFFFFC180  }
0x58: {  	[spmem:s4] =	stream.indirect.scatter.add.f32 [tilespmem:s18], [sflag:$0x7], $0x10, s12, s12, $0xb8;
	[tilespmem:$0x17700] =	vst v63  }
0x59: {  	_ =	swait.ge [sflag:s8], $0x3E80  }
0x5a: {  	[sflag:s8] =	ssyncset.done $0x0  }
0x5b: {  	[sflag:s8] =	ssyncadd.s32 $0xFFFFC180  }
0x5c: {  	[spmem:s3] =	stream.indirect.scatter.add.f32 [tilespmem:s17], [sflag:$0x7], $0x10, s12, s12, $0xb8;
	[tilespmem:$0x17700] =	vst v63  }
0x5d: {  	_ =	swait.ge [sflag:s8], $0x3E80  }
0x5e: {  	[sflag:s8] =	ssyncset.done $0x0  }
0x5f: {  	[sflag:s8] =	ssyncadd.s32 $0xFFFFC180  }
0x60: {  	[tilespmem:s12], [sflag:$0x2] =	stream.linear.gather [hbm4b:s25+s2], $0x3E8, $0x38;
	[tilespmem:$0x17700] =	vst v63  }
0x61: {  	_ = 	snop  }
0x62: {  	[tilespmem:s18], [sflag:$0x4] =	stream.linear.gather [hbm4b:s26+s2], $0x3E80, $0x38;
	[tilespmem:$0x17700] =	vst v63  }
0x63: {  	_ = 	snop  }
0x64: {  	[tilespmem:s17], [sflag:$0x6] =	stream.linear.gather [hbm4b:s28+s2], $0x3E80, $0x38;
	[tilespmem:$0x17700] =	vst v63  }
0x65: {  	_ =	swait.ge [sflag:s16], $0x3E8  }
0x66: {  	[sflag:s16] =	ssyncset.done $0x0  }
0x67: {  	[sflag:s16] =	ssyncadd.s32 $0xFFFFFC18  }
0x68: {  	_ =	swait.ge [sflag:s15], $0x3E80  }
0x69: {  	[sflag:s15] =	ssyncset.done $0x0  }
0x6a: {  	[sflag:s15] =	ssyncadd.s32 $0xFFFFC180  }
0x6b: {  	_ =	swait.ge [sflag:s14], $0x3E80  }
0x6c: {  	[sflag:s14] =	ssyncset.done $0x0  }
0x6d: {  	[sflag:s14] =	ssyncadd.s32 $0xFFFFC180  }
0x6e: {  	[spmem:s4] =	stream.indirect.scatter.add.f32 [tilespmem:s13], [sflag:$0x7], $0x10, s2, s12, $0xb8;
	[tilespmem:$0x17700] =	vst v63  }
0x6f: {  	_ =	swait.ge [sflag:s8], $0x3E80  }
0x70: {  	[sflag:s8] =	ssyncset.done $0x0  }
0x71: {  	[sflag:s8] =	ssyncadd.s32 $0xFFFFC180  }
0x72: {  	[spmem:s3] =	stream.indirect.scatter.add.f32 [tilespmem:s11], [sflag:$0x7], $0x10, s2, s12, $0xb8;
	[tilespmem:$0x17700] =	vst v63  }
0x73: {  	_ =	swait.ge [sflag:s8], $0x3E80  }
0x74: {  	[sflag:s8] =	ssyncset.done $0x0  }
0x75: {  	[sflag:s8] =	ssyncadd.s32 $0xFFFFC180  }
0x76: {  	[tilespmem:s2], [sflag:$0x1] =	stream.linear.gather [hbm4b:s19+s2], $0x3E8, $0x38;
	[tilespmem:$0x17700] =	vst v63  }
0x77: {  	_ = 	snop  }
0x78: {  	[tilespmem:s13], [sflag:$0x3] =	stream.linear.gather [hbm4b:s20+s2], $0x3E80, $0x38;
	[tilespmem:$0x17700] =	vst v63  }
0x79: {  	_ = 	snop  }
0x7a: {  	[tilespmem:s11], [sflag:$0x5] =	stream.linear.gather [hbm4b:s21+s2], $0x3E80, $0x38;
	[tilespmem:$0x17700] =	vst v63  }
0x7b: {  	_ =	swait.ge [sflag:s24], $0x3E8  }
0x7c: {  	[sflag:s24] =	ssyncset.done $0x0  }
0x7d: {  	[sflag:s24] =	ssyncadd.s32 $0xFFFFFC18  }
0x7e: {  	_ =	swait.ge [sflag:s23], $0x3E80  }
0x7f: {  	[sflag:s23] =	ssyncset.done $0x0  }
0x80: {  	[sflag:s23] =	ssyncadd.s32 $0xFFFFC180  }
0x81: {  	_ =	swait.ge [sflag:s22], $0x3E80  }
0x82: {  	[sflag:s22] =	ssyncset.done $0x0  }
0x83: {  	[sflag:s22] =	ssyncadd.s32 $0xFFFFC180  }
0x84: {  	[spmem:s4] =	stream.indirect.scatter.add.f32 [tilespmem:s18], [sflag:$0x7], $0x10, s12, s12, $0xb8;
	[tilespmem:$0x17700] =	vst v63  }
0x85: {  	_ =	swait.ge [sflag:s8], $0x3E80  }
0x86: {  	[sflag:s8] =	ssyncset.done $0x0  }
0x87: {  	[sflag:s8] =	ssyncadd.s32 $0xFFFFC180  }
0x88: {  	[spmem:s3] =	stream.indirect.scatter.add.f32 [tilespmem:s17], [sflag:$0x7], $0x10, s12, s12, $0xb8;
	[tilespmem:$0x17700] =	vst v63  }
0x89: {  	_ =	swait.ge [sflag:s8], $0x3E80  }
0x8a: {  	[sflag:s8] =	ssyncset.done $0x0  }
0x8b: {  	[sflag:s8] =	ssyncadd.s32 $0xFFFFC180  }
0x8c: {  	_ =	swait.ge [sflag:s16], $0x3E8  }
0x8d: {  	[sflag:s16] =	ssyncset.done $0x0  }
0x8e: {  	[sflag:s16] =	ssyncadd.s32 $0xFFFFFC18  }
0x8f: {  	_ =	swait.ge [sflag:s15], $0x3E80  }
0x90: {  	[sflag:s15] =	ssyncset.done $0x0  }
0x91: {  	[sflag:s15] =	ssyncadd.s32 $0xFFFFC180  }
0x92: {  	_ =	swait.ge [sflag:s14], $0x3E80  }
0x93: {  	[sflag:s14] =	ssyncset.done $0x0  }
0x94: {  	[sflag:s14] =	ssyncadd.s32 $0xFFFFC180  }
0x95: {  	[spmem:s4] =	stream.indirect.scatter.add.f32 [tilespmem:s13], [sflag:$0x7], $0x10, s2, s12, $0xb8;
	[tilespmem:$0x17700] =	vst v63  }
0x96: {  	_ =	swait.ge [sflag:s8], $0x3E80  }
0x97: {  	[sflag:s8] =	ssyncset.done $0x0  }
0x98: {  	[sflag:s8] =	ssyncadd.s32 $0xFFFFC180  }
0x99: {  	[spmem:s3] =	stream.indirect.scatter.add.f32 [tilespmem:s11], [sflag:$0x7], $0x10, s2, s12, $0xb8;
	[tilespmem:$0x17700] =	vst v63  }
0x9a: {  	_ =	swait.ge [sflag:s8], $0x3E80  }
0x9b: {  	[sflag:s8] =	ssyncset.done $0x0  }
0x9c: {  	[sflag:s8] =	ssyncadd.s32 $0xFFFFC180  }
0x9d: {  	[bflag:$0x0] =	sbarrier.arrive $0xFFFF  }
0x9e: {  	[tilespmem:s9], [sflag:$0x7] =	stream.linear.gather [spmem:s6], $0x2710, $0x38;
	[tilespmem:$0x17700] =	vst v63  }
0x9f: {  	_ =	swait.ge [sflag:s8], $0x2710  }
0xa0: {  	[sflag:s8] =	ssyncset.done $0x0  }
0xa1: {  	[sflag:s8] =	ssyncadd.s32 $0xFFFFD8F0  }
0xa2: {  	[hbm4b:s10+s2] =	stream.linear.scatter [tilespmem:s9], [sflag:$0x7], $0x2710, $0x38;
	[tilespmem:$0x17700] =	vst v63  }
0xa3: {  	_ =	swait.ge [sflag:s8], $0x2710  }
0xa4: {  	[sflag:s8] =	ssyncset.done $0x0  }
0xa5: {  	[sflag:s8] =	ssyncadd.s32 $0xFFFFD8F0  }
0xa6: {  	[tilespmem:s9], [sflag:$0x7] =	stream.linear.gather [spmem:s5], $0x2710, $0x38;
	[tilespmem:$0x17700] =	vst v63  }
0xa7: {  	_ =	swait.ge [sflag:s8], $0x2710  }
0xa8: {  	s1 =	rddreg [dreg:$0xc]  }
0xa9: {  	p1 =	sne.s32 s1, $0x1  }
.Ltmp1:
0xaa: {  	[sflag:s8] =	ssyncset.done $0x0;
	(pc) =	sbr.rel @!p1 .LBB2_3-.Ltmp1, $4  }
0xab: {  	[sflag:s8] =	ssyncadd.s32 $0xFFFFD8F0  }
0xac: {  	[hbm4b:s7+s2] =	stream.linear.scatter [tilespmem:s9], [sflag:$0x7], $0x2710, $0x38;
	[tilespmem:$0x17700] =	vst v63  }
0xad: {  	p0 =	por $0x1, $0x1;
	_ =	swait.ge [sflag:s8], $0x2710  }
0xae: {  	s0 =	sadd.s32 $0xFFFFFFFF, s1;
	s1 =	rddreg [dreg:$0x5];
	[sflag:s8] =	ssyncset.done $0x0  }
.LBB2_2:
0xaf: {  	[sflag:s8] =	ssyncadd.s32 $0xFFFFD8F0  }
0xb0: {  	[tilespmem:s9], [sflag:$0x7] =	stream.linear.gather [hbm4b:s1+s2], $0x2710, $0x38;
	[tilespmem:$0x17700] =	vst v63  }
0xb1: {  	_ =	swait.ge [sflag:s8], $0x2710  }
0xb2: {  	[sflag:s8] =	ssyncset.done $0x0  }
0xb3: {  	[sflag:s8] =	ssyncadd.s32 $0xFFFFD8F0  }
0xb4: {  	[spmem:s6] =	stream.linear.scatter [tilespmem:s9], [sflag:$0x7], $0x2710, $0x38;
	[tilespmem:$0x17700] =	vst v63  }
0xb5: {  	_ =	swait.ge [sflag:s8], $0x2710  }
0xb6: {  	[sflag:s8] =	ssyncset.done $0x0  }
0xb7: {  	s22 =	simm.s32 $0x7D0;
	s17 =	smov.u32 s6;
	[sflag:s8] =	ssyncadd.s32 $0xFFFFD8F0  }
0xb8: {  	[spmem:s5] =	stream.linear.scatter [tilespmem:s9], [sflag:$0x7], $0x2710, $0x38;
	[tilespmem:$0x17700] =	vst v63  }
0xb9: {  	s6 =	smov.u32 s5;
	s5 =	smov.u32 s31;
	_ =	swait.ge [sflag:s8], $0x2710  }
0xba: {  	s31 =	smov.u32 s30;
	s30 =	smov.u32 s29;
	[sflag:s8] =	ssyncset.done $0x0  }
0xbb: {  	s29 =	smov.u32 s28;
	s28 =	smov.u32 s26;
	[sflag:s8] =	ssyncadd.s32 $0xFFFFD8F0  }
0xbc: {  	s26 =	smov.u32 s25;
	s25 =	smov.u32 s21;
	[bflag:$0x0] =	sbarrier.arrive $0xFFFF  }
0xbd: {  	s21 =	smov.u32 s20;
	s20 =	smov.u32 s19;
	s1 =	rddreg [dreg:$0x6]  }
0xbe: {  	[tilespmem:s2], [sflag:$0x1] =	stream.linear.gather [hbm4b:s1+s2], $0x3E8, $0x38;
	[tilespmem:$0x17700] =	vst v63  }
0xbf: {  	s19 =	smov.u32 s10;
	s10 =	smov.u32 s7;
	s7 =	rddreg [dreg:$0x7]  }
0xc0: {  	[tilespmem:s22], [sflag:$0x3] =	stream.linear.gather [hbm4b:s7+s2], $0x3E80, $0x38;
	[tilespmem:$0x17700] =	vst v63  }
0xc1: {  	s13 =	simm.s32 $0x84D0;
	s1 =	rddreg [dreg:$0x8]  }
0xc2: {  	[tilespmem:s13], [sflag:$0x5] =	stream.linear.gather [hbm4b:s1+s2], $0x3E80, $0x38;
	[tilespmem:$0x17700] =	vst v63  }
0xc3: {  	s7 =	rddreg [dreg:$0x9]  }
0xc4: {  	[tilespmem:s12], [sflag:$0x2] =	stream.linear.gather [hbm4b:s7+s2], $0x3E8, $0x38;
	[tilespmem:$0x17700] =	vst v63  }
0xc5: {  	s11 =	simm.s32 $0x4650;
	s1 =	rddreg [dreg:$0xa]  }
0xc6: {  	[tilespmem:s11], [sflag:$0x4] =	stream.linear.gather [hbm4b:s1+s2], $0x3E80, $0x38;
	[tilespmem:$0x17700] =	vst v63  }
0xc7: {  	s18 =	simm.s32 $0xC350;
	s7 =	rddreg [dreg:$0xb]  }
0xc8: {  	[tilespmem:s18], [sflag:$0x6] =	stream.linear.gather [hbm4b:s7+s2], $0x3E80, $0x38;
	[tilespmem:$0x17700] =	vst v63  }
0xc9: {  	_ =	swait.ge [sflag:s16], $0x3E8  }
0xca: {  	[sflag:s16] =	ssyncset.done $0x0  }
0xcb: {  	[sflag:s16] =	ssyncadd.s32 $0xFFFFFC18  }
0xcc: {  	_ =	swait.ge [sflag:s15], $0x3E80  }
0xcd: {  	[sflag:s15] =	ssyncset.done $0x0  }
0xce: {  	[sflag:s15] =	ssyncadd.s32 $0xFFFFC180  }
0xcf: {  	_ =	swait.ge [sflag:s14], $0x3E80  }
0xd0: {  	[sflag:s14] =	ssyncset.done $0x0  }
0xd1: {  	s13 =	simm.s32 $0x7D0;
	[sflag:s14] =	ssyncadd.s32 $0xFFFFC180  }
0xd2: {  	[spmem:s4] =	stream.indirect.scatter.add.f32 [tilespmem:s13], [sflag:$0x7], $0x10, s2, s12, $0xb8;
	[tilespmem:$0x17700] =	vst v63  }
0xd3: {  	_ =	swait.ge [sflag:s8], $0x3E80  }
0xd4: {  	s11 =	simm.s32 $0x84D0;
	s7 =	smov.u32 s10;
	[sflag:s8] =	ssyncset.done $0x0  }
0xd5: {  	s10 =	smov.u32 s19;
	s19 =	smov.u32 s20;
	[sflag:s8] =	ssyncadd.s32 $0xFFFFC180  }
0xd6: {  	[spmem:s3] =	stream.indirect.scatter.add.f32 [tilespmem:s11], [sflag:$0x7], $0x10, s2, s12, $0xb8;
	[tilespmem:$0x17700] =	vst v63  }
0xd7: {  	s20 =	smov.u32 s21;
	s21 =	smov.u32 s25;
	_ =	swait.ge [sflag:s8], $0x3E80  }
0xd8: {  	s25 =	smov.u32 s26;
	s26 =	smov.u32 s28;
	[sflag:s8] =	ssyncset.done $0x0  }
0xd9: {  	s28 =	smov.u32 s29;
	s29 =	smov.u32 s30;
	[sflag:s8] =	ssyncadd.s32 $0xFFFFC180  }
0xda: {  	[tilespmem:s2], [sflag:$0x1] =	stream.linear.gather [hbm4b:s29+s2], $0x3E8, $0x38;
	[tilespmem:$0x17700] =	vst v63  }
0xdb: {  	s30 =	smov.u32 s31  }
0xdc: {  	[tilespmem:s13], [sflag:$0x3] =	stream.linear.gather [hbm4b:s30+s2], $0x3E80, $0x38;
	[tilespmem:$0x17700] =	vst v63  }
0xdd: {  	s31 =	smov.u32 s5  }
0xde: {  	[tilespmem:s11], [sflag:$0x5] =	stream.linear.gather [hbm4b:s31+s2], $0x3E80, $0x38;
	[tilespmem:$0x17700] =	vst v63  }
0xdf: {  	_ =	swait.ge [sflag:s24], $0x3E8  }
0xe0: {  	[sflag:s24] =	ssyncset.done $0x0  }
0xe1: {  	[sflag:s24] =	ssyncadd.s32 $0xFFFFFC18  }
0xe2: {  	_ =	swait.ge [sflag:s23], $0x3E80  }
0xe3: {  	[sflag:s23] =	ssyncset.done $0x0  }
0xe4: {  	s22 =	simm.s32 $0x6;
	[sflag:s23] =	ssyncadd.s32 $0xFFFFC180  }
0xe5: {  	_ =	swait.ge [sflag:s22], $0x3E80  }
0xe6: {  	[sflag:s22] =	ssyncset.done $0x0  }
0xe7: {  	s18 =	simm.s32 $0x4650;
	[sflag:s22] =	ssyncadd.s32 $0xFFFFC180  }
0xe8: {  	[spmem:s4] =	stream.indirect.scatter.add.f32 [tilespmem:s18], [sflag:$0x7], $0x10, s12, s12, $0xb8;
	[tilespmem:$0x17700] =	vst v63  }
0xe9: {  	_ =	swait.ge [sflag:s8], $0x3E80  }
0xea: {  	s5 =	smov.u32 s6;
	[sflag:s8] =	ssyncset.done $0x0  }
0xeb: {  	s6 =	smov.u32 s17;
	s17 =	simm.s32 $0xC350;
	[sflag:s8] =	ssyncadd.s32 $0xFFFFC180  }
0xec: {  	[spmem:s3] =	stream.indirect.scatter.add.f32 [tilespmem:s17], [sflag:$0x7], $0x10, s12, s12, $0xb8;
	[tilespmem:$0x17700] =	vst v63  }
0xed: {  	_ =	swait.ge [sflag:s8], $0x3E80  }
0xee: {  	[sflag:s8] =	ssyncset.done $0x0  }
0xef: {  	[sflag:s8] =	ssyncadd.s32 $0xFFFFC180  }
0xf0: {  	[tilespmem:s12], [sflag:$0x2] =	stream.linear.gather [hbm4b:s25+s2], $0x3E8, $0x38;
	[tilespmem:$0x17700] =	vst v63  }
0xf1: {  	_ = 	snop  }
0xf2: {  	[tilespmem:s18], [sflag:$0x4] =	stream.linear.gather [hbm4b:s26+s2], $0x3E80, $0x38;
	[tilespmem:$0x17700] =	vst v63  }
0xf3: {  	_ = 	snop  }
0xf4: {  	[tilespmem:s17], [sflag:$0x6] =	stream.linear.gather [hbm4b:s28+s2], $0x3E80, $0x38;
	[tilespmem:$0x17700] =	vst v63  }
0xf5: {  	_ =	swait.ge [sflag:s16], $0x3E8  }
0xf6: {  	[sflag:s16] =	ssyncset.done $0x0  }
0xf7: {  	[sflag:s16] =	ssyncadd.s32 $0xFFFFFC18  }
0xf8: {  	_ =	swait.ge [sflag:s15], $0x3E80  }
0xf9: {  	[sflag:s15] =	ssyncset.done $0x0  }
0xfa: {  	[sflag:s15] =	ssyncadd.s32 $0xFFFFC180  }
0xfb: {  	_ =	swait.ge [sflag:s14], $0x3E80  }
0xfc: {  	[sflag:s14] =	ssyncset.done $0x0  }
0xfd: {  	[sflag:s14] =	ssyncadd.s32 $0xFFFFC180  }
0xfe: {  	[spmem:s4] =	stream.indirect.scatter.add.f32 [tilespmem:s13], [sflag:$0x7], $0x10, s2, s12, $0xb8;
	[tilespmem:$0x17700] =	vst v63  }
0xff: {  	_ =	swait.ge [sflag:s8], $0x3E80  }
0x100: {  	[sflag:s8] =	ssyncset.done $0x0  }
0x101: {  	[sflag:s8] =	ssyncadd.s32 $0xFFFFC180  }
0x102: {  	[spmem:s3] =	stream.indirect.scatter.add.f32 [tilespmem:s11], [sflag:$0x7], $0x10, s2, s12, $0xb8;
	[tilespmem:$0x17700] =	vst v63  }
0x103: {  	_ =	swait.ge [sflag:s8], $0x3E80  }
0x104: {  	[sflag:s8] =	ssyncset.done $0x0  }
0x105: {  	[sflag:s8] =	ssyncadd.s32 $0xFFFFC180  }
0x106: {  	[tilespmem:s2], [sflag:$0x1] =	stream.linear.gather [hbm4b:s19+s2], $0x3E8, $0x38;
	[tilespmem:$0x17700] =	vst v63  }
0x107: {  	_ = 	snop  }
0x108: {  	[tilespmem:s13], [sflag:$0x3] =	stream.linear.gather [hbm4b:s20+s2], $0x3E80, $0x38;
	[tilespmem:$0x17700] =	vst v63  }
0x109: {  	_ = 	snop  }
0x10a: {  	[tilespmem:s11], [sflag:$0x5] =	stream.linear.gather [hbm4b:s21+s2], $0x3E80, $0x38;
	[tilespmem:$0x17700] =	vst v63  }
0x10b: {  	_ =	swait.ge [sflag:s24], $0x3E8  }
0x10c: {  	[sflag:s24] =	ssyncset.done $0x0  }
0x10d: {  	[sflag:s24] =	ssyncadd.s32 $0xFFFFFC18  }
0x10e: {  	_ =	swait.ge [sflag:s23], $0x3E80  }
0x10f: {  	[sflag:s23] =	ssyncset.done $0x0  }
0x110: {  	[sflag:s23] =	ssyncadd.s32 $0xFFFFC180  }
0x111: {  	_ =	swait.ge [sflag:s22], $0x3E80  }
0x112: {  	[sflag:s22] =	ssyncset.done $0x0  }
0x113: {  	[sflag:s22] =	ssyncadd.s32 $0xFFFFC180  }
0x114: {  	[spmem:s4] =	stream.indirect.scatter.add.f32 [tilespmem:s18], [sflag:$0x7], $0x10, s12, s12, $0xb8;
	[tilespmem:$0x17700] =	vst v63  }
0x115: {  	_ =	swait.ge [sflag:s8], $0x3E80  }
0x116: {  	[sflag:s8] =	ssyncset.done $0x0  }
0x117: {  	[sflag:s8] =	ssyncadd.s32 $0xFFFFC180  }
0x118: {  	[spmem:s3] =	stream.indirect.scatter.add.f32 [tilespmem:s17], [sflag:$0x7], $0x10, s12, s12, $0xb8;
	[tilespmem:$0x17700] =	vst v63  }
0x119: {  	_ =	swait.ge [sflag:s8], $0x3E80  }
0x11a: {  	[sflag:s8] =	ssyncset.done $0x0  }
0x11b: {  	[sflag:s8] =	ssyncadd.s32 $0xFFFFC180  }
0x11c: {  	_ =	swait.ge [sflag:s16], $0x3E8  }
0x11d: {  	[sflag:s16] =	ssyncset.done $0x0  }
0x11e: {  	[sflag:s16] =	ssyncadd.s32 $0xFFFFFC18  }
0x11f: {  	_ =	swait.ge [sflag:s15], $0x3E80  }
0x120: {  	[sflag:s15] =	ssyncset.done $0x0  }
0x121: {  	[sflag:s15] =	ssyncadd.s32 $0xFFFFC180  }
0x122: {  	_ =	swait.ge [sflag:s14], $0x3E80  }
0x123: {  	[sflag:s14] =	ssyncset.done $0x0  }
0x124: {  	[sflag:s14] =	ssyncadd.s32 $0xFFFFC180  }
0x125: {  	[spmem:s4] =	stream.indirect.scatter.add.f32 [tilespmem:s13], [sflag:$0x7], $0x10, s2, s12, $0xb8;
	[tilespmem:$0x17700] =	vst v63  }
0x126: {  	_ =	swait.ge [sflag:s8], $0x3E80  }
0x127: {  	[sflag:s8] =	ssyncset.done $0x0  }
0x128: {  	[sflag:s8] =	ssyncadd.s32 $0xFFFFC180  }
0x129: {  	[spmem:s3] =	stream.indirect.scatter.add.f32 [tilespmem:s11], [sflag:$0x7], $0x10, s2, s12, $0xb8;
	[tilespmem:$0x17700] =	vst v63  }
0x12a: {  	_ =	swait.ge [sflag:s8], $0x3E80  }
0x12b: {  	[sflag:s8] =	ssyncset.done $0x0  }
0x12c: {  	[sflag:s8] =	ssyncadd.s32 $0xFFFFC180  }
0x12d: {  	[bflag:$0x0] =	sbarrier.arrive $0xFFFF  }
0x12e: {  	[tilespmem:s9], [sflag:$0x7] =	stream.linear.gather [spmem:s6], $0x2710, $0x38;
	[tilespmem:$0x17700] =	vst v63  }
0x12f: {  	_ =	swait.ge [sflag:s8], $0x2710  }
0x130: {  	[sflag:s8] =	ssyncset.done $0x0  }
0x131: {  	[sflag:s8] =	ssyncadd.s32 $0xFFFFD8F0  }
0x132: {  	[hbm4b:s10+s2] =	stream.linear.scatter [tilespmem:s9], [sflag:$0x7], $0x2710, $0x38;
	[tilespmem:$0x17700] =	vst v63  }
0x133: {  	_ =	swait.ge [sflag:s8], $0x2710  }
0x134: {  	[sflag:s8] =	ssyncset.done $0x0  }
0x135: {  	[sflag:s8] =	ssyncadd.s32 $0xFFFFD8F0  }
0x136: {  	[tilespmem:s9], [sflag:$0x7] =	stream.linear.gather [spmem:s5], $0x2710, $0x38;
	[tilespmem:$0x17700] =	vst v63  }
0x137: {  	p1 =	sne.s32 s0, $0x1;
	_ =	swait.ge [sflag:s8], $0x2710  }
.Ltmp2:
0x138: {  	[sflag:s8] =	ssyncset.done $0x0;
	(pc) =	sbr.rel @p1 .LBB2_2-.Ltmp2, $4  }
0x139: {  	[sflag:s8] =	ssyncadd.s32 $0xFFFFD8F0  }
0x13a: {  	[hbm4b:s7+s2] =	stream.linear.scatter [tilespmem:s9], [sflag:$0x7], $0x2710, $0x38;
	[tilespmem:$0x17700] =	vst v63  }
0x13b: {  	_ =	swait.ge [sflag:s8], $0x2710  }
0x13c: {  	s0 =	sadd.s32 $0xFFFFFFFF, s0;
	s1 =	rddreg [dreg:$0x5];
	[sflag:s8] =	ssyncset.done $0x0  }
.LBB2_3:
0x13d: {  	[sflag:s8] =	ssyncadd.s32 @p0 $0xFFFFD8F0  }
0x13e: {  	[tilespmem:s9], [sflag:$0x7] =	stream.linear.gather [hbm4b:s1+s2], $0x2710, $0x38;
	[tilespmem:$0x17700] =	vst v63  }
0x13f: {  	_ =	swait.ge [sflag:s8], $0x2710  }
0x140: {  	[sflag:s8] =	ssyncset.done $0x0  }
0x141: {  	[sflag:s8] =	ssyncadd.s32 $0xFFFFD8F0  }
0x142: {  	[spmem:s6] =	stream.linear.scatter [tilespmem:s9], [sflag:$0x7], $0x2710, $0x38;
	[tilespmem:$0x17700] =	vst v63  }
0x143: {  	_ =	swait.ge [sflag:s8], $0x2710  }
0x144: {  	[sflag:s8] =	ssyncset.done $0x0  }
0x145: {  	[sflag:s8] =	ssyncadd.s32 $0xFFFFD8F0  }
0x146: {  	[spmem:s5] =	stream.linear.scatter [tilespmem:s9], [sflag:$0x7], $0x2710, $0x38;
	[tilespmem:$0x17700] =	vst v63  }
0x147: {  	_ =	swait.ge [sflag:s8], $0x2710  }
0x148: {  	[sflag:s8] =	ssyncset.done $0x0  }
0x149: {  	[sflag:s8] =	ssyncadd.s32 $0xFFFFD8F0  }
0x14a: {  	[bflag:$0x0] =	sbarrier.arrive $0xFFFF  }
0x14b: {  	s0 =	rddreg [dreg:$0x6]  }
0x14c: {  	[tilespmem:s2], [sflag:$0x1] =	stream.linear.gather [hbm4b:s0+s2], $0x3E8, $0x38;
	[tilespmem:$0x17700] =	vst v63  }
0x14d: {  	s1 =	rddreg [dreg:$0x7]  }
0x14e: {  	[tilespmem:s13], [sflag:$0x3] =	stream.linear.gather [hbm4b:s1+s2], $0x3E80, $0x38;
	[tilespmem:$0x17700] =	vst v63  }
0x14f: {  	s0 =	rddreg [dreg:$0x8]  }
0x150: {  	[tilespmem:s11], [sflag:$0x5] =	stream.linear.gather [hbm4b:s0+s2], $0x3E80, $0x38;
	[tilespmem:$0x17700] =	vst v63  }
0x151: {  	s1 =	rddreg [dreg:$0x9]  }
0x152: {  	[tilespmem:s12], [sflag:$0x2] =	stream.linear.gather [hbm4b:s1+s2], $0x3E8, $0x38;
	[tilespmem:$0x17700] =	vst v63  }
0x153: {  	s0 =	rddreg [dreg:$0xa]  }
0x154: {  	[tilespmem:s18], [sflag:$0x4] =	stream.linear.gather [hbm4b:s0+s2], $0x3E80, $0x38;
	[tilespmem:$0x17700] =	vst v63  }
0x155: {  	s1 =	rddreg [dreg:$0xb]  }
0x156: {  	[tilespmem:s17], [sflag:$0x6] =	stream.linear.gather [hbm4b:s1+s2], $0x3E80, $0x38;
	[tilespmem:$0x17700] =	vst v63  }
0x157: {  	_ =	swait.ge [sflag:s16], $0x3E8  }
0x158: {  	[sflag:s16] =	ssyncset.done $0x0  }
0x159: {  	[sflag:s16] =	ssyncadd.s32 $0xFFFFFC18  }
0x15a: {  	_ =	swait.ge [sflag:s15], $0x3E80  }
0x15b: {  	[sflag:s15] =	ssyncset.done $0x0  }
0x15c: {  	[sflag:s15] =	ssyncadd.s32 $0xFFFFC180  }
0x15d: {  	_ =	swait.ge [sflag:s14], $0x3E80  }
0x15e: {  	[sflag:s14] =	ssyncset.done $0x0  }
0x15f: {  	[sflag:s14] =	ssyncadd.s32 $0xFFFFC180  }
0x160: {  	[spmem:s4] =	stream.indirect.scatter.add.f32 [tilespmem:s13], [sflag:$0x7], $0x10, s2, s12, $0xb8;
	[tilespmem:$0x17700] =	vst v63  }
0x161: {  	_ =	swait.ge [sflag:s8], $0x3E80  }
0x162: {  	[sflag:s8] =	ssyncset.done $0x0  }
0x163: {  	[sflag:s8] =	ssyncadd.s32 $0xFFFFC180  }
0x164: {  	[spmem:s3] =	stream.indirect.scatter.add.f32 [tilespmem:s11], [sflag:$0x7], $0x10, s2, s12, $0xb8;
	[tilespmem:$0x17700] =	vst v63  }
0x165: {  	_ =	swait.ge [sflag:s8], $0x3E80  }
0x166: {  	[sflag:s8] =	ssyncset.done $0x0  }
0x167: {  	[sflag:s8] =	ssyncadd.s32 $0xFFFFC180  }
0x168: {  	[tilespmem:s2], [sflag:$0x1] =	stream.linear.gather [hbm4b:s29+s2], $0x3E8, $0x38;
	[tilespmem:$0x17700] =	vst v63  }
0x169: {  	_ = 	snop  }
0x16a: {  	[tilespmem:s13], [sflag:$0x3] =	stream.linear.gather [hbm4b:s30+s2], $0x3E80, $0x38;
	[tilespmem:$0x17700] =	vst v63  }
0x16b: {  	_ = 	snop  }
0x16c: {  	[tilespmem:s11], [sflag:$0x5] =	stream.linear.gather [hbm4b:s31+s2], $0x3E80, $0x38;
	[tilespmem:$0x17700] =	vst v63  }
0x16d: {  	_ =	swait.ge [sflag:s24], $0x3E8  }
0x16e: {  	[sflag:s24] =	ssyncset.done $0x0  }
0x16f: {  	[sflag:s24] =	ssyncadd.s32 $0xFFFFFC18  }
0x170: {  	_ =	swait.ge [sflag:s23], $0x3E80  }
0x171: {  	[sflag:s23] =	ssyncset.done $0x0  }
0x172: {  	[sflag:s23] =	ssyncadd.s32 $0xFFFFC180  }
0x173: {  	_ =	swait.ge [sflag:s22], $0x3E80  }
0x174: {  	[sflag:s22] =	ssyncset.done $0x0  }
0x175: {  	[sflag:s22] =	ssyncadd.s32 $0xFFFFC180  }
0x176: {  	[spmem:s4] =	stream.indirect.scatter.add.f32 [tilespmem:s18], [sflag:$0x7], $0x10, s12, s12, $0xb8;
	[tilespmem:$0x17700] =	vst v63  }
0x177: {  	_ =	swait.ge [sflag:s8], $0x3E80  }
0x178: {  	[sflag:s8] =	ssyncset.done $0x0  }
0x179: {  	[sflag:s8] =	ssyncadd.s32 $0xFFFFC180  }
0x17a: {  	[spmem:s3] =	stream.indirect.scatter.add.f32 [tilespmem:s17], [sflag:$0x7], $0x10, s12, s12, $0xb8;
	[tilespmem:$0x17700] =	vst v63  }
0x17b: {  	_ =	swait.ge [sflag:s8], $0x3E80  }
0x17c: {  	[sflag:s8] =	ssyncset.done $0x0  }
0x17d: {  	[sflag:s8] =	ssyncadd.s32 $0xFFFFC180  }
0x17e: {  	[tilespmem:s12], [sflag:$0x2] =	stream.linear.gather [hbm4b:s25+s2], $0x3E8, $0x38;
	[tilespmem:$0x17700] =	vst v63  }
0x17f: {  	_ = 	snop  }
0x180: {  	[tilespmem:s18], [sflag:$0x4] =	stream.linear.gather [hbm4b:s26+s2], $0x3E80, $0x38;
	[tilespmem:$0x17700] =	vst v63  }
0x181: {  	_ = 	snop  }
0x182: {  	[tilespmem:s17], [sflag:$0x6] =	stream.linear.gather [hbm4b:s28+s2], $0x3E80, $0x38;
	[tilespmem:$0x17700] =	vst v63  }
0x183: {  	_ =	swait.ge [sflag:s16], $0x3E8  }
0x184: {  	[sflag:s16] =	ssyncset.done $0x0  }
0x185: {  	[sflag:s16] =	ssyncadd.s32 $0xFFFFFC18  }
0x186: {  	_ =	swait.ge [sflag:s15], $0x3E80  }
0x187: {  	[sflag:s15] =	ssyncset.done $0x0  }
0x188: {  	[sflag:s15] =	ssyncadd.s32 $0xFFFFC180  }
0x189: {  	_ =	swait.ge [sflag:s14], $0x3E80  }
0x18a: {  	[sflag:s14] =	ssyncset.done $0x0  }
0x18b: {  	[sflag:s14] =	ssyncadd.s32 $0xFFFFC180  }
0x18c: {  	[spmem:s4] =	stream.indirect.scatter.add.f32 [tilespmem:s13], [sflag:$0x7], $0x10, s2, s12, $0xb8;
	[tilespmem:$0x17700] =	vst v63  }
0x18d: {  	_ =	swait.ge [sflag:s8], $0x3E80  }
0x18e: {  	[sflag:s8] =	ssyncset.done $0x0  }
0x18f: {  	[sflag:s8] =	ssyncadd.s32 $0xFFFFC180  }
0x190: {  	[spmem:s3] =	stream.indirect.scatter.add.f32 [tilespmem:s11], [sflag:$0x7], $0x10, s2, s12, $0xb8;
	[tilespmem:$0x17700] =	vst v63  }
0x191: {  	_ =	swait.ge [sflag:s8], $0x3E80  }
0x192: {  	[sflag:s8] =	ssyncset.done $0x0  }
0x193: {  	[sflag:s8] =	ssyncadd.s32 $0xFFFFC180  }
0x194: {  	[tilespmem:s2], [sflag:$0x1] =	stream.linear.gather [hbm4b:s19+s2], $0x3E8, $0x38;
	[tilespmem:$0x17700] =	vst v63  }
0x195: {  	_ = 	snop  }
0x196: {  	[tilespmem:s13], [sflag:$0x3] =	stream.linear.gather [hbm4b:s20+s2], $0x3E80, $0x38;
	[tilespmem:$0x17700] =	vst v63  }
0x197: {  	_ = 	snop  }
0x198: {  	[tilespmem:s11], [sflag:$0x5] =	stream.linear.gather [hbm4b:s21+s2], $0x3E80, $0x38;
	[tilespmem:$0x17700] =	vst v63  }
0x199: {  	_ =	swait.ge [sflag:s24], $0x3E8  }
0x19a: {  	[sflag:s24] =	ssyncset.done $0x0  }
0x19b: {  	[sflag:s24] =	ssyncadd.s32 $0xFFFFFC18  }
0x19c: {  	_ =	swait.ge [sflag:s23], $0x3E80  }
0x19d: {  	[sflag:s23] =	ssyncset.done $0x0  }
0x19e: {  	[sflag:s23] =	ssyncadd.s32 $0xFFFFC180  }
0x19f: {  	_ =	swait.ge [sflag:s22], $0x3E80  }
0x1a0: {  	[sflag:s22] =	ssyncset.done $0x0  }
0x1a1: {  	[sflag:s22] =	ssyncadd.s32 $0xFFFFC180  }
0x1a2: {  	[spmem:s4] =	stream.indirect.scatter.add.f32 [tilespmem:s18], [sflag:$0x7], $0x10, s12, s12, $0xb8;
	[tilespmem:$0x17700] =	vst v63  }
0x1a3: {  	_ =	swait.ge [sflag:s8], $0x3E80  }
0x1a4: {  	[sflag:s8] =	ssyncset.done $0x0  }
0x1a5: {  	[sflag:s8] =	ssyncadd.s32 $0xFFFFC180  }
0x1a6: {  	[spmem:s3] =	stream.indirect.scatter.add.f32 [tilespmem:s17], [sflag:$0x7], $0x10, s12, s12, $0xb8;
	[tilespmem:$0x17700] =	vst v63  }
0x1a7: {  	_ =	swait.ge [sflag:s8], $0x3E80  }
0x1a8: {  	[sflag:s8] =	ssyncset.done $0x0  }
0x1a9: {  	[sflag:s8] =	ssyncadd.s32 $0xFFFFC180  }
0x1aa: {  	_ =	swait.ge [sflag:s16], $0x3E8  }
0x1ab: {  	[sflag:s16] =	ssyncset.done $0x0  }
0x1ac: {  	[sflag:s16] =	ssyncadd.s32 $0xFFFFFC18  }
0x1ad: {  	_ =	swait.ge [sflag:s15], $0x3E80  }
0x1ae: {  	[sflag:s15] =	ssyncset.done $0x0  }
0x1af: {  	[sflag:s15] =	ssyncadd.s32 $0xFFFFC180  }
0x1b0: {  	_ =	swait.ge [sflag:s14], $0x3E80  }
0x1b1: {  	[sflag:s14] =	ssyncset.done $0x0  }
0x1b2: {  	[sflag:s14] =	ssyncadd.s32 $0xFFFFC180  }
0x1b3: {  	[spmem:s4] =	stream.indirect.scatter.add.f32 [tilespmem:s13], [sflag:$0x7], $0x10, s2, s12, $0xb8;
	[tilespmem:$0x17700] =	vst v63  }
0x1b4: {  	_ =	swait.ge [sflag:s8], $0x3E80  }
0x1b5: {  	[sflag:s8] =	ssyncset.done $0x0  }
0x1b6: {  	[sflag:s8] =	ssyncadd.s32 $0xFFFFC180  }
0x1b7: {  	[spmem:s3] =	stream.indirect.scatter.add.f32 [tilespmem:s11], [sflag:$0x7], $0x10, s2, s12, $0xb8;
	[tilespmem:$0x17700] =	vst v63  }
0x1b8: {  	_ =	swait.ge [sflag:s8], $0x3E80  }
0x1b9: {  	[sflag:s8] =	ssyncset.done $0x0  }
0x1ba: {  	[sflag:s8] =	ssyncadd.s32 $0xFFFFC180  }
0x1bb: {  	[bflag:$0x0] =	sbarrier.arrive $0xFFFF  }
0x1bc: {  	[tilespmem:s9], [sflag:$0x7] =	stream.linear.gather [spmem:s6], $0x2710, $0x38;
	[tilespmem:$0x17700] =	vst v63  }
0x1bd: {  	_ =	swait.ge [sflag:s8], $0x2710  }
0x1be: {  	[sflag:s8] =	ssyncset.done $0x0  }
0x1bf: {  	[sflag:s8] =	ssyncadd.s32 $0xFFFFD8F0  }
0x1c0: {  	[hbm4b:s10+s2] =	stream.linear.scatter [tilespmem:s9], [sflag:$0x7], $0x2710, $0x38;
	[tilespmem:$0x17700] =	vst v63  }
0x1c1: {  	_ =	swait.ge [sflag:s8], $0x2710  }
0x1c2: {  	[sflag:s8] =	ssyncset.done $0x0  }
0x1c3: {  	[sflag:s8] =	ssyncadd.s32 $0xFFFFD8F0  }
0x1c4: {  	[tilespmem:s9], [sflag:$0x7] =	stream.linear.gather [spmem:s5], $0x2710, $0x38;
	[tilespmem:$0x17700] =	vst v63  }
0x1c5: {  	_ =	swait.ge [sflag:s8], $0x2710  }
0x1c6: {  	[sflag:s8] =	ssyncset.done $0x0  }
0x1c7: {  	[sflag:s8] =	ssyncadd.s32 $0xFFFFD8F0  }
0x1c8: {  	[hbm4b:s7+s2] =	stream.linear.scatter [tilespmem:s9], [sflag:$0x7], $0x2710, $0x38;
	[tilespmem:$0x17700] =	vst v63  }
0x1c9: {  	_ =	swait.ge [sflag:s8], $0x2710  }
0x1ca: {  	[sflag:s8] =	ssyncset.done $0x0  }
0x1cb: {  	[sflag:s8] =	ssyncadd.s32 $0xFFFFD8F0  }
0x1cc: {  	_ =	sfence.sel $0x180000  }
0x1cd: {  	[bflag:$0x0] =	sbarrier.arrive $0xFFFF  }
0x1ce: {  	_ =	strace $0x9000004D  }
0x1cf: {  	s31 =	stileid.u32;
	[bflag:$0x2] =	sbarrier.arrive $0xFFFF  }
0x1d0: {  	p0 =	sne.s32 s31, $0x0;
	s0 =	rddreg [dreg:$0x4]  }
0x1d1: {  	s0 =	sadd.s32 @!p0 $0x100000, s0  }
0x1d2: {  	[sflag:s0] =	ssyncadd.tile.s32 @!p0 $0x1;
	_ =	shalt  }
.Lfunc_end2:
_tile_overlayer_lowered:
.L_overlay_start_2:
0x1d3: {  	(tag) =	ssettag $0x2  }
0x1d4: {  	s0 =	rddreg [dreg:$0x0];
	s2 =	stileid.u32  }
0x1d5: {  	s1 =	rddreg [dreg:$0x1];
	p0 =	sne.s32 s2, $0x0  }
0x1d6: {  	s3 =	rddreg [dreg:$0x2];
	[bflag:$0x3] =	sbarrier.arrive $0xFFFF;
	s2 =	simm.s32 @!p0 $0x1C07  }
0x1d7: {  	[timem:s3], [sflag:s2] =	dma.local @!p0 [hbm:s0], s1  }
0x1d8: {  	s0 =	simm.s32 @!p0 $0x7  }
0x1d9: {  	_ =	swait.ge @!p0 [sflag:s0], s1  }
0x1da: {  	s1 =	ssub.s32 @!p0 $0x0, s1;
	[sflag:s0] =	ssyncset.done @!p0 $0x0  }
0x1db: {  	[sflag:s0] =	ssyncadd.s32 @!p0 s1  }
0x1dc: {  	[bflag:$0x3] =	sbarrier.arrive $0xFFFF  }
0x1dd: {  	_ =	shalt  }

// kernel: kernel.19.cloned.1.call-start
scs
__scs_entry_jumppad:
0x0: {  	(pc) =	sbr.rel $0x88, $3  }
0x1: {  	(tag) =	ssettag $0x0;
	lr =	simm.s32 $0x1  }
0x2: {  	[smem:$0x3F8A] =	sst lr;
	_ =	strace $0xD0000000  }
0x3: {  	_ = 	snop  }
0x4: {  	_ = 	snop  }
0x5: {  	_ = 	snop  }
0x6: {  	_ = 	snop  }
0x7: {  	_ = 	snop  }
__scs_overlays_trampoline_lowered:
0x8: {  	[smem:$0x3F99] =	sst s0  }
0x9: {  	[smem:$0x3F9A] =	sst s1  }
0xa: {  	[smem:$0x3F9B] =	sst s2  }
0xb: {  	[smem:$0x3F9C] =	sst s3  }
0xc: {  	[smem:$0x3F9D] =	sst s4  }
0xd: {  	[smem:$0x3F9E] =	sst s5  }
0xe: {  	[smem:$0x3F9F] =	sst s6  }
0xf: {  	[smem:$0x3FA0] =	sst s7  }
0x10: {  	[smem:$0x3FA1] =	sst s8  }
0x11: {  	[smem:$0x3FA2] =	sst s9;
	s0 =	simm.s32 @!p0 $0x0  }
0x12: {  	s1 =	sld [smem:$0x3F88];
	s0 =	simm.s32 @p0 $0x1  }
0x13: {  	[smem:$0x3FA3] =	sst s0;
	s0 =	simm.s32 @!p1 $0x0  }
0x14: {  	s2 =	sld [smem:$0x3F87];
	s0 =	simm.s32 @p1 $0x1  }
0x15: {  	[smem:$0x3FA4] =	sst s0;
	s0 =	simm.s32 @!p2 $0x0  }
0x16: {  	s3 =	sld [smem:$0x3FDB];
	s0 =	simm.s32 @p2 $0x1  }
0x17: {  	s4 =	simm.s32 $0x1BF5;
	[smem:$0x3FA6] =	sst s0  }
0x18: {  	s0 =	sld [smem:$0x3F89];
	_ =	swait.ge [sflag:s4], $0x0  }
0x19: {  	s7 =	sld [smem:$0x3F8A]  }
0x1a: {  	s8 =	sadd.s32 $0xFFFFE003, lr  }
0x1b: {  	s9 =	sadd.s32 $0xFFFFFEF7, lr;
	s5 =	simm.s32 $0xFFFFFFFF;
	p2 =	slt.u32 s8, $0xFFFFF086  }
0x1c: {  	p1 =	slt.u32 s9, $0xF7A;
	s5 =	simm.s32 @!p2 $0x0  }
0x1d: {  	s5 =	simm.s32 @p1 $0x1;
	p0 =	seq.s32 s7, s2  }
0x1e: {  	s7 =	smul.u32 @!p0 $0xF7A, s2;
	p2 =	seq.s32 @!p0 s5, $0x0  }
0x1f: {  	s9 =	smul.u32 $0xF7A, s1;
	s8 =	simm.s32 @!p0 $0x1BF5;
	p2 =	por !p2, p0  }
0x20: {  	[sflag:s8] =	ssyncset.s32 @!p0 $0xFFFFF086;
	s6 =	sadd.s32 @!p0 s3, s7;
	s7 =	simm.s32 @!p0 $0x108  }
0x21: {  	s3 =	sadd.s32 s3, s9;
	s6 =	sadd.s32 @!p0 $0x88, s6;
	s7 =	simm.s32 @p2 $0x1082  }
0x22: {  	[simem:s7], [sflag:s8] =	dma.local @!p0 [hbm:s6], $0xF7A  }
0x23: {  	s9 =	sor.u32 $0xD0000000, s2;
	s6 =	simm.s32 $0x108;
	_ =	swait.ge @!p0 [sflag:s8], $0x0  }
0x24: {  	s3 =	sadd.s32 $0x88, s3;
	s6 =	simm.s32 @!p1 $0x1082;
	[sflag:s4] =	ssyncset.s32 $0xFFFFF086  }
0x25: {  	[simem:s6], [sflag:s4] =	dma.local [hbm:s3], $0xF7A  }
0x26: {  	[smem:$0x3F8A] =	sst s1;
	(tag) =	ssettag s2;
	_ =	strace s9  }
0x27: {  	s1 =	sld [smem:$0x3F9A]  }
0x28: {  	s2 =	sld [smem:$0x3F9B]  }
0x29: {  	s4 =	sld [smem:$0x3F9D]  }
0x2a: {  	p0 =	seq.s32 s5, $0x0;
	s5 =	sld [smem:$0x3F9E]  }
0x2b: {  	s6 =	sld [smem:$0x3F9F]  }
0x2c: {  	s7 =	sld [smem:$0x3FA0]  }
0x2d: {  	s3 =	simm.s32 $0x108;
	s8 =	sld [smem:$0x3FA1]  }
0x2e: {  	s3 =	simm.s32 @!p0 $0x1082;
	s9 =	sld [smem:$0x3FA2]  }
0x2f: {  	lr =	sadd.s32 s0, s3;
	s0 =	sld [smem:$0x3F99]  }
0x30: {  	s3 =	sld [smem:$0x3F9C]  }
0x31: {  	[smem:$0x3FA5] =	sst s10  }
0x32: {  	s10 =	sld [smem:$0x3FA3];
	_ =	sdelay $0x3  }
0x33: {  	p0 =	seq.s32 s10, $0x1;
	s10 =	sld [smem:$0x3FA5];
	_ =	sdelay $0x3  }
0x34: {  	[smem:$0x3FA5] =	sst s10  }
0x35: {  	s10 =	sld [smem:$0x3FA4];
	_ =	sdelay $0x3  }
0x36: {  	p1 =	seq.s32 s10, $0x1;
	s10 =	sld [smem:$0x3FA5];
	_ =	sdelay $0x3  }
0x37: {  	[smem:$0x3FA5] =	sst s10  }
0x38: {  	s10 =	sld [smem:$0x3FA6]  }
0x39: {  	_ = 	snop;
	(pc) =	sbr.ind lr, $3  }
0x3a: {  	_ = 	snop  }
0x3b: {  	_ = 	snop  }
0x3c: {  	p2 =	seq.s32 s10, $0x1;
	s10 =	sld [smem:$0x3FA5]  }
0x3d: {  	_ =	shalt  }
0x3e: {  	_ =	shalt  }
0x3f: {  	_ =	shalt  }
0x40: {  	_ =	shalt  }
0x41: {  	_ =	shalt  }
0x42: {  	_ =	shalt  }
0x43: {  	_ =	shalt  }
0x44: {  	_ =	shalt  }
0x45: {  	_ =	shalt  }
0x46: {  	_ =	shalt  }
0x47: {  	_ =	shalt  }
0x48: {  	_ =	shalt  }
0x49: {  	_ =	shalt  }
0x4a: {  	_ =	shalt  }
0x4b: {  	_ =	shalt  }
0x4c: {  	_ =	shalt  }
0x4d: {  	_ =	shalt  }
0x4e: {  	_ =	shalt  }
0x4f: {  	_ =	shalt  }
0x50: {  	_ =	shalt  }
0x51: {  	_ =	shalt  }
0x52: {  	_ =	shalt  }
0x53: {  	_ =	shalt  }
0x54: {  	_ =	shalt  }
0x55: {  	_ =	shalt  }
0x56: {  	_ =	shalt  }
0x57: {  	_ =	shalt  }
0x58: {  	_ =	shalt  }
0x59: {  	_ =	shalt  }
0x5a: {  	_ =	shalt  }
0x5b: {  	_ =	shalt  }
0x5c: {  	_ =	shalt  }
0x5d: {  	_ =	shalt  }
0x5e: {  	_ =	shalt  }
0x5f: {  	_ =	shalt  }
0x60: {  	_ =	shalt  }
0x61: {  	_ =	shalt  }
0x62: {  	_ =	shalt  }
0x63: {  	_ =	shalt  }
0x64: {  	_ =	shalt  }
0x65: {  	_ =	shalt  }
0x66: {  	_ =	shalt  }
0x67: {  	_ =	shalt  }
0x68: {  	_ =	shalt  }
0x69: {  	_ =	shalt  }
0x6a: {  	_ =	shalt  }
0x6b: {  	_ =	shalt  }
0x6c: {  	_ =	shalt  }
0x6d: {  	_ =	shalt  }
0x6e: {  	_ =	shalt  }
0x6f: {  	_ =	shalt  }
0x70: {  	_ =	shalt  }
0x71: {  	_ =	shalt  }
0x72: {  	_ =	shalt  }
0x73: {  	_ =	shalt  }
0x74: {  	_ =	shalt  }
0x75: {  	_ =	shalt  }
0x76: {  	_ =	shalt  }
0x77: {  	_ =	shalt  }
0x78: {  	_ =	shalt  }
0x79: {  	_ =	shalt  }
0x7a: {  	_ =	shalt  }
0x7b: {  	_ =	shalt  }
0x7c: {  	_ =	shalt  }
0x7d: {  	_ =	shalt  }
0x7e: {  	_ =	shalt  }
0x7f: {  	_ =	shalt  }
0x80: {  	_ =	shalt  }
0x81: {  	_ =	shalt  }
0x82: {  	_ =	shalt  }
0x83: {  	_ =	shalt  }
0x84: {  	_ =	shalt  }
0x85: {  	_ =	shalt  }
0x86: {  	_ =	shalt  }
0x87: {  	_ =	shalt  }
.Lfunc_end0:
.L_simem_size_0:
called_computation.3_lowered:
.L_overlay_start_0:
0x88: {  	s2 =	sld [smem:$0x3FD9]  }
0x89: {  	s3 =	sld [smem:$0x3FFE];
	_ =	sdelay $0x1  }
0x8a: {  	s1 =	srdreg.scid  }
0x8b: {  	s0 =	sand.u32 $0x1, s1  }
0x8c: {  	s17 =	sshll.u32 s0, $0xA;
	s2 =	sadd.s32 s3, s2  }
0x8d: {  	s2 =	sadd.s32 s2, s17  }
0x8e: {  	[smem:$0x3FB1] =	sst s2  }
0x8f: {  	_ = 	snop  }
0x90: {  	s2 =	sld [smem:$0x3FD0];
	(tm) =	ssettm $0x1  }
0x91: {  	s18 =	sld [smem:$0x3FFB];
	_ =	sdelay $0x3  }
0x92: {  	_ =	strace s18  }
0x93: {  	s3 =	sld [smem:$0x3FFC];
	_ =	sdelay $0x3  }
0x94: {  	_ =	strace s3  }
0x95: {  	s3 =	sld [smem:$0x3FFD];
	_ =	sdelay $0x3  }
0x96: {  	_ =	strace s3  }
0x97: {  	_ =	strace $0x8FFFFFFF  }
0x98: {  	s19 =	sld [smem:$0x3FDB];
	_ =	sdelay $0x1  }
0x99: {  	s4 =	simm.s32 $_scs_section_size  }
0x9a: {  	s5 =	simm.s32 $_size__tile_overlayer_lowered;
	s6 =	simm.s32 $_tile_overlayer_lowered  }
0x9b: {  	s22 =	simm.s32 $0x1BFF;
	s21 =	sshll.u32 s6, $0x1;
	s3 =	sadd.s32 s4, s19  }
0x9c: {  	s7 =	simm.s32 $0x0;
	s20 =	sshll.u32 s5, $0x1;
	s5 =	sadd.s32 s21, s3  }
0x9d: {  	[timem:s7], [sflag:s22] =	dma.local [hbm:s5], s20  }
0x9e: {  	_ =	swait.ge [sflag:s22], s20  }
0x9f: {  	s4 =	ssub.s32 $0x0, s20;
	[sflag:s22] =	ssyncset.done $0x0  }
0xa0: {  	[sflag:s22] =	ssyncadd.s32 s4;
	_ =	sdelay $0x1  }
0xa1: {  	s23 =	simm.s32 $0x1B8B  }
0xa2: {  	_ =	swait.ge [sflag:s23], $0x1  }
0xa3: {  	[sflag:s23] =	ssyncset.done $0x0  }
0xa4: {  	s25 =	simm.s32 $0x1B8E;
	s24 =	sld [smem:$0x3FFE];
	[sflag:s23] =	ssyncadd.s32 $0xFFFFFFFF  }
0xa5: {  	s26 =	simm.s32 $execute0_lowered;
	[smem:$0x3FD2] =	sst s25  }
0xa6: {  	s5 =	sshll.u32 s26, $0x1;
	_ =	strace $0x8000004F;
	[dreg:$0x1] =	wrdreg $0xFFFFFFFF  }
0xa7: {  	s28 =	simm.s32 $_size_execute0_lowered;
	s3 =	sadd.s32 s3, s5;
	[dreg:$0x0] =	wrdreg $0x0  }
0xa8: {  	s5 =	sshll.u32 s28, $0x1;
	[dreg:$0x2] =	wrdreg s3  }
0xa9: {  	[dreg:$0x3] =	wrdreg s5  }
0xaa: {  	[dreg:$0x4] =	wrdreg $0xC0  }
0xab: {  	_ =	task [dreg:s7], $0x5FFFF  }
0xac: {  	[dreg:$0x1] =	wrdreg $0xFFFFFFFF  }
0xad: {  	[dreg:$0x0] =	wrdreg $0x60  }
0xae: {  	[dreg:$0x2] =	wrdreg s24  }
0xaf: {  	[dreg:$0x3] =	wrdreg s2  }
0xb0: {  	[dreg:$0x4] =	wrdreg $0x128E00  }
0xb1: {  	[dreg:$0x5] =	wrdreg $0x14FF00  }
0xb2: {  	[dreg:$0x6] =	wrdreg $0x9  }
0xb3: {  	_ =	task.clear_ibuf [dreg:s7], $0x7FFFF;
	_ =	strace $0x9000004F  }
0xb4: {  	s29 =	simm.s32 $0x9;
	_ =	strace $0x80000051  }
0xb5: {  	_ =	swait.ge [sflag:s29], $0x1  }
0xb6: {  	[sflag:s29] =	ssyncadd.s32 $0xFFFFFFFF  }
0xb7: {  	_ =	strace $0x90000051  }
0xb8: {  	_ =	sfence  }
0xb9: {  	s30 =	sld [smem:$0x0];
	_ =	sdelay $0x2  }
0xba: {  	s31 =	sshll.u32 s1, $0xD;
	s1 =	sshrl.u32 s1, $0x2  }
0xbb: {  	s3 =	sand.u32 $0x4000, s31;
	s1 =	sadd.s32 s1, s30  }
0xbc: {  	s0 =	sor.u32 s3, s0;
	s1 =	sshll.u32 s1, $0x11  }
0xbd: {  	s0 =	sor.u32 s1, s0  }
0xbe: {  	s0 =	sadd.s32 $0x8F2B, s0  }
0xbf: {  	[sflag:s0] =	ssyncadd.remote.s32 $0x1  }
0xc0: {  	_ =	sfence.sel $0xFFFF  }
0xc1: {  	[dreg:$0x0] =	wrdreg $0xFFFFFFFF;
	(pc) =	sbr.abs _section_cstart, $3  }
0xc2: {  	[dreg:$0x1] =	wrdreg $0xFFFFFFFF  }
0xc3: {  	_ =	task.clear_ibuf [dreg:s7], $0x2FFFF;
	_ =	strace $0x9FFFFFFF  }
0xc4: {  	(tm) =	ssettm $0x7FFFFFFF  }
0xc5: {  	_ =	shalt  }
tec
execute0_lowered:
.L_overlay_start_1:
0x0: {  	(tag) =	ssettag $0x1  }
0x1: {  	s0 =	rddreg [dreg:$0x0]  }
0x2: {  	s1 =	rddreg [dreg:$0x1]  }
0x3: {  	s2 =	srdreg.scid;
	s4 =	rddreg [dreg:$0x2]  }
0x4: {  	s8 =	stileid.u32;
	s3 =	rddreg [dreg:$0x3]  }
0x5: {  	s5 =	sand.u32 $0x1, s2;
	s7 =	smul.u32 $0x2710, s8;
	s8 =	sshll.u32 s8, $0x1  }
0x6: {  	p0 =	por $0x0, $0x0;
	s6 =	smul.u32 $0x27100, s5;
	s8 =	sor.u32 s5, s8  }
0x7: {  	s2 =	simm.s32 $0x0;
	s11 =	sadd.s32 $0x5A800, s0;
	s10 =	smul.u32 $0x1388, s8  }
0x8: {  	[smem:$0x7FF] =	sst s2;
	s5 =	ssub.s32 $0x2, s5;
	s26 =	smul.u32 $0x2710, s8  }
0x9: {  	_ =	strace $0x80000050;
	s8 =	smul.u32 $0x13880, s8;
	s6 =	sadd.s32 s7, s6  }
0xa: {  	s6 =	sshrl.u32 s6, $0x3;
	s25 =	sshrl.u32 s10, $0x3;
	s15 =	sadd.s32 s11, s26  }
0xb: {  	s16 =	sadd.s32 $0x756E8, s10;
	s8 =	sshrl.u32 s8, $0x3;
	s10 =	sadd.s32 $0x75EB8, s10  }
0xc: {  	s9 =	sadd.s32 s6, s0;
	s0 =	sadd.s32 $0xA8A00, s0;
	s13 =	sadd.s32 s1, s25  }
0xd: {  	[dreg:$0x8] =	wrdreg s15;
	s18 =	sadd.s32 $0x7D0, s8;
	s20 =	sadd.s32 $0xFA0, s8  }
0xe: {  	s21 =	sshrl.u32 s10, $0x3;
	s22 =	sadd.s32 $0x1770, s8;
	s23 =	sadd.s32 $0x1F40, s8  }
0xf: {  	s8 =	simm.s32 $0x7;
	s15 =	simm.s32 $0x3;
	s6 =	sadd.s32 $0x5D9200, s9  }
0x10: {  	s12 =	sadd.s32 $0x5E3000, s9;
	s14 =	sadd.s32 $0xEA60, s13;
	s19 =	sadd.s32 s11, s18  }
0x11: {  	s29 =	sadd.s32 $0xEB5A, s13;
	s30 =	sadd.s32 s11, s20;
	s31 =	sadd.s32 s0, s20  }
0x12: {  	s25 =	sadd.s32 s1, s21;
	s28 =	sadd.s32 s0, s22;
	[dreg:$0x5] =	wrdreg s6  }
0x13: {  	s20 =	sadd.s32 s11, s23;
	s21 =	sadd.s32 s0, s23;
	[dreg:$0x6] =	wrdreg s12  }
0x14: {  	s10 =	sadd.s32 $0x11400, s9;
	s23 =	simm.s32 $0x4;
	[dreg:$0x7] =	wrdreg s14  }
0x15: {  	s14 =	sshrl.u32 s5, $0x1;
	s6 =	sadd.s32 s0, s26;
	s12 =	sshrl.u32 s16, $0x3  }
0x16: {  	[dreg:$0xb] =	wrdreg s19;
	s26 =	sadd.s32 s11, s22;
	s19 =	sadd.s32 $0xEC54, s13  }
0x17: {  	s13 =	simm.s32 $0x7D0;
	s11 =	simm.s32 $0x84D0;
	s14 =	ssub.s32 s5, s14  }
0x18: {  	s16 =	simm.s32 $0x1;
	s22 =	simm.s32 $0x6;
	s24 =	smax.u32 s14, $0x1  }
0x19: {  	[dreg:$0x9] =	wrdreg s6;
	s17 =	sadd.s32 s1, s12;
	p1 =	sne.s32 s24, $0x1  }
.Ltmp0:
0x1a: {  	s6 =	sadd.s32 s7, s4;
	s12 =	sadd.s32 s0, s18;
	(pc) =	sbr.rel @!p1 .LBB2_3-.Ltmp0, $4  }
0x1b: {  	s5 =	sadd.s32 s7, s3;
	s7 =	sadd.s32 $0x7600, s9;
	s0 =	rddreg [dreg:$0x5]  }
0x1c: {  	s9 =	simm.s32 $0x101D0;
	s18 =	simm.s32 $0x4650;
	[dreg:$0xa] =	wrdreg s17  }
0x1d: {  	[dreg:$0xc] =	wrdreg s12;
	s12 =	simm.s32 $0x3E8;
	s17 =	simm.s32 $0xC350  }
0x1e: {  	s14 =	simm.s32 $0x5;
	s1 =	sadd.s32 $0xFFFFFFFF, s24;
	s24 =	simm.s32 $0x2  }
0x1f: {  	[tilespmem:s9], [sflag:$0x7] =	stream.linear.gather [hbm4b:s0+s2], $0x2710, $0x38;
	[tilespmem:$0x17700] =	vst v63  }
0x20: {  	_ =	swait.ge [sflag:s8], $0x2710  }
0x21: {  	[sflag:s8] =	ssyncset.done $0x0  }
0x22: {  	[sflag:s8] =	ssyncadd.s32 $0xFFFFD8F0  }
0x23: {  	[spmem:s6] =	stream.linear.scatter [tilespmem:s9], [sflag:$0x7], $0x2710, $0x38;
	[tilespmem:$0x17700] =	vst v63  }
0x24: {  	_ =	swait.ge [sflag:s8], $0x2710  }
0x25: {  	[sflag:s8] =	ssyncset.done $0x0  }
0x26: {  	s0 =	rddreg [dreg:$0x6];
	[sflag:s8] =	ssyncadd.s32 $0xFFFFD8F0  }
0x27: {  	[tilespmem:s9], [sflag:$0x7] =	stream.linear.gather [hbm4b:s0+s2], $0x2710, $0x38;
	[tilespmem:$0x17700] =	vst v63  }
0x28: {  	_ =	swait.ge [sflag:s8], $0x2710  }
0x29: {  	[sflag:s8] =	ssyncset.done $0x0  }
0x2a: {  	[sflag:s8] =	ssyncadd.s32 $0xFFFFD8F0  }
0x2b: {  	[spmem:s5] =	stream.linear.scatter [tilespmem:s9], [sflag:$0x7], $0x2710, $0x38;
	[tilespmem:$0x17700] =	vst v63  }
0x2c: {  	_ =	swait.ge [sflag:s8], $0x2710  }
0x2d: {  	[sflag:s8] =	ssyncset.done $0x0  }
0x2e: {  	[sflag:s8] =	ssyncadd.s32 $0xFFFFD8F0  }
0x2f: {  	[bflag:$0x0] =	sbarrier.arrive $0xFFFF  }
0x30: {  	s0 =	rddreg [dreg:$0x7]  }
0x31: {  	[dreg:$0xd] =	wrdreg s1  }
0x32: {  	[tilespmem:s2], [sflag:$0x1] =	stream.linear.gather [hbm4b:s0+s2], $0x3E8, $0x38;
	[tilespmem:$0x17700] =	vst v63  }
0x33: {  	s1 =	rddreg [dreg:$0x8]  }
0x34: {  	[tilespmem:s13], [sflag:$0x3] =	stream.linear.gather [hbm4b:s1+s2], $0x3E80, $0x38;
	[tilespmem:$0x17700] =	vst v63  }
0x35: {  	s0 =	rddreg [dreg:$0x9]  }
0x36: {  	[tilespmem:s11], [sflag:$0x5] =	stream.linear.gather [hbm4b:s0+s2], $0x3E80, $0x38;
	[tilespmem:$0x17700] =	vst v63  }
0x37: {  	s1 =	rddreg [dreg:$0xa]  }
0x38: {  	[tilespmem:s12], [sflag:$0x2] =	stream.linear.gather [hbm4b:s1+s2], $0x3E8, $0x38;
	[tilespmem:$0x17700] =	vst v63  }
0x39: {  	s0 =	rddreg [dreg:$0xb]  }
0x3a: {  	[tilespmem:s18], [sflag:$0x4] =	stream.linear.gather [hbm4b:s0+s2], $0x3E80, $0x38;
	[tilespmem:$0x17700] =	vst v63  }
0x3b: {  	s1 =	rddreg [dreg:$0xc]  }
0x3c: {  	[tilespmem:s17], [sflag:$0x6] =	stream.linear.gather [hbm4b:s1+s2], $0x3E80, $0x38;
	[tilespmem:$0x17700] =	vst v63  }
0x3d: {  	_ =	swait.ge [sflag:s16], $0x3E8  }
0x3e: {  	[sflag:s16] =	ssyncset.done $0x0  }
0x3f: {  	[sflag:s16] =	ssyncadd.s32 $0xFFFFFC18  }
0x40: {  	_ =	swait.ge [sflag:s15], $0x3E80  }
0x41: {  	[sflag:s15] =	ssyncset.done $0x0  }
0x42: {  	[sflag:s15] =	ssyncadd.s32 $0xFFFFC180  }
0x43: {  	_ =	swait.ge [sflag:s14], $0x3E80  }
0x44: {  	[sflag:s14] =	ssyncset.done $0x0  }
0x45: {  	[sflag:s14] =	ssyncadd.s32 $0xFFFFC180  }
0x46: {  	[spmem:s4] =	stream.indirect.scatter.add.f32 [tilespmem:s13], [sflag:$0x7], $0x10, s2, s12, $0xb8;
	[tilespmem:$0x17700] =	vst v63  }
0x47: {  	_ =	swait.ge [sflag:s8], $0x3E80  }
0x48: {  	[sflag:s8] =	ssyncset.done $0x0  }
0x49: {  	[sflag:s8] =	ssyncadd.s32 $0xFFFFC180  }
0x4a: {  	[spmem:s3] =	stream.indirect.scatter.add.f32 [tilespmem:s11], [sflag:$0x7], $0x10, s2, s12, $0xb8;
	[tilespmem:$0x17700] =	vst v63  }
0x4b: {  	_ =	swait.ge [sflag:s8], $0x3E80  }
0x4c: {  	[sflag:s8] =	ssyncset.done $0x0  }
0x4d: {  	[sflag:s8] =	ssyncadd.s32 $0xFFFFC180  }
0x4e: {  	[tilespmem:s2], [sflag:$0x1] =	stream.linear.gather [hbm4b:s29+s2], $0x3E8, $0x38;
	[tilespmem:$0x17700] =	vst v63  }
0x4f: {  	_ = 	snop  }
0x50: {  	[tilespmem:s13], [sflag:$0x3] =	stream.linear.gather [hbm4b:s30+s2], $0x3E80, $0x38;
	[tilespmem:$0x17700] =	vst v63  }
0x51: {  	_ = 	snop  }
0x52: {  	[tilespmem:s11], [sflag:$0x5] =	stream.linear.gather [hbm4b:s31+s2], $0x3E80, $0x38;
	[tilespmem:$0x17700] =	vst v63  }
0x53: {  	_ =	swait.ge [sflag:s24], $0x3E8  }
0x54: {  	[sflag:s24] =	ssyncset.done $0x0  }
0x55: {  	[sflag:s24] =	ssyncadd.s32 $0xFFFFFC18  }
0x56: {  	_ =	swait.ge [sflag:s23], $0x3E80  }
0x57: {  	[sflag:s23] =	ssyncset.done $0x0  }
0x58: {  	[sflag:s23] =	ssyncadd.s32 $0xFFFFC180  }
0x59: {  	_ =	swait.ge [sflag:s22], $0x3E80  }
0x5a: {  	[sflag:s22] =	ssyncset.done $0x0  }
0x5b: {  	[sflag:s22] =	ssyncadd.s32 $0xFFFFC180  }
0x5c: {  	[spmem:s4] =	stream.indirect.scatter.add.f32 [tilespmem:s18], [sflag:$0x7], $0x10, s12, s12, $0xb8;
	[tilespmem:$0x17700] =	vst v63  }
0x5d: {  	_ =	swait.ge [sflag:s8], $0x3E80  }
0x5e: {  	[sflag:s8] =	ssyncset.done $0x0  }
0x5f: {  	[sflag:s8] =	ssyncadd.s32 $0xFFFFC180  }
0x60: {  	[spmem:s3] =	stream.indirect.scatter.add.f32 [tilespmem:s17], [sflag:$0x7], $0x10, s12, s12, $0xb8;
	[tilespmem:$0x17700] =	vst v63  }
0x61: {  	_ =	swait.ge [sflag:s8], $0x3E80  }
0x62: {  	[sflag:s8] =	ssyncset.done $0x0  }
0x63: {  	[sflag:s8] =	ssyncadd.s32 $0xFFFFC180  }
0x64: {  	[tilespmem:s12], [sflag:$0x2] =	stream.linear.gather [hbm4b:s25+s2], $0x3E8, $0x38;
	[tilespmem:$0x17700] =	vst v63  }
0x65: {  	_ = 	snop  }
0x66: {  	[tilespmem:s18], [sflag:$0x4] =	stream.linear.gather [hbm4b:s26+s2], $0x3E80, $0x38;
	[tilespmem:$0x17700] =	vst v63  }
0x67: {  	_ = 	snop  }
0x68: {  	[tilespmem:s17], [sflag:$0x6] =	stream.linear.gather [hbm4b:s28+s2], $0x3E80, $0x38;
	[tilespmem:$0x17700] =	vst v63  }
0x69: {  	_ =	swait.ge [sflag:s16], $0x3E8  }
0x6a: {  	[sflag:s16] =	ssyncset.done $0x0  }
0x6b: {  	[sflag:s16] =	ssyncadd.s32 $0xFFFFFC18  }
0x6c: {  	_ =	swait.ge [sflag:s15], $0x3E80  }
0x6d: {  	[sflag:s15] =	ssyncset.done $0x0  }
0x6e: {  	[sflag:s15] =	ssyncadd.s32 $0xFFFFC180  }
0x6f: {  	_ =	swait.ge [sflag:s14], $0x3E80  }
0x70: {  	[sflag:s14] =	ssyncset.done $0x0  }
0x71: {  	[sflag:s14] =	ssyncadd.s32 $0xFFFFC180  }
0x72: {  	[spmem:s4] =	stream.indirect.scatter.add.f32 [tilespmem:s13], [sflag:$0x7], $0x10, s2, s12, $0xb8;
	[tilespmem:$0x17700] =	vst v63  }
0x73: {  	_ =	swait.ge [sflag:s8], $0x3E80  }
0x74: {  	[sflag:s8] =	ssyncset.done $0x0  }
0x75: {  	[sflag:s8] =	ssyncadd.s32 $0xFFFFC180  }
0x76: {  	[spmem:s3] =	stream.indirect.scatter.add.f32 [tilespmem:s11], [sflag:$0x7], $0x10, s2, s12, $0xb8;
	[tilespmem:$0x17700] =	vst v63  }
0x77: {  	_ =	swait.ge [sflag:s8], $0x3E80  }
0x78: {  	[sflag:s8] =	ssyncset.done $0x0  }
0x79: {  	[sflag:s8] =	ssyncadd.s32 $0xFFFFC180  }
0x7a: {  	[tilespmem:s2], [sflag:$0x1] =	stream.linear.gather [hbm4b:s19+s2], $0x3E8, $0x38;
	[tilespmem:$0x17700] =	vst v63  }
0x7b: {  	_ = 	snop  }
0x7c: {  	[tilespmem:s13], [sflag:$0x3] =	stream.linear.gather [hbm4b:s20+s2], $0x3E80, $0x38;
	[tilespmem:$0x17700] =	vst v63  }
0x7d: {  	_ = 	snop  }
0x7e: {  	[tilespmem:s11], [sflag:$0x5] =	stream.linear.gather [hbm4b:s21+s2], $0x3E80, $0x38;
	[tilespmem:$0x17700] =	vst v63  }
0x7f: {  	_ =	swait.ge [sflag:s24], $0x3E8  }
0x80: {  	[sflag:s24] =	ssyncset.done $0x0  }
0x81: {  	[sflag:s24] =	ssyncadd.s32 $0xFFFFFC18  }
0x82: {  	_ =	swait.ge [sflag:s23], $0x3E80  }
0x83: {  	[sflag:s23] =	ssyncset.done $0x0  }
0x84: {  	[sflag:s23] =	ssyncadd.s32 $0xFFFFC180  }
0x85: {  	_ =	swait.ge [sflag:s22], $0x3E80  }
0x86: {  	[sflag:s22] =	ssyncset.done $0x0  }
0x87: {  	[sflag:s22] =	ssyncadd.s32 $0xFFFFC180  }
0x88: {  	[spmem:s4] =	stream.indirect.scatter.add.f32 [tilespmem:s18], [sflag:$0x7], $0x10, s12, s12, $0xb8;
	[tilespmem:$0x17700] =	vst v63  }
0x89: {  	_ =	swait.ge [sflag:s8], $0x3E80  }
0x8a: {  	[sflag:s8] =	ssyncset.done $0x0  }
0x8b: {  	[sflag:s8] =	ssyncadd.s32 $0xFFFFC180  }
0x8c: {  	[spmem:s3] =	stream.indirect.scatter.add.f32 [tilespmem:s17], [sflag:$0x7], $0x10, s12, s12, $0xb8;
	[tilespmem:$0x17700] =	vst v63  }
0x8d: {  	_ =	swait.ge [sflag:s8], $0x3E80  }
0x8e: {  	[sflag:s8] =	ssyncset.done $0x0  }
0x8f: {  	[sflag:s8] =	ssyncadd.s32 $0xFFFFC180  }
0x90: {  	_ =	swait.ge [sflag:s16], $0x3E8  }
0x91: {  	[sflag:s16] =	ssyncset.done $0x0  }
0x92: {  	[sflag:s16] =	ssyncadd.s32 $0xFFFFFC18  }
0x93: {  	_ =	swait.ge [sflag:s15], $0x3E80  }
0x94: {  	[sflag:s15] =	ssyncset.done $0x0  }
0x95: {  	[sflag:s15] =	ssyncadd.s32 $0xFFFFC180  }
0x96: {  	_ =	swait.ge [sflag:s14], $0x3E80  }
0x97: {  	[sflag:s14] =	ssyncset.done $0x0  }
0x98: {  	[sflag:s14] =	ssyncadd.s32 $0xFFFFC180  }
0x99: {  	[spmem:s4] =	stream.indirect.scatter.add.f32 [tilespmem:s13], [sflag:$0x7], $0x10, s2, s12, $0xb8;
	[tilespmem:$0x17700] =	vst v63  }
0x9a: {  	_ =	swait.ge [sflag:s8], $0x3E80  }
0x9b: {  	[sflag:s8] =	ssyncset.done $0x0  }
0x9c: {  	[sflag:s8] =	ssyncadd.s32 $0xFFFFC180  }
0x9d: {  	[spmem:s3] =	stream.indirect.scatter.add.f32 [tilespmem:s11], [sflag:$0x7], $0x10, s2, s12, $0xb8;
	[tilespmem:$0x17700] =	vst v63  }
0x9e: {  	_ =	swait.ge [sflag:s8], $0x3E80  }
0x9f: {  	[sflag:s8] =	ssyncset.done $0x0  }
0xa0: {  	[sflag:s8] =	ssyncadd.s32 $0xFFFFC180  }
0xa1: {  	[bflag:$0x0] =	sbarrier.arrive $0xFFFF  }
0xa2: {  	[tilespmem:s9], [sflag:$0x7] =	stream.linear.gather [spmem:s6], $0x2710, $0x38;
	[tilespmem:$0x17700] =	vst v63  }
0xa3: {  	_ =	swait.ge [sflag:s8], $0x2710  }
0xa4: {  	[sflag:s8] =	ssyncset.done $0x0  }
0xa5: {  	[sflag:s8] =	ssyncadd.s32 $0xFFFFD8F0  }
0xa6: {  	[hbm4b:s10+s2] =	stream.linear.scatter [tilespmem:s9], [sflag:$0x7], $0x2710, $0x38;
	[tilespmem:$0x17700] =	vst v63  }
0xa7: {  	_ =	swait.ge [sflag:s8], $0x2710  }
0xa8: {  	[sflag:s8] =	ssyncset.done $0x0  }
0xa9: {  	[sflag:s8] =	ssyncadd.s32 $0xFFFFD8F0  }
0xaa: {  	[tilespmem:s9], [sflag:$0x7] =	stream.linear.gather [spmem:s5], $0x2710, $0x38;
	[tilespmem:$0x17700] =	vst v63  }
0xab: {  	_ =	swait.ge [sflag:s8], $0x2710  }
0xac: {  	s1 =	rddreg [dreg:$0xd]  }
0xad: {  	p1 =	sne.s32 s1, $0x1  }
.Ltmp1:
0xae: {  	[sflag:s8] =	ssyncset.done $0x0;
	(pc) =	sbr.rel @!p1 .LBB2_3-.Ltmp1, $4  }
0xaf: {  	[sflag:s8] =	ssyncadd.s32 $0xFFFFD8F0  }
0xb0: {  	[hbm4b:s7+s2] =	stream.linear.scatter [tilespmem:s9], [sflag:$0x7], $0x2710, $0x38;
	[tilespmem:$0x17700] =	vst v63  }
0xb1: {  	p0 =	por $0x1, $0x1;
	_ =	swait.ge [sflag:s8], $0x2710  }
0xb2: {  	s1 =	sadd.s32 $0xFFFFFFFF, s1;
	s0 =	rddreg [dreg:$0x5];
	[sflag:s8] =	ssyncset.done $0x0  }
.LBB2_2:
0xb3: {  	[sflag:s8] =	ssyncadd.s32 $0xFFFFD8F0  }
0xb4: {  	[tilespmem:s9], [sflag:$0x7] =	stream.linear.gather [hbm4b:s0+s2], $0x2710, $0x38;
	[tilespmem:$0x17700] =	vst v63  }
0xb5: {  	_ =	swait.ge [sflag:s8], $0x2710  }
0xb6: {  	[sflag:s8] =	ssyncset.done $0x0  }
0xb7: {  	[sflag:s8] =	ssyncadd.s32 $0xFFFFD8F0  }
0xb8: {  	[spmem:s6] =	stream.linear.scatter [tilespmem:s9], [sflag:$0x7], $0x2710, $0x38;
	[tilespmem:$0x17700] =	vst v63  }
0xb9: {  	_ =	swait.ge [sflag:s8], $0x2710  }
0xba: {  	[sflag:s8] =	ssyncset.done $0x0  }
0xbb: {  	s22 =	rddreg [dreg:$0x6];
	[sflag:s8] =	ssyncadd.s32 $0xFFFFD8F0  }
0xbc: {  	[tilespmem:s9], [sflag:$0x7] =	stream.linear.gather [hbm4b:s22+s2], $0x2710, $0x38;
	[tilespmem:$0x17700] =	vst v63  }
0xbd: {  	_ =	swait.ge [sflag:s8], $0x2710  }
0xbe: {  	[sflag:s8] =	ssyncset.done $0x0  }
0xbf: {  	s17 =	smov.u32 s6;
	s6 =	smov.u32 s5;
	[sflag:s8] =	ssyncadd.s32 $0xFFFFD8F0  }
0xc0: {  	[spmem:s5] =	stream.linear.scatter [tilespmem:s9], [sflag:$0x7], $0x2710, $0x38;
	[tilespmem:$0x17700] =	vst v63  }
0xc1: {  	s22 =	simm.s32 $0x7D0;
	s5 =	smov.u32 s31;
	_ =	swait.ge [sflag:s8], $0x2710  }
0xc2: {  	s31 =	smov.u32 s30;
	s30 =	smov.u32 s29;
	[sflag:s8] =	ssyncset.done $0x0  }
0xc3: {  	s29 =	smov.u32 s28;
	s28 =	smov.u32 s26;
	[sflag:s8] =	ssyncadd.s32 $0xFFFFD8F0  }
0xc4: {  	s26 =	smov.u32 s25;
	s25 =	smov.u32 s21;
	[bflag:$0x0] =	sbarrier.arrive $0xFFFF  }
0xc5: {  	s21 =	smov.u32 s20;
	s20 =	smov.u32 s19;
	s0 =	rddreg [dreg:$0x7]  }
0xc6: {  	[tilespmem:s2], [sflag:$0x1] =	stream.linear.gather [hbm4b:s0+s2], $0x3E8, $0x38;
	[tilespmem:$0x17700] =	vst v63  }
0xc7: {  	s19 =	smov.u32 s10;
	s10 =	smov.u32 s7;
	s7 =	rddreg [dreg:$0x8]  }
0xc8: {  	[tilespmem:s22], [sflag:$0x3] =	stream.linear.gather [hbm4b:s7+s2], $0x3E80, $0x38;
	[tilespmem:$0x17700] =	vst v63  }
0xc9: {  	s13 =	simm.s32 $0x84D0;
	s0 =	rddreg [dreg:$0x9]  }
0xca: {  	[tilespmem:s13], [sflag:$0x5] =	stream.linear.gather [hbm4b:s0+s2], $0x3E80, $0x38;
	[tilespmem:$0x17700] =	vst v63  }
0xcb: {  	s7 =	rddreg [dreg:$0xa]  }
0xcc: {  	[tilespmem:s12], [sflag:$0x2] =	stream.linear.gather [hbm4b:s7+s2], $0x3E8, $0x38;
	[tilespmem:$0x17700] =	vst v63  }
0xcd: {  	s11 =	simm.s32 $0x4650;
	s0 =	rddreg [dreg:$0xb]  }
0xce: {  	[tilespmem:s11], [sflag:$0x4] =	stream.linear.gather [hbm4b:s0+s2], $0x3E80, $0x38;
	[tilespmem:$0x17700] =	vst v63  }
0xcf: {  	s18 =	simm.s32 $0xC350;
	s7 =	rddreg [dreg:$0xc]  }
0xd0: {  	[tilespmem:s18], [sflag:$0x6] =	stream.linear.gather [hbm4b:s7+s2], $0x3E80, $0x38;
	[tilespmem:$0x17700] =	vst v63  }
0xd1: {  	_ =	swait.ge [sflag:s16], $0x3E8  }
0xd2: {  	[sflag:s16] =	ssyncset.done $0x0  }
0xd3: {  	[sflag:s16] =	ssyncadd.s32 $0xFFFFFC18  }
0xd4: {  	_ =	swait.ge [sflag:s15], $0x3E80  }
0xd5: {  	[sflag:s15] =	ssyncset.done $0x0  }
0xd6: {  	[sflag:s15] =	ssyncadd.s32 $0xFFFFC180  }
0xd7: {  	_ =	swait.ge [sflag:s14], $0x3E80  }
0xd8: {  	[sflag:s14] =	ssyncset.done $0x0  }
0xd9: {  	s13 =	simm.s32 $0x7D0;
	[sflag:s14] =	ssyncadd.s32 $0xFFFFC180  }
0xda: {  	[spmem:s4] =	stream.indirect.scatter.add.f32 [tilespmem:s13], [sflag:$0x7], $0x10, s2, s12, $0xb8;
	[tilespmem:$0x17700] =	vst v63  }
0xdb: {  	_ =	swait.ge [sflag:s8], $0x3E80  }
0xdc: {  	s11 =	simm.s32 $0x84D0;
	s7 =	smov.u32 s10;
	[sflag:s8] =	ssyncset.done $0x0  }
0xdd: {  	s10 =	smov.u32 s19;
	s19 =	smov.u32 s20;
	[sflag:s8] =	ssyncadd.s32 $0xFFFFC180  }
0xde: {  	[spmem:s3] =	stream.indirect.scatter.add.f32 [tilespmem:s11], [sflag:$0x7], $0x10, s2, s12, $0xb8;
	[tilespmem:$0x17700] =	vst v63  }
0xdf: {  	s20 =	smov.u32 s21;
	s21 =	smov.u32 s25;
	_ =	swait.ge [sflag:s8], $0x3E80  }
0xe0: {  	s25 =	smov.u32 s26;
	s26 =	smov.u32 s28;
	[sflag:s8] =	ssyncset.done $0x0  }
0xe1: {  	s28 =	smov.u32 s29;
	s29 =	smov.u32 s30;
	[sflag:s8] =	ssyncadd.s32 $0xFFFFC180  }
0xe2: {  	[tilespmem:s2], [sflag:$0x1] =	stream.linear.gather [hbm4b:s29+s2], $0x3E8, $0x38;
	[tilespmem:$0x17700] =	vst v63  }
0xe3: {  	s30 =	smov.u32 s31  }
0xe4: {  	[tilespmem:s13], [sflag:$0x3] =	stream.linear.gather [hbm4b:s30+s2], $0x3E80, $0x38;
	[tilespmem:$0x17700] =	vst v63  }
0xe5: {  	s31 =	smov.u32 s5  }
0xe6: {  	[tilespmem:s11], [sflag:$0x5] =	stream.linear.gather [hbm4b:s31+s2], $0x3E80, $0x38;
	[tilespmem:$0x17700] =	vst v63  }
0xe7: {  	_ =	swait.ge [sflag:s24], $0x3E8  }
0xe8: {  	[sflag:s24] =	ssyncset.done $0x0  }
0xe9: {  	[sflag:s24] =	ssyncadd.s32 $0xFFFFFC18  }
0xea: {  	_ =	swait.ge [sflag:s23], $0x3E80  }
0xeb: {  	[sflag:s23] =	ssyncset.done $0x0  }
0xec: {  	s22 =	simm.s32 $0x6;
	[sflag:s23] =	ssyncadd.s32 $0xFFFFC180  }
0xed: {  	_ =	swait.ge [sflag:s22], $0x3E80  }
0xee: {  	[sflag:s22] =	ssyncset.done $0x0  }
0xef: {  	s18 =	simm.s32 $0x4650;
	[sflag:s22] =	ssyncadd.s32 $0xFFFFC180  }
0xf0: {  	[spmem:s4] =	stream.indirect.scatter.add.f32 [tilespmem:s18], [sflag:$0x7], $0x10, s12, s12, $0xb8;
	[tilespmem:$0x17700] =	vst v63  }
0xf1: {  	_ =	swait.ge [sflag:s8], $0x3E80  }
0xf2: {  	s5 =	smov.u32 s6;
	[sflag:s8] =	ssyncset.done $0x0  }
0xf3: {  	s6 =	smov.u32 s17;
	s17 =	simm.s32 $0xC350;
	[sflag:s8] =	ssyncadd.s32 $0xFFFFC180  }
0xf4: {  	[spmem:s3] =	stream.indirect.scatter.add.f32 [tilespmem:s17], [sflag:$0x7], $0x10, s12, s12, $0xb8;
	[tilespmem:$0x17700] =	vst v63  }
0xf5: {  	_ =	swait.ge [sflag:s8], $0x3E80  }
0xf6: {  	[sflag:s8] =	ssyncset.done $0x0  }
0xf7: {  	[sflag:s8] =	ssyncadd.s32 $0xFFFFC180  }
0xf8: {  	[tilespmem:s12], [sflag:$0x2] =	stream.linear.gather [hbm4b:s25+s2], $0x3E8, $0x38;
	[tilespmem:$0x17700] =	vst v63  }
0xf9: {  	_ = 	snop  }
0xfa: {  	[tilespmem:s18], [sflag:$0x4] =	stream.linear.gather [hbm4b:s26+s2], $0x3E80, $0x38;
	[tilespmem:$0x17700] =	vst v63  }
0xfb: {  	_ = 	snop  }
0xfc: {  	[tilespmem:s17], [sflag:$0x6] =	stream.linear.gather [hbm4b:s28+s2], $0x3E80, $0x38;
	[tilespmem:$0x17700] =	vst v63  }
0xfd: {  	_ =	swait.ge [sflag:s16], $0x3E8  }
0xfe: {  	[sflag:s16] =	ssyncset.done $0x0  }
0xff: {  	[sflag:s16] =	ssyncadd.s32 $0xFFFFFC18  }
0x100: {  	_ =	swait.ge [sflag:s15], $0x3E80  }
0x101: {  	[sflag:s15] =	ssyncset.done $0x0  }
0x102: {  	[sflag:s15] =	ssyncadd.s32 $0xFFFFC180  }
0x103: {  	_ =	swait.ge [sflag:s14], $0x3E80  }
0x104: {  	[sflag:s14] =	ssyncset.done $0x0  }
0x105: {  	[sflag:s14] =	ssyncadd.s32 $0xFFFFC180  }
0x106: {  	[spmem:s4] =	stream.indirect.scatter.add.f32 [tilespmem:s13], [sflag:$0x7], $0x10, s2, s12, $0xb8;
	[tilespmem:$0x17700] =	vst v63  }
0x107: {  	_ =	swait.ge [sflag:s8], $0x3E80  }
0x108: {  	[sflag:s8] =	ssyncset.done $0x0  }
0x109: {  	[sflag:s8] =	ssyncadd.s32 $0xFFFFC180  }
0x10a: {  	[spmem:s3] =	stream.indirect.scatter.add.f32 [tilespmem:s11], [sflag:$0x7], $0x10, s2, s12, $0xb8;
	[tilespmem:$0x17700] =	vst v63  }
0x10b: {  	_ =	swait.ge [sflag:s8], $0x3E80  }
0x10c: {  	[sflag:s8] =	ssyncset.done $0x0  }
0x10d: {  	[sflag:s8] =	ssyncadd.s32 $0xFFFFC180  }
0x10e: {  	[tilespmem:s2], [sflag:$0x1] =	stream.linear.gather [hbm4b:s19+s2], $0x3E8, $0x38;
	[tilespmem:$0x17700] =	vst v63  }
0x10f: {  	_ = 	snop  }
0x110: {  	[tilespmem:s13], [sflag:$0x3] =	stream.linear.gather [hbm4b:s20+s2], $0x3E80, $0x38;
	[tilespmem:$0x17700] =	vst v63  }
0x111: {  	_ = 	snop  }
0x112: {  	[tilespmem:s11], [sflag:$0x5] =	stream.linear.gather [hbm4b:s21+s2], $0x3E80, $0x38;
	[tilespmem:$0x17700] =	vst v63  }
0x113: {  	_ =	swait.ge [sflag:s24], $0x3E8  }
0x114: {  	[sflag:s24] =	ssyncset.done $0x0  }
0x115: {  	[sflag:s24] =	ssyncadd.s32 $0xFFFFFC18  }
0x116: {  	_ =	swait.ge [sflag:s23], $0x3E80  }
0x117: {  	[sflag:s23] =	ssyncset.done $0x0  }
0x118: {  	[sflag:s23] =	ssyncadd.s32 $0xFFFFC180  }
0x119: {  	_ =	swait.ge [sflag:s22], $0x3E80  }
0x11a: {  	[sflag:s22] =	ssyncset.done $0x0  }
0x11b: {  	[sflag:s22] =	ssyncadd.s32 $0xFFFFC180  }
0x11c: {  	[spmem:s4] =	stream.indirect.scatter.add.f32 [tilespmem:s18], [sflag:$0x7], $0x10, s12, s12, $0xb8;
	[tilespmem:$0x17700] =	vst v63  }
0x11d: {  	_ =	swait.ge [sflag:s8], $0x3E80  }
0x11e: {  	[sflag:s8] =	ssyncset.done $0x0  }
0x11f: {  	[sflag:s8] =	ssyncadd.s32 $0xFFFFC180  }
0x120: {  	[spmem:s3] =	stream.indirect.scatter.add.f32 [tilespmem:s17], [sflag:$0x7], $0x10, s12, s12, $0xb8;
	[tilespmem:$0x17700] =	vst v63  }
0x121: {  	_ =	swait.ge [sflag:s8], $0x3E80  }
0x122: {  	[sflag:s8] =	ssyncset.done $0x0  }
0x123: {  	[sflag:s8] =	ssyncadd.s32 $0xFFFFC180  }
0x124: {  	_ =	swait.ge [sflag:s16], $0x3E8  }
0x125: {  	[sflag:s16] =	ssyncset.done $0x0  }
0x126: {  	[sflag:s16] =	ssyncadd.s32 $0xFFFFFC18  }
0x127: {  	_ =	swait.ge [sflag:s15], $0x3E80  }
0x128: {  	[sflag:s15] =	ssyncset.done $0x0  }
0x129: {  	[sflag:s15] =	ssyncadd.s32 $0xFFFFC180  }
0x12a: {  	_ =	swait.ge [sflag:s14], $0x3E80  }
0x12b: {  	[sflag:s14] =	ssyncset.done $0x0  }
0x12c: {  	[sflag:s14] =	ssyncadd.s32 $0xFFFFC180  }
0x12d: {  	[spmem:s4] =	stream.indirect.scatter.add.f32 [tilespmem:s13], [sflag:$0x7], $0x10, s2, s12, $0xb8;
	[tilespmem:$0x17700] =	vst v63  }
0x12e: {  	_ =	swait.ge [sflag:s8], $0x3E80  }
0x12f: {  	[sflag:s8] =	ssyncset.done $0x0  }
0x130: {  	[sflag:s8] =	ssyncadd.s32 $0xFFFFC180  }
0x131: {  	[spmem:s3] =	stream.indirect.scatter.add.f32 [tilespmem:s11], [sflag:$0x7], $0x10, s2, s12, $0xb8;
	[tilespmem:$0x17700] =	vst v63  }
0x132: {  	_ =	swait.ge [sflag:s8], $0x3E80  }
0x133: {  	[sflag:s8] =	ssyncset.done $0x0  }
0x134: {  	[sflag:s8] =	ssyncadd.s32 $0xFFFFC180  }
0x135: {  	[bflag:$0x0] =	sbarrier.arrive $0xFFFF  }
0x136: {  	[tilespmem:s9], [sflag:$0x7] =	stream.linear.gather [spmem:s6], $0x2710, $0x38;
	[tilespmem:$0x17700] =	vst v63  }
0x137: {  	_ =	swait.ge [sflag:s8], $0x2710  }
0x138: {  	[sflag:s8] =	ssyncset.done $0x0  }
0x139: {  	[sflag:s8] =	ssyncadd.s32 $0xFFFFD8F0  }
0x13a: {  	[hbm4b:s10+s2] =	stream.linear.scatter [tilespmem:s9], [sflag:$0x7], $0x2710, $0x38;
	[tilespmem:$0x17700] =	vst v63  }
0x13b: {  	_ =	swait.ge [sflag:s8], $0x2710  }
0x13c: {  	[sflag:s8] =	ssyncset.done $0x0  }
0x13d: {  	[sflag:s8] =	ssyncadd.s32 $0xFFFFD8F0  }
0x13e: {  	[tilespmem:s9], [sflag:$0x7] =	stream.linear.gather [spmem:s5], $0x2710, $0x38;
	[tilespmem:$0x17700] =	vst v63  }
0x13f: {  	p1 =	sne.s32 s1, $0x1;
	_ =	swait.ge [sflag:s8], $0x2710  }
.Ltmp2:
0x140: {  	[sflag:s8] =	ssyncset.done $0x0;
	(pc) =	sbr.rel @p1 .LBB2_2-.Ltmp2, $4  }
0x141: {  	[sflag:s8] =	ssyncadd.s32 $0xFFFFD8F0  }
0x142: {  	[hbm4b:s7+s2] =	stream.linear.scatter [tilespmem:s9], [sflag:$0x7], $0x2710, $0x38;
	[tilespmem:$0x17700] =	vst v63  }
0x143: {  	_ =	swait.ge [sflag:s8], $0x2710  }
0x144: {  	s1 =	sadd.s32 $0xFFFFFFFF, s1;
	s0 =	rddreg [dreg:$0x5];
	[sflag:s8] =	ssyncset.done $0x0  }
.LBB2_3:
0x145: {  	[sflag:s8] =	ssyncadd.s32 @p0 $0xFFFFD8F0  }
0x146: {  	[tilespmem:s9], [sflag:$0x7] =	stream.linear.gather [hbm4b:s0+s2], $0x2710, $0x38;
	[tilespmem:$0x17700] =	vst v63  }
0x147: {  	_ =	swait.ge [sflag:s8], $0x2710  }
0x148: {  	[sflag:s8] =	ssyncset.done $0x0  }
0x149: {  	[sflag:s8] =	ssyncadd.s32 $0xFFFFD8F0  }
0x14a: {  	[spmem:s6] =	stream.linear.scatter [tilespmem:s9], [sflag:$0x7], $0x2710, $0x38;
	[tilespmem:$0x17700] =	vst v63  }
0x14b: {  	_ =	swait.ge [sflag:s8], $0x2710  }
0x14c: {  	[sflag:s8] =	ssyncset.done $0x0  }
0x14d: {  	s1 =	rddreg [dreg:$0x6];
	[sflag:s8] =	ssyncadd.s32 $0xFFFFD8F0  }
0x14e: {  	[tilespmem:s9], [sflag:$0x7] =	stream.linear.gather [hbm4b:s1+s2], $0x2710, $0x38;
	[tilespmem:$0x17700] =	vst v63  }
0x14f: {  	_ =	swait.ge [sflag:s8], $0x2710  }
0x150: {  	[sflag:s8] =	ssyncset.done $0x0  }
0x151: {  	[sflag:s8] =	ssyncadd.s32 $0xFFFFD8F0  }
0x152: {  	[spmem:s5] =	stream.linear.scatter [tilespmem:s9], [sflag:$0x7], $0x2710, $0x38;
	[tilespmem:$0x17700] =	vst v63  }
0x153: {  	_ =	swait.ge [sflag:s8], $0x2710  }
0x154: {  	[sflag:s8] =	ssyncset.done $0x0  }
0x155: {  	[sflag:s8] =	ssyncadd.s32 $0xFFFFD8F0  }
0x156: {  	[bflag:$0x0] =	sbarrier.arrive $0xFFFF  }
0x157: {  	s0 =	rddreg [dreg:$0x7]  }
0x158: {  	[tilespmem:s2], [sflag:$0x1] =	stream.linear.gather [hbm4b:s0+s2], $0x3E8, $0x38;
	[tilespmem:$0x17700] =	vst v63  }
0x159: {  	s1 =	rddreg [dreg:$0x8]  }
0x15a: {  	[tilespmem:s13], [sflag:$0x3] =	stream.linear.gather [hbm4b:s1+s2], $0x3E80, $0x38;
	[tilespmem:$0x17700] =	vst v63  }
0x15b: {  	s0 =	rddreg [dreg:$0x9]  }
0x15c: {  	[tilespmem:s11], [sflag:$0x5] =	stream.linear.gather [hbm4b:s0+s2], $0x3E80, $0x38;
	[tilespmem:$0x17700] =	vst v63  }
0x15d: {  	s1 =	rddreg [dreg:$0xa]  }
0x15e: {  	[tilespmem:s12], [sflag:$0x2] =	stream.linear.gather [hbm4b:s1+s2], $0x3E8, $0x38;
	[tilespmem:$0x17700] =	vst v63  }
0x15f: {  	s0 =	rddreg [dreg:$0xb]  }
0x160: {  	[tilespmem:s18], [sflag:$0x4] =	stream.linear.gather [hbm4b:s0+s2], $0x3E80, $0x38;
	[tilespmem:$0x17700] =	vst v63  }
0x161: {  	s1 =	rddreg [dreg:$0xc]  }
0x162: {  	[tilespmem:s17], [sflag:$0x6] =	stream.linear.gather [hbm4b:s1+s2], $0x3E80, $0x38;
	[tilespmem:$0x17700] =	vst v63  }
0x163: {  	_ =	swait.ge [sflag:s16], $0x3E8  }
0x164: {  	[sflag:s16] =	ssyncset.done $0x0  }
0x165: {  	[sflag:s16] =	ssyncadd.s32 $0xFFFFFC18  }
0x166: {  	_ =	swait.ge [sflag:s15], $0x3E80  }
0x167: {  	[sflag:s15] =	ssyncset.done $0x0  }
0x168: {  	[sflag:s15] =	ssyncadd.s32 $0xFFFFC180  }
0x169: {  	_ =	swait.ge [sflag:s14], $0x3E80  }
0x16a: {  	[sflag:s14] =	ssyncset.done $0x0  }
0x16b: {  	[sflag:s14] =	ssyncadd.s32 $0xFFFFC180  }
0x16c: {  	[spmem:s4] =	stream.indirect.scatter.add.f32 [tilespmem:s13], [sflag:$0x7], $0x10, s2, s12, $0xb8;
	[tilespmem:$0x17700] =	vst v63  }
0x16d: {  	_ =	swait.ge [sflag:s8], $0x3E80  }
0x16e: {  	[sflag:s8] =	ssyncset.done $0x0  }
0x16f: {  	[sflag:s8] =	ssyncadd.s32 $0xFFFFC180  }
0x170: {  	[spmem:s3] =	stream.indirect.scatter.add.f32 [tilespmem:s11], [sflag:$0x7], $0x10, s2, s12, $0xb8;
	[tilespmem:$0x17700] =	vst v63  }
0x171: {  	_ =	swait.ge [sflag:s8], $0x3E80  }
0x172: {  	[sflag:s8] =	ssyncset.done $0x0  }
0x173: {  	[sflag:s8] =	ssyncadd.s32 $0xFFFFC180  }
0x174: {  	[tilespmem:s2], [sflag:$0x1] =	stream.linear.gather [hbm4b:s29+s2], $0x3E8, $0x38;
	[tilespmem:$0x17700] =	vst v63  }
0x175: {  	_ = 	snop  }
0x176: {  	[tilespmem:s13], [sflag:$0x3] =	stream.linear.gather [hbm4b:s30+s2], $0x3E80, $0x38;
	[tilespmem:$0x17700] =	vst v63  }
0x177: {  	_ = 	snop  }
0x178: {  	[tilespmem:s11], [sflag:$0x5] =	stream.linear.gather [hbm4b:s31+s2], $0x3E80, $0x38;
	[tilespmem:$0x17700] =	vst v63  }
0x179: {  	_ =	swait.ge [sflag:s24], $0x3E8  }
0x17a: {  	[sflag:s24] =	ssyncset.done $0x0  }
0x17b: {  	[sflag:s24] =	ssyncadd.s32 $0xFFFFFC18  }
0x17c: {  	_ =	swait.ge [sflag:s23], $0x3E80  }
0x17d: {  	[sflag:s23] =	ssyncset.done $0x0  }
0x17e: {  	[sflag:s23] =	ssyncadd.s32 $0xFFFFC180  }
0x17f: {  	_ =	swait.ge [sflag:s22], $0x3E80  }
0x180: {  	[sflag:s22] =	ssyncset.done $0x0  }
0x181: {  	[sflag:s22] =	ssyncadd.s32 $0xFFFFC180  }
0x182: {  	[spmem:s4] =	stream.indirect.scatter.add.f32 [tilespmem:s18], [sflag:$0x7], $0x10, s12, s12, $0xb8;
	[tilespmem:$0x17700] =	vst v63  }
0x183: {  	_ =	swait.ge [sflag:s8], $0x3E80  }
0x184: {  	[sflag:s8] =	ssyncset.done $0x0  }
0x185: {  	[sflag:s8] =	ssyncadd.s32 $0xFFFFC180  }
0x186: {  	[spmem:s3] =	stream.indirect.scatter.add.f32 [tilespmem:s17], [sflag:$0x7], $0x10, s12, s12, $0xb8;
	[tilespmem:$0x17700] =	vst v63  }
0x187: {  	_ =	swait.ge [sflag:s8], $0x3E80  }
0x188: {  	[sflag:s8] =	ssyncset.done $0x0  }
0x189: {  	[sflag:s8] =	ssyncadd.s32 $0xFFFFC180  }
0x18a: {  	[tilespmem:s12], [sflag:$0x2] =	stream.linear.gather [hbm4b:s25+s2], $0x3E8, $0x38;
	[tilespmem:$0x17700] =	vst v63  }
0x18b: {  	_ = 	snop  }
0x18c: {  	[tilespmem:s18], [sflag:$0x4] =	stream.linear.gather [hbm4b:s26+s2], $0x3E80, $0x38;
	[tilespmem:$0x17700] =	vst v63  }
0x18d: {  	_ = 	snop  }
0x18e: {  	[tilespmem:s17], [sflag:$0x6] =	stream.linear.gather [hbm4b:s28+s2], $0x3E80, $0x38;
	[tilespmem:$0x17700] =	vst v63  }
0x18f: {  	_ =	swait.ge [sflag:s16], $0x3E8  }
0x190: {  	[sflag:s16] =	ssyncset.done $0x0  }
0x191: {  	[sflag:s16] =	ssyncadd.s32 $0xFFFFFC18  }
0x192: {  	_ =	swait.ge [sflag:s15], $0x3E80  }
0x193: {  	[sflag:s15] =	ssyncset.done $0x0  }
0x194: {  	[sflag:s15] =	ssyncadd.s32 $0xFFFFC180  }
0x195: {  	_ =	swait.ge [sflag:s14], $0x3E80  }
0x196: {  	[sflag:s14] =	ssyncset.done $0x0  }
0x197: {  	[sflag:s14] =	ssyncadd.s32 $0xFFFFC180  }
0x198: {  	[spmem:s4] =	stream.indirect.scatter.add.f32 [tilespmem:s13], [sflag:$0x7], $0x10, s2, s12, $0xb8;
	[tilespmem:$0x17700] =	vst v63  }
0x199: {  	_ =	swait.ge [sflag:s8], $0x3E80  }
0x19a: {  	[sflag:s8] =	ssyncset.done $0x0  }
0x19b: {  	[sflag:s8] =	ssyncadd.s32 $0xFFFFC180  }
0x19c: {  	[spmem:s3] =	stream.indirect.scatter.add.f32 [tilespmem:s11], [sflag:$0x7], $0x10, s2, s12, $0xb8;
	[tilespmem:$0x17700] =	vst v63  }
0x19d: {  	_ =	swait.ge [sflag:s8], $0x3E80  }
0x19e: {  	[sflag:s8] =	ssyncset.done $0x0  }
0x19f: {  	[sflag:s8] =	ssyncadd.s32 $0xFFFFC180  }
0x1a0: {  	[tilespmem:s2], [sflag:$0x1] =	stream.linear.gather [hbm4b:s19+s2], $0x3E8, $0x38;
	[tilespmem:$0x17700] =	vst v63  }
0x1a1: {  	_ = 	snop  }
0x1a2: {  	[tilespmem:s13], [sflag:$0x3] =	stream.linear.gather [hbm4b:s20+s2], $0x3E80, $0x38;
	[tilespmem:$0x17700] =	vst v63  }
0x1a3: {  	_ = 	snop  }
0x1a4: {  	[tilespmem:s11], [sflag:$0x5] =	stream.linear.gather [hbm4b:s21+s2], $0x3E80, $0x38;
	[tilespmem:$0x17700] =	vst v63  }
0x1a5: {  	_ =	swait.ge [sflag:s24], $0x3E8  }
0x1a6: {  	[sflag:s24] =	ssyncset.done $0x0  }
0x1a7: {  	[sflag:s24] =	ssyncadd.s32 $0xFFFFFC18  }
0x1a8: {  	_ =	swait.ge [sflag:s23], $0x3E80  }
0x1a9: {  	[sflag:s23] =	ssyncset.done $0x0  }
0x1aa: {  	[sflag:s23] =	ssyncadd.s32 $0xFFFFC180  }
0x1ab: {  	_ =	swait.ge [sflag:s22], $0x3E80  }
0x1ac: {  	[sflag:s22] =	ssyncset.done $0x0  }
0x1ad: {  	[sflag:s22] =	ssyncadd.s32 $0xFFFFC180  }
0x1ae: {  	[spmem:s4] =	stream.indirect.scatter.add.f32 [tilespmem:s18], [sflag:$0x7], $0x10, s12, s12, $0xb8;
	[tilespmem:$0x17700] =	vst v63  }
0x1af: {  	_ =	swait.ge [sflag:s8], $0x3E80  }
0x1b0: {  	[sflag:s8] =	ssyncset.done $0x0  }
0x1b1: {  	[sflag:s8] =	ssyncadd.s32 $0xFFFFC180  }
0x1b2: {  	[spmem:s3] =	stream.indirect.scatter.add.f32 [tilespmem:s17], [sflag:$0x7], $0x10, s12, s12, $0xb8;
	[tilespmem:$0x17700] =	vst v63  }
0x1b3: {  	_ =	swait.ge [sflag:s8], $0x3E80  }
0x1b4: {  	[sflag:s8] =	ssyncset.done $0x0  }
0x1b5: {  	[sflag:s8] =	ssyncadd.s32 $0xFFFFC180  }
0x1b6: {  	_ =	swait.ge [sflag:s16], $0x3E8  }
0x1b7: {  	[sflag:s16] =	ssyncset.done $0x0  }
0x1b8: {  	[sflag:s16] =	ssyncadd.s32 $0xFFFFFC18  }
0x1b9: {  	_ =	swait.ge [sflag:s15], $0x3E80  }
0x1ba: {  	[sflag:s15] =	ssyncset.done $0x0  }
0x1bb: {  	[sflag:s15] =	ssyncadd.s32 $0xFFFFC180  }
0x1bc: {  	_ =	swait.ge [sflag:s14], $0x3E80  }
0x1bd: {  	[sflag:s14] =	ssyncset.done $0x0  }
0x1be: {  	[sflag:s14] =	ssyncadd.s32 $0xFFFFC180  }
0x1bf: {  	[spmem:s4] =	stream.indirect.scatter.add.f32 [tilespmem:s13], [sflag:$0x7], $0x10, s2, s12, $0xb8;
	[tilespmem:$0x17700] =	vst v63  }
0x1c0: {  	_ =	swait.ge [sflag:s8], $0x3E80  }
0x1c1: {  	[sflag:s8] =	ssyncset.done $0x0  }
0x1c2: {  	[sflag:s8] =	ssyncadd.s32 $0xFFFFC180  }
0x1c3: {  	[spmem:s3] =	stream.indirect.scatter.add.f32 [tilespmem:s11], [sflag:$0x7], $0x10, s2, s12, $0xb8;
	[tilespmem:$0x17700] =	vst v63  }
0x1c4: {  	_ =	swait.ge [sflag:s8], $0x3E80  }
0x1c5: {  	[sflag:s8] =	ssyncset.done $0x0  }
0x1c6: {  	[sflag:s8] =	ssyncadd.s32 $0xFFFFC180  }
0x1c7: {  	[bflag:$0x0] =	sbarrier.arrive $0xFFFF  }
0x1c8: {  	[tilespmem:s9], [sflag:$0x7] =	stream.linear.gather [spmem:s6], $0x2710, $0x38;
	[tilespmem:$0x17700] =	vst v63  }
0x1c9: {  	_ =	swait.ge [sflag:s8], $0x2710  }
0x1ca: {  	[sflag:s8] =	ssyncset.done $0x0  }
0x1cb: {  	[sflag:s8] =	ssyncadd.s32 $0xFFFFD8F0  }
0x1cc: {  	[hbm4b:s10+s2] =	stream.linear.scatter [tilespmem:s9], [sflag:$0x7], $0x2710, $0x38;
	[tilespmem:$0x17700] =	vst v63  }
0x1cd: {  	_ =	swait.ge [sflag:s8], $0x2710  }
0x1ce: {  	[sflag:s8] =	ssyncset.done $0x0  }
0x1cf: {  	[sflag:s8] =	ssyncadd.s32 $0xFFFFD8F0  }
0x1d0: {  	[tilespmem:s9], [sflag:$0x7] =	stream.linear.gather [spmem:s5], $0x2710, $0x38;
	[tilespmem:$0x17700] =	vst v63  }
0x1d1: {  	_ =	swait.ge [sflag:s8], $0x2710  }
0x1d2: {  	[sflag:s8] =	ssyncset.done $0x0  }
0x1d3: {  	[sflag:s8] =	ssyncadd.s32 $0xFFFFD8F0  }
0x1d4: {  	[hbm4b:s7+s2] =	stream.linear.scatter [tilespmem:s9], [sflag:$0x7], $0x2710, $0x38;
	[tilespmem:$0x17700] =	vst v63  }
0x1d5: {  	_ =	swait.ge [sflag:s8], $0x2710  }
0x1d6: {  	[sflag:s8] =	ssyncset.done $0x0  }
0x1d7: {  	[sflag:s8] =	ssyncadd.s32 $0xFFFFD8F0  }
0x1d8: {  	_ =	sfence.sel $0x180000  }
0x1d9: {  	[bflag:$0x0] =	sbarrier.arrive $0xFFFF  }
0x1da: {  	_ =	strace $0x90000050  }
0x1db: {  	s31 =	stileid.u32;
	[bflag:$0x2] =	sbarrier.arrive $0xFFFF  }
0x1dc: {  	p0 =	sne.s32 s31, $0x0;
	s0 =	rddreg [dreg:$0x4]  }
0x1dd: {  	s0 =	sadd.s32 @!p0 $0x100000, s0  }
0x1de: {  	[sflag:s0] =	ssyncadd.tile.s32 @!p0 $0x1;
	_ =	shalt  }
.Lfunc_end2:
_tile_overlayer_lowered:
.L_overlay_start_2:
0x1df: {  	(tag) =	ssettag $0x2  }
0x1e0: {  	s0 =	rddreg [dreg:$0x0];
	s2 =	stileid.u32  }
0x1e1: {  	s1 =	rddreg [dreg:$0x1];
	p0 =	sne.s32 s2, $0x0  }
0x1e2: {  	s3 =	rddreg [dreg:$0x2];
	[bflag:$0x3] =	sbarrier.arrive $0xFFFF;
	s2 =	simm.s32 @!p0 $0x1C07  }
0x1e3: {  	[timem:s3], [sflag:s2] =	dma.local @!p0 [hbm:s0], s1  }
0x1e4: {  	s0 =	simm.s32 @!p0 $0x7  }
0x1e5: {  	_ =	swait.ge @!p0 [sflag:s0], s1  }
0x1e6: {  	s1 =	ssub.s32 @!p0 $0x0, s1;
	[sflag:s0] =	ssyncset.done @!p0 $0x0  }
0x1e7: {  	[sflag:s0] =	ssyncadd.s32 @!p0 s1  }
0x1e8: {  	[bflag:$0x3] =	sbarrier.arrive $0xFFFF  }
0x1e9: {  	_ =	shalt  }

</sc_bundles>
